<compile_context>
chip_gen: v7x
topology: tpu7x:2x2x1
jax: 0.10.2.dev20260603
libtpu: 0.0.44.dev20260713+nightly
codegen_flags: <defaults>
</compile_context>

<pallas_src>
import jax
import jax.numpy as jnp
from jax import lax
from jax.experimental import pallas as pl
from jax.experimental.pallas import tpu as pltpu
from jax.experimental.pallas import tpu_sc as plsc

NW = 32
L = 16
CAM_PIX = 147456
CAM_WORDS = 2 * 8 * CAM_PIX
IMG_WORDS = 3538944
CH = 9216
K1_PER_TILE = CAM_WORDS // NW
K2_PER_TILE = IMG_WORDS // NW


def _tca_body(cc_ref, ch_ref, img_ref, bins_ref, mn_ref, mx_ref):
    g = pl.program_id(0)
    width = (255.0 - 0.0) / 256

    lane_off = (lax.broadcasted_iota(jnp.int32, (2304, 128), 1) % 16) * 257

    def binify(x):
        v = x * 255.0
        b = jnp.clip(jnp.floor((v - 0.0) / width), 0, 255).astype(jnp.int32)
        return b + lane_off

    bins_ref[0] = binify(cc_ref[...])
    bins_ref[1] = binify(ch_ref[...])
    img = img_ref[...]
    bmn = jnp.min(img).reshape(1, 1)
    bmx = jnp.max(img).reshape(1, 1)

    @pl.when(g == 0)
    def _():
        mn_ref[...] = bmn
        mx_ref[...] = bmx

    @pl.when(g > 0)
    def _():
        mn_ref[...] = jnp.minimum(mn_ref[...], bmn)
        mx_ref[...] = jnp.maximum(mx_ref[...], bmx)


def _k1_body(bins_hbm, hist_out, dbuf, hscr, fbuf, s0, s1):
    wid = lax.axis_index("s") * 2 + lax.axis_index("c")
    zeros16 = jnp.zeros((L,), jnp.float32)
    ones16 = jnp.ones((L,), jnp.float32)

    def zero_hist(i, _):
        for u in range(8):
            hscr[pl.ds((i * 8 + u) * L, L)] = zeros16
        return 0
    lax.fori_loop(0, 33, zero_hist, 0)

    off = wid * K1_PER_TILE
    sems = (s0, s1)
    nch = K1_PER_TILE // CH

    def start(k):
        return pltpu.async_copy(
            bins_hbm.at[pl.ds(off + k * CH, CH)],
            dbuf.at[pl.ds((k % 2) * CH, CH)], sems[k % 2])

    handles = {0: start(0)}
    for k in range(nch):
        handles[k].wait()
        if k + 1 < nch:
            handles[k + 1] = start(k + 1)
        base = (k % 2) * CH

        @plsc.parallel_loop(0, CH // (L * 8))
        def inner(i):
            for u in range(8):
                b = dbuf[pl.ds(base + (i * 8 + u) * L, L)]
                plsc.addupdate_scatter(hscr, [b], ones16)

    def red(g, _):
        acc = zeros16
        for l in range(L):
            acc = acc + hscr[pl.ds(l * 257 + g * L, L)]
        fbuf[pl.ds(g * L, L)] = acc
        return 0
    lax.fori_loop(0, 16, red, 0)
    pltpu.sync_copy(fbuf, hist_out.at[wid])


def _tcb_body(tc_ref, th_ref, mn_ref, mx_ref, cc_ref, ch_ref,
              img_ref, pre_ref):
    b = pl.program_id(0)
    tc = tc_ref[b]
    th = th_ref[b]
    mn0 = mn_ref[0]
    mx = mx_ref[0]
    mn = jnp.where(mn0 == 0, mn0 + 0.001, mn0)
    wd = (mx - mn) / 256
    cc = cc_ref[0]
    ch = ch_ref[0]
    mcomb = (jnp.where(cc * 255.0 > tc, 512, 0)
             + jnp.where(ch * 255.0 > th, 256, 0)).astype(jnp.int32)
    lane_off = (lax.broadcasted_iota(jnp.int32, (1152, 128), 1) % 16) * 3073
    for c in range(3):
        x = img_ref[0, c]
        valid = (x >= mn) & (x <= mx)
        idx = jnp.clip(jnp.floor((x - mn) / wd), 0, 255).astype(jnp.int32)
        pre_ref[0, c] = jnp.where(valid, idx + mcomb + c * 1024, 3072) + lane_off


def _k2_body(pre_hbm, hist_out, dbuf, hscr, fbuf, s0, s1):
    wid = lax.axis_index("s") * 2 + lax.axis_index("c")
    zeros16 = jnp.zeros((L,), jnp.float32)
    ones16 = jnp.ones((L,), jnp.float32)

    def zero_hist(i, _):
        for u in range(8):
            hscr[pl.ds((i * 8 + u) * L, L)] = zeros16
        return 0
    lax.fori_loop(0, 385, zero_hist, 0)

    off = wid * K2_PER_TILE
    sems = (s0, s1)
    nch = K2_PER_TILE // CH

    def start(k):
        return pltpu.async_copy(
            pre_hbm.at[pl.ds(off + k * CH, CH)],
            dbuf.at[pl.ds((k % 2) * CH, CH)], sems[k % 2])

    handles = {0: start(0)}
    for k in range(nch):
        handles[k].wait()
        if k + 1 < nch:
            handles[k + 1] = start(k + 1)
        base = (k % 2) * CH

        @plsc.parallel_loop(0, CH // (L * 8))
        def inner(i):
            for u in range(8):
                b = dbuf[pl.ds(base + (i * 8 + u) * L, L)]
                plsc.addupdate_scatter(hscr, [b], ones16)

    def red(g, _):
        acc = zeros16
        for l in range(L):
            acc = acc + hscr[pl.ds(l * 3073 + g * L, L)]
        fbuf[pl.ds(g * L, L)] = acc
        return 0
    lax.fori_loop(0, 192, red, 0)
    pltpu.sync_copy(fbuf, hist_out.at[wid])


def _ce_body(hp_ref, o_ref):
    eps = 1e-10
    H = jnp.sum(hp_ref[...].reshape(32, 12, 256), axis=0)

    def row(i):
        return H[i]

    fc = [row(4 * c + 2) + row(4 * c + 3) for c in range(3)]
    bc = [row(4 * c + 0) + row(4 * c + 1) for c in range(3)]
    fh = [row(4 * c + 1) + row(4 * c + 3) for c in range(3)]
    bh = [row(4 * c + 0) + row(4 * c + 2) for c in range(3)]

    def tot(v):
        return jnp.sum(v[0]) + jnp.sum(v[1]) + jnp.sum(v[2])

    def prep(v):
        s = tot(v)
        return [jnp.clip(x / s, eps, None) for x in v]

    pfc, pbc, pfh, pbh = prep(fc), prep(bc), prep(fh), prep(bh)
    lfh = [jnp.log(x) for x in pfh]
    lbh = [jnp.log(x) for x in pbh]

    def ce(pa, lb):
        return -(jnp.sum(pa[0] * lb[0]) + jnp.sum(pa[1] * lb[1])
                 + jnp.sum(pa[2] * lb[2]))

    ce_pos = ce(pfc, lfh) + ce(pbc, lbh)
    ce_neg = -(ce(pfc, lbh) + ce(pbc, lfh))
    o_ref[...] = jnp.full((8, 128), 1.0 * ce_pos + 0.5 * ce_neg)


def _otsu_threshold(hist):
    prob = hist / jnp.sum(hist, axis=2, keepdims=True)
    cum_prob = jnp.cumsum(prob, axis=2)
    cum_mean = jnp.cumsum(prob * jnp.arange(256, dtype=jnp.float32)[None, None, :], axis=2)
    global_mean = cum_mean[:, :, -1:]
    numerator = (global_mean * cum_prob - cum_mean) ** 2
    denominator = cum_prob * (1.0 - cum_prob)
    between_class_variance = numerator / denominator
    return jnp.argmax(between_class_variance, axis=2)


def kernel(cam_cln, cam_haz, img_haz):
    mesh = plsc.VectorSubcoreMesh(core_axis_name="c", subcore_axis_name="s")
    sc_params = pltpu.CompilerParams(needs_layout_passes=False)

    cc2 = cam_cln.reshape(9216, 128)
    ch2 = cam_haz.reshape(9216, 128)
    img2 = img_haz.reshape(27648, 128)

    cam_bins, mn0, mx0 = pl.pallas_call(
        _tca_body,
        grid=(4,),
        in_specs=[
            pl.BlockSpec((2304, 128), lambda g: (g, 0)),
            pl.BlockSpec((2304, 128), lambda g: (g, 0)),
            pl.BlockSpec((6912, 128), lambda g: (g, 0)),
        ],
        out_specs=[
            pl.BlockSpec((2, 2304, 128), lambda g: (0, g, 0)),
            pl.BlockSpec((1, 1), lambda g: (0, 0)),
            pl.BlockSpec((1, 1), lambda g: (0, 0)),
        ],
        out_shape=[jax.ShapeDtypeStruct((2, 9216, 128), jnp.int32),
                   jax.ShapeDtypeStruct((1, 1), jnp.float32),
                   jax.ShapeDtypeStruct((1, 1), jnp.float32)],
    )(cc2, ch2, img2)

    k1 = pl.kernel(
        _k1_body,
        out_type=[jax.ShapeDtypeStruct((NW, 256), jnp.float32)],
        mesh=mesh,
        scratch_types=[pltpu.VMEM((2 * CH,), jnp.int32),
                       pltpu.VMEM((4224,), jnp.float32),
                       pltpu.VMEM((256,), jnp.float32),
                       pltpu.SemaphoreType.DMA,
                       pltpu.SemaphoreType.DMA],
        compiler_params=sc_params,
    )
    hist_part = k1(cam_bins.reshape(-1))[0]

    hist16 = hist_part.reshape(16, 2, 256).sum(axis=1)
    t_all = _otsu_threshold(hist16.reshape(16, 1, 256)).reshape(16).astype(jnp.float32)
    t_cln_f = t_all[:8]
    t_haz_f = t_all[8:]

    mn1 = mn0.reshape(1)
    mx1 = mx0.reshape(1)

    cc3 = cam_cln.reshape(8, 1152, 128)
    ch3 = cam_haz.reshape(8, 1152, 128)
    img4 = img_haz.reshape(8, 3, 1152, 128)

    pre = pl.pallas_call(
        _tcb_body,
        grid=(8,),
        in_specs=[
            pl.BlockSpec(memory_space=pltpu.SMEM),
            pl.BlockSpec(memory_space=pltpu.SMEM),
            pl.BlockSpec(memory_space=pltpu.SMEM),
            pl.BlockSpec(memory_space=pltpu.SMEM),
            pl.BlockSpec((1, 1152, 128), lambda b: (b, 0, 0)),
            pl.BlockSpec((1, 1152, 128), lambda b: (b, 0, 0)),
            pl.BlockSpec((1, 3, 1152, 128), lambda b: (b, 0, 0, 0)),
        ],
        out_specs=pl.BlockSpec((1, 3, 1152, 128), lambda b: (b, 0, 0, 0)),
        out_shape=jax.ShapeDtypeStruct((8, 3, 1152, 128), jnp.int32),
    )(t_cln_f, t_haz_f, mn1, mx1, cc3, ch3, img4)

    k2 = pl.kernel(
        _k2_body,
        out_type=[jax.ShapeDtypeStruct((NW, 3072), jnp.float32)],
        mesh=mesh,
        scratch_types=[pltpu.VMEM((2 * CH,), jnp.int32),
                       pltpu.VMEM((49280,), jnp.float32),
                       pltpu.VMEM((3072,), jnp.float32),
                       pltpu.SemaphoreType.DMA,
                       pltpu.SemaphoreType.DMA],
        compiler_params=sc_params,
    )
    hist2_part = k2(pre.reshape(-1))[0]

    out = pl.pallas_call(
        _ce_body,
        out_shape=jax.ShapeDtypeStruct((8, 128), jnp.float32),
    )(hist2_part)
    return out[0, 0]

# --- scband reference (transcript-rebuilt; emitter-appended) ---
"""Pipeline reference for scband-camrefine-loss-64450279244556 (READ-ONLY COPY).

The authoritative reference and input builder live on the scoring server;
editing this copy changes nothing except your own understanding.
"""

import jax, jax.numpy as jnp
import numpy as np

TH = 0.5
ALPHA = 1.0
BETA = 0.5
R = 4


def _histc(x, bins, min_val, max_val):
    x = x.reshape(-1)
    width = (max_val - min_val) / bins
    idx = jnp.clip(jnp.floor((x - min_val) / width), 0, bins - 1).astype(jnp.int32)
    valid = (x >= min_val) & (x <= max_val)
    return jnp.zeros((bins,), dtype=jnp.float32).at[jnp.where(valid, idx, 0)].add(jnp.where(valid, 1.0, 0.0))


def _otsu(tensor):
    flat = tensor.reshape(tensor.shape[0], tensor.shape[1], -1)
    hist = jax.vmap(jax.vmap(lambda v: _histc(v, 256, 0.0, 255.0)))(flat)
    prob = hist / jnp.sum(hist, axis=2, keepdims=True)
    cum_prob = jnp.cumsum(prob, axis=2)
    cum_mean = jnp.cumsum(prob * jnp.arange(256, dtype=jnp.float32)[None, None, :], axis=2)
    global_mean = cum_mean[:, :, -1:]
    numerator = (global_mean * cum_prob - cum_mean) ** 2
    denominator = cum_prob * (1.0 - cum_prob)
    between_class_variance = numerator / denominator
    threshold = jnp.argmax(between_class_variance, axis=2)
    return tensor > threshold[:, :, None, None].astype(tensor.dtype)


def _calc_hist(image, min_val, max_val):
    h_r = _histc(image[:, 0], 256, min_val, max_val)
    h_g = _histc(image[:, 1], 256, min_val, max_val)
    h_b = _histc(image[:, 2], 256, min_val, max_val)
    histogram = jnp.stack((h_r, h_g, h_b), axis=0)
    return histogram / jnp.sum(histogram)


def _ce(image1, image2, min_val, max_val):
    eps = 1e-10
    p1 = jnp.clip(_calc_hist(image1, min_val, max_val), eps, None)
    p2 = jnp.clip(_calc_hist(image2, min_val, max_val), eps, None)
    return -jnp.sum(p1 * jnp.log(p2))


def _forward(cam_cln, cam_haz, img_haz):
    b, c, h, w = img_haz.shape
    b1, c1, h1, w1 = cam_cln.shape
    if c1 != 1:
        cam_cln = cam_cln[:, 1:]
        cam_haz = cam_haz[:, 1:]
    if not (h == h1 and w == w1):
        cam_cln = jax.image.resize(cam_cln, (cam_cln.shape[0], cam_cln.shape[1], h, w), method='bilinear')
        cam_haz = jax.image.resize(cam_haz, (cam_haz.shape[0], cam_haz.shape[1], h, w), method='bilinear')
    mask_cln = jnp.repeat(_otsu(cam_cln * 255.0), 3, axis=1)
    mask_haz = jnp.repeat(_otsu(cam_haz * 255.0), 3, axis=1)
    img_fore_cln = jnp.where(mask_cln, img_haz, 0.0)
    img_back_cln = jnp.where(mask_cln, 0.0, img_haz)
    img_fore_haz = jnp.where(mask_haz, img_haz, 0.0)
    img_back_haz = jnp.where(mask_haz, 0.0, img_haz)
    mn = jnp.min(img_haz)
    mx = jnp.max(img_haz)
    mn = jnp.where(mn == 0, mn + 0.001, mn)
    ce_positive = _ce(img_fore_cln, img_fore_haz, mn, mx) + _ce(img_back_cln, img_back_haz, mn, mx)
    ce_negative = -(_ce(img_fore_cln, img_back_haz, mn, mx) + _ce(img_back_cln, img_fore_haz, mn, mx))
    return ALPHA * ce_positive + BETA * ce_negative


def setup_inputs(seed: int = 0):
    key = jax.random.key(seed)
    k1, k2, k3 = jax.random.split(key, 3)
    cam_cln = jax.random.uniform(k1, (8, 1, 384, 384), dtype=jnp.float32)
    cam_haz = jax.random.uniform(k2, (8, 1, 384, 384), dtype=jnp.float32)
    img_haz = jax.random.uniform(k3, (8, 3, 384, 384), dtype=jnp.float32)
    return {"cam_cln": cam_cln, "cam_haz": cam_haz, "img_haz": img_haz}


def reference(cam_cln, cam_haz, img_haz):
    return _forward(cam_cln, cam_haz, img_haz)

if __name__ == "__main__":
    import jax
    _d = setup_inputs()
    print(jax.jit(kernel)(*tuple(_d.values())))

</pallas_src>

<mosaic_0001>
#map = affine_map<(d0, d1) -> (0)>
#map1 = affine_map<(d0, d1) -> (0, 0)>
module attributes {stable_mosaic.version = 14 : i64} {
  func.func @_k1_body(%arg0: i32, %arg1: i32, %arg2: memref<2359296xi32, #tpu.memory_space<hbm>>, %arg3: memref<32x256xf32, #tpu.memory_space<hbm>>, %arg4: memref<18432xi32, #tpu.memory_space<vmem>>, %arg5: memref<4224xf32, #tpu.memory_space<vmem>>, %arg6: memref<256xf32, #tpu.memory_space<vmem>>, %arg7: memref<!tpu.dma_semaphore, #tpu.memory_space<semaphore_mem>>, %arg8: memref<!tpu.dma_semaphore, #tpu.memory_space<semaphore_mem>>) attributes {dimension_semantics = [#tpu.dimension_semantics<core_parallel>, #tpu.dimension_semantics<subcore_parallel>], iteration_bounds = array<i64: 2, 16>, scalar_prefetch = 0 : i64, scratch_operands = 5 : i64, tpu.core_type = #tpu.core_type<sc_vector_subcore>, window_params = [{transform_indices = #map}, {transform_indices = #map1}]} {
    %mul3A = arith.constant 2 : i32
    %mul3A_0 = arith.muli %arg1, %mul3A : i32
    %add3A = arith.addi %mul3A_0, %arg0 : i32
    %broadcast_in_dim3A = arith.constant 0.000000e+00 : f32
    %broadcast_in_dim3A_1 = vector.broadcast %broadcast_in_dim3A : f32 to vector<16xf32>
    %broadcast_in_dim3A_2 = arith.constant 1.000000e+00 : f32
    %broadcast_in_dim3A_3 = vector.broadcast %broadcast_in_dim3A_2 : f32 to vector<16xf32>
    %scan3A = arith.constant 0 : i32
    %scan3A_4 = arith.constant 0 : i32
    %scan3A_5 = arith.constant 33 : i32
    %scan3A_6 = arith.addi %scan3A_4, %scan3A_5 : i32
    %scan3A_7 = arith.constant 1 : i32
    %scan3A_8 = scf.for %scan3A_152 = %scan3A_4 to %scan3A_6 step %scan3A_7 iter_args(%scan3A_153 = %scan3A) -> (i32)  : i32 {
      %mul3A_154 = arith.constant 8 : i32
      %mul3A_155 = arith.muli %scan3A_152, %mul3A_154 : i32
      %add3A_156 = arith.constant 0 : i32
      %add3A_157 = arith.addi %mul3A_155, %add3A_156 : i32
      %mul3A_158 = arith.constant 16 : i32
      %mul3A_159 = arith.muli %add3A_157, %mul3A_158 : i32
      %swap3A = arith.index_cast %mul3A_159 : i32 to index
      %swap3A_160 = tpu.vector_load %arg5[%swap3A] {strides = array<i32>} : memref<4224xf32, #tpu.memory_space<vmem>>, vector<16xf32>,
      tpu.vector_store %arg5[%swap3A], %broadcast_in_dim3A_1 {strides = array<i32>} : memref<4224xf32, #tpu.memory_space<vmem>>, vector<16xf32>,
      %mul3A_161 = arith.constant 8 : i32
      %mul3A_162 = arith.muli %scan3A_152, %mul3A_161 : i32
      %add3A_163 = arith.constant 1 : i32
      %add3A_164 = arith.addi %mul3A_162, %add3A_163 : i32
      %mul3A_165 = arith.constant 16 : i32
      %mul3A_166 = arith.muli %add3A_164, %mul3A_165 : i32
      %swap3A_167 = arith.index_cast %mul3A_166 : i32 to index
      %swap3A_168 = tpu.vector_load %arg5[%swap3A_167] {strides = array<i32>} : memref<4224xf32, #tpu.memory_space<vmem>>, vector<16xf32>,
      tpu.vector_store %arg5[%swap3A_167], %broadcast_in_dim3A_1 {strides = array<i32>} : memref<4224xf32, #tpu.memory_space<vmem>>, vector<16xf32>,
      %mul3A_169 = arith.constant 8 : i32
      %mul3A_170 = arith.muli %scan3A_152, %mul3A_169 : i32
      %add3A_171 = arith.constant 2 : i32
      %add3A_172 = arith.addi %mul3A_170, %add3A_171 : i32
      %mul3A_173 = arith.constant 16 : i32
      %mul3A_174 = arith.muli %add3A_172, %mul3A_173 : i32
      %swap3A_175 = arith.index_cast %mul3A_174 : i32 to index
      %swap3A_176 = tpu.vector_load %arg5[%swap3A_175] {strides = array<i32>} : memref<4224xf32, #tpu.memory_space<vmem>>, vector<16xf32>,
      tpu.vector_store %arg5[%swap3A_175], %broadcast_in_dim3A_1 {strides = array<i32>} : memref<4224xf32, #tpu.memory_space<vmem>>, vector<16xf32>,
      %mul3A_177 = arith.constant 8 : i32
      %mul3A_178 = arith.muli %scan3A_152, %mul3A_177 : i32
      %add3A_179 = arith.constant 3 : i32
      %add3A_180 = arith.addi %mul3A_178, %add3A_179 : i32
      %mul3A_181 = arith.constant 16 : i32
      %mul3A_182 = arith.muli %add3A_180, %mul3A_181 : i32
      %swap3A_183 = arith.index_cast %mul3A_182 : i32 to index
      %swap3A_184 = tpu.vector_load %arg5[%swap3A_183] {strides = array<i32>} : memref<4224xf32, #tpu.memory_space<vmem>>, vector<16xf32>,
      tpu.vector_store %arg5[%swap3A_183], %broadcast_in_dim3A_1 {strides = array<i32>} : memref<4224xf32, #tpu.memory_space<vmem>>, vector<16xf32>,
      %mul3A_185 = arith.constant 8 : i32
      %mul3A_186 = arith.muli %scan3A_152, %mul3A_185 : i32
      %add3A_187 = arith.constant 4 : i32
      %add3A_188 = arith.addi %mul3A_186, %add3A_187 : i32
      %mul3A_189 = arith.constant 16 : i32
      %mul3A_190 = arith.muli %add3A_188, %mul3A_189 : i32
      %swap3A_191 = arith.index_cast %mul3A_190 : i32 to index
      %swap3A_192 = tpu.vector_load %arg5[%swap3A_191] {strides = array<i32>} : memref<4224xf32, #tpu.memory_space<vmem>>, vector<16xf32>,
      tpu.vector_store %arg5[%swap3A_191], %broadcast_in_dim3A_1 {strides = array<i32>} : memref<4224xf32, #tpu.memory_space<vmem>>, vector<16xf32>,
      %mul3A_193 = arith.constant 8 : i32
      %mul3A_194 = arith.muli %scan3A_152, %mul3A_193 : i32
      %add3A_195 = arith.constant 5 : i32
      %add3A_196 = arith.addi %mul3A_194, %add3A_195 : i32
      %mul3A_197 = arith.constant 16 : i32
      %mul3A_198 = arith.muli %add3A_196, %mul3A_197 : i32
      %swap3A_199 = arith.index_cast %mul3A_198 : i32 to index
      %swap3A_200 = tpu.vector_load %arg5[%swap3A_199] {strides = array<i32>} : memref<4224xf32, #tpu.memory_space<vmem>>, vector<16xf32>,
      tpu.vector_store %arg5[%swap3A_199], %broadcast_in_dim3A_1 {strides = array<i32>} : memref<4224xf32, #tpu.memory_space<vmem>>, vector<16xf32>,
      %mul3A_201 = arith.constant 8 : i32
      %mul3A_202 = arith.muli %scan3A_152, %mul3A_201 : i32
      %add3A_203 = arith.constant 6 : i32
      %add3A_204 = arith.addi %mul3A_202, %add3A_203 : i32
      %mul3A_205 = arith.constant 16 : i32
      %mul3A_206 = arith.muli %add3A_204, %mul3A_205 : i32
      %swap3A_207 = arith.index_cast %mul3A_206 : i32 to index
      %swap3A_208 = tpu.vector_load %arg5[%swap3A_207] {strides = array<i32>} : memref<4224xf32, #tpu.memory_space<vmem>>, vector<16xf32>,
      tpu.vector_store %arg5[%swap3A_207], %broadcast_in_dim3A_1 {strides = array<i32>} : memref<4224xf32, #tpu.memory_space<vmem>>, vector<16xf32>,
      %mul3A_209 = arith.constant 8 : i32
      %mul3A_210 = arith.muli %scan3A_152, %mul3A_209 : i32
      %add3A_211 = arith.constant 7 : i32
      %add3A_212 = arith.addi %mul3A_210, %add3A_211 : i32
      %mul3A_213 = arith.constant 16 : i32
      %mul3A_214 = arith.muli %add3A_212, %mul3A_213 : i32
      %swap3A_215 = arith.index_cast %mul3A_214 : i32 to index
      %swap3A_216 = tpu.vector_load %arg5[%swap3A_215] {strides = array<i32>} : memref<4224xf32, #tpu.memory_space<vmem>>, vector<16xf32>,
      tpu.vector_store %arg5[%swap3A_215], %broadcast_in_dim3A_1 {strides = array<i32>} : memref<4224xf32, #tpu.memory_space<vmem>>, vector<16xf32>,
      %scan3A_217 = arith.constant 0 : i32
      scf.yield %scan3A_217 : i32
    }
    %scan3A_9 = arith.constant 33 : i32
    %mul3A_10 = arith.constant 73728 : i32
    %mul3A_11 = arith.muli %add3A, %mul3A_10 : i32
    %add3A_12 = arith.constant 0 : i32
    %add3A_13 = arith.addi %mul3A_11, %add3A_12 : i32
    %dma_start3A = arith.constant 0 : i32
    %dma_start3A_14 = tpu.memref_slice %arg4[%dma_start3A] : memref<18432xi32, #tpu.memory_space<vmem>> -> memref<9216xi32, #tpu.memory_space<vmem>>
    %dma_start3A_15 = tpu.memref_slice %arg2[%add3A_13] : memref<2359296xi32, #tpu.memory_space<hbm>> -> memref<9216xi32, #tpu.memory_space<hbm>>
    %dma_start3A_16 = arith.constant 0 : i32
    %dma_start3A_17 = tpu.memref_slice %arg4[%dma_start3A_16] : memref<18432xi32, #tpu.memory_space<vmem>> -> memref<9216xi32, #tpu.memory_space<vmem>>
    %dma_start3A_18 = tpu.memref_slice %arg2[%add3A_13] : memref<2359296xi32, #tpu.memory_space<hbm>> -> memref<9216xi32, #tpu.memory_space<hbm>>
    tpu.enqueue_dma source(%dma_start3A_18 : memref<9216xi32, #tpu.memory_space<hbm>>) target(%dma_start3A_17 : memref<9216xi32, #tpu.memory_space<vmem>>) target_semaphore(%arg7 : memref<!tpu.dma_semaphore, #tpu.memory_space<semaphore_mem>>)
    %dma_wait3A = arith.constant 0 : i32
    %dma_wait3A_19 = tpu.memref_slice %arg4[%dma_wait3A] : memref<18432xi32, #tpu.memory_space<vmem>> -> memref<9216xi32, #tpu.memory_space<vmem>>
    %dma_wait3A_20 = tpu.memref_slice %arg2[%add3A_13] : memref<2359296xi32, #tpu.memory_space<hbm>> -> memref<9216xi32, #tpu.memory_space<hbm>>
    %dma_wait3A_21 = arith.constant 0 : i32
    %dma_wait3A_22 = tpu.memref_slice %arg4[%dma_wait3A_21] : memref<18432xi32, #tpu.memory_space<vmem>> -> memref<9216xi32, #tpu.memory_space<vmem>>
    %dma_wait3A_23 = tpu.memref_slice %arg2[%add3A_13] : memref<2359296xi32, #tpu.memory_space<hbm>> -> memref<9216xi32, #tpu.memory_space<hbm>>
    tpu.wait_dma2 semaphore(%arg7 : memref<!tpu.dma_semaphore, #tpu.memory_space<semaphore_mem>>) src(%dma_wait3A_23 : memref<9216xi32, #tpu.memory_space<hbm>>) dst(%dma_wait3A_22 : memref<9216xi32, #tpu.memory_space<vmem>>)
    %add3A_24 = arith.constant 9216 : i32
    %add3A_25 = arith.addi %mul3A_11, %add3A_24 : i32
    %dma_start3A_26 = arith.constant 9216 : i32
    %dma_start3A_27 = tpu.memref_slice %arg4[%dma_start3A_26] : memref<18432xi32, #tpu.memory_space<vmem>> -> memref<9216xi32, #tpu.memory_space<vmem>>
    %dma_start3A_28 = tpu.memref_slice %arg2[%add3A_25] : memref<2359296xi32, #tpu.memory_space<hbm>> -> memref<9216xi32, #tpu.memory_space<hbm>>
    %dma_start3A_29 = arith.constant 9216 : i32
    %dma_start3A_30 = tpu.memref_slice %arg4[%dma_start3A_29] : memref<18432xi32, #tpu.memory_space<vmem>> -> memref<9216xi32, #tpu.memory_space<vmem>>
    %dma_start3A_31 = tpu.memref_slice %arg2[%add3A_25] : memref<2359296xi32, #tpu.memory_space<hbm>> -> memref<9216xi32, #tpu.memory_space<hbm>>
    tpu.enqueue_dma source(%dma_start3A_31 : memref<9216xi32, #tpu.memory_space<hbm>>) target(%dma_start3A_30 : memref<9216xi32, #tpu.memory_space<vmem>>) target_semaphore(%arg8 : memref<!tpu.dma_semaphore, #tpu.memory_space<semaphore_mem>>)
    %parallel_loop3A = arith.constant 0 : i32
    %parallel_loop3A_32 = arith.constant 72 : i32
    %parallel_loop3A_33 = arith.constant 1 : i32
    scf.for %parallel_loop3A_152 = %parallel_loop3A to %parallel_loop3A_32 step %parallel_loop3A_33  : i32 {
      %parallel_loop3A_153 = arith.constant 8 : i32
      %parallel_loop3A_154 = arith.muli %parallel_loop3A_152, %parallel_loop3A_153 : i32
      %parallel_loop3A_155 = arith.constant 0 : i32
      %parallel_loop3A_156 = arith.addi %parallel_loop3A_154, %parallel_loop3A_155 : i32
      %parallel_loop3A_157 = arith.constant 16 : i32
      %parallel_loop3A_158 = arith.muli %parallel_loop3A_156, %parallel_loop3A_157 : i32
      %parallel_loop3A_159 = arith.constant 0 : i32
      %parallel_loop3A_160 = arith.addi %parallel_loop3A_159, %parallel_loop3A_158 : i32
      %parallel_loop3A_161 = arith.index_cast %parallel_loop3A_160 : i32 to index
      %parallel_loop3A_162 = tpu.vector_load %arg4[%parallel_loop3A_161] {strides = array<i32>} : memref<18432xi32, #tpu.memory_space<vmem>>, vector<16xi32>,
      tpu.vector_store_idx %arg5[%parallel_loop3A_162], %broadcast_in_dim3A_3 {add = true} : memref<4224xf32, #tpu.memory_space<vmem>>[vector<16xi32>], vector<16xf32>,
      %parallel_loop3A_163 = arith.constant 8 : i32
      %parallel_loop3A_164 = arith.muli %parallel_loop3A_152, %parallel_loop3A_163 : i32
      %parallel_loop3A_165 = arith.constant 1 : i32
      %parallel_loop3A_166 = arith.addi %parallel_loop3A_164, %parallel_loop3A_165 : i32
      %parallel_loop3A_167 = arith.constant 16 : i32
      %parallel_loop3A_168 = arith.muli %parallel_loop3A_166, %parallel_loop3A_167 : i32
      %parallel_loop3A_169 = arith.constant 0 : i32
      %parallel_loop3A_170 = arith.addi %parallel_loop3A_169, %parallel_loop3A_168 : i32
      %parallel_loop3A_171 = arith.index_cast %parallel_loop3A_170 : i32 to index
      %parallel_loop3A_172 = tpu.vector_load %arg4[%parallel_loop3A_171] {strides = array<i32>} : memref<18432xi32, #tpu.memory_space<vmem>>, vector<16xi32>,
      tpu.vector_store_idx %arg5[%parallel_loop3A_172], %broadcast_in_dim3A_3 {add = true} : memref<4224xf32, #tpu.memory_space<vmem>>[vector<16xi32>], vector<16xf32>,
      %parallel_loop3A_173 = arith.constant 8 : i32
      %parallel_loop3A_174 = arith.muli %parallel_loop3A_152, %parallel_loop3A_173 : i32
      %parallel_loop3A_175 = arith.constant 2 : i32
      %parallel_loop3A_176 = arith.addi %parallel_loop3A_174, %parallel_loop3A_175 : i32
      %parallel_loop3A_177 = arith.constant 16 : i32
      %parallel_loop3A_178 = arith.muli %parallel_loop3A_176, %parallel_loop3A_177 : i32
      %parallel_loop3A_179 = arith.constant 0 : i32
      %parallel_loop3A_180 = arith.addi %parallel_loop3A_179, %parallel_loop3A_178 : i32
      %parallel_loop3A_181 = arith.index_cast %parallel_loop3A_180 : i32 to index
      %parallel_loop3A_182 = tpu.vector_load %arg4[%parallel_loop3A_181] {strides = array<i32>} : memref<18432xi32, #tpu.memory_space<vmem>>, vector<16xi32>,
      tpu.vector_store_idx %arg5[%parallel_loop3A_182], %broadcast_in_dim3A_3 {add = true} : memref<4224xf32, #tpu.memory_space<vmem>>[vector<16xi32>], vector<16xf32>,
      %parallel_loop3A_183 = arith.constant 8 : i32
      %parallel_loop3A_184 = arith.muli %parallel_loop3A_152, %parallel_loop3A_183 : i32
      %parallel_loop3A_185 = arith.constant 3 : i32
      %parallel_loop3A_186 = arith.addi %parallel_loop3A_184, %parallel_loop3A_185 : i32
      %parallel_loop3A_187 = arith.constant 16 : i32
      %parallel_loop3A_188 = arith.muli %parallel_loop3A_186, %parallel_loop3A_187 : i32
      %parallel_loop3A_189 = arith.constant 0 : i32
      %parallel_loop3A_190 = arith.addi %parallel_loop3A_189, %parallel_loop3A_188 : i32
      %parallel_loop3A_191 = arith.index_cast %parallel_loop3A_190 : i32 to index
      %parallel_loop3A_192 = tpu.vector_load %arg4[%parallel_loop3A_191] {strides = array<i32>} : memref<18432xi32, #tpu.memory_space<vmem>>, vector<16xi32>,
      tpu.vector_store_idx %arg5[%parallel_loop3A_192], %broadcast_in_dim3A_3 {add = true} : memref<4224xf32, #tpu.memory_space<vmem>>[vector<16xi32>], vector<16xf32>,
      %parallel_loop3A_193 = arith.constant 8 : i32
      %parallel_loop3A_194 = arith.muli %parallel_loop3A_152, %parallel_loop3A_193 : i32
      %parallel_loop3A_195 = arith.constant 4 : i32
      %parallel_loop3A_196 = arith.addi %parallel_loop3A_194, %parallel_loop3A_195 : i32
      %parallel_loop3A_197 = arith.constant 16 : i32
      %parallel_loop3A_198 = arith.muli %parallel_loop3A_196, %parallel_loop3A_197 : i32
      %parallel_loop3A_199 = arith.constant 0 : i32
      %parallel_loop3A_200 = arith.addi %parallel_loop3A_199, %parallel_loop3A_198 : i32
      %parallel_loop3A_201 = arith.index_cast %parallel_loop3A_200 : i32 to index
      %parallel_loop3A_202 = tpu.vector_load %arg4[%parallel_loop3A_201] {strides = array<i32>} : memref<18432xi32, #tpu.memory_space<vmem>>, vector<16xi32>,
      tpu.vector_store_idx %arg5[%parallel_loop3A_202], %broadcast_in_dim3A_3 {add = true} : memref<4224xf32, #tpu.memory_space<vmem>>[vector<16xi32>], vector<16xf32>,
      %parallel_loop3A_203 = arith.constant 8 : i32
      %parallel_loop3A_204 = arith.muli %parallel_loop3A_152, %parallel_loop3A_203 : i32
      %parallel_loop3A_205 = arith.constant 5 : i32
      %parallel_loop3A_206 = arith.addi %parallel_loop3A_204, %parallel_loop3A_205 : i32
      %parallel_loop3A_207 = arith.constant 16 : i32
      %parallel_loop3A_208 = arith.muli %parallel_loop3A_206, %parallel_loop3A_207 : i32
      %parallel_loop3A_209 = arith.constant 0 : i32
      %parallel_loop3A_210 = arith.addi %parallel_loop3A_209, %parallel_loop3A_208 : i32
      %parallel_loop3A_211 = arith.index_cast %parallel_loop3A_210 : i32 to index
      %parallel_loop3A_212 = tpu.vector_load %arg4[%parallel_loop3A_211] {strides = array<i32>} : memref<18432xi32, #tpu.memory_space<vmem>>, vector<16xi32>,
      tpu.vector_store_idx %arg5[%parallel_loop3A_212], %broadcast_in_dim3A_3 {add = true} : memref<4224xf32, #tpu.memory_space<vmem>>[vector<16xi32>], vector<16xf32>,
      %parallel_loop3A_213 = arith.constant 8 : i32
      %parallel_loop3A_214 = arith.muli %parallel_loop3A_152, %parallel_loop3A_213 : i32
      %parallel_loop3A_215 = arith.constant 6 : i32
      %parallel_loop3A_216 = arith.addi %parallel_loop3A_214, %parallel_loop3A_215 : i32
      %parallel_loop3A_217 = arith.constant 16 : i32
      %parallel_loop3A_218 = arith.muli %parallel_loop3A_216, %parallel_loop3A_217 : i32
      %parallel_loop3A_219 = arith.constant 0 : i32
      %parallel_loop3A_220 = arith.addi %parallel_loop3A_219, %parallel_loop3A_218 : i32
      %parallel_loop3A_221 = arith.index_cast %parallel_loop3A_220 : i32 to index
      %parallel_loop3A_222 = tpu.vector_load %arg4[%parallel_loop3A_221] {strides = array<i32>} : memref<18432xi32, #tpu.memory_space<vmem>>, vector<16xi32>,
      tpu.vector_store_idx %arg5[%parallel_loop3A_222], %broadcast_in_dim3A_3 {add = true} : memref<4224xf32, #tpu.memory_space<vmem>>[vector<16xi32>], vector<16xf32>,
      %parallel_loop3A_223 = arith.constant 8 : i32
      %parallel_loop3A_224 = arith.muli %parallel_loop3A_152, %parallel_loop3A_223 : i32
      %parallel_loop3A_225 = arith.constant 7 : i32
      %parallel_loop3A_226 = arith.addi %parallel_loop3A_224, %parallel_loop3A_225 : i32
      %parallel_loop3A_227 = arith.constant 16 : i32
      %parallel_loop3A_228 = arith.muli %parallel_loop3A_226, %parallel_loop3A_227 : i32
      %parallel_loop3A_229 = arith.constant 0 : i32
      %parallel_loop3A_230 = arith.addi %parallel_loop3A_229, %parallel_loop3A_228 : i32
      %parallel_loop3A_231 = arith.index_cast %parallel_loop3A_230 : i32 to index
      %parallel_loop3A_232 = tpu.vector_load %arg4[%parallel_loop3A_231] {strides = array<i32>} : memref<18432xi32, #tpu.memory_space<vmem>>, vector<16xi32>,
      tpu.vector_store_idx %arg5[%parallel_loop3A_232], %broadcast_in_dim3A_3 {add = true} : memref<4224xf32, #tpu.memory_space<vmem>>[vector<16xi32>], vector<16xf32>,
    } {sc.loop_unroll_factor = 1 : i64, sc.parallel_access}
    %dma_wait3A_34 = arith.constant 9216 : i32
    %dma_wait3A_35 = tpu.memref_slice %arg4[%dma_wait3A_34] : memref<18432xi32, #tpu.memory_space<vmem>> -> memref<9216xi32, #tpu.memory_space<vmem>>
    %dma_wait3A_36 = tpu.memref_slice %arg2[%add3A_25] : memref<2359296xi32, #tpu.memory_space<hbm>> -> memref<9216xi32, #tpu.memory_space<hbm>>
    %dma_wait3A_37 = arith.constant 9216 : i32
    %dma_wait3A_38 = tpu.memref_slice %arg4[%dma_wait3A_37] : memref<18432xi32, #tpu.memory_space<vmem>> -> memref<9216xi32, #tpu.memory_space<vmem>>
    %dma_wait3A_39 = tpu.memref_slice %arg2[%add3A_25] : memref<2359296xi32, #tpu.memory_space<hbm>> -> memref<9216xi32, #tpu.memory_space<hbm>>
    tpu.wait_dma2 semaphore(%arg8 : memref<!tpu.dma_semaphore, #tpu.memory_space<semaphore_mem>>) src(%dma_wait3A_39 : memref<9216xi32, #tpu.memory_space<hbm>>) dst(%dma_wait3A_38 : memref<9216xi32, #tpu.memory_space<vmem>>)
    %add3A_40 = arith.constant 18432 : i32
    %add3A_41 = arith.addi %mul3A_11, %add3A_40 : i32
    %dma_start3A_42 = arith.constant 0 : i32
    %dma_start3A_43 = tpu.memref_slice %arg4[%dma_start3A_42] : memref<18432xi32, #tpu.memory_space<vmem>> -> memref<9216xi32, #tpu.memory_space<vmem>>
    %dma_start3A_44 = tpu.memref_slice %arg2[%add3A_41] : memref<2359296xi32, #tpu.memory_space<hbm>> -> memref<9216xi32, #tpu.memory_space<hbm>>
    %dma_start3A_45 = arith.constant 0 : i32
    %dma_start3A_46 = tpu.memref_slice %arg4[%dma_start3A_45] : memref<18432xi32, #tpu.memory_space<vmem>> -> memref<9216xi32, #tpu.memory_space<vmem>>
    %dma_start3A_47 = tpu.memref_slice %arg2[%add3A_41] : memref<2359296xi32, #tpu.memory_space<hbm>> -> memref<9216xi32, #tpu.memory_space<hbm>>
    tpu.enqueue_dma source(%dma_start3A_47 : memref<9216xi32, #tpu.memory_space<hbm>>) target(%dma_start3A_46 : memref<9216xi32, #tpu.memory_space<vmem>>) target_semaphore(%arg7 : memref<!tpu.dma_semaphore, #tpu.memory_space<semaphore_mem>>)
    %parallel_loop3A_48 = arith.constant 0 : i32
    %parallel_loop3A_49 = arith.constant 72 : i32
    %parallel_loop3A_50 = arith.constant 1 : i32
    scf.for %parallel_loop3A_152 = %parallel_loop3A_48 to %parallel_loop3A_49 step %parallel_loop3A_50  : i32 {
      %parallel_loop3A_153 = arith.constant 8 : i32
      %parallel_loop3A_154 = arith.muli %parallel_loop3A_152, %parallel_loop3A_153 : i32
      %parallel_loop3A_155 = arith.constant 0 : i32
      %parallel_loop3A_156 = arith.addi %parallel_loop3A_154, %parallel_loop3A_155 : i32
      %parallel_loop3A_157 = arith.constant 16 : i32
      %parallel_loop3A_158 = arith.muli %parallel_loop3A_156, %parallel_loop3A_157 : i32
      %parallel_loop3A_159 = arith.constant 9216 : i32
      %parallel_loop3A_160 = arith.addi %parallel_loop3A_159, %parallel_loop3A_158 : i32
      %parallel_loop3A_161 = arith.index_cast %parallel_loop3A_160 : i32 to index
      %parallel_loop3A_162 = tpu.vector_load %arg4[%parallel_loop3A_161] {strides = array<i32>} : memref<18432xi32, #tpu.memory_space<vmem>>, vector<16xi32>,
      tpu.vector_store_idx %arg5[%parallel_loop3A_162], %broadcast_in_dim3A_3 {add = true} : memref<4224xf32, #tpu.memory_space<vmem>>[vector<16xi32>], vector<16xf32>,
      %parallel_loop3A_163 = arith.constant 8 : i32
      %parallel_loop3A_164 = arith.muli %parallel_loop3A_152, %parallel_loop3A_163 : i32
      %parallel_loop3A_165 = arith.constant 1 : i32
      %parallel_loop3A_166 = arith.addi %parallel_loop3A_164, %parallel_loop3A_165 : i32
      %parallel_loop3A_167 = arith.constant 16 : i32
      %parallel_loop3A_168 = arith.muli %parallel_loop3A_166, %parallel_loop3A_167 : i32
      %parallel_loop3A_169 = arith.constant 9216 : i32
      %parallel_loop3A_170 = arith.addi %parallel_loop3A_169, %parallel_loop3A_168 : i32
      %parallel_loop3A_171 = arith.index_cast %parallel_loop3A_170 : i32 to index
      %parallel_loop3A_172 = tpu.vector_load %arg4[%parallel_loop3A_171] {strides = array<i32>} : memref<18432xi32, #tpu.memory_space<vmem>>, vector<16xi32>,
      tpu.vector_store_idx %arg5[%parallel_loop3A_172], %broadcast_in_dim3A_3 {add = true} : memref<4224xf32, #tpu.memory_space<vmem>>[vector<16xi32>], vector<16xf32>,
      %parallel_loop3A_173 = arith.constant 8 : i32
      %parallel_loop3A_174 = arith.muli %parallel_loop3A_152, %parallel_loop3A_173 : i32
      %parallel_loop3A_175 = arith.constant 2 : i32
      %parallel_loop3A_176 = arith.addi %parallel_loop3A_174, %parallel_loop3A_175 : i32
      %parallel_loop3A_177 = arith.constant 16 : i32
      %parallel_loop3A_178 = arith.muli %parallel_loop3A_176, %parallel_loop3A_177 : i32
      %parallel_loop3A_179 = arith.constant 9216 : i32
      %parallel_loop3A_180 = arith.addi %parallel_loop3A_179, %parallel_loop3A_178 : i32
      %parallel_loop3A_181 = arith.index_cast %parallel_loop3A_180 : i32 to index
      %parallel_loop3A_182 = tpu.vector_load %arg4[%parallel_loop3A_181] {strides = array<i32>} : memref<18432xi32, #tpu.memory_space<vmem>>, vector<16xi32>,
      tpu.vector_store_idx %arg5[%parallel_loop3A_182], %broadcast_in_dim3A_3 {add = true} : memref<4224xf32, #tpu.memory_space<vmem>>[vector<16xi32>], vector<16xf32>,
      %parallel_loop3A_183 = arith.constant 8 : i32
      %parallel_loop3A_184 = arith.muli %parallel_loop3A_152, %parallel_loop3A_183 : i32
      %parallel_loop3A_185 = arith.constant 3 : i32
      %parallel_loop3A_186 = arith.addi %parallel_loop3A_184, %parallel_loop3A_185 : i32
      %parallel_loop3A_187 = arith.constant 16 : i32
      %parallel_loop3A_188 = arith.muli %parallel_loop3A_186, %parallel_loop3A_187 : i32
      %parallel_loop3A_189 = arith.constant 9216 : i32
      %parallel_loop3A_190 = arith.addi %parallel_loop3A_189, %parallel_loop3A_188 : i32
      %parallel_loop3A_191 = arith.index_cast %parallel_loop3A_190 : i32 to index
      %parallel_loop3A_192 = tpu.vector_load %arg4[%parallel_loop3A_191] {strides = array<i32>} : memref<18432xi32, #tpu.memory_space<vmem>>, vector<16xi32>,
      tpu.vector_store_idx %arg5[%parallel_loop3A_192], %broadcast_in_dim3A_3 {add = true} : memref<4224xf32, #tpu.memory_space<vmem>>[vector<16xi32>], vector<16xf32>,
      %parallel_loop3A_193 = arith.constant 8 : i32
      %parallel_loop3A_194 = arith.muli %parallel_loop3A_152, %parallel_loop3A_193 : i32
      %parallel_loop3A_195 = arith.constant 4 : i32
      %parallel_loop3A_196 = arith.addi %parallel_loop3A_194, %parallel_loop3A_195 : i32
      %parallel_loop3A_197 = arith.constant 16 : i32
      %parallel_loop3A_198 = arith.muli %parallel_loop3A_196, %parallel_loop3A_197 : i32
      %parallel_loop3A_199 = arith.constant 9216 : i32
      %parallel_loop3A_200 = arith.addi %parallel_loop3A_199, %parallel_loop3A_198 : i32
      %parallel_loop3A_201 = arith.index_cast %parallel_loop3A_200 : i32 to index
      %parallel_loop3A_202 = tpu.vector_load %arg4[%parallel_loop3A_201] {strides = array<i32>} : memref<18432xi32, #tpu.memory_space<vmem>>, vector<16xi32>,
      tpu.vector_store_idx %arg5[%parallel_loop3A_202], %broadcast_in_dim3A_3 {add = true} : memref<4224xf32, #tpu.memory_space<vmem>>[vector<16xi32>], vector<16xf32>,
      %parallel_loop3A_203 = arith.constant 8 : i32
      %parallel_loop3A_204 = arith.muli %parallel_loop3A_152, %parallel_loop3A_203 : i32
      %parallel_loop3A_205 = arith.constant 5 : i32
      %parallel_loop3A_206 = arith.addi %parallel_loop3A_204, %parallel_loop3A_205 : i32
      %parallel_loop3A_207 = arith.constant 16 : i32
      %parallel_loop3A_208 = arith.muli %parallel_loop3A_206, %parallel_loop3A_207 : i32
      %parallel_loop3A_209 = arith.constant 9216 : i32
      %parallel_loop3A_210 = arith.addi %parallel_loop3A_209, %parallel_loop3A_208 : i32
      %parallel_loop3A_211 = arith.index_cast %parallel_loop3A_210 : i32 to index
      %parallel_loop3A_212 = tpu.vector_load %arg4[%parallel_loop3A_211] {strides = array<i32>} : memref<18432xi32, #tpu.memory_space<vmem>>, vector<16xi32>,
      tpu.vector_store_idx %arg5[%parallel_loop3A_212], %broadcast_in_dim3A_3 {add = true} : memref<4224xf32, #tpu.memory_space<vmem>>[vector<16xi32>], vector<16xf32>,
      %parallel_loop3A_213 = arith.constant 8 : i32
      %parallel_loop3A_214 = arith.muli %parallel_loop3A_152, %parallel_loop3A_213 : i32
      %parallel_loop3A_215 = arith.constant 6 : i32
      %parallel_loop3A_216 = arith.addi %parallel_loop3A_214, %parallel_loop3A_215 : i32
      %parallel_loop3A_217 = arith.constant 16 : i32
      %parallel_loop3A_218 = arith.muli %parallel_loop3A_216, %parallel_loop3A_217 : i32
      %parallel_loop3A_219 = arith.constant 9216 : i32
      %parallel_loop3A_220 = arith.addi %parallel_loop3A_219, %parallel_loop3A_218 : i32
      %parallel_loop3A_221 = arith.index_cast %parallel_loop3A_220 : i32 to index
      %parallel_loop3A_222 = tpu.vector_load %arg4[%parallel_loop3A_221] {strides = array<i32>} : memref<18432xi32, #tpu.memory_space<vmem>>, vector<16xi32>,
      tpu.vector_store_idx %arg5[%parallel_loop3A_222], %broadcast_in_dim3A_3 {add = true} : memref<4224xf32, #tpu.memory_space<vmem>>[vector<16xi32>], vector<16xf32>,
      %parallel_loop3A_223 = arith.constant 8 : i32
      %parallel_loop3A_224 = arith.muli %parallel_loop3A_152, %parallel_loop3A_223 : i32
      %parallel_loop3A_225 = arith.constant 7 : i32
      %parallel_loop3A_226 = arith.addi %parallel_loop3A_224, %parallel_loop3A_225 : i32
      %parallel_loop3A_227 = arith.constant 16 : i32
      %parallel_loop3A_228 = arith.muli %parallel_loop3A_226, %parallel_loop3A_227 : i32
      %parallel_loop3A_229 = arith.constant 9216 : i32
      %parallel_loop3A_230 = arith.addi %parallel_loop3A_229, %parallel_loop3A_228 : i32
      %parallel_loop3A_231 = arith.index_cast %parallel_loop3A_230 : i32 to index
      %parallel_loop3A_232 = tpu.vector_load %arg4[%parallel_loop3A_231] {strides = array<i32>} : memref<18432xi32, #tpu.memory_space<vmem>>, vector<16xi32>,
      tpu.vector_store_idx %arg5[%parallel_loop3A_232], %broadcast_in_dim3A_3 {add = true} : memref<4224xf32, #tpu.memory_space<vmem>>[vector<16xi32>], vector<16xf32>,
    } {sc.loop_unroll_factor = 1 : i64, sc.parallel_access}
    %dma_wait3A_51 = arith.constant 0 : i32
    %dma_wait3A_52 = tpu.memref_slice %arg4[%dma_wait3A_51] : memref<18432xi32, #tpu.memory_space<vmem>> -> memref<9216xi32, #tpu.memory_space<vmem>>
    %dma_wait3A_53 = tpu.memref_slice %arg2[%add3A_41] : memref<2359296xi32, #tpu.memory_space<hbm>> -> memref<9216xi32, #tpu.memory_space<hbm>>
    %dma_wait3A_54 = arith.constant 0 : i32
    %dma_wait3A_55 = tpu.memref_slice %arg4[%dma_wait3A_54] : memref<18432xi32, #tpu.memory_space<vmem>> -> memref<9216xi32, #tpu.memory_space<vmem>>
    %dma_wait3A_56 = tpu.memref_slice %arg2[%add3A_41] : memref<2359296xi32, #tpu.memory_space<hbm>> -> memref<9216xi32, #tpu.memory_space<hbm>>
    tpu.wait_dma2 semaphore(%arg7 : memref<!tpu.dma_semaphore, #tpu.memory_space<semaphore_mem>>) src(%dma_wait3A_56 : memref<9216xi32, #tpu.memory_space<hbm>>) dst(%dma_wait3A_55 : memref<9216xi32, #tpu.memory_space<vmem>>)
    %add3A_57 = arith.constant 27648 : i32
    %add3A_58 = arith.addi %mul3A_11, %add3A_57 : i32
    %dma_start3A_59 = arith.constant 9216 : i32
    %dma_start3A_60 = tpu.memref_slice %arg4[%dma_start3A_59] : memref<18432xi32, #tpu.memory_space<vmem>> -> memref<9216xi32, #tpu.memory_space<vmem>>
    %dma_start3A_61 = tpu.memref_slice %arg2[%add3A_58] : memref<2359296xi32, #tpu.memory_space<hbm>> -> memref<9216xi32, #tpu.memory_space<hbm>>
    %dma_start3A_62 = arith.constant 9216 : i32
    %dma_start3A_63 = tpu.memref_slice %arg4[%dma_start3A_62] : memref<18432xi32, #tpu.memory_space<vmem>> -> memref<9216xi32, #tpu.memory_space<vmem>>
    %dma_start3A_64 = tpu.memref_slice %arg2[%add3A_58] : memref<2359296xi32, #tpu.memory_space<hbm>> -> memref<9216xi32, #tpu.memory_space<hbm>>
    tpu.enqueue_dma source(%dma_start3A_64 : memref<9216xi32, #tpu.memory_space<hbm>>) target(%dma_start3A_63 : memref<9216xi32, #tpu.memory_space<vmem>>) target_semaphore(%arg8 : memref<!tpu.dma_semaphore, #tpu.memory_space<semaphore_mem>>)
    %parallel_loop3A_65 = arith.constant 0 : i32
    %parallel_loop3A_66 = arith.constant 72 : i32
    %parallel_loop3A_67 = arith.constant 1 : i32
    scf.for %parallel_loop3A_152 = %parallel_loop3A_65 to %parallel_loop3A_66 step %parallel_loop3A_67  : i32 {
      %parallel_loop3A_153 = arith.constant 8 : i32
      %parallel_loop3A_154 = arith.muli %parallel_loop3A_152, %parallel_loop3A_153 : i32
      %parallel_loop3A_155 = arith.constant 0 : i32
      %parallel_loop3A_156 = arith.addi %parallel_loop3A_154, %parallel_loop3A_155 : i32
      %parallel_loop3A_157 = arith.constant 16 : i32
      %parallel_loop3A_158 = arith.muli %parallel_loop3A_156, %parallel_loop3A_157 : i32
      %parallel_loop3A_159 = arith.constant 0 : i32
      %parallel_loop3A_160 = arith.addi %parallel_loop3A_159, %parallel_loop3A_158 : i32
      %parallel_loop3A_161 = arith.index_cast %parallel_loop3A_160 : i32 to index
      %parallel_loop3A_162 = tpu.vector_load %arg4[%parallel_loop3A_161] {strides = array<i32>} : memref<18432xi32, #tpu.memory_space<vmem>>, vector<16xi32>,
      tpu.vector_store_idx %arg5[%parallel_loop3A_162], %broadcast_in_dim3A_3 {add = true} : memref<4224xf32, #tpu.memory_space<vmem>>[vector<16xi32>], vector<16xf32>,
      %parallel_loop3A_163 = arith.constant 8 : i32
      %parallel_loop3A_164 = arith.muli %parallel_loop3A_152, %parallel_loop3A_163 : i32
      %parallel_loop3A_165 = arith.constant 1 : i32
      %parallel_loop3A_166 = arith.addi %parallel_loop3A_164, %parallel_loop3A_165 : i32
      %parallel_loop3A_167 = arith.constant 16 : i32
      %parallel_loop3A_168 = arith.muli %parallel_loop3A_166, %parallel_loop3A_167 : i32
      %parallel_loop3A_169 = arith.constant 0 : i32
      %parallel_loop3A_170 = arith.addi %parallel_loop3A_169, %parallel_loop3A_168 : i32
      %parallel_loop3A_171 = arith.index_cast %parallel_loop3A_170 : i32 to index
      %parallel_loop3A_172 = tpu.vector_load %arg4[%parallel_loop3A_171] {strides = array<i32>} : memref<18432xi32, #tpu.memory_space<vmem>>, vector<16xi32>,
      tpu.vector_store_idx %arg5[%parallel_loop3A_172], %broadcast_in_dim3A_3 {add = true} : memref<4224xf32, #tpu.memory_space<vmem>>[vector<16xi32>], vector<16xf32>,
      %parallel_loop3A_173 = arith.constant 8 : i32
      %parallel_loop3A_174 = arith.muli %parallel_loop3A_152, %parallel_loop3A_173 : i32
      %parallel_loop3A_175 = arith.constant 2 : i32
      %parallel_loop3A_176 = arith.addi %parallel_loop3A_174, %parallel_loop3A_175 : i32
      %parallel_loop3A_177 = arith.constant 16 : i32
      %parallel_loop3A_178 = arith.muli %parallel_loop3A_176, %parallel_loop3A_177 : i32
      %parallel_loop3A_179 = arith.constant 0 : i32
      %parallel_loop3A_180 = arith.addi %parallel_loop3A_179, %parallel_loop3A_178 : i32
      %parallel_loop3A_181 = arith.index_cast %parallel_loop3A_180 : i32 to index
      %parallel_loop3A_182 = tpu.vector_load %arg4[%parallel_loop3A_181] {strides = array<i32>} : memref<18432xi32, #tpu.memory_space<vmem>>, vector<16xi32>,
      tpu.vector_store_idx %arg5[%parallel_loop3A_182], %broadcast_in_dim3A_3 {add = true} : memref<4224xf32, #tpu.memory_space<vmem>>[vector<16xi32>], vector<16xf32>,
      %parallel_loop3A_183 = arith.constant 8 : i32
      %parallel_loop3A_184 = arith.muli %parallel_loop3A_152, %parallel_loop3A_183 : i32
      %parallel_loop3A_185 = arith.constant 3 : i32
      %parallel_loop3A_186 = arith.addi %parallel_loop3A_184, %parallel_loop3A_185 : i32
      %parallel_loop3A_187 = arith.constant 16 : i32
      %parallel_loop3A_188 = arith.muli %parallel_loop3A_186, %parallel_loop3A_187 : i32
      %parallel_loop3A_189 = arith.constant 0 : i32
      %parallel_loop3A_190 = arith.addi %parallel_loop3A_189, %parallel_loop3A_188 : i32
      %parallel_loop3A_191 = arith.index_cast %parallel_loop3A_190 : i32 to index
      %parallel_loop3A_192 = tpu.vector_load %arg4[%parallel_loop3A_191] {strides = array<i32>} : memref<18432xi32, #tpu.memory_space<vmem>>, vector<16xi32>,
      tpu.vector_store_idx %arg5[%parallel_loop3A_192], %broadcast_in_dim3A_3 {add = true} : memref<4224xf32, #tpu.memory_space<vmem>>[vector<16xi32>], vector<16xf32>,
      %parallel_loop3A_193 = arith.constant 8 : i32
      %parallel_loop3A_194 = arith.muli %parallel_loop3A_152, %parallel_loop3A_193 : i32
      %parallel_loop3A_195 = arith.constant 4 : i32
      %parallel_loop3A_196 = arith.addi %parallel_loop3A_194, %parallel_loop3A_195 : i32
      %parallel_loop3A_197 = arith.constant 16 : i32
      %parallel_loop3A_198 = arith.muli %parallel_loop3A_196, %parallel_loop3A_197 : i32
      %parallel_loop3A_199 = arith.constant 0 : i32
      %parallel_loop3A_200 = arith.addi %parallel_loop3A_199, %parallel_loop3A_198 : i32
      %parallel_loop3A_201 = arith.index_cast %parallel_loop3A_200 : i32 to index
      %parallel_loop3A_202 = tpu.vector_load %arg4[%parallel_loop3A_201] {strides = array<i32>} : memref<18432xi32, #tpu.memory_space<vmem>>, vector<16xi32>,
      tpu.vector_store_idx %arg5[%parallel_loop3A_202], %broadcast_in_dim3A_3 {add = true} : memref<4224xf32, #tpu.memory_space<vmem>>[vector<16xi32>], vector<16xf32>,
      %parallel_loop3A_203 = arith.constant 8 : i32
      %parallel_loop3A_204 = arith.muli %parallel_loop3A_152, %parallel_loop3A_203 : i32
      %parallel_loop3A_205 = arith.constant 5 : i32
      %parallel_loop3A_206 = arith.addi %parallel_loop3A_204, %parallel_loop3A_205 : i32
      %parallel_loop3A_207 = arith.constant 16 : i32
      %parallel_loop3A_208 = arith.muli %parallel_loop3A_206, %parallel_loop3A_207 : i32
      %parallel_loop3A_209 = arith.constant 0 : i32
      %parallel_loop3A_210 = arith.addi %parallel_loop3A_209, %parallel_loop3A_208 : i32
      %parallel_loop3A_211 = arith.index_cast %parallel_loop3A_210 : i32 to index
      %parallel_loop3A_212 = tpu.vector_load %arg4[%parallel_loop3A_211] {strides = array<i32>} : memref<18432xi32, #tpu.memory_space<vmem>>, vector<16xi32>,
      tpu.vector_store_idx %arg5[%parallel_loop3A_212], %broadcast_in_dim3A_3 {add = true} : memref<4224xf32, #tpu.memory_space<vmem>>[vector<16xi32>], vector<16xf32>,
      %parallel_loop3A_213 = arith.constant 8 : i32
      %parallel_loop3A_214 = arith.muli %parallel_loop3A_152, %parallel_loop3A_213 : i32
      %parallel_loop3A_215 = arith.constant 6 : i32
      %parallel_loop3A_216 = arith.addi %parallel_loop3A_214, %parallel_loop3A_215 : i32
      %parallel_loop3A_217 = arith.constant 16 : i32
      %parallel_loop3A_218 = arith.muli %parallel_loop3A_216, %parallel_loop3A_217 : i32
      %parallel_loop3A_219 = arith.constant 0 : i32
      %parallel_loop3A_220 = arith.addi %parallel_loop3A_219, %parallel_loop3A_218 : i32
      %parallel_loop3A_221 = arith.index_cast %parallel_loop3A_220 : i32 to index
      %parallel_loop3A_222 = tpu.vector_load %arg4[%parallel_loop3A_221] {strides = array<i32>} : memref<18432xi32, #tpu.memory_space<vmem>>, vector<16xi32>,
      tpu.vector_store_idx %arg5[%parallel_loop3A_222], %broadcast_in_dim3A_3 {add = true} : memref<4224xf32, #tpu.memory_space<vmem>>[vector<16xi32>], vector<16xf32>,
      %parallel_loop3A_223 = arith.constant 8 : i32
      %parallel_loop3A_224 = arith.muli %parallel_loop3A_152, %parallel_loop3A_223 : i32
      %parallel_loop3A_225 = arith.constant 7 : i32
      %parallel_loop3A_226 = arith.addi %parallel_loop3A_224, %parallel_loop3A_225 : i32
      %parallel_loop3A_227 = arith.constant 16 : i32
      %parallel_loop3A_228 = arith.muli %parallel_loop3A_226, %parallel_loop3A_227 : i32
      %parallel_loop3A_229 = arith.constant 0 : i32
      %parallel_loop3A_230 = arith.addi %parallel_loop3A_229, %parallel_loop3A_228 : i32
      %parallel_loop3A_231 = arith.index_cast %parallel_loop3A_230 : i32 to index
      %parallel_loop3A_232 = tpu.vector_load %arg4[%parallel_loop3A_231] {strides = array<i32>} : memref<18432xi32, #tpu.memory_space<vmem>>, vector<16xi32>,
      tpu.vector_store_idx %arg5[%parallel_loop3A_232], %broadcast_in_dim3A_3 {add = true} : memref<4224xf32, #tpu.memory_space<vmem>>[vector<16xi32>], vector<16xf32>,
    } {sc.loop_unroll_factor = 1 : i64, sc.parallel_access}
    %dma_wait3A_68 = arith.constant 9216 : i32
    %dma_wait3A_69 = tpu.memref_slice %arg4[%dma_wait3A_68] : memref<18432xi32, #tpu.memory_space<vmem>> -> memref<9216xi32, #tpu.memory_space<vmem>>
    %dma_wait3A_70 = tpu.memref_slice %arg2[%add3A_58] : memref<2359296xi32, #tpu.memory_space<hbm>> -> memref<9216xi32, #tpu.memory_space<hbm>>
    %dma_wait3A_71 = arith.constant 9216 : i32
    %dma_wait3A_72 = tpu.memref_slice %arg4[%dma_wait3A_71] : memref<18432xi32, #tpu.memory_space<vmem>> -> memref<9216xi32, #tpu.memory_space<vmem>>
    %dma_wait3A_73 = tpu.memref_slice %arg2[%add3A_58] : memref<2359296xi32, #tpu.memory_space<hbm>> -> memref<9216xi32, #tpu.memory_space<hbm>>
    tpu.wait_dma2 semaphore(%arg8 : memref<!tpu.dma_semaphore, #tpu.memory_space<semaphore_mem>>) src(%dma_wait3A_73 : memref<9216xi32, #tpu.memory_space<hbm>>) dst(%dma_wait3A_72 : memref<9216xi32, #tpu.memory_space<vmem>>)
    %add3A_74 = arith.constant 36864 : i32
    %add3A_75 = arith.addi %mul3A_11, %add3A_74 : i32
    %dma_start3A_76 = arith.constant 0 : i32
    %dma_start3A_77 = tpu.memref_slice %arg4[%dma_start3A_76] : memref<18432xi32, #tpu.memory_space<vmem>> -> memref<9216xi32, #tpu.memory_space<vmem>>
    %dma_start3A_78 = tpu.memref_slice %arg2[%add3A_75] : memref<2359296xi32, #tpu.memory_space<hbm>> -> memref<9216xi32, #tpu.memory_space<hbm>>
    %dma_start3A_79 = arith.constant 0 : i32
    %dma_start3A_80 = tpu.memref_slice %arg4[%dma_start3A_79] : memref<18432xi32, #tpu.memory_space<vmem>> -> memref<9216xi32, #tpu.memory_space<vmem>>
    %dma_start3A_81 = tpu.memref_slice %arg2[%add3A_75] : memref<2359296xi32, #tpu.memory_space<hbm>> -> memref<9216xi32, #tpu.memory_space<hbm>>
    tpu.enqueue_dma source(%dma_start3A_81 : memref<9216xi32, #tpu.memory_space<hbm>>) target(%dma_start3A_80 : memref<9216xi32, #tpu.memory_space<vmem>>) target_semaphore(%arg7 : memref<!tpu.dma_semaphore, #tpu.memory_space<semaphore_mem>>)
    %parallel_loop3A_82 = arith.constant 0 : i32
    %parallel_loop3A_83 = arith.constant 72 : i32
    %parallel_loop3A_84 = arith.constant 1 : i32
    scf.for %parallel_loop3A_152 = %parallel_loop3A_82 to %parallel_loop3A_83 step %parallel_loop3A_84  : i32 {
      %parallel_loop3A_153 = arith.constant 8 : i32
      %parallel_loop3A_154 = arith.muli %parallel_loop3A_152, %parallel_loop3A_153 : i32
      %parallel_loop3A_155 = arith.constant 0 : i32
      %parallel_loop3A_156 = arith.addi %parallel_loop3A_154, %parallel_loop3A_155 : i32
      %parallel_loop3A_157 = arith.constant 16 : i32
      %parallel_loop3A_158 = arith.muli %parallel_loop3A_156, %parallel_loop3A_157 : i32
      %parallel_loop3A_159 = arith.constant 9216 : i32
      %parallel_loop3A_160 = arith.addi %parallel_loop3A_159, %parallel_loop3A_158 : i32
      %parallel_loop3A_161 = arith.index_cast %parallel_loop3A_160 : i32 to index
      %parallel_loop3A_162 = tpu.vector_load %arg4[%parallel_loop3A_161] {strides = array<i32>} : memref<18432xi32, #tpu.memory_space<vmem>>, vector<16xi32>,
      tpu.vector_store_idx %arg5[%parallel_loop3A_162], %broadcast_in_dim3A_3 {add = true} : memref<4224xf32, #tpu.memory_space<vmem>>[vector<16xi32>], vector<16xf32>,
      %parallel_loop3A_163 = arith.constant 8 : i32
      %parallel_loop3A_164 = arith.muli %parallel_loop3A_152, %parallel_loop3A_163 : i32
      %parallel_loop3A_165 = arith.constant 1 : i32
      %parallel_loop3A_166 = arith.addi %parallel_loop3A_164, %parallel_loop3A_165 : i32
      %parallel_loop3A_167 = arith.constant 16 : i32
      %parallel_loop3A_168 = arith.muli %parallel_loop3A_166, %parallel_loop3A_167 : i32
      %parallel_loop3A_169 = arith.constant 9216 : i32
      %parallel_loop3A_170 = arith.addi %parallel_loop3A_169, %parallel_loop3A_168 : i32
      %parallel_loop3A_171 = arith.index_cast %parallel_loop3A_170 : i32 to index
      %parallel_loop3A_172 = tpu.vector_load %arg4[%parallel_loop3A_171] {strides = array<i32>} : memref<18432xi32, #tpu.memory_space<vmem>>, vector<16xi32>,
      tpu.vector_store_idx %arg5[%parallel_loop3A_172], %broadcast_in_dim3A_3 {add = true} : memref<4224xf32, #tpu.memory_space<vmem>>[vector<16xi32>], vector<16xf32>,
      %parallel_loop3A_173 = arith.constant 8 : i32
      %parallel_loop3A_174 = arith.muli %parallel_loop3A_152, %parallel_loop3A_173 : i32
      %parallel_loop3A_175 = arith.constant 2 : i32
      %parallel_loop3A_176 = arith.addi %parallel_loop3A_174, %parallel_loop3A_175 : i32
      %parallel_loop3A_177 = arith.constant 16 : i32
      %parallel_loop3A_178 = arith.muli %parallel_loop3A_176, %parallel_loop3A_177 : i32
      %parallel_loop3A_179 = arith.constant 9216 : i32
      %parallel_loop3A_180 = arith.addi %parallel_loop3A_179, %parallel_loop3A_178 : i32
      %parallel_loop3A_181 = arith.index_cast %parallel_loop3A_180 : i32 to index
      %parallel_loop3A_182 = tpu.vector_load %arg4[%parallel_loop3A_181] {strides = array<i32>} : memref<18432xi32, #tpu.memory_space<vmem>>, vector<16xi32>,
      tpu.vector_store_idx %arg5[%parallel_loop3A_182], %broadcast_in_dim3A_3 {add = true} : memref<4224xf32, #tpu.memory_space<vmem>>[vector<16xi32>], vector<16xf32>,
      %parallel_loop3A_183 = arith.constant 8 : i32
      %parallel_loop3A_184 = arith.muli %parallel_loop3A_152, %parallel_loop3A_183 : i32
      %parallel_loop3A_185 = arith.constant 3 : i32
      %parallel_loop3A_186 = arith.addi %parallel_loop3A_184, %parallel_loop3A_185 : i32
      %parallel_loop3A_187 = arith.constant 16 : i32
      %parallel_loop3A_188 = arith.muli %parallel_loop3A_186, %parallel_loop3A_187 : i32
      %parallel_loop3A_189 = arith.constant 9216 : i32
      %parallel_loop3A_190 = arith.addi %parallel_loop3A_189, %parallel_loop3A_188 : i32
      %parallel_loop3A_191 = arith.index_cast %parallel_loop3A_190 : i32 to index
      %parallel_loop3A_192 = tpu.vector_load %arg4[%parallel_loop3A_191] {strides = array<i32>} : memref<18432xi32, #tpu.memory_space<vmem>>, vector<16xi32>,
      tpu.vector_store_idx %arg5[%parallel_loop3A_192], %broadcast_in_dim3A_3 {add = true} : memref<4224xf32, #tpu.memory_space<vmem>>[vector<16xi32>], vector<16xf32>,
      %parallel_loop3A_193 = arith.constant 8 : i32
      %parallel_loop3A_194 = arith.muli %parallel_loop3A_152, %parallel_loop3A_193 : i32
      %parallel_loop3A_195 = arith.constant 4 : i32
      %parallel_loop3A_196 = arith.addi %parallel_loop3A_194, %parallel_loop3A_195 : i32
      %parallel_loop3A_197 = arith.constant 16 : i32
      %parallel_loop3A_198 = arith.muli %parallel_loop3A_196, %parallel_loop3A_197 : i32
      %parallel_loop3A_199 = arith.constant 9216 : i32
      %parallel_loop3A_200 = arith.addi %parallel_loop3A_199, %parallel_loop3A_198 : i32
      %parallel_loop3A_201 = arith.index_cast %parallel_loop3A_200 : i32 to index
      %parallel_loop3A_202 = tpu.vector_load %arg4[%parallel_loop3A_201] {strides = array<i32>} : memref<18432xi32, #tpu.memory_space<vmem>>, vector<16xi32>,
      tpu.vector_store_idx %arg5[%parallel_loop3A_202], %broadcast_in_dim3A_3 {add = true} : memref<4224xf32, #tpu.memory_space<vmem>>[vector<16xi32>], vector<16xf32>,
      %parallel_loop3A_203 = arith.constant 8 : i32
      %parallel_loop3A_204 = arith.muli %parallel_loop3A_152, %parallel_loop3A_203 : i32
      %parallel_loop3A_205 = arith.constant 5 : i32
      %parallel_loop3A_206 = arith.addi %parallel_loop3A_204, %parallel_loop3A_205 : i32
      %parallel_loop3A_207 = arith.constant 16 : i32
      %parallel_loop3A_208 = arith.muli %parallel_loop3A_206, %parallel_loop3A_207 : i32
      %parallel_loop3A_209 = arith.constant 9216 : i32
      %parallel_loop3A_210 = arith.addi %parallel_loop3A_209, %parallel_loop3A_208 : i32
      %parallel_loop3A_211 = arith.index_cast %parallel_loop3A_210 : i32 to index
      %parallel_loop3A_212 = tpu.vector_load %arg4[%parallel_loop3A_211] {strides = array<i32>} : memref<18432xi32, #tpu.memory_space<vmem>>, vector<16xi32>,
      tpu.vector_store_idx %arg5[%parallel_loop3A_212], %broadcast_in_dim3A_3 {add = true} : memref<4224xf32, #tpu.memory_space<vmem>>[vector<16xi32>], vector<16xf32>,
      %parallel_loop3A_213 = arith.constant 8 : i32
      %parallel_loop3A_214 = arith.muli %parallel_loop3A_152, %parallel_loop3A_213 : i32
      %parallel_loop3A_215 = arith.constant 6 : i32
      %parallel_loop3A_216 = arith.addi %parallel_loop3A_214, %parallel_loop3A_215 : i32
      %parallel_loop3A_217 = arith.constant 16 : i32
      %parallel_loop3A_218 = arith.muli %parallel_loop3A_216, %parallel_loop3A_217 : i32
      %parallel_loop3A_219 = arith.constant 9216 : i32
      %parallel_loop3A_220 = arith.addi %parallel_loop3A_219, %parallel_loop3A_218 : i32
      %parallel_loop3A_221 = arith.index_cast %parallel_loop3A_220 : i32 to index
      %parallel_loop3A_222 = tpu.vector_load %arg4[%parallel_loop3A_221] {strides = array<i32>} : memref<18432xi32, #tpu.memory_space<vmem>>, vector<16xi32>,
      tpu.vector_store_idx %arg5[%parallel_loop3A_222], %broadcast_in_dim3A_3 {add = true} : memref<4224xf32, #tpu.memory_space<vmem>>[vector<16xi32>], vector<16xf32>,
      %parallel_loop3A_223 = arith.constant 8 : i32
      %parallel_loop3A_224 = arith.muli %parallel_loop3A_152, %parallel_loop3A_223 : i32
      %parallel_loop3A_225 = arith.constant 7 : i32
      %parallel_loop3A_226 = arith.addi %parallel_loop3A_224, %parallel_loop3A_225 : i32
      %parallel_loop3A_227 = arith.constant 16 : i32
      %parallel_loop3A_228 = arith.muli %parallel_loop3A_226, %parallel_loop3A_227 : i32
      %parallel_loop3A_229 = arith.constant 9216 : i32
      %parallel_loop3A_230 = arith.addi %parallel_loop3A_229, %parallel_loop3A_228 : i32
      %parallel_loop3A_231 = arith.index_cast %parallel_loop3A_230 : i32 to index
      %parallel_loop3A_232 = tpu.vector_load %arg4[%parallel_loop3A_231] {strides = array<i32>} : memref<18432xi32, #tpu.memory_space<vmem>>, vector<16xi32>,
      tpu.vector_store_idx %arg5[%parallel_loop3A_232], %broadcast_in_dim3A_3 {add = true} : memref<4224xf32, #tpu.memory_space<vmem>>[vector<16xi32>], vector<16xf32>,
    } {sc.loop_unroll_factor = 1 : i64, sc.parallel_access}
    %dma_wait3A_85 = arith.constant 0 : i32
    %dma_wait3A_86 = tpu.memref_slice %arg4[%dma_wait3A_85] : memref<18432xi32, #tpu.memory_space<vmem>> -> memref<9216xi32, #tpu.memory_space<vmem>>
    %dma_wait3A_87 = tpu.memref_slice %arg2[%add3A_75] : memref<2359296xi32, #tpu.memory_space<hbm>> -> memref<9216xi32, #tpu.memory_space<hbm>>
    %dma_wait3A_88 = arith.constant 0 : i32
    %dma_wait3A_89 = tpu.memref_slice %arg4[%dma_wait3A_88] : memref<18432xi32, #tpu.memory_space<vmem>> -> memref<9216xi32, #tpu.memory_space<vmem>>
    %dma_wait3A_90 = tpu.memref_slice %arg2[%add3A_75] : memref<2359296xi32, #tpu.memory_space<hbm>> -> memref<9216xi32, #tpu.memory_space<hbm>>
    tpu.wait_dma2 semaphore(%arg7 : memref<!tpu.dma_semaphore, #tpu.memory_space<semaphore_mem>>) src(%dma_wait3A_90 : memref<9216xi32, #tpu.memory_space<hbm>>) dst(%dma_wait3A_89 : memref<9216xi32, #tpu.memory_space<vmem>>)
    %add3A_91 = arith.constant 46080 : i32
    %add3A_92 = arith.addi %mul3A_11, %add3A_91 : i32
    %dma_start3A_93 = arith.constant 9216 : i32
    %dma_start3A_94 = tpu.memref_slice %arg4[%dma_start3A_93] : memref<18432xi32, #tpu.memory_space<vmem>> -> memref<9216xi32, #tpu.memory_space<vmem>>
    %dma_start3A_95 = tpu.memref_slice %arg2[%add3A_92] : memref<2359296xi32, #tpu.memory_space<hbm>> -> memref<9216xi32, #tpu.memory_space<hbm>>
    %dma_start3A_96 = arith.constant 9216 : i32
    %dma_start3A_97 = tpu.memref_slice %arg4[%dma_start3A_96] : memref<18432xi32, #tpu.memory_space<vmem>> -> memref<9216xi32, #tpu.memory_space<vmem>>
    %dma_start3A_98 = tpu.memref_slice %arg2[%add3A_92] : memref<2359296xi32, #tpu.memory_space<hbm>> -> memref<9216xi32, #tpu.memory_space<hbm>>
    tpu.enqueue_dma source(%dma_start3A_98 : memref<9216xi32, #tpu.memory_space<hbm>>) target(%dma_start3A_97 : memref<9216xi32, #tpu.memory_space<vmem>>) target_semaphore(%arg8 : memref<!tpu.dma_semaphore, #tpu.memory_space<semaphore_mem>>)
    %parallel_loop3A_99 = arith.constant 0 : i32
    %parallel_loop3A_100 = arith.constant 72 : i32
    %parallel_loop3A_101 = arith.constant 1 : i32
    scf.for %parallel_loop3A_152 = %parallel_loop3A_99 to %parallel_loop3A_100 step %parallel_loop3A_101  : i32 {
      %parallel_loop3A_153 = arith.constant 8 : i32
      %parallel_loop3A_154 = arith.muli %parallel_loop3A_152, %parallel_loop3A_153 : i32
      %parallel_loop3A_155 = arith.constant 0 : i32
      %parallel_loop3A_156 = arith.addi %parallel_loop3A_154, %parallel_loop3A_155 : i32
      %parallel_loop3A_157 = arith.constant 16 : i32
      %parallel_loop3A_158 = arith.muli %parallel_loop3A_156, %parallel_loop3A_157 : i32
      %parallel_loop3A_159 = arith.constant 0 : i32
      %parallel_loop3A_160 = arith.addi %parallel_loop3A_159, %parallel_loop3A_158 : i32
      %parallel_loop3A_161 = arith.index_cast %parallel_loop3A_160 : i32 to index
      %parallel_loop3A_162 = tpu.vector_load %arg4[%parallel_loop3A_161] {strides = array<i32>} : memref<18432xi32, #tpu.memory_space<vmem>>, vector<16xi32>,
      tpu.vector_store_idx %arg5[%parallel_loop3A_162], %broadcast_in_dim3A_3 {add = true} : memref<4224xf32, #tpu.memory_space<vmem>>[vector<16xi32>], vector<16xf32>,
      %parallel_loop3A_163 = arith.constant 8 : i32
      %parallel_loop3A_164 = arith.muli %parallel_loop3A_152, %parallel_loop3A_163 : i32
      %parallel_loop3A_165 = arith.constant 1 : i32
      %parallel_loop3A_166 = arith.addi %parallel_loop3A_164, %parallel_loop3A_165 : i32
      %parallel_loop3A_167 = arith.constant 16 : i32
      %parallel_loop3A_168 = arith.muli %parallel_loop3A_166, %parallel_loop3A_167 : i32
      %parallel_loop3A_169 = arith.constant 0 : i32
      %parallel_loop3A_170 = arith.addi %parallel_loop3A_169, %parallel_loop3A_168 : i32
      %parallel_loop3A_171 = arith.index_cast %parallel_loop3A_170 : i32 to index
      %parallel_loop3A_172 = tpu.vector_load %arg4[%parallel_loop3A_171] {strides = array<i32>} : memref<18432xi32, #tpu.memory_space<vmem>>, vector<16xi32>,
      tpu.vector_store_idx %arg5[%parallel_loop3A_172], %broadcast_in_dim3A_3 {add = true} : memref<4224xf32, #tpu.memory_space<vmem>>[vector<16xi32>], vector<16xf32>,
      %parallel_loop3A_173 = arith.constant 8 : i32
      %parallel_loop3A_174 = arith.muli %parallel_loop3A_152, %parallel_loop3A_173 : i32
      %parallel_loop3A_175 = arith.constant 2 : i32
      %parallel_loop3A_176 = arith.addi %parallel_loop3A_174, %parallel_loop3A_175 : i32
      %parallel_loop3A_177 = arith.constant 16 : i32
      %parallel_loop3A_178 = arith.muli %parallel_loop3A_176, %parallel_loop3A_177 : i32
      %parallel_loop3A_179 = arith.constant 0 : i32
      %parallel_loop3A_180 = arith.addi %parallel_loop3A_179, %parallel_loop3A_178 : i32
      %parallel_loop3A_181 = arith.index_cast %parallel_loop3A_180 : i32 to index
      %parallel_loop3A_182 = tpu.vector_load %arg4[%parallel_loop3A_181] {strides = array<i32>} : memref<18432xi32, #tpu.memory_space<vmem>>, vector<16xi32>,
      tpu.vector_store_idx %arg5[%parallel_loop3A_182], %broadcast_in_dim3A_3 {add = true} : memref<4224xf32, #tpu.memory_space<vmem>>[vector<16xi32>], vector<16xf32>,
      %parallel_loop3A_183 = arith.constant 8 : i32
      %parallel_loop3A_184 = arith.muli %parallel_loop3A_152, %parallel_loop3A_183 : i32
      %parallel_loop3A_185 = arith.constant 3 : i32
      %parallel_loop3A_186 = arith.addi %parallel_loop3A_184, %parallel_loop3A_185 : i32
      %parallel_loop3A_187 = arith.constant 16 : i32
      %parallel_loop3A_188 = arith.muli %parallel_loop3A_186, %parallel_loop3A_187 : i32
      %parallel_loop3A_189 = arith.constant 0 : i32
      %parallel_loop3A_190 = arith.addi %parallel_loop3A_189, %parallel_loop3A_188 : i32
      %parallel_loop3A_191 = arith.index_cast %parallel_loop3A_190 : i32 to index
      %parallel_loop3A_192 = tpu.vector_load %arg4[%parallel_loop3A_191] {strides = array<i32>} : memref<18432xi32, #tpu.memory_space<vmem>>, vector<16xi32>,
      tpu.vector_store_idx %arg5[%parallel_loop3A_192], %broadcast_in_dim3A_3 {add = true} : memref<4224xf32, #tpu.memory_space<vmem>>[vector<16xi32>], vector<16xf32>,
      %parallel_loop3A_193 = arith.constant 8 : i32
      %parallel_loop3A_194 = arith.muli %parallel_loop3A_152, %parallel_loop3A_193 : i32
      %parallel_loop3A_195 = arith.constant 4 : i32
      %parallel_loop3A_196 = arith.addi %parallel_loop3A_194, %parallel_loop3A_195 : i32
      %parallel_loop3A_197 = arith.constant 16 : i32
      %parallel_loop3A_198 = arith.muli %parallel_loop3A_196, %parallel_loop3A_197 : i32
      %parallel_loop3A_199 = arith.constant 0 : i32
      %parallel_loop3A_200 = arith.addi %parallel_loop3A_199, %parallel_loop3A_198 : i32
      %parallel_loop3A_201 = arith.index_cast %parallel_loop3A_200 : i32 to index
      %parallel_loop3A_202 = tpu.vector_load %arg4[%parallel_loop3A_201] {strides = array<i32>} : memref<18432xi32, #tpu.memory_space<vmem>>, vector<16xi32>,
      tpu.vector_store_idx %arg5[%parallel_loop3A_202], %broadcast_in_dim3A_3 {add = true} : memref<4224xf32, #tpu.memory_space<vmem>>[vector<16xi32>], vector<16xf32>,
      %parallel_loop3A_203 = arith.constant 8 : i32
      %parallel_loop3A_204 = arith.muli %parallel_loop3A_152, %parallel_loop3A_203 : i32
      %parallel_loop3A_205 = arith.constant 5 : i32
      %parallel_loop3A_206 = arith.addi %parallel_loop3A_204, %parallel_loop3A_205 : i32
      %parallel_loop3A_207 = arith.constant 16 : i32
      %parallel_loop3A_208 = arith.muli %parallel_loop3A_206, %parallel_loop3A_207 : i32
      %parallel_loop3A_209 = arith.constant 0 : i32
      %parallel_loop3A_210 = arith.addi %parallel_loop3A_209, %parallel_loop3A_208 : i32
      %parallel_loop3A_211 = arith.index_cast %parallel_loop3A_210 : i32 to index
      %parallel_loop3A_212 = tpu.vector_load %arg4[%parallel_loop3A_211] {strides = array<i32>} : memref<18432xi32, #tpu.memory_space<vmem>>, vector<16xi32>,
      tpu.vector_store_idx %arg5[%parallel_loop3A_212], %broadcast_in_dim3A_3 {add = true} : memref<4224xf32, #tpu.memory_space<vmem>>[vector<16xi32>], vector<16xf32>,
      %parallel_loop3A_213 = arith.constant 8 : i32
      %parallel_loop3A_214 = arith.muli %parallel_loop3A_152, %parallel_loop3A_213 : i32
      %parallel_loop3A_215 = arith.constant 6 : i32
      %parallel_loop3A_216 = arith.addi %parallel_loop3A_214, %parallel_loop3A_215 : i32
      %parallel_loop3A_217 = arith.constant 16 : i32
      %parallel_loop3A_218 = arith.muli %parallel_loop3A_216, %parallel_loop3A_217 : i32
      %parallel_loop3A_219 = arith.constant 0 : i32
      %parallel_loop3A_220 = arith.addi %parallel_loop3A_219, %parallel_loop3A_218 : i32
      %parallel_loop3A_221 = arith.index_cast %parallel_loop3A_220 : i32 to index
      %parallel_loop3A_222 = tpu.vector_load %arg4[%parallel_loop3A_221] {strides = array<i32>} : memref<18432xi32, #tpu.memory_space<vmem>>, vector<16xi32>,
      tpu.vector_store_idx %arg5[%parallel_loop3A_222], %broadcast_in_dim3A_3 {add = true} : memref<4224xf32, #tpu.memory_space<vmem>>[vector<16xi32>], vector<16xf32>,
      %parallel_loop3A_223 = arith.constant 8 : i32
      %parallel_loop3A_224 = arith.muli %parallel_loop3A_152, %parallel_loop3A_223 : i32
      %parallel_loop3A_225 = arith.constant 7 : i32
      %parallel_loop3A_226 = arith.addi %parallel_loop3A_224, %parallel_loop3A_225 : i32
      %parallel_loop3A_227 = arith.constant 16 : i32
      %parallel_loop3A_228 = arith.muli %parallel_loop3A_226, %parallel_loop3A_227 : i32
      %parallel_loop3A_229 = arith.constant 0 : i32
      %parallel_loop3A_230 = arith.addi %parallel_loop3A_229, %parallel_loop3A_228 : i32
      %parallel_loop3A_231 = arith.index_cast %parallel_loop3A_230 : i32 to index
      %parallel_loop3A_232 = tpu.vector_load %arg4[%parallel_loop3A_231] {strides = array<i32>} : memref<18432xi32, #tpu.memory_space<vmem>>, vector<16xi32>,
      tpu.vector_store_idx %arg5[%parallel_loop3A_232], %broadcast_in_dim3A_3 {add = true} : memref<4224xf32, #tpu.memory_space<vmem>>[vector<16xi32>], vector<16xf32>,
    } {sc.loop_unroll_factor = 1 : i64, sc.parallel_access}
    %dma_wait3A_102 = arith.constant 9216 : i32
    %dma_wait3A_103 = tpu.memref_slice %arg4[%dma_wait3A_102] : memref<18432xi32, #tpu.memory_space<vmem>> -> memref<9216xi32, #tpu.memory_space<vmem>>
    %dma_wait3A_104 = tpu.memref_slice %arg2[%add3A_92] : memref<2359296xi32, #tpu.memory_space<hbm>> -> memref<9216xi32, #tpu.memory_space<hbm>>
    %dma_wait3A_105 = arith.constant 9216 : i32
    %dma_wait3A_106 = tpu.memref_slice %arg4[%dma_wait3A_105] : memref<18432xi32, #tpu.memory_space<vmem>> -> memref<9216xi32, #tpu.memory_space<vmem>>
    %dma_wait3A_107 = tpu.memref_slice %arg2[%add3A_92] : memref<2359296xi32, #tpu.memory_space<hbm>> -> memref<9216xi32, #tpu.memory_space<hbm>>
    tpu.wait_dma2 semaphore(%arg8 : memref<!tpu.dma_semaphore, #tpu.memory_space<semaphore_mem>>) src(%dma_wait3A_107 : memref<9216xi32, #tpu.memory_space<hbm>>) dst(%dma_wait3A_106 : memref<9216xi32, #tpu.memory_space<vmem>>)
    %add3A_108 = arith.constant 55296 : i32
    %add3A_109 = arith.addi %mul3A_11, %add3A_108 : i32
    %dma_start3A_110 = arith.constant 0 : i32
    %dma_start3A_111 = tpu.memref_slice %arg4[%dma_start3A_110] : memref<18432xi32, #tpu.memory_space<vmem>> -> memref<9216xi32, #tpu.memory_space<vmem>>
    %dma_start3A_112 = tpu.memref_slice %arg2[%add3A_109] : memref<2359296xi32, #tpu.memory_space<hbm>> -> memref<9216xi32, #tpu.memory_space<hbm>>
    %dma_start3A_113 = arith.constant 0 : i32
    %dma_start3A_114 = tpu.memref_slice %arg4[%dma_start3A_113] : memref<18432xi32, #tpu.memory_space<vmem>> -> memref<9216xi32, #tpu.memory_space<vmem>>
    %dma_start3A_115 = tpu.memref_slice %arg2[%add3A_109] : memref<2359296xi32, #tpu.memory_space<hbm>> -> memref<9216xi32, #tpu.memory_space<hbm>>
    tpu.enqueue_dma source(%dma_start3A_115 : memref<9216xi32, #tpu.memory_space<hbm>>) target(%dma_start3A_114 : memref<9216xi32, #tpu.memory_space<vmem>>) target_semaphore(%arg7 : memref<!tpu.dma_semaphore, #tpu.memory_space<semaphore_mem>>)
    %parallel_loop3A_116 = arith.constant 0 : i32
    %parallel_loop3A_117 = arith.constant 72 : i32
    %parallel_loop3A_118 = arith.constant 1 : i32
    scf.for %parallel_loop3A_152 = %parallel_loop3A_116 to %parallel_loop3A_117 step %parallel_loop3A_118  : i32 {
      %parallel_loop3A_153 = arith.constant 8 : i32
      %parallel_loop3A_154 = arith.muli %parallel_loop3A_152, %parallel_loop3A_153 : i32
      %parallel_loop3A_155 = arith.constant 0 : i32
      %parallel_loop3A_156 = arith.addi %parallel_loop3A_154, %parallel_loop3A_155 : i32
      %parallel_loop3A_157 = arith.constant 16 : i32
      %parallel_loop3A_158 = arith.muli %parallel_loop3A_156, %parallel_loop3A_157 : i32
      %parallel_loop3A_159 = arith.constant 9216 : i32
      %parallel_loop3A_160 = arith.addi %parallel_loop3A_159, %parallel_loop3A_158 : i32
      %parallel_loop3A_161 = arith.index_cast %parallel_loop3A_160 : i32 to index
      %parallel_loop3A_162 = tpu.vector_load %arg4[%parallel_loop3A_161] {strides = array<i32>} : memref<18432xi32, #tpu.memory_space<vmem>>, vector<16xi32>,
      tpu.vector_store_idx %arg5[%parallel_loop3A_162], %broadcast_in_dim3A_3 {add = true} : memref<4224xf32, #tpu.memory_space<vmem>>[vector<16xi32>], vector<16xf32>,
      %parallel_loop3A_163 = arith.constant 8 : i32
      %parallel_loop3A_164 = arith.muli %parallel_loop3A_152, %parallel_loop3A_163 : i32
      %parallel_loop3A_165 = arith.constant 1 : i32
      %parallel_loop3A_166 = arith.addi %parallel_loop3A_164, %parallel_loop3A_165 : i32
      %parallel_loop3A_167 = arith.constant 16 : i32
      %parallel_loop3A_168 = arith.muli %parallel_loop3A_166, %parallel_loop3A_167 : i32
      %parallel_loop3A_169 = arith.constant 9216 : i32
      %parallel_loop3A_170 = arith.addi %parallel_loop3A_169, %parallel_loop3A_168 : i32
      %parallel_loop3A_171 = arith.index_cast %parallel_loop3A_170 : i32 to index
      %parallel_loop3A_172 = tpu.vector_load %arg4[%parallel_loop3A_171] {strides = array<i32>} : memref<18432xi32, #tpu.memory_space<vmem>>, vector<16xi32>,
      tpu.vector_store_idx %arg5[%parallel_loop3A_172], %broadcast_in_dim3A_3 {add = true} : memref<4224xf32, #tpu.memory_space<vmem>>[vector<16xi32>], vector<16xf32>,
      %parallel_loop3A_173 = arith.constant 8 : i32
      %parallel_loop3A_174 = arith.muli %parallel_loop3A_152, %parallel_loop3A_173 : i32
      %parallel_loop3A_175 = arith.constant 2 : i32
      %parallel_loop3A_176 = arith.addi %parallel_loop3A_174, %parallel_loop3A_175 : i32
      %parallel_loop3A_177 = arith.constant 16 : i32
      %parallel_loop3A_178 = arith.muli %parallel_loop3A_176, %parallel_loop3A_177 : i32
      %parallel_loop3A_179 = arith.constant 9216 : i32
      %parallel_loop3A_180 = arith.addi %parallel_loop3A_179, %parallel_loop3A_178 : i32
      %parallel_loop3A_181 = arith.index_cast %parallel_loop3A_180 : i32 to index
      %parallel_loop3A_182 = tpu.vector_load %arg4[%parallel_loop3A_181] {strides = array<i32>} : memref<18432xi32, #tpu.memory_space<vmem>>, vector<16xi32>,
      tpu.vector_store_idx %arg5[%parallel_loop3A_182], %broadcast_in_dim3A_3 {add = true} : memref<4224xf32, #tpu.memory_space<vmem>>[vector<16xi32>], vector<16xf32>,
      %parallel_loop3A_183 = arith.constant 8 : i32
      %parallel_loop3A_184 = arith.muli %parallel_loop3A_152, %parallel_loop3A_183 : i32
      %parallel_loop3A_185 = arith.constant 3 : i32
      %parallel_loop3A_186 = arith.addi %parallel_loop3A_184, %parallel_loop3A_185 : i32
      %parallel_loop3A_187 = arith.constant 16 : i32
      %parallel_loop3A_188 = arith.muli %parallel_loop3A_186, %parallel_loop3A_187 : i32
      %parallel_loop3A_189 = arith.constant 9216 : i32
      %parallel_loop3A_190 = arith.addi %parallel_loop3A_189, %parallel_loop3A_188 : i32
      %parallel_loop3A_191 = arith.index_cast %parallel_loop3A_190 : i32 to index
      %parallel_loop3A_192 = tpu.vector_load %arg4[%parallel_loop3A_191] {strides = array<i32>} : memref<18432xi32, #tpu.memory_space<vmem>>, vector<16xi32>,
      tpu.vector_store_idx %arg5[%parallel_loop3A_192], %broadcast_in_dim3A_3 {add = true} : memref<4224xf32, #tpu.memory_space<vmem>>[vector<16xi32>], vector<16xf32>,
      %parallel_loop3A_193 = arith.constant 8 : i32
      %parallel_loop3A_194 = arith.muli %parallel_loop3A_152, %parallel_loop3A_193 : i32
      %parallel_loop3A_195 = arith.constant 4 : i32
      %parallel_loop3A_196 = arith.addi %parallel_loop3A_194, %parallel_loop3A_195 : i32
      %parallel_loop3A_197 = arith.constant 16 : i32
      %parallel_loop3A_198 = arith.muli %parallel_loop3A_196, %parallel_loop3A_197 : i32
      %parallel_loop3A_199 = arith.constant 9216 : i32
      %parallel_loop3A_200 = arith.addi %parallel_loop3A_199, %parallel_loop3A_198 : i32
      %parallel_loop3A_201 = arith.index_cast %parallel_loop3A_200 : i32 to index
      %parallel_loop3A_202 = tpu.vector_load %arg4[%parallel_loop3A_201] {strides = array<i32>} : memref<18432xi32, #tpu.memory_space<vmem>>, vector<16xi32>,
      tpu.vector_store_idx %arg5[%parallel_loop3A_202], %broadcast_in_dim3A_3 {add = true} : memref<4224xf32, #tpu.memory_space<vmem>>[vector<16xi32>], vector<16xf32>,
      %parallel_loop3A_203 = arith.constant 8 : i32
      %parallel_loop3A_204 = arith.muli %parallel_loop3A_152, %parallel_loop3A_203 : i32
      %parallel_loop3A_205 = arith.constant 5 : i32
      %parallel_loop3A_206 = arith.addi %parallel_loop3A_204, %parallel_loop3A_205 : i32
      %parallel_loop3A_207 = arith.constant 16 : i32
      %parallel_loop3A_208 = arith.muli %parallel_loop3A_206, %parallel_loop3A_207 : i32
      %parallel_loop3A_209 = arith.constant 9216 : i32
      %parallel_loop3A_210 = arith.addi %parallel_loop3A_209, %parallel_loop3A_208 : i32
      %parallel_loop3A_211 = arith.index_cast %parallel_loop3A_210 : i32 to index
      %parallel_loop3A_212 = tpu.vector_load %arg4[%parallel_loop3A_211] {strides = array<i32>} : memref<18432xi32, #tpu.memory_space<vmem>>, vector<16xi32>,
      tpu.vector_store_idx %arg5[%parallel_loop3A_212], %broadcast_in_dim3A_3 {add = true} : memref<4224xf32, #tpu.memory_space<vmem>>[vector<16xi32>], vector<16xf32>,
      %parallel_loop3A_213 = arith.constant 8 : i32
      %parallel_loop3A_214 = arith.muli %parallel_loop3A_152, %parallel_loop3A_213 : i32
      %parallel_loop3A_215 = arith.constant 6 : i32
      %parallel_loop3A_216 = arith.addi %parallel_loop3A_214, %parallel_loop3A_215 : i32
      %parallel_loop3A_217 = arith.constant 16 : i32
      %parallel_loop3A_218 = arith.muli %parallel_loop3A_216, %parallel_loop3A_217 : i32
      %parallel_loop3A_219 = arith.constant 9216 : i32
      %parallel_loop3A_220 = arith.addi %parallel_loop3A_219, %parallel_loop3A_218 : i32
      %parallel_loop3A_221 = arith.index_cast %parallel_loop3A_220 : i32 to index
      %parallel_loop3A_222 = tpu.vector_load %arg4[%parallel_loop3A_221] {strides = array<i32>} : memref<18432xi32, #tpu.memory_space<vmem>>, vector<16xi32>,
      tpu.vector_store_idx %arg5[%parallel_loop3A_222], %broadcast_in_dim3A_3 {add = true} : memref<4224xf32, #tpu.memory_space<vmem>>[vector<16xi32>], vector<16xf32>,
      %parallel_loop3A_223 = arith.constant 8 : i32
      %parallel_loop3A_224 = arith.muli %parallel_loop3A_152, %parallel_loop3A_223 : i32
      %parallel_loop3A_225 = arith.constant 7 : i32
      %parallel_loop3A_226 = arith.addi %parallel_loop3A_224, %parallel_loop3A_225 : i32
      %parallel_loop3A_227 = arith.constant 16 : i32
      %parallel_loop3A_228 = arith.muli %parallel_loop3A_226, %parallel_loop3A_227 : i32
      %parallel_loop3A_229 = arith.constant 9216 : i32
      %parallel_loop3A_230 = arith.addi %parallel_loop3A_229, %parallel_loop3A_228 : i32
      %parallel_loop3A_231 = arith.index_cast %parallel_loop3A_230 : i32 to index
      %parallel_loop3A_232 = tpu.vector_load %arg4[%parallel_loop3A_231] {strides = array<i32>} : memref<18432xi32, #tpu.memory_space<vmem>>, vector<16xi32>,
      tpu.vector_store_idx %arg5[%parallel_loop3A_232], %broadcast_in_dim3A_3 {add = true} : memref<4224xf32, #tpu.memory_space<vmem>>[vector<16xi32>], vector<16xf32>,
    } {sc.loop_unroll_factor = 1 : i64, sc.parallel_access}
    %dma_wait3A_119 = arith.constant 0 : i32
    %dma_wait3A_120 = tpu.memref_slice %arg4[%dma_wait3A_119] : memref<18432xi32, #tpu.memory_space<vmem>> -> memref<9216xi32, #tpu.memory_space<vmem>>
    %dma_wait3A_121 = tpu.memref_slice %arg2[%add3A_109] : memref<2359296xi32, #tpu.memory_space<hbm>> -> memref<9216xi32, #tpu.memory_space<hbm>>
    %dma_wait3A_122 = arith.constant 0 : i32
    %dma_wait3A_123 = tpu.memref_slice %arg4[%dma_wait3A_122] : memref<18432xi32, #tpu.memory_space<vmem>> -> memref<9216xi32, #tpu.memory_space<vmem>>
    %dma_wait3A_124 = tpu.memref_slice %arg2[%add3A_109] : memref<2359296xi32, #tpu.memory_space<hbm>> -> memref<9216xi32, #tpu.memory_space<hbm>>
    tpu.wait_dma2 semaphore(%arg7 : memref<!tpu.dma_semaphore, #tpu.memory_space<semaphore_mem>>) src(%dma_wait3A_124 : memref<9216xi32, #tpu.memory_space<hbm>>) dst(%dma_wait3A_123 : memref<9216xi32, #tpu.memory_space<vmem>>)
    %add3A_125 = arith.constant 64512 : i32
    %add3A_126 = arith.addi %mul3A_11, %add3A_125 : i32
    %dma_start3A_127 = arith.constant 9216 : i32
    %dma_start3A_128 = tpu.memref_slice %arg4[%dma_start3A_127] : memref<18432xi32, #tpu.memory_space<vmem>> -> memref<9216xi32, #tpu.memory_space<vmem>>
    %dma_start3A_129 = tpu.memref_slice %arg2[%add3A_126] : memref<2359296xi32, #tpu.memory_space<hbm>> -> memref<9216xi32, #tpu.memory_space<hbm>>
    %dma_start3A_130 = arith.constant 9216 : i32
    %dma_start3A_131 = tpu.memref_slice %arg4[%dma_start3A_130] : memref<18432xi32, #tpu.memory_space<vmem>> -> memref<9216xi32, #tpu.memory_space<vmem>>
    %dma_start3A_132 = tpu.memref_slice %arg2[%add3A_126] : memref<2359296xi32, #tpu.memory_space<hbm>> -> memref<9216xi32, #tpu.memory_space<hbm>>
    tpu.enqueue_dma source(%dma_start3A_132 : memref<9216xi32, #tpu.memory_space<hbm>>) target(%dma_start3A_131 : memref<9216xi32, #tpu.memory_space<vmem>>) target_semaphore(%arg8 : memref<!tpu.dma_semaphore, #tpu.memory_space<semaphore_mem>>)
    %parallel_loop3A_133 = arith.constant 0 : i32
    %parallel_loop3A_134 = arith.constant 72 : i32
    %parallel_loop3A_135 = arith.constant 1 : i32
    scf.for %parallel_loop3A_152 = %parallel_loop3A_133 to %parallel_loop3A_134 step %parallel_loop3A_135  : i32 {
      %parallel_loop3A_153 = arith.constant 8 : i32
      %parallel_loop3A_154 = arith.muli %parallel_loop3A_152, %parallel_loop3A_153 : i32
      %parallel_loop3A_155 = arith.constant 0 : i32
      %parallel_loop3A_156 = arith.addi %parallel_loop3A_154, %parallel_loop3A_155 : i32
      %parallel_loop3A_157 = arith.constant 16 : i32
      %parallel_loop3A_158 = arith.muli %parallel_loop3A_156, %parallel_loop3A_157 : i32
      %parallel_loop3A_159 = arith.constant 0 : i32
      %parallel_loop3A_160 = arith.addi %parallel_loop3A_159, %parallel_loop3A_158 : i32
      %parallel_loop3A_161 = arith.index_cast %parallel_loop3A_160 : i32 to index
      %parallel_loop3A_162 = tpu.vector_load %arg4[%parallel_loop3A_161] {strides = array<i32>} : memref<18432xi32, #tpu.memory_space<vmem>>, vector<16xi32>,
      tpu.vector_store_idx %arg5[%parallel_loop3A_162], %broadcast_in_dim3A_3 {add = true} : memref<4224xf32, #tpu.memory_space<vmem>>[vector<16xi32>], vector<16xf32>,
      %parallel_loop3A_163 = arith.constant 8 : i32
      %parallel_loop3A_164 = arith.muli %parallel_loop3A_152, %parallel_loop3A_163 : i32
      %parallel_loop3A_165 = arith.constant 1 : i32
      %parallel_loop3A_166 = arith.addi %parallel_loop3A_164, %parallel_loop3A_165 : i32
      %parallel_loop3A_167 = arith.constant 16 : i32
      %parallel_loop3A_168 = arith.muli %parallel_loop3A_166, %parallel_loop3A_167 : i32
      %parallel_loop3A_169 = arith.constant 0 : i32
      %parallel_loop3A_170 = arith.addi %parallel_loop3A_169, %parallel_loop3A_168 : i32
      %parallel_loop3A_171 = arith.index_cast %parallel_loop3A_170 : i32 to index
      %parallel_loop3A_172 = tpu.vector_load %arg4[%parallel_loop3A_171] {strides = array<i32>} : memref<18432xi32, #tpu.memory_space<vmem>>, vector<16xi32>,
      tpu.vector_store_idx %arg5[%parallel_loop3A_172], %broadcast_in_dim3A_3 {add = true} : memref<4224xf32, #tpu.memory_space<vmem>>[vector<16xi32>], vector<16xf32>,
      %parallel_loop3A_173 = arith.constant 8 : i32
      %parallel_loop3A_174 = arith.muli %parallel_loop3A_152, %parallel_loop3A_173 : i32
      %parallel_loop3A_175 = arith.constant 2 : i32
      %parallel_loop3A_176 = arith.addi %parallel_loop3A_174, %parallel_loop3A_175 : i32
      %parallel_loop3A_177 = arith.constant 16 : i32
      %parallel_loop3A_178 = arith.muli %parallel_loop3A_176, %parallel_loop3A_177 : i32
      %parallel_loop3A_179 = arith.constant 0 : i32
      %parallel_loop3A_180 = arith.addi %parallel_loop3A_179, %parallel_loop3A_178 : i32
      %parallel_loop3A_181 = arith.index_cast %parallel_loop3A_180 : i32 to index
      %parallel_loop3A_182 = tpu.vector_load %arg4[%parallel_loop3A_181] {strides = array<i32>} : memref<18432xi32, #tpu.memory_space<vmem>>, vector<16xi32>,
      tpu.vector_store_idx %arg5[%parallel_loop3A_182], %broadcast_in_dim3A_3 {add = true} : memref<4224xf32, #tpu.memory_space<vmem>>[vector<16xi32>], vector<16xf32>,
      %parallel_loop3A_183 = arith.constant 8 : i32
      %parallel_loop3A_184 = arith.muli %parallel_loop3A_152, %parallel_loop3A_183 : i32
      %parallel_loop3A_185 = arith.constant 3 : i32
      %parallel_loop3A_186 = arith.addi %parallel_loop3A_184, %parallel_loop3A_185 : i32
      %parallel_loop3A_187 = arith.constant 16 : i32
      %parallel_loop3A_188 = arith.muli %parallel_loop3A_186, %parallel_loop3A_187 : i32
      %parallel_loop3A_189 = arith.constant 0 : i32
      %parallel_loop3A_190 = arith.addi %parallel_loop3A_189, %parallel_loop3A_188 : i32
      %parallel_loop3A_191 = arith.index_cast %parallel_loop3A_190 : i32 to index
      %parallel_loop3A_192 = tpu.vector_load %arg4[%parallel_loop3A_191] {strides = array<i32>} : memref<18432xi32, #tpu.memory_space<vmem>>, vector<16xi32>,
      tpu.vector_store_idx %arg5[%parallel_loop3A_192], %broadcast_in_dim3A_3 {add = true} : memref<4224xf32, #tpu.memory_space<vmem>>[vector<16xi32>], vector<16xf32>,
      %parallel_loop3A_193 = arith.constant 8 : i32
      %parallel_loop3A_194 = arith.muli %parallel_loop3A_152, %parallel_loop3A_193 : i32
      %parallel_loop3A_195 = arith.constant 4 : i32
      %parallel_loop3A_196 = arith.addi %parallel_loop3A_194, %parallel_loop3A_195 : i32
      %parallel_loop3A_197 = arith.constant 16 : i32
      %parallel_loop3A_198 = arith.muli %parallel_loop3A_196, %parallel_loop3A_197 : i32
      %parallel_loop3A_199 = arith.constant 0 : i32
      %parallel_loop3A_200 = arith.addi %parallel_loop3A_199, %parallel_loop3A_198 : i32
      %parallel_loop3A_201 = arith.index_cast %parallel_loop3A_200 : i32 to index
      %parallel_loop3A_202 = tpu.vector_load %arg4[%parallel_loop3A_201] {strides = array<i32>} : memref<18432xi32, #tpu.memory_space<vmem>>, vector<16xi32>,
      tpu.vector_store_idx %arg5[%parallel_loop3A_202], %broadcast_in_dim3A_3 {add = true} : memref<4224xf32, #tpu.memory_space<vmem>>[vector<16xi32>], vector<16xf32>,
      %parallel_loop3A_203 = arith.constant 8 : i32
      %parallel_loop3A_204 = arith.muli %parallel_loop3A_152, %parallel_loop3A_203 : i32
      %parallel_loop3A_205 = arith.constant 5 : i32
      %parallel_loop3A_206 = arith.addi %parallel_loop3A_204, %parallel_loop3A_205 : i32
      %parallel_loop3A_207 = arith.constant 16 : i32
      %parallel_loop3A_208 = arith.muli %parallel_loop3A_206, %parallel_loop3A_207 : i32
      %parallel_loop3A_209 = arith.constant 0 : i32
      %parallel_loop3A_210 = arith.addi %parallel_loop3A_209, %parallel_loop3A_208 : i32
      %parallel_loop3A_211 = arith.index_cast %parallel_loop3A_210 : i32 to index
      %parallel_loop3A_212 = tpu.vector_load %arg4[%parallel_loop3A_211] {strides = array<i32>} : memref<18432xi32, #tpu.memory_space<vmem>>, vector<16xi32>,
      tpu.vector_store_idx %arg5[%parallel_loop3A_212], %broadcast_in_dim3A_3 {add = true} : memref<4224xf32, #tpu.memory_space<vmem>>[vector<16xi32>], vector<16xf32>,
      %parallel_loop3A_213 = arith.constant 8 : i32
      %parallel_loop3A_214 = arith.muli %parallel_loop3A_152, %parallel_loop3A_213 : i32
      %parallel_loop3A_215 = arith.constant 6 : i32
      %parallel_loop3A_216 = arith.addi %parallel_loop3A_214, %parallel_loop3A_215 : i32
      %parallel_loop3A_217 = arith.constant 16 : i32
      %parallel_loop3A_218 = arith.muli %parallel_loop3A_216, %parallel_loop3A_217 : i32
      %parallel_loop3A_219 = arith.constant 0 : i32
      %parallel_loop3A_220 = arith.addi %parallel_loop3A_219, %parallel_loop3A_218 : i32
      %parallel_loop3A_221 = arith.index_cast %parallel_loop3A_220 : i32 to index
      %parallel_loop3A_222 = tpu.vector_load %arg4[%parallel_loop3A_221] {strides = array<i32>} : memref<18432xi32, #tpu.memory_space<vmem>>, vector<16xi32>,
      tpu.vector_store_idx %arg5[%parallel_loop3A_222], %broadcast_in_dim3A_3 {add = true} : memref<4224xf32, #tpu.memory_space<vmem>>[vector<16xi32>], vector<16xf32>,
      %parallel_loop3A_223 = arith.constant 8 : i32
      %parallel_loop3A_224 = arith.muli %parallel_loop3A_152, %parallel_loop3A_223 : i32
      %parallel_loop3A_225 = arith.constant 7 : i32
      %parallel_loop3A_226 = arith.addi %parallel_loop3A_224, %parallel_loop3A_225 : i32
      %parallel_loop3A_227 = arith.constant 16 : i32
      %parallel_loop3A_228 = arith.muli %parallel_loop3A_226, %parallel_loop3A_227 : i32
      %parallel_loop3A_229 = arith.constant 0 : i32
      %parallel_loop3A_230 = arith.addi %parallel_loop3A_229, %parallel_loop3A_228 : i32
      %parallel_loop3A_231 = arith.index_cast %parallel_loop3A_230 : i32 to index
      %parallel_loop3A_232 = tpu.vector_load %arg4[%parallel_loop3A_231] {strides = array<i32>} : memref<18432xi32, #tpu.memory_space<vmem>>, vector<16xi32>,
      tpu.vector_store_idx %arg5[%parallel_loop3A_232], %broadcast_in_dim3A_3 {add = true} : memref<4224xf32, #tpu.memory_space<vmem>>[vector<16xi32>], vector<16xf32>,
    } {sc.loop_unroll_factor = 1 : i64, sc.parallel_access}
    %dma_wait3A_136 = arith.constant 9216 : i32
    %dma_wait3A_137 = tpu.memref_slice %arg4[%dma_wait3A_136] : memref<18432xi32, #tpu.memory_space<vmem>> -> memref<9216xi32, #tpu.memory_space<vmem>>
    %dma_wait3A_138 = tpu.memref_slice %arg2[%add3A_126] : memref<2359296xi32, #tpu.memory_space<hbm>> -> memref<9216xi32, #tpu.memory_space<hbm>>
    %dma_wait3A_139 = arith.constant 9216 : i32
    %dma_wait3A_140 = tpu.memref_slice %arg4[%dma_wait3A_139] : memref<18432xi32, #tpu.memory_space<vmem>> -> memref<9216xi32, #tpu.memory_space<vmem>>
    %dma_wait3A_141 = tpu.memref_slice %arg2[%add3A_126] : memref<2359296xi32, #tpu.memory_space<hbm>> -> memref<9216xi32, #tpu.memory_space<hbm>>
    tpu.wait_dma2 semaphore(%arg8 : memref<!tpu.dma_semaphore, #tpu.memory_space<semaphore_mem>>) src(%dma_wait3A_141 : memref<9216xi32, #tpu.memory_space<hbm>>) dst(%dma_wait3A_140 : memref<9216xi32, #tpu.memory_space<vmem>>)
    %parallel_loop3A_142 = arith.constant 0 : i32
    %parallel_loop3A_143 = arith.constant 72 : i32
    %parallel_loop3A_144 = arith.constant 1 : i32
    scf.for %parallel_loop3A_152 = %parallel_loop3A_142 to %parallel_loop3A_143 step %parallel_loop3A_144  : i32 {
      %parallel_loop3A_153 = arith.constant 8 : i32
      %parallel_loop3A_154 = arith.muli %parallel_loop3A_152, %parallel_loop3A_153 : i32
      %parallel_loop3A_155 = arith.constant 0 : i32
      %parallel_loop3A_156 = arith.addi %parallel_loop3A_154, %parallel_loop3A_155 : i32
      %parallel_loop3A_157 = arith.constant 16 : i32
      %parallel_loop3A_158 = arith.muli %parallel_loop3A_156, %parallel_loop3A_157 : i32
      %parallel_loop3A_159 = arith.constant 9216 : i32
      %parallel_loop3A_160 = arith.addi %parallel_loop3A_159, %parallel_loop3A_158 : i32
      %parallel_loop3A_161 = arith.index_cast %parallel_loop3A_160 : i32 to index
      %parallel_loop3A_162 = tpu.vector_load %arg4[%parallel_loop3A_161] {strides = array<i32>} : memref<18432xi32, #tpu.memory_space<vmem>>, vector<16xi32>,
      tpu.vector_store_idx %arg5[%parallel_loop3A_162], %broadcast_in_dim3A_3 {add = true} : memref<4224xf32, #tpu.memory_space<vmem>>[vector<16xi32>], vector<16xf32>,
      %parallel_loop3A_163 = arith.constant 8 : i32
      %parallel_loop3A_164 = arith.muli %parallel_loop3A_152, %parallel_loop3A_163 : i32
      %parallel_loop3A_165 = arith.constant 1 : i32
      %parallel_loop3A_166 = arith.addi %parallel_loop3A_164, %parallel_loop3A_165 : i32
      %parallel_loop3A_167 = arith.constant 16 : i32
      %parallel_loop3A_168 = arith.muli %parallel_loop3A_166, %parallel_loop3A_167 : i32
      %parallel_loop3A_169 = arith.constant 9216 : i32
      %parallel_loop3A_170 = arith.addi %parallel_loop3A_169, %parallel_loop3A_168 : i32
      %parallel_loop3A_171 = arith.index_cast %parallel_loop3A_170 : i32 to index
      %parallel_loop3A_172 = tpu.vector_load %arg4[%parallel_loop3A_171] {strides = array<i32>} : memref<18432xi32, #tpu.memory_space<vmem>>, vector<16xi32>,
      tpu.vector_store_idx %arg5[%parallel_loop3A_172], %broadcast_in_dim3A_3 {add = true} : memref<4224xf32, #tpu.memory_space<vmem>>[vector<16xi32>], vector<16xf32>,
      %parallel_loop3A_173 = arith.constant 8 : i32
      %parallel_loop3A_174 = arith.muli %parallel_loop3A_152, %parallel_loop3A_173 : i32
      %parallel_loop3A_175 = arith.constant 2 : i32
      %parallel_loop3A_176 = arith.addi %parallel_loop3A_174, %parallel_loop3A_175 : i32
      %parallel_loop3A_177 = arith.constant 16 : i32
      %parallel_loop3A_178 = arith.muli %parallel_loop3A_176, %parallel_loop3A_177 : i32
      %parallel_loop3A_179 = arith.constant 9216 : i32
      %parallel_loop3A_180 = arith.addi %parallel_loop3A_179, %parallel_loop3A_178 : i32
      %parallel_loop3A_181 = arith.index_cast %parallel_loop3A_180 : i32 to index
      %parallel_loop3A_182 = tpu.vector_load %arg4[%parallel_loop3A_181] {strides = array<i32>} : memref<18432xi32, #tpu.memory_space<vmem>>, vector<16xi32>,
      tpu.vector_store_idx %arg5[%parallel_loop3A_182], %broadcast_in_dim3A_3 {add = true} : memref<4224xf32, #tpu.memory_space<vmem>>[vector<16xi32>], vector<16xf32>,
      %parallel_loop3A_183 = arith.constant 8 : i32
      %parallel_loop3A_184 = arith.muli %parallel_loop3A_152, %parallel_loop3A_183 : i32
      %parallel_loop3A_185 = arith.constant 3 : i32
      %parallel_loop3A_186 = arith.addi %parallel_loop3A_184, %parallel_loop3A_185 : i32
      %parallel_loop3A_187 = arith.constant 16 : i32
      %parallel_loop3A_188 = arith.muli %parallel_loop3A_186, %parallel_loop3A_187 : i32
      %parallel_loop3A_189 = arith.constant 9216 : i32
      %parallel_loop3A_190 = arith.addi %parallel_loop3A_189, %parallel_loop3A_188 : i32
      %parallel_loop3A_191 = arith.index_cast %parallel_loop3A_190 : i32 to index
      %parallel_loop3A_192 = tpu.vector_load %arg4[%parallel_loop3A_191] {strides = array<i32>} : memref<18432xi32, #tpu.memory_space<vmem>>, vector<16xi32>,
      tpu.vector_store_idx %arg5[%parallel_loop3A_192], %broadcast_in_dim3A_3 {add = true} : memref<4224xf32, #tpu.memory_space<vmem>>[vector<16xi32>], vector<16xf32>,
      %parallel_loop3A_193 = arith.constant 8 : i32
      %parallel_loop3A_194 = arith.muli %parallel_loop3A_152, %parallel_loop3A_193 : i32
      %parallel_loop3A_195 = arith.constant 4 : i32
      %parallel_loop3A_196 = arith.addi %parallel_loop3A_194, %parallel_loop3A_195 : i32
      %parallel_loop3A_197 = arith.constant 16 : i32
      %parallel_loop3A_198 = arith.muli %parallel_loop3A_196, %parallel_loop3A_197 : i32
      %parallel_loop3A_199 = arith.constant 9216 : i32
      %parallel_loop3A_200 = arith.addi %parallel_loop3A_199, %parallel_loop3A_198 : i32
      %parallel_loop3A_201 = arith.index_cast %parallel_loop3A_200 : i32 to index
      %parallel_loop3A_202 = tpu.vector_load %arg4[%parallel_loop3A_201] {strides = array<i32>} : memref<18432xi32, #tpu.memory_space<vmem>>, vector<16xi32>,
      tpu.vector_store_idx %arg5[%parallel_loop3A_202], %broadcast_in_dim3A_3 {add = true} : memref<4224xf32, #tpu.memory_space<vmem>>[vector<16xi32>], vector<16xf32>,
      %parallel_loop3A_203 = arith.constant 8 : i32
      %parallel_loop3A_204 = arith.muli %parallel_loop3A_152, %parallel_loop3A_203 : i32
      %parallel_loop3A_205 = arith.constant 5 : i32
      %parallel_loop3A_206 = arith.addi %parallel_loop3A_204, %parallel_loop3A_205 : i32
      %parallel_loop3A_207 = arith.constant 16 : i32
      %parallel_loop3A_208 = arith.muli %parallel_loop3A_206, %parallel_loop3A_207 : i32
      %parallel_loop3A_209 = arith.constant 9216 : i32
      %parallel_loop3A_210 = arith.addi %parallel_loop3A_209, %parallel_loop3A_208 : i32
      %parallel_loop3A_211 = arith.index_cast %parallel_loop3A_210 : i32 to index
      %parallel_loop3A_212 = tpu.vector_load %arg4[%parallel_loop3A_211] {strides = array<i32>} : memref<18432xi32, #tpu.memory_space<vmem>>, vector<16xi32>,
      tpu.vector_store_idx %arg5[%parallel_loop3A_212], %broadcast_in_dim3A_3 {add = true} : memref<4224xf32, #tpu.memory_space<vmem>>[vector<16xi32>], vector<16xf32>,
      %parallel_loop3A_213 = arith.constant 8 : i32
      %parallel_loop3A_214 = arith.muli %parallel_loop3A_152, %parallel_loop3A_213 : i32
      %parallel_loop3A_215 = arith.constant 6 : i32
      %parallel_loop3A_216 = arith.addi %parallel_loop3A_214, %parallel_loop3A_215 : i32
      %parallel_loop3A_217 = arith.constant 16 : i32
      %parallel_loop3A_218 = arith.muli %parallel_loop3A_216, %parallel_loop3A_217 : i32
      %parallel_loop3A_219 = arith.constant 9216 : i32
      %parallel_loop3A_220 = arith.addi %parallel_loop3A_219, %parallel_loop3A_218 : i32
      %parallel_loop3A_221 = arith.index_cast %parallel_loop3A_220 : i32 to index
      %parallel_loop3A_222 = tpu.vector_load %arg4[%parallel_loop3A_221] {strides = array<i32>} : memref<18432xi32, #tpu.memory_space<vmem>>, vector<16xi32>,
      tpu.vector_store_idx %arg5[%parallel_loop3A_222], %broadcast_in_dim3A_3 {add = true} : memref<4224xf32, #tpu.memory_space<vmem>>[vector<16xi32>], vector<16xf32>,
      %parallel_loop3A_223 = arith.constant 8 : i32
      %parallel_loop3A_224 = arith.muli %parallel_loop3A_152, %parallel_loop3A_223 : i32
      %parallel_loop3A_225 = arith.constant 7 : i32
      %parallel_loop3A_226 = arith.addi %parallel_loop3A_224, %parallel_loop3A_225 : i32
      %parallel_loop3A_227 = arith.constant 16 : i32
      %parallel_loop3A_228 = arith.muli %parallel_loop3A_226, %parallel_loop3A_227 : i32
      %parallel_loop3A_229 = arith.constant 9216 : i32
      %parallel_loop3A_230 = arith.addi %parallel_loop3A_229, %parallel_loop3A_228 : i32
      %parallel_loop3A_231 = arith.index_cast %parallel_loop3A_230 : i32 to index
      %parallel_loop3A_232 = tpu.vector_load %arg4[%parallel_loop3A_231] {strides = array<i32>} : memref<18432xi32, #tpu.memory_space<vmem>>, vector<16xi32>,
      tpu.vector_store_idx %arg5[%parallel_loop3A_232], %broadcast_in_dim3A_3 {add = true} : memref<4224xf32, #tpu.memory_space<vmem>>[vector<16xi32>], vector<16xf32>,
    } {sc.loop_unroll_factor = 1 : i64, sc.parallel_access}
    %scan3A_145 = arith.constant 0 : i32
    %scan3A_146 = arith.constant 0 : i32
    %scan3A_147 = arith.constant 16 : i32
    %scan3A_148 = arith.addi %scan3A_146, %scan3A_147 : i32
    %scan3A_149 = arith.constant 1 : i32
    %scan3A_150 = scf.for %scan3A_152 = %scan3A_146 to %scan3A_148 step %scan3A_149 iter_args(%scan3A_153 = %scan3A_145) -> (i32)  : i32 {
      %mul3A_154 = arith.constant 16 : i32
      %mul3A_155 = arith.muli %scan3A_152, %mul3A_154 : i32
      %add3A_156 = arith.constant 0 : i32
      %add3A_157 = arith.addi %add3A_156, %mul3A_155 : i32
      %get3A = arith.index_cast %add3A_157 : i32 to index
      %get3A_158 = tpu.vector_load %arg5[%get3A] {strides = array<i32>} : memref<4224xf32, #tpu.memory_space<vmem>>, vector<16xf32>,
      %add3A_159 = arith.addf %broadcast_in_dim3A_1, %get3A_158 : vector<16xf32>
      %mul3A_160 = arith.constant 16 : i32
      %mul3A_161 = arith.muli %scan3A_152, %mul3A_160 : i32
      %add3A_162 = arith.constant 257 : i32
      %add3A_163 = arith.addi %add3A_162, %mul3A_161 : i32
      %get3A_164 = arith.index_cast %add3A_163 : i32 to index
      %get3A_165 = tpu.vector_load %arg5[%get3A_164] {strides = array<i32>} : memref<4224xf32, #tpu.memory_space<vmem>>, vector<16xf32>,
      %add3A_166 = arith.addf %add3A_159, %get3A_165 : vector<16xf32>
      %mul3A_167 = arith.constant 16 : i32
      %mul3A_168 = arith.muli %scan3A_152, %mul3A_167 : i32
      %add3A_169 = arith.constant 514 : i32
      %add3A_170 = arith.addi %add3A_169, %mul3A_168 : i32
      %get3A_171 = arith.index_cast %add3A_170 : i32 to index
      %get3A_172 = tpu.vector_load %arg5[%get3A_171] {strides = array<i32>} : memref<4224xf32, #tpu.memory_space<vmem>>, vector<16xf32>,
      %add3A_173 = arith.addf %add3A_166, %get3A_172 : vector<16xf32>
      %mul3A_174 = arith.constant 16 : i32
      %mul3A_175 = arith.muli %scan3A_152, %mul3A_174 : i32
      %add3A_176 = arith.constant 771 : i32
      %add3A_177 = arith.addi %add3A_176, %mul3A_175 : i32
      %get3A_178 = arith.index_cast %add3A_177 : i32 to index
      %get3A_179 = tpu.vector_load %arg5[%get3A_178] {strides = array<i32>} : memref<4224xf32, #tpu.memory_space<vmem>>, vector<16xf32>,
      %add3A_180 = arith.addf %add3A_173, %get3A_179 : vector<16xf32>
      %mul3A_181 = arith.constant 16 : i32
      %mul3A_182 = arith.muli %scan3A_152, %mul3A_181 : i32
      %add3A_183 = arith.constant 1028 : i32
      %add3A_184 = arith.addi %add3A_183, %mul3A_182 : i32
      %get3A_185 = arith.index_cast %add3A_184 : i32 to index
      %get3A_186 = tpu.vector_load %arg5[%get3A_185] {strides = array<i32>} : memref<4224xf32, #tpu.memory_space<vmem>>, vector<16xf32>,
      %add3A_187 = arith.addf %add3A_180, %get3A_186 : vector<16xf32>
      %mul3A_188 = arith.constant 16 : i32
      %mul3A_189 = arith.muli %scan3A_152, %mul3A_188 : i32
      %add3A_190 = arith.constant 1285 : i32
      %add3A_191 = arith.addi %add3A_190, %mul3A_189 : i32
      %get3A_192 = arith.index_cast %add3A_191 : i32 to index
      %get3A_193 = tpu.vector_load %arg5[%get3A_192] {strides = array<i32>} : memref<4224xf32, #tpu.memory_space<vmem>>, vector<16xf32>,
      %add3A_194 = arith.addf %add3A_187, %get3A_193 : vector<16xf32>
      %mul3A_195 = arith.constant 16 : i32
      %mul3A_196 = arith.muli %scan3A_152, %mul3A_195 : i32
      %add3A_197 = arith.constant 1542 : i32
      %add3A_198 = arith.addi %add3A_197, %mul3A_196 : i32
      %get3A_199 = arith.index_cast %add3A_198 : i32 to index
      %get3A_200 = tpu.vector_load %arg5[%get3A_199] {strides = array<i32>} : memref<4224xf32, #tpu.memory_space<vmem>>, vector<16xf32>,
      %add3A_201 = arith.addf %add3A_194, %get3A_200 : vector<16xf32>
      %mul3A_202 = arith.constant 16 : i32
      %mul3A_203 = arith.muli %scan3A_152, %mul3A_202 : i32
      %add3A_204 = arith.constant 1799 : i32
      %add3A_205 = arith.addi %add3A_204, %mul3A_203 : i32
      %get3A_206 = arith.index_cast %add3A_205 : i32 to index
      %get3A_207 = tpu.vector_load %arg5[%get3A_206] {strides = array<i32>} : memref<4224xf32, #tpu.memory_space<vmem>>, vector<16xf32>,
      %add3A_208 = arith.addf %add3A_201, %get3A_207 : vector<16xf32>
      %mul3A_209 = arith.constant 16 : i32
      %mul3A_210 = arith.muli %scan3A_152, %mul3A_209 : i32
      %add3A_211 = arith.constant 2056 : i32
      %add3A_212 = arith.addi %add3A_211, %mul3A_210 : i32
      %get3A_213 = arith.index_cast %add3A_212 : i32 to index
      %get3A_214 = tpu.vector_load %arg5[%get3A_213] {strides = array<i32>} : memref<4224xf32, #tpu.memory_space<vmem>>, vector<16xf32>,
      %add3A_215 = arith.addf %add3A_208, %get3A_214 : vector<16xf32>
      %mul3A_216 = arith.constant 16 : i32
      %mul3A_217 = arith.muli %scan3A_152, %mul3A_216 : i32
      %add3A_218 = arith.constant 2313 : i32
      %add3A_219 = arith.addi %add3A_218, %mul3A_217 : i32
      %get3A_220 = arith.index_cast %add3A_219 : i32 to index
      %get3A_221 = tpu.vector_load %arg5[%get3A_220] {strides = array<i32>} : memref<4224xf32, #tpu.memory_space<vmem>>, vector<16xf32>,
      %add3A_222 = arith.addf %add3A_215, %get3A_221 : vector<16xf32>
      %mul3A_223 = arith.constant 16 : i32
      %mul3A_224 = arith.muli %scan3A_152, %mul3A_223 : i32
      %add3A_225 = arith.constant 2570 : i32
      %add3A_226 = arith.addi %add3A_225, %mul3A_224 : i32
      %get3A_227 = arith.index_cast %add3A_226 : i32 to index
      %get3A_228 = tpu.vector_load %arg5[%get3A_227] {strides = array<i32>} : memref<4224xf32, #tpu.memory_space<vmem>>, vector<16xf32>,
      %add3A_229 = arith.addf %add3A_222, %get3A_228 : vector<16xf32>
      %mul3A_230 = arith.constant 16 : i32
      %mul3A_231 = arith.muli %scan3A_152, %mul3A_230 : i32
      %add3A_232 = arith.constant 2827 : i32
      %add3A_233 = arith.addi %add3A_232, %mul3A_231 : i32
      %get3A_234 = arith.index_cast %add3A_233 : i32 to index
      %get3A_235 = tpu.vector_load %arg5[%get3A_234] {strides = array<i32>} : memref<4224xf32, #tpu.memory_space<vmem>>, vector<16xf32>,
      %add3A_236 = arith.addf %add3A_229, %get3A_235 : vector<16xf32>
      %mul3A_237 = arith.constant 16 : i32
      %mul3A_238 = arith.muli %scan3A_152, %mul3A_237 : i32
      %add3A_239 = arith.constant 3084 : i32
      %add3A_240 = arith.addi %add3A_239, %mul3A_238 : i32
      %get3A_241 = arith.index_cast %add3A_240 : i32 to index
      %get3A_242 = tpu.vector_load %arg5[%get3A_241] {strides = array<i32>} : memref<4224xf32, #tpu.memory_space<vmem>>, vector<16xf32>,
      %add3A_243 = arith.addf %add3A_236, %get3A_242 : vector<16xf32>
      %mul3A_244 = arith.constant 16 : i32
      %mul3A_245 = arith.muli %scan3A_152, %mul3A_244 : i32
      %add3A_246 = arith.constant 3341 : i32
      %add3A_247 = arith.addi %add3A_246, %mul3A_245 : i32
      %get3A_248 = arith.index_cast %add3A_247 : i32 to index
      %get3A_249 = tpu.vector_load %arg5[%get3A_248] {strides = array<i32>} : memref<4224xf32, #tpu.memory_space<vmem>>, vector<16xf32>,
      %add3A_250 = arith.addf %add3A_243, %get3A_249 : vector<16xf32>
      %mul3A_251 = arith.constant 16 : i32
      %mul3A_252 = arith.muli %scan3A_152, %mul3A_251 : i32
      %add3A_253 = arith.constant 3598 : i32
      %add3A_254 = arith.addi %add3A_253, %mul3A_252 : i32
      %get3A_255 = arith.index_cast %add3A_254 : i32 to index
      %get3A_256 = tpu.vector_load %arg5[%get3A_255] {strides = array<i32>} : memref<4224xf32, #tpu.memory_space<vmem>>, vector<16xf32>,
      %add3A_257 = arith.addf %add3A_250, %get3A_256 : vector<16xf32>
      %mul3A_258 = arith.constant 16 : i32
      %mul3A_259 = arith.muli %scan3A_152, %mul3A_258 : i32
      %add3A_260 = arith.constant 3855 : i32
      %add3A_261 = arith.addi %add3A_260, %mul3A_259 : i32
      %get3A_262 = arith.index_cast %add3A_261 : i32 to index
      %get3A_263 = tpu.vector_load %arg5[%get3A_262] {strides = array<i32>} : memref<4224xf32, #tpu.memory_space<vmem>>, vector<16xf32>,
      %add3A_264 = arith.addf %add3A_257, %get3A_263 : vector<16xf32>
      %mul3A_265 = arith.constant 16 : i32
      %mul3A_266 = arith.muli %scan3A_152, %mul3A_265 : i32
      %swap3A = arith.index_cast %mul3A_266 : i32 to index
      %swap3A_267 = tpu.vector_load %arg6[%swap3A] {strides = array<i32>} : memref<256xf32, #tpu.memory_space<vmem>>, vector<16xf32>,
      tpu.vector_store %arg6[%swap3A], %add3A_264 {strides = array<i32>} : memref<256xf32, #tpu.memory_space<vmem>>, vector<16xf32>,
      %scan3A_268 = arith.constant 0 : i32
      scf.yield %scan3A_268 : i32
    }
    %scan3A_151 = arith.constant 16 : i32
    "tpu.region"() ({
      %run_scoped3A = tpu.sem_alloc : memref<!tpu.dma_semaphore, #tpu.memory_space<semaphore_mem>>
      %dma_start3A_152 = arith.constant 0 : i32
      %dma_start3A_153 = tpu.memref_slice %arg3[%add3A, %dma_start3A_152] : memref<32x256xf32, #tpu.memory_space<hbm>> -> memref<1x256xf32, #tpu.memory_space<hbm>>
      %dma_start3A_154 = tpu.memref_squeeze %dma_start3A_153 : memref<1x256xf32, #tpu.memory_space<hbm>> -> memref<256xf32, #tpu.memory_space<hbm>>
      %dma_start3A_155 = arith.constant 0 : i32
      %dma_start3A_156 = tpu.memref_slice %arg3[%add3A, %dma_start3A_155] : memref<32x256xf32, #tpu.memory_space<hbm>> -> memref<1x256xf32, #tpu.memory_space<hbm>>
      %dma_start3A_157 = tpu.memref_squeeze %dma_start3A_156 : memref<1x256xf32, #tpu.memory_space<hbm>> -> memref<256xf32, #tpu.memory_space<hbm>>
      tpu.enqueue_dma source(%arg6 : memref<256xf32, #tpu.memory_space<vmem>>) target(%dma_start3A_157 : memref<256xf32, #tpu.memory_space<hbm>>) target_semaphore(%run_scoped3A : memref<!tpu.dma_semaphore, #tpu.memory_space<semaphore_mem>>)
      %dma_wait3A_158 = arith.constant 0 : i32
      %dma_wait3A_159 = tpu.memref_slice %arg3[%add3A, %dma_wait3A_158] : memref<32x256xf32, #tpu.memory_space<hbm>> -> memref<1x256xf32, #tpu.memory_space<hbm>>
      %dma_wait3A_160 = tpu.memref_squeeze %dma_wait3A_159 : memref<1x256xf32, #tpu.memory_space<hbm>> -> memref<256xf32, #tpu.memory_space<hbm>>
      %dma_wait3A_161 = arith.constant 0 : i32
      %dma_wait3A_162 = tpu.memref_slice %arg3[%add3A, %dma_wait3A_161] : memref<32x256xf32, #tpu.memory_space<hbm>> -> memref<1x256xf32, #tpu.memory_space<hbm>>
      %dma_wait3A_163 = tpu.memref_squeeze %dma_wait3A_162 : memref<1x256xf32, #tpu.memory_space<hbm>> -> memref<256xf32, #tpu.memory_space<hbm>>
      tpu.wait_dma2 semaphore(%run_scoped3A : memref<!tpu.dma_semaphore, #tpu.memory_space<semaphore_mem>>) src(%arg6 : memref<256xf32, #tpu.memory_space<vmem>>) dst(%dma_wait3A_163 : memref<256xf32, #tpu.memory_space<hbm>>)
      tpu.yield
    }) : () -> ()
    return
  }
}

#map = affine_map<(d0, d1) -> (0)>
#map1 = affine_map<(d0, d1) -> (0, 0)>
module attributes {stable_mosaic.version = 14 : i64} {
  func.func @_k2_body(%arg0: i32, %arg1: i32, %arg2: memref<3538944xi32, #tpu.memory_space<hbm>>, %arg3: memref<32x3072xf32, #tpu.memory_space<hbm>>, %arg4: memref<18432xi32, #tpu.memory_space<vmem>>, %arg5: memref<49280xf32, #tpu.memory_space<vmem>>, %arg6: memref<3072xf32, #tpu.memory_space<vmem>>, %arg7: memref<!tpu.dma_semaphore, #tpu.memory_space<semaphore_mem>>, %arg8: memref<!tpu.dma_semaphore, #tpu.memory_space<semaphore_mem>>) attributes {dimension_semantics = [#tpu.dimension_semantics<core_parallel>, #tpu.dimension_semantics<subcore_parallel>], iteration_bounds = array<i64: 2, 16>, scalar_prefetch = 0 : i64, scratch_operands = 5 : i64, tpu.core_type = #tpu.core_type<sc_vector_subcore>, window_params = [{transform_indices = #map}, {transform_indices = #map1}]} {
    %mul3A = arith.constant 2 : i32
    %mul3A_0 = arith.muli %arg1, %mul3A : i32
    %add3A = arith.addi %mul3A_0, %arg0 : i32
    %broadcast_in_dim3A = arith.constant 0.000000e+00 : f32
    %broadcast_in_dim3A_1 = vector.broadcast %broadcast_in_dim3A : f32 to vector<16xf32>
    %broadcast_in_dim3A_2 = arith.constant 1.000000e+00 : f32
    %broadcast_in_dim3A_3 = vector.broadcast %broadcast_in_dim3A_2 : f32 to vector<16xf32>
    %scan3A = arith.constant 0 : i32
    %scan3A_4 = arith.constant 0 : i32
    %scan3A_5 = arith.constant 385 : i32
    %scan3A_6 = arith.addi %scan3A_4, %scan3A_5 : i32
    %scan3A_7 = arith.constant 1 : i32
    %scan3A_8 = scf.for %scan3A_220 = %scan3A_4 to %scan3A_6 step %scan3A_7 iter_args(%scan3A_221 = %scan3A) -> (i32)  : i32 {
      %mul3A_222 = arith.constant 8 : i32
      %mul3A_223 = arith.muli %scan3A_220, %mul3A_222 : i32
      %add3A_224 = arith.constant 0 : i32
      %add3A_225 = arith.addi %mul3A_223, %add3A_224 : i32
      %mul3A_226 = arith.constant 16 : i32
      %mul3A_227 = arith.muli %add3A_225, %mul3A_226 : i32
      %swap3A = arith.index_cast %mul3A_227 : i32 to index
      %swap3A_228 = tpu.vector_load %arg5[%swap3A] {strides = array<i32>} : memref<49280xf32, #tpu.memory_space<vmem>>, vector<16xf32>,
      tpu.vector_store %arg5[%swap3A], %broadcast_in_dim3A_1 {strides = array<i32>} : memref<49280xf32, #tpu.memory_space<vmem>>, vector<16xf32>,
      %mul3A_229 = arith.constant 8 : i32
      %mul3A_230 = arith.muli %scan3A_220, %mul3A_229 : i32
      %add3A_231 = arith.constant 1 : i32
      %add3A_232 = arith.addi %mul3A_230, %add3A_231 : i32
      %mul3A_233 = arith.constant 16 : i32
      %mul3A_234 = arith.muli %add3A_232, %mul3A_233 : i32
      %swap3A_235 = arith.index_cast %mul3A_234 : i32 to index
      %swap3A_236 = tpu.vector_load %arg5[%swap3A_235] {strides = array<i32>} : memref<49280xf32, #tpu.memory_space<vmem>>, vector<16xf32>,
      tpu.vector_store %arg5[%swap3A_235], %broadcast_in_dim3A_1 {strides = array<i32>} : memref<49280xf32, #tpu.memory_space<vmem>>, vector<16xf32>,
      %mul3A_237 = arith.constant 8 : i32
      %mul3A_238 = arith.muli %scan3A_220, %mul3A_237 : i32
      %add3A_239 = arith.constant 2 : i32
      %add3A_240 = arith.addi %mul3A_238, %add3A_239 : i32
      %mul3A_241 = arith.constant 16 : i32
      %mul3A_242 = arith.muli %add3A_240, %mul3A_241 : i32
      %swap3A_243 = arith.index_cast %mul3A_242 : i32 to index
      %swap3A_244 = tpu.vector_load %arg5[%swap3A_243] {strides = array<i32>} : memref<49280xf32, #tpu.memory_space<vmem>>, vector<16xf32>,
      tpu.vector_store %arg5[%swap3A_243], %broadcast_in_dim3A_1 {strides = array<i32>} : memref<49280xf32, #tpu.memory_space<vmem>>, vector<16xf32>,
      %mul3A_245 = arith.constant 8 : i32
      %mul3A_246 = arith.muli %scan3A_220, %mul3A_245 : i32
      %add3A_247 = arith.constant 3 : i32
      %add3A_248 = arith.addi %mul3A_246, %add3A_247 : i32
      %mul3A_249 = arith.constant 16 : i32
      %mul3A_250 = arith.muli %add3A_248, %mul3A_249 : i32
      %swap3A_251 = arith.index_cast %mul3A_250 : i32 to index
      %swap3A_252 = tpu.vector_load %arg5[%swap3A_251] {strides = array<i32>} : memref<49280xf32, #tpu.memory_space<vmem>>, vector<16xf32>,
      tpu.vector_store %arg5[%swap3A_251], %broadcast_in_dim3A_1 {strides = array<i32>} : memref<49280xf32, #tpu.memory_space<vmem>>, vector<16xf32>,
      %mul3A_253 = arith.constant 8 : i32
      %mul3A_254 = arith.muli %scan3A_220, %mul3A_253 : i32
      %add3A_255 = arith.constant 4 : i32
      %add3A_256 = arith.addi %mul3A_254, %add3A_255 : i32
      %mul3A_257 = arith.constant 16 : i32
      %mul3A_258 = arith.muli %add3A_256, %mul3A_257 : i32
      %swap3A_259 = arith.index_cast %mul3A_258 : i32 to index
      %swap3A_260 = tpu.vector_load %arg5[%swap3A_259] {strides = array<i32>} : memref<49280xf32, #tpu.memory_space<vmem>>, vector<16xf32>,
      tpu.vector_store %arg5[%swap3A_259], %broadcast_in_dim3A_1 {strides = array<i32>} : memref<49280xf32, #tpu.memory_space<vmem>>, vector<16xf32>,
      %mul3A_261 = arith.constant 8 : i32
      %mul3A_262 = arith.muli %scan3A_220, %mul3A_261 : i32
      %add3A_263 = arith.constant 5 : i32
      %add3A_264 = arith.addi %mul3A_262, %add3A_263 : i32
      %mul3A_265 = arith.constant 16 : i32
      %mul3A_266 = arith.muli %add3A_264, %mul3A_265 : i32
      %swap3A_267 = arith.index_cast %mul3A_266 : i32 to index
      %swap3A_268 = tpu.vector_load %arg5[%swap3A_267] {strides = array<i32>} : memref<49280xf32, #tpu.memory_space<vmem>>, vector<16xf32>,
      tpu.vector_store %arg5[%swap3A_267], %broadcast_in_dim3A_1 {strides = array<i32>} : memref<49280xf32, #tpu.memory_space<vmem>>, vector<16xf32>,
      %mul3A_269 = arith.constant 8 : i32
      %mul3A_270 = arith.muli %scan3A_220, %mul3A_269 : i32
      %add3A_271 = arith.constant 6 : i32
      %add3A_272 = arith.addi %mul3A_270, %add3A_271 : i32
      %mul3A_273 = arith.constant 16 : i32
      %mul3A_274 = arith.muli %add3A_272, %mul3A_273 : i32
      %swap3A_275 = arith.index_cast %mul3A_274 : i32 to index
      %swap3A_276 = tpu.vector_load %arg5[%swap3A_275] {strides = array<i32>} : memref<49280xf32, #tpu.memory_space<vmem>>, vector<16xf32>,
      tpu.vector_store %arg5[%swap3A_275], %broadcast_in_dim3A_1 {strides = array<i32>} : memref<49280xf32, #tpu.memory_space<vmem>>, vector<16xf32>,
      %mul3A_277 = arith.constant 8 : i32
      %mul3A_278 = arith.muli %scan3A_220, %mul3A_277 : i32
      %add3A_279 = arith.constant 7 : i32
      %add3A_280 = arith.addi %mul3A_278, %add3A_279 : i32
      %mul3A_281 = arith.constant 16 : i32
      %mul3A_282 = arith.muli %add3A_280, %mul3A_281 : i32
      %swap3A_283 = arith.index_cast %mul3A_282 : i32 to index
      %swap3A_284 = tpu.vector_load %arg5[%swap3A_283] {strides = array<i32>} : memref<49280xf32, #tpu.memory_space<vmem>>, vector<16xf32>,
      tpu.vector_store %arg5[%swap3A_283], %broadcast_in_dim3A_1 {strides = array<i32>} : memref<49280xf32, #tpu.memory_space<vmem>>, vector<16xf32>,
      %scan3A_285 = arith.constant 0 : i32
      scf.yield %scan3A_285 : i32
    }
    %scan3A_9 = arith.constant 385 : i32
    %mul3A_10 = arith.constant 110592 : i32
    %mul3A_11 = arith.muli %add3A, %mul3A_10 : i32
    %add3A_12 = arith.constant 0 : i32
    %add3A_13 = arith.addi %mul3A_11, %add3A_12 : i32
    %dma_start3A = arith.constant 0 : i32
    %dma_start3A_14 = tpu.memref_slice %arg4[%dma_start3A] : memref<18432xi32, #tpu.memory_space<vmem>> -> memref<9216xi32, #tpu.memory_space<vmem>>
    %dma_start3A_15 = tpu.memref_slice %arg2[%add3A_13] : memref<3538944xi32, #tpu.memory_space<hbm>> -> memref<9216xi32, #tpu.memory_space<hbm>>
    %dma_start3A_16 = arith.constant 0 : i32
    %dma_start3A_17 = tpu.memref_slice %arg4[%dma_start3A_16] : memref<18432xi32, #tpu.memory_space<vmem>> -> memref<9216xi32, #tpu.memory_space<vmem>>
    %dma_start3A_18 = tpu.memref_slice %arg2[%add3A_13] : memref<3538944xi32, #tpu.memory_space<hbm>> -> memref<9216xi32, #tpu.memory_space<hbm>>
    tpu.enqueue_dma source(%dma_start3A_18 : memref<9216xi32, #tpu.memory_space<hbm>>) target(%dma_start3A_17 : memref<9216xi32, #tpu.memory_space<vmem>>) target_semaphore(%arg7 : memref<!tpu.dma_semaphore, #tpu.memory_space<semaphore_mem>>)
    %dma_wait3A = arith.constant 0 : i32
    %dma_wait3A_19 = tpu.memref_slice %arg4[%dma_wait3A] : memref<18432xi32, #tpu.memory_space<vmem>> -> memref<9216xi32, #tpu.memory_space<vmem>>
    %dma_wait3A_20 = tpu.memref_slice %arg2[%add3A_13] : memref<3538944xi32, #tpu.memory_space<hbm>> -> memref<9216xi32, #tpu.memory_space<hbm>>
    %dma_wait3A_21 = arith.constant 0 : i32
    %dma_wait3A_22 = tpu.memref_slice %arg4[%dma_wait3A_21] : memref<18432xi32, #tpu.memory_space<vmem>> -> memref<9216xi32, #tpu.memory_space<vmem>>
    %dma_wait3A_23 = tpu.memref_slice %arg2[%add3A_13] : memref<3538944xi32, #tpu.memory_space<hbm>> -> memref<9216xi32, #tpu.memory_space<hbm>>
    tpu.wait_dma2 semaphore(%arg7 : memref<!tpu.dma_semaphore, #tpu.memory_space<semaphore_mem>>) src(%dma_wait3A_23 : memref<9216xi32, #tpu.memory_space<hbm>>) dst(%dma_wait3A_22 : memref<9216xi32, #tpu.memory_space<vmem>>)
    %add3A_24 = arith.constant 9216 : i32
    %add3A_25 = arith.addi %mul3A_11, %add3A_24 : i32
    %dma_start3A_26 = arith.constant 9216 : i32
    %dma_start3A_27 = tpu.memref_slice %arg4[%dma_start3A_26] : memref<18432xi32, #tpu.memory_space<vmem>> -> memref<9216xi32, #tpu.memory_space<vmem>>
    %dma_start3A_28 = tpu.memref_slice %arg2[%add3A_25] : memref<3538944xi32, #tpu.memory_space<hbm>> -> memref<9216xi32, #tpu.memory_space<hbm>>
    %dma_start3A_29 = arith.constant 9216 : i32
    %dma_start3A_30 = tpu.memref_slice %arg4[%dma_start3A_29] : memref<18432xi32, #tpu.memory_space<vmem>> -> memref<9216xi32, #tpu.memory_space<vmem>>
    %dma_start3A_31 = tpu.memref_slice %arg2[%add3A_25] : memref<3538944xi32, #tpu.memory_space<hbm>> -> memref<9216xi32, #tpu.memory_space<hbm>>
    tpu.enqueue_dma source(%dma_start3A_31 : memref<9216xi32, #tpu.memory_space<hbm>>) target(%dma_start3A_30 : memref<9216xi32, #tpu.memory_space<vmem>>) target_semaphore(%arg8 : memref<!tpu.dma_semaphore, #tpu.memory_space<semaphore_mem>>)
    %parallel_loop3A = arith.constant 0 : i32
    %parallel_loop3A_32 = arith.constant 72 : i32
    %parallel_loop3A_33 = arith.constant 1 : i32
    scf.for %parallel_loop3A_220 = %parallel_loop3A to %parallel_loop3A_32 step %parallel_loop3A_33  : i32 {
      %parallel_loop3A_221 = arith.constant 8 : i32
      %parallel_loop3A_222 = arith.muli %parallel_loop3A_220, %parallel_loop3A_221 : i32
      %parallel_loop3A_223 = arith.constant 0 : i32
      %parallel_loop3A_224 = arith.addi %parallel_loop3A_222, %parallel_loop3A_223 : i32
      %parallel_loop3A_225 = arith.constant 16 : i32
      %parallel_loop3A_226 = arith.muli %parallel_loop3A_224, %parallel_loop3A_225 : i32
      %parallel_loop3A_227 = arith.constant 0 : i32
      %parallel_loop3A_228 = arith.addi %parallel_loop3A_227, %parallel_loop3A_226 : i32
      %parallel_loop3A_229 = arith.index_cast %parallel_loop3A_228 : i32 to index
      %parallel_loop3A_230 = tpu.vector_load %arg4[%parallel_loop3A_229] {strides = array<i32>} : memref<18432xi32, #tpu.memory_space<vmem>>, vector<16xi32>,
      tpu.vector_store_idx %arg5[%parallel_loop3A_230], %broadcast_in_dim3A_3 {add = true} : memref<49280xf32, #tpu.memory_space<vmem>>[vector<16xi32>], vector<16xf32>,
      %parallel_loop3A_231 = arith.constant 8 : i32
      %parallel_loop3A_232 = arith.muli %parallel_loop3A_220, %parallel_loop3A_231 : i32
      %parallel_loop3A_233 = arith.constant 1 : i32
      %parallel_loop3A_234 = arith.addi %parallel_loop3A_232, %parallel_loop3A_233 : i32
      %parallel_loop3A_235 = arith.constant 16 : i32
      %parallel_loop3A_236 = arith.muli %parallel_loop3A_234, %parallel_loop3A_235 : i32
      %parallel_loop3A_237 = arith.constant 0 : i32
      %parallel_loop3A_238 = arith.addi %parallel_loop3A_237, %parallel_loop3A_236 : i32
      %parallel_loop3A_239 = arith.index_cast %parallel_loop3A_238 : i32 to index
      %parallel_loop3A_240 = tpu.vector_load %arg4[%parallel_loop3A_239] {strides = array<i32>} : memref<18432xi32, #tpu.memory_space<vmem>>, vector<16xi32>,
      tpu.vector_store_idx %arg5[%parallel_loop3A_240], %broadcast_in_dim3A_3 {add = true} : memref<49280xf32, #tpu.memory_space<vmem>>[vector<16xi32>], vector<16xf32>,
      %parallel_loop3A_241 = arith.constant 8 : i32
      %parallel_loop3A_242 = arith.muli %parallel_loop3A_220, %parallel_loop3A_241 : i32
      %parallel_loop3A_243 = arith.constant 2 : i32
      %parallel_loop3A_244 = arith.addi %parallel_loop3A_242, %parallel_loop3A_243 : i32
      %parallel_loop3A_245 = arith.constant 16 : i32
      %parallel_loop3A_246 = arith.muli %parallel_loop3A_244, %parallel_loop3A_245 : i32
      %parallel_loop3A_247 = arith.constant 0 : i32
      %parallel_loop3A_248 = arith.addi %parallel_loop3A_247, %parallel_loop3A_246 : i32
      %parallel_loop3A_249 = arith.index_cast %parallel_loop3A_248 : i32 to index
      %parallel_loop3A_250 = tpu.vector_load %arg4[%parallel_loop3A_249] {strides = array<i32>} : memref<18432xi32, #tpu.memory_space<vmem>>, vector<16xi32>,
      tpu.vector_store_idx %arg5[%parallel_loop3A_250], %broadcast_in_dim3A_3 {add = true} : memref<49280xf32, #tpu.memory_space<vmem>>[vector<16xi32>], vector<16xf32>,
      %parallel_loop3A_251 = arith.constant 8 : i32
      %parallel_loop3A_252 = arith.muli %parallel_loop3A_220, %parallel_loop3A_251 : i32
      %parallel_loop3A_253 = arith.constant 3 : i32
      %parallel_loop3A_254 = arith.addi %parallel_loop3A_252, %parallel_loop3A_253 : i32
      %parallel_loop3A_255 = arith.constant 16 : i32
      %parallel_loop3A_256 = arith.muli %parallel_loop3A_254, %parallel_loop3A_255 : i32
      %parallel_loop3A_257 = arith.constant 0 : i32
      %parallel_loop3A_258 = arith.addi %parallel_loop3A_257, %parallel_loop3A_256 : i32
      %parallel_loop3A_259 = arith.index_cast %parallel_loop3A_258 : i32 to index
      %parallel_loop3A_260 = tpu.vector_load %arg4[%parallel_loop3A_259] {strides = array<i32>} : memref<18432xi32, #tpu.memory_space<vmem>>, vector<16xi32>,
      tpu.vector_store_idx %arg5[%parallel_loop3A_260], %broadcast_in_dim3A_3 {add = true} : memref<49280xf32, #tpu.memory_space<vmem>>[vector<16xi32>], vector<16xf32>,
      %parallel_loop3A_261 = arith.constant 8 : i32
      %parallel_loop3A_262 = arith.muli %parallel_loop3A_220, %parallel_loop3A_261 : i32
      %parallel_loop3A_263 = arith.constant 4 : i32
      %parallel_loop3A_264 = arith.addi %parallel_loop3A_262, %parallel_loop3A_263 : i32
      %parallel_loop3A_265 = arith.constant 16 : i32
      %parallel_loop3A_266 = arith.muli %parallel_loop3A_264, %parallel_loop3A_265 : i32
      %parallel_loop3A_267 = arith.constant 0 : i32
      %parallel_loop3A_268 = arith.addi %parallel_loop3A_267, %parallel_loop3A_266 : i32
      %parallel_loop3A_269 = arith.index_cast %parallel_loop3A_268 : i32 to index
      %parallel_loop3A_270 = tpu.vector_load %arg4[%parallel_loop3A_269] {strides = array<i32>} : memref<18432xi32, #tpu.memory_space<vmem>>, vector<16xi32>,
      tpu.vector_store_idx %arg5[%parallel_loop3A_270], %broadcast_in_dim3A_3 {add = true} : memref<49280xf32, #tpu.memory_space<vmem>>[vector<16xi32>], vector<16xf32>,
      %parallel_loop3A_271 = arith.constant 8 : i32
      %parallel_loop3A_272 = arith.muli %parallel_loop3A_220, %parallel_loop3A_271 : i32
      %parallel_loop3A_273 = arith.constant 5 : i32
      %parallel_loop3A_274 = arith.addi %parallel_loop3A_272, %parallel_loop3A_273 : i32
      %parallel_loop3A_275 = arith.constant 16 : i32
      %parallel_loop3A_276 = arith.muli %parallel_loop3A_274, %parallel_loop3A_275 : i32
      %parallel_loop3A_277 = arith.constant 0 : i32
      %parallel_loop3A_278 = arith.addi %parallel_loop3A_277, %parallel_loop3A_276 : i32
      %parallel_loop3A_279 = arith.index_cast %parallel_loop3A_278 : i32 to index
      %parallel_loop3A_280 = tpu.vector_load %arg4[%parallel_loop3A_279] {strides = array<i32>} : memref<18432xi32, #tpu.memory_space<vmem>>, vector<16xi32>,
      tpu.vector_store_idx %arg5[%parallel_loop3A_280], %broadcast_in_dim3A_3 {add = true} : memref<49280xf32, #tpu.memory_space<vmem>>[vector<16xi32>], vector<16xf32>,
      %parallel_loop3A_281 = arith.constant 8 : i32
      %parallel_loop3A_282 = arith.muli %parallel_loop3A_220, %parallel_loop3A_281 : i32
      %parallel_loop3A_283 = arith.constant 6 : i32
      %parallel_loop3A_284 = arith.addi %parallel_loop3A_282, %parallel_loop3A_283 : i32
      %parallel_loop3A_285 = arith.constant 16 : i32
      %parallel_loop3A_286 = arith.muli %parallel_loop3A_284, %parallel_loop3A_285 : i32
      %parallel_loop3A_287 = arith.constant 0 : i32
      %parallel_loop3A_288 = arith.addi %parallel_loop3A_287, %parallel_loop3A_286 : i32
      %parallel_loop3A_289 = arith.index_cast %parallel_loop3A_288 : i32 to index
      %parallel_loop3A_290 = tpu.vector_load %arg4[%parallel_loop3A_289] {strides = array<i32>} : memref<18432xi32, #tpu.memory_space<vmem>>, vector<16xi32>,
      tpu.vector_store_idx %arg5[%parallel_loop3A_290], %broadcast_in_dim3A_3 {add = true} : memref<49280xf32, #tpu.memory_space<vmem>>[vector<16xi32>], vector<16xf32>,
      %parallel_loop3A_291 = arith.constant 8 : i32
      %parallel_loop3A_292 = arith.muli %parallel_loop3A_220, %parallel_loop3A_291 : i32
      %parallel_loop3A_293 = arith.constant 7 : i32
      %parallel_loop3A_294 = arith.addi %parallel_loop3A_292, %parallel_loop3A_293 : i32
      %parallel_loop3A_295 = arith.constant 16 : i32
      %parallel_loop3A_296 = arith.muli %parallel_loop3A_294, %parallel_loop3A_295 : i32
      %parallel_loop3A_297 = arith.constant 0 : i32
      %parallel_loop3A_298 = arith.addi %parallel_loop3A_297, %parallel_loop3A_296 : i32
      %parallel_loop3A_299 = arith.index_cast %parallel_loop3A_298 : i32 to index
      %parallel_loop3A_300 = tpu.vector_load %arg4[%parallel_loop3A_299] {strides = array<i32>} : memref<18432xi32, #tpu.memory_space<vmem>>, vector<16xi32>,
      tpu.vector_store_idx %arg5[%parallel_loop3A_300], %broadcast_in_dim3A_3 {add = true} : memref<49280xf32, #tpu.memory_space<vmem>>[vector<16xi32>], vector<16xf32>,
    } {sc.loop_unroll_factor = 1 : i64, sc.parallel_access}
    %dma_wait3A_34 = arith.constant 9216 : i32
    %dma_wait3A_35 = tpu.memref_slice %arg4[%dma_wait3A_34] : memref<18432xi32, #tpu.memory_space<vmem>> -> memref<9216xi32, #tpu.memory_space<vmem>>
    %dma_wait3A_36 = tpu.memref_slice %arg2[%add3A_25] : memref<3538944xi32, #tpu.memory_space<hbm>> -> memref<9216xi32, #tpu.memory_space<hbm>>
    %dma_wait3A_37 = arith.constant 9216 : i32
    %dma_wait3A_38 = tpu.memref_slice %arg4[%dma_wait3A_37] : memref<18432xi32, #tpu.memory_space<vmem>> -> memref<9216xi32, #tpu.memory_space<vmem>>
    %dma_wait3A_39 = tpu.memref_slice %arg2[%add3A_25] : memref<3538944xi32, #tpu.memory_space<hbm>> -> memref<9216xi32, #tpu.memory_space<hbm>>
    tpu.wait_dma2 semaphore(%arg8 : memref<!tpu.dma_semaphore, #tpu.memory_space<semaphore_mem>>) src(%dma_wait3A_39 : memref<9216xi32, #tpu.memory_space<hbm>>) dst(%dma_wait3A_38 : memref<9216xi32, #tpu.memory_space<vmem>>)
    %add3A_40 = arith.constant 18432 : i32
    %add3A_41 = arith.addi %mul3A_11, %add3A_40 : i32
    %dma_start3A_42 = arith.constant 0 : i32
    %dma_start3A_43 = tpu.memref_slice %arg4[%dma_start3A_42] : memref<18432xi32, #tpu.memory_space<vmem>> -> memref<9216xi32, #tpu.memory_space<vmem>>
    %dma_start3A_44 = tpu.memref_slice %arg2[%add3A_41] : memref<3538944xi32, #tpu.memory_space<hbm>> -> memref<9216xi32, #tpu.memory_space<hbm>>
    %dma_start3A_45 = arith.constant 0 : i32
    %dma_start3A_46 = tpu.memref_slice %arg4[%dma_start3A_45] : memref<18432xi32, #tpu.memory_space<vmem>> -> memref<9216xi32, #tpu.memory_space<vmem>>
    %dma_start3A_47 = tpu.memref_slice %arg2[%add3A_41] : memref<3538944xi32, #tpu.memory_space<hbm>> -> memref<9216xi32, #tpu.memory_space<hbm>>
    tpu.enqueue_dma source(%dma_start3A_47 : memref<9216xi32, #tpu.memory_space<hbm>>) target(%dma_start3A_46 : memref<9216xi32, #tpu.memory_space<vmem>>) target_semaphore(%arg7 : memref<!tpu.dma_semaphore, #tpu.memory_space<semaphore_mem>>)
    %parallel_loop3A_48 = arith.constant 0 : i32
    %parallel_loop3A_49 = arith.constant 72 : i32
    %parallel_loop3A_50 = arith.constant 1 : i32
    scf.for %parallel_loop3A_220 = %parallel_loop3A_48 to %parallel_loop3A_49 step %parallel_loop3A_50  : i32 {
      %parallel_loop3A_221 = arith.constant 8 : i32
      %parallel_loop3A_222 = arith.muli %parallel_loop3A_220, %parallel_loop3A_221 : i32
      %parallel_loop3A_223 = arith.constant 0 : i32
      %parallel_loop3A_224 = arith.addi %parallel_loop3A_222, %parallel_loop3A_223 : i32
      %parallel_loop3A_225 = arith.constant 16 : i32
      %parallel_loop3A_226 = arith.muli %parallel_loop3A_224, %parallel_loop3A_225 : i32
      %parallel_loop3A_227 = arith.constant 9216 : i32
      %parallel_loop3A_228 = arith.addi %parallel_loop3A_227, %parallel_loop3A_226 : i32
      %parallel_loop3A_229 = arith.index_cast %parallel_loop3A_228 : i32 to index
      %parallel_loop3A_230 = tpu.vector_load %arg4[%parallel_loop3A_229] {strides = array<i32>} : memref<18432xi32, #tpu.memory_space<vmem>>, vector<16xi32>,
      tpu.vector_store_idx %arg5[%parallel_loop3A_230], %broadcast_in_dim3A_3 {add = true} : memref<49280xf32, #tpu.memory_space<vmem>>[vector<16xi32>], vector<16xf32>,
      %parallel_loop3A_231 = arith.constant 8 : i32
      %parallel_loop3A_232 = arith.muli %parallel_loop3A_220, %parallel_loop3A_231 : i32
      %parallel_loop3A_233 = arith.constant 1 : i32
      %parallel_loop3A_234 = arith.addi %parallel_loop3A_232, %parallel_loop3A_233 : i32
      %parallel_loop3A_235 = arith.constant 16 : i32
      %parallel_loop3A_236 = arith.muli %parallel_loop3A_234, %parallel_loop3A_235 : i32
      %parallel_loop3A_237 = arith.constant 9216 : i32
      %parallel_loop3A_238 = arith.addi %parallel_loop3A_237, %parallel_loop3A_236 : i32
      %parallel_loop3A_239 = arith.index_cast %parallel_loop3A_238 : i32 to index
      %parallel_loop3A_240 = tpu.vector_load %arg4[%parallel_loop3A_239] {strides = array<i32>} : memref<18432xi32, #tpu.memory_space<vmem>>, vector<16xi32>,
      tpu.vector_store_idx %arg5[%parallel_loop3A_240], %broadcast_in_dim3A_3 {add = true} : memref<49280xf32, #tpu.memory_space<vmem>>[vector<16xi32>], vector<16xf32>,
      %parallel_loop3A_241 = arith.constant 8 : i32
      %parallel_loop3A_242 = arith.muli %parallel_loop3A_220, %parallel_loop3A_241 : i32
      %parallel_loop3A_243 = arith.constant 2 : i32
      %parallel_loop3A_244 = arith.addi %parallel_loop3A_242, %parallel_loop3A_243 : i32
      %parallel_loop3A_245 = arith.constant 16 : i32
      %parallel_loop3A_246 = arith.muli %parallel_loop3A_244, %parallel_loop3A_245 : i32
      %parallel_loop3A_247 = arith.constant 9216 : i32
      %parallel_loop3A_248 = arith.addi %parallel_loop3A_247, %parallel_loop3A_246 : i32
      %parallel_loop3A_249 = arith.index_cast %parallel_loop3A_248 : i32 to index
      %parallel_loop3A_250 = tpu.vector_load %arg4[%parallel_loop3A_249] {strides = array<i32>} : memref<18432xi32, #tpu.memory_space<vmem>>, vector<16xi32>,
      tpu.vector_store_idx %arg5[%parallel_loop3A_250], %broadcast_in_dim3A_3 {add = true} : memref<49280xf32, #tpu.memory_space<vmem>>[vector<16xi32>], vector<16xf32>,
      %parallel_loop3A_251 = arith.constant 8 : i32
      %parallel_loop3A_252 = arith.muli %parallel_loop3A_220, %parallel_loop3A_251 : i32
      %parallel_loop3A_253 = arith.constant 3 : i32
      %parallel_loop3A_254 = arith.addi %parallel_loop3A_252, %parallel_loop3A_253 : i32
      %parallel_loop3A_255 = arith.constant 16 : i32
      %parallel_loop3A_256 = arith.muli %parallel_loop3A_254, %parallel_loop3A_255 : i32
      %parallel_loop3A_257 = arith.constant 9216 : i32
      %parallel_loop3A_258 = arith.addi %parallel_loop3A_257, %parallel_loop3A_256 : i32
      %parallel_loop3A_259 = arith.index_cast %parallel_loop3A_258 : i32 to index
      %parallel_loop3A_260 = tpu.vector_load %arg4[%parallel_loop3A_259] {strides = array<i32>} : memref<18432xi32, #tpu.memory_space<vmem>>, vector<16xi32>,
      tpu.vector_store_idx %arg5[%parallel_loop3A_260], %broadcast_in_dim3A_3 {add = true} : memref<49280xf32, #tpu.memory_space<vmem>>[vector<16xi32>], vector<16xf32>,
      %parallel_loop3A_261 = arith.constant 8 : i32
      %parallel_loop3A_262 = arith.muli %parallel_loop3A_220, %parallel_loop3A_261 : i32
      %parallel_loop3A_263 = arith.constant 4 : i32
      %parallel_loop3A_264 = arith.addi %parallel_loop3A_262, %parallel_loop3A_263 : i32
      %parallel_loop3A_265 = arith.constant 16 : i32
      %parallel_loop3A_266 = arith.muli %parallel_loop3A_264, %parallel_loop3A_265 : i32
      %parallel_loop3A_267 = arith.constant 9216 : i32
      %parallel_loop3A_268 = arith.addi %parallel_loop3A_267, %parallel_loop3A_266 : i32
      %parallel_loop3A_269 = arith.index_cast %parallel_loop3A_268 : i32 to index
      %parallel_loop3A_270 = tpu.vector_load %arg4[%parallel_loop3A_269] {strides = array<i32>} : memref<18432xi32, #tpu.memory_space<vmem>>, vector<16xi32>,
      tpu.vector_store_idx %arg5[%parallel_loop3A_270], %broadcast_in_dim3A_3 {add = true} : memref<49280xf32, #tpu.memory_space<vmem>>[vector<16xi32>], vector<16xf32>,
      %parallel_loop3A_271 = arith.constant 8 : i32
      %parallel_loop3A_272 = arith.muli %parallel_loop3A_220, %parallel_loop3A_271 : i32
      %parallel_loop3A_273 = arith.constant 5 : i32
      %parallel_loop3A_274 = arith.addi %parallel_loop3A_272, %parallel_loop3A_273 : i32
      %parallel_loop3A_275 = arith.constant 16 : i32
      %parallel_loop3A_276 = arith.muli %parallel_loop3A_274, %parallel_loop3A_275 : i32
      %parallel_loop3A_277 = arith.constant 9216 : i32
      %parallel_loop3A_278 = arith.addi %parallel_loop3A_277, %parallel_loop3A_276 : i32
      %parallel_loop3A_279 = arith.index_cast %parallel_loop3A_278 : i32 to index
      %parallel_loop3A_280 = tpu.vector_load %arg4[%parallel_loop3A_279] {strides = array<i32>} : memref<18432xi32, #tpu.memory_space<vmem>>, vector<16xi32>,
      tpu.vector_store_idx %arg5[%parallel_loop3A_280], %broadcast_in_dim3A_3 {add = true} : memref<49280xf32, #tpu.memory_space<vmem>>[vector<16xi32>], vector<16xf32>,
      %parallel_loop3A_281 = arith.constant 8 : i32
      %parallel_loop3A_282 = arith.muli %parallel_loop3A_220, %parallel_loop3A_281 : i32
      %parallel_loop3A_283 = arith.constant 6 : i32
      %parallel_loop3A_284 = arith.addi %parallel_loop3A_282, %parallel_loop3A_283 : i32
      %parallel_loop3A_285 = arith.constant 16 : i32
      %parallel_loop3A_286 = arith.muli %parallel_loop3A_284, %parallel_loop3A_285 : i32
      %parallel_loop3A_287 = arith.constant 9216 : i32
      %parallel_loop3A_288 = arith.addi %parallel_loop3A_287, %parallel_loop3A_286 : i32
      %parallel_loop3A_289 = arith.index_cast %parallel_loop3A_288 : i32 to index
      %parallel_loop3A_290 = tpu.vector_load %arg4[%parallel_loop3A_289] {strides = array<i32>} : memref<18432xi32, #tpu.memory_space<vmem>>, vector<16xi32>,
      tpu.vector_store_idx %arg5[%parallel_loop3A_290], %broadcast_in_dim3A_3 {add = true} : memref<49280xf32, #tpu.memory_space<vmem>>[vector<16xi32>], vector<16xf32>,
      %parallel_loop3A_291 = arith.constant 8 : i32
      %parallel_loop3A_292 = arith.muli %parallel_loop3A_220, %parallel_loop3A_291 : i32
      %parallel_loop3A_293 = arith.constant 7 : i32
      %parallel_loop3A_294 = arith.addi %parallel_loop3A_292, %parallel_loop3A_293 : i32
      %parallel_loop3A_295 = arith.constant 16 : i32
      %parallel_loop3A_296 = arith.muli %parallel_loop3A_294, %parallel_loop3A_295 : i32
      %parallel_loop3A_297 = arith.constant 9216 : i32
      %parallel_loop3A_298 = arith.addi %parallel_loop3A_297, %parallel_loop3A_296 : i32
      %parallel_loop3A_299 = arith.index_cast %parallel_loop3A_298 : i32 to index
      %parallel_loop3A_300 = tpu.vector_load %arg4[%parallel_loop3A_299] {strides = array<i32>} : memref<18432xi32, #tpu.memory_space<vmem>>, vector<16xi32>,
      tpu.vector_store_idx %arg5[%parallel_loop3A_300], %broadcast_in_dim3A_3 {add = true} : memref<49280xf32, #tpu.memory_space<vmem>>[vector<16xi32>], vector<16xf32>,
    } {sc.loop_unroll_factor = 1 : i64, sc.parallel_access}
    %dma_wait3A_51 = arith.constant 0 : i32
    %dma_wait3A_52 = tpu.memref_slice %arg4[%dma_wait3A_51] : memref<18432xi32, #tpu.memory_space<vmem>> -> memref<9216xi32, #tpu.memory_space<vmem>>
    %dma_wait3A_53 = tpu.memref_slice %arg2[%add3A_41] : memref<3538944xi32, #tpu.memory_space<hbm>> -> memref<9216xi32, #tpu.memory_space<hbm>>
    %dma_wait3A_54 = arith.constant 0 : i32
    %dma_wait3A_55 = tpu.memref_slice %arg4[%dma_wait3A_54] : memref<18432xi32, #tpu.memory_space<vmem>> -> memref<9216xi32, #tpu.memory_space<vmem>>
    %dma_wait3A_56 = tpu.memref_slice %arg2[%add3A_41] : memref<3538944xi32, #tpu.memory_space<hbm>> -> memref<9216xi32, #tpu.memory_space<hbm>>
    tpu.wait_dma2 semaphore(%arg7 : memref<!tpu.dma_semaphore, #tpu.memory_space<semaphore_mem>>) src(%dma_wait3A_56 : memref<9216xi32, #tpu.memory_space<hbm>>) dst(%dma_wait3A_55 : memref<9216xi32, #tpu.memory_space<vmem>>)
    %add3A_57 = arith.constant 27648 : i32
    %add3A_58 = arith.addi %mul3A_11, %add3A_57 : i32
    %dma_start3A_59 = arith.constant 9216 : i32
    %dma_start3A_60 = tpu.memref_slice %arg4[%dma_start3A_59] : memref<18432xi32, #tpu.memory_space<vmem>> -> memref<9216xi32, #tpu.memory_space<vmem>>
    %dma_start3A_61 = tpu.memref_slice %arg2[%add3A_58] : memref<3538944xi32, #tpu.memory_space<hbm>> -> memref<9216xi32, #tpu.memory_space<hbm>>
    %dma_start3A_62 = arith.constant 9216 : i32
    %dma_start3A_63 = tpu.memref_slice %arg4[%dma_start3A_62] : memref<18432xi32, #tpu.memory_space<vmem>> -> memref<9216xi32, #tpu.memory_space<vmem>>
    %dma_start3A_64 = tpu.memref_slice %arg2[%add3A_58] : memref<3538944xi32, #tpu.memory_space<hbm>> -> memref<9216xi32, #tpu.memory_space<hbm>>
    tpu.enqueue_dma source(%dma_start3A_64 : memref<9216xi32, #tpu.memory_space<hbm>>) target(%dma_start3A_63 : memref<9216xi32, #tpu.memory_space<vmem>>) target_semaphore(%arg8 : memref<!tpu.dma_semaphore, #tpu.memory_space<semaphore_mem>>)
    %parallel_loop3A_65 = arith.constant 0 : i32
    %parallel_loop3A_66 = arith.constant 72 : i32
    %parallel_loop3A_67 = arith.constant 1 : i32
    scf.for %parallel_loop3A_220 = %parallel_loop3A_65 to %parallel_loop3A_66 step %parallel_loop3A_67  : i32 {
      %parallel_loop3A_221 = arith.constant 8 : i32
      %parallel_loop3A_222 = arith.muli %parallel_loop3A_220, %parallel_loop3A_221 : i32
      %parallel_loop3A_223 = arith.constant 0 : i32
      %parallel_loop3A_224 = arith.addi %parallel_loop3A_222, %parallel_loop3A_223 : i32
      %parallel_loop3A_225 = arith.constant 16 : i32
      %parallel_loop3A_226 = arith.muli %parallel_loop3A_224, %parallel_loop3A_225 : i32
      %parallel_loop3A_227 = arith.constant 0 : i32
      %parallel_loop3A_228 = arith.addi %parallel_loop3A_227, %parallel_loop3A_226 : i32
      %parallel_loop3A_229 = arith.index_cast %parallel_loop3A_228 : i32 to index
      %parallel_loop3A_230 = tpu.vector_load %arg4[%parallel_loop3A_229] {strides = array<i32>} : memref<18432xi32, #tpu.memory_space<vmem>>, vector<16xi32>,
      tpu.vector_store_idx %arg5[%parallel_loop3A_230], %broadcast_in_dim3A_3 {add = true} : memref<49280xf32, #tpu.memory_space<vmem>>[vector<16xi32>], vector<16xf32>,
      %parallel_loop3A_231 = arith.constant 8 : i32
      %parallel_loop3A_232 = arith.muli %parallel_loop3A_220, %parallel_loop3A_231 : i32
      %parallel_loop3A_233 = arith.constant 1 : i32
      %parallel_loop3A_234 = arith.addi %parallel_loop3A_232, %parallel_loop3A_233 : i32
      %parallel_loop3A_235 = arith.constant 16 : i32
      %parallel_loop3A_236 = arith.muli %parallel_loop3A_234, %parallel_loop3A_235 : i32
      %parallel_loop3A_237 = arith.constant 0 : i32
      %parallel_loop3A_238 = arith.addi %parallel_loop3A_237, %parallel_loop3A_236 : i32
      %parallel_loop3A_239 = arith.index_cast %parallel_loop3A_238 : i32 to index
      %parallel_loop3A_240 = tpu.vector_load %arg4[%parallel_loop3A_239] {strides = array<i32>} : memref<18432xi32, #tpu.memory_space<vmem>>, vector<16xi32>,
      tpu.vector_store_idx %arg5[%parallel_loop3A_240], %broadcast_in_dim3A_3 {add = true} : memref<49280xf32, #tpu.memory_space<vmem>>[vector<16xi32>], vector<16xf32>,
      %parallel_loop3A_241 = arith.constant 8 : i32
      %parallel_loop3A_242 = arith.muli %parallel_loop3A_220, %parallel_loop3A_241 : i32
      %parallel_loop3A_243 = arith.constant 2 : i32
      %parallel_loop3A_244 = arith.addi %parallel_loop3A_242, %parallel_loop3A_243 : i32
      %parallel_loop3A_245 = arith.constant 16 : i32
      %parallel_loop3A_246 = arith.muli %parallel_loop3A_244, %parallel_loop3A_245 : i32
      %parallel_loop3A_247 = arith.constant 0 : i32
      %parallel_loop3A_248 = arith.addi %parallel_loop3A_247, %parallel_loop3A_246 : i32
      %parallel_loop3A_249 = arith.index_cast %parallel_loop3A_248 : i32 to index
      %parallel_loop3A_250 = tpu.vector_load %arg4[%parallel_loop3A_249] {strides = array<i32>} : memref<18432xi32, #tpu.memory_space<vmem>>, vector<16xi32>,
      tpu.vector_store_idx %arg5[%parallel_loop3A_250], %broadcast_in_dim3A_3 {add = true} : memref<49280xf32, #tpu.memory_space<vmem>>[vector<16xi32>], vector<16xf32>,
      %parallel_loop3A_251 = arith.constant 8 : i32
      %parallel_loop3A_252 = arith.muli %parallel_loop3A_220, %parallel_loop3A_251 : i32
      %parallel_loop3A_253 = arith.constant 3 : i32
      %parallel_loop3A_254 = arith.addi %parallel_loop3A_252, %parallel_loop3A_253 : i32
      %parallel_loop3A_255 = arith.constant 16 : i32
      %parallel_loop3A_256 = arith.muli %parallel_loop3A_254, %parallel_loop3A_255 : i32
      %parallel_loop3A_257 = arith.constant 0 : i32
      %parallel_loop3A_258 = arith.addi %parallel_loop3A_257, %parallel_loop3A_256 : i32
      %parallel_loop3A_259 = arith.index_cast %parallel_loop3A_258 : i32 to index
      %parallel_loop3A_260 = tpu.vector_load %arg4[%parallel_loop3A_259] {strides = array<i32>} : memref<18432xi32, #tpu.memory_space<vmem>>, vector<16xi32>,
      tpu.vector_store_idx %arg5[%parallel_loop3A_260], %broadcast_in_dim3A_3 {add = true} : memref<49280xf32, #tpu.memory_space<vmem>>[vector<16xi32>], vector<16xf32>,
      %parallel_loop3A_261 = arith.constant 8 : i32
      %parallel_loop3A_262 = arith.muli %parallel_loop3A_220, %parallel_loop3A_261 : i32
      %parallel_loop3A_263 = arith.constant 4 : i32
      %parallel_loop3A_264 = arith.addi %parallel_loop3A_262, %parallel_loop3A_263 : i32
      %parallel_loop3A_265 = arith.constant 16 : i32
      %parallel_loop3A_266 = arith.muli %parallel_loop3A_264, %parallel_loop3A_265 : i32
      %parallel_loop3A_267 = arith.constant 0 : i32
      %parallel_loop3A_268 = arith.addi %parallel_loop3A_267, %parallel_loop3A_266 : i32
      %parallel_loop3A_269 = arith.index_cast %parallel_loop3A_268 : i32 to index
      %parallel_loop3A_270 = tpu.vector_load %arg4[%parallel_loop3A_269] {strides = array<i32>} : memref<18432xi32, #tpu.memory_space<vmem>>, vector<16xi32>,
      tpu.vector_store_idx %arg5[%parallel_loop3A_270], %broadcast_in_dim3A_3 {add = true} : memref<49280xf32, #tpu.memory_space<vmem>>[vector<16xi32>], vector<16xf32>,
      %parallel_loop3A_271 = arith.constant 8 : i32
      %parallel_loop3A_272 = arith.muli %parallel_loop3A_220, %parallel_loop3A_271 : i32
      %parallel_loop3A_273 = arith.constant 5 : i32
      %parallel_loop3A_274 = arith.addi %parallel_loop3A_272, %parallel_loop3A_273 : i32
      %parallel_loop3A_275 = arith.constant 16 : i32
      %parallel_loop3A_276 = arith.muli %parallel_loop3A_274, %parallel_loop3A_275 : i32
      %parallel_loop3A_277 = arith.constant 0 : i32
      %parallel_loop3A_278 = arith.addi %parallel_loop3A_277, %parallel_loop3A_276 : i32
      %parallel_loop3A_279 = arith.index_cast %parallel_loop3A_278 : i32 to index
      %parallel_loop3A_280 = tpu.vector_load %arg4[%parallel_loop3A_279] {strides = array<i32>} : memref<18432xi32, #tpu.memory_space<vmem>>, vector<16xi32>,
      tpu.vector_store_idx %arg5[%parallel_loop3A_280], %broadcast_in_dim3A_3 {add = true} : memref<49280xf32, #tpu.memory_space<vmem>>[vector<16xi32>], vector<16xf32>,
      %parallel_loop3A_281 = arith.constant 8 : i32
      %parallel_loop3A_282 = arith.muli %parallel_loop3A_220, %parallel_loop3A_281 : i32
      %parallel_loop3A_283 = arith.constant 6 : i32
      %parallel_loop3A_284 = arith.addi %parallel_loop3A_282, %parallel_loop3A_283 : i32
      %parallel_loop3A_285 = arith.constant 16 : i32
      %parallel_loop3A_286 = arith.muli %parallel_loop3A_284, %parallel_loop3A_285 : i32
      %parallel_loop3A_287 = arith.constant 0 : i32
      %parallel_loop3A_288 = arith.addi %parallel_loop3A_287, %parallel_loop3A_286 : i32
      %parallel_loop3A_289 = arith.index_cast %parallel_loop3A_288 : i32 to index
      %parallel_loop3A_290 = tpu.vector_load %arg4[%parallel_loop3A_289] {strides = array<i32>} : memref<18432xi32, #tpu.memory_space<vmem>>, vector<16xi32>,
      tpu.vector_store_idx %arg5[%parallel_loop3A_290], %broadcast_in_dim3A_3 {add = true} : memref<49280xf32, #tpu.memory_space<vmem>>[vector<16xi32>], vector<16xf32>,
      %parallel_loop3A_291 = arith.constant 8 : i32
      %parallel_loop3A_292 = arith.muli %parallel_loop3A_220, %parallel_loop3A_291 : i32
      %parallel_loop3A_293 = arith.constant 7 : i32
      %parallel_loop3A_294 = arith.addi %parallel_loop3A_292, %parallel_loop3A_293 : i32
      %parallel_loop3A_295 = arith.constant 16 : i32
      %parallel_loop3A_296 = arith.muli %parallel_loop3A_294, %parallel_loop3A_295 : i32
      %parallel_loop3A_297 = arith.constant 0 : i32
      %parallel_loop3A_298 = arith.addi %parallel_loop3A_297, %parallel_loop3A_296 : i32
      %parallel_loop3A_299 = arith.index_cast %parallel_loop3A_298 : i32 to index
      %parallel_loop3A_300 = tpu.vector_load %arg4[%parallel_loop3A_299] {strides = array<i32>} : memref<18432xi32, #tpu.memory_space<vmem>>, vector<16xi32>,
      tpu.vector_store_idx %arg5[%parallel_loop3A_300], %broadcast_in_dim3A_3 {add = true} : memref<49280xf32, #tpu.memory_space<vmem>>[vector<16xi32>], vector<16xf32>,
    } {sc.loop_unroll_factor = 1 : i64, sc.parallel_access}
    %dma_wait3A_68 = arith.constant 9216 : i32
    %dma_wait3A_69 = tpu.memref_slice %arg4[%dma_wait3A_68] : memref<18432xi32, #tpu.memory_space<vmem>> -> memref<9216xi32, #tpu.memory_space<vmem>>
    %dma_wait3A_70 = tpu.memref_slice %arg2[%add3A_58] : memref<3538944xi32, #tpu.memory_space<hbm>> -> memref<9216xi32, #tpu.memory_space<hbm>>
    %dma_wait3A_71 = arith.constant 9216 : i32
    %dma_wait3A_72 = tpu.memref_slice %arg4[%dma_wait3A_71] : memref<18432xi32, #tpu.memory_space<vmem>> -> memref<9216xi32, #tpu.memory_space<vmem>>
    %dma_wait3A_73 = tpu.memref_slice %arg2[%add3A_58] : memref<3538944xi32, #tpu.memory_space<hbm>> -> memref<9216xi32, #tpu.memory_space<hbm>>
    tpu.wait_dma2 semaphore(%arg8 : memref<!tpu.dma_semaphore, #tpu.memory_space<semaphore_mem>>) src(%dma_wait3A_73 : memref<9216xi32, #tpu.memory_space<hbm>>) dst(%dma_wait3A_72 : memref<9216xi32, #tpu.memory_space<vmem>>)
    %add3A_74 = arith.constant 36864 : i32
    %add3A_75 = arith.addi %mul3A_11, %add3A_74 : i32
    %dma_start3A_76 = arith.constant 0 : i32
    %dma_start3A_77 = tpu.memref_slice %arg4[%dma_start3A_76] : memref<18432xi32, #tpu.memory_space<vmem>> -> memref<9216xi32, #tpu.memory_space<vmem>>
    %dma_start3A_78 = tpu.memref_slice %arg2[%add3A_75] : memref<3538944xi32, #tpu.memory_space<hbm>> -> memref<9216xi32, #tpu.memory_space<hbm>>
    %dma_start3A_79 = arith.constant 0 : i32
    %dma_start3A_80 = tpu.memref_slice %arg4[%dma_start3A_79] : memref<18432xi32, #tpu.memory_space<vmem>> -> memref<9216xi32, #tpu.memory_space<vmem>>
    %dma_start3A_81 = tpu.memref_slice %arg2[%add3A_75] : memref<3538944xi32, #tpu.memory_space<hbm>> -> memref<9216xi32, #tpu.memory_space<hbm>>
    tpu.enqueue_dma source(%dma_start3A_81 : memref<9216xi32, #tpu.memory_space<hbm>>) target(%dma_start3A_80 : memref<9216xi32, #tpu.memory_space<vmem>>) target_semaphore(%arg7 : memref<!tpu.dma_semaphore, #tpu.memory_space<semaphore_mem>>)
    %parallel_loop3A_82 = arith.constant 0 : i32
    %parallel_loop3A_83 = arith.constant 72 : i32
    %parallel_loop3A_84 = arith.constant 1 : i32
    scf.for %parallel_loop3A_220 = %parallel_loop3A_82 to %parallel_loop3A_83 step %parallel_loop3A_84  : i32 {
      %parallel_loop3A_221 = arith.constant 8 : i32
      %parallel_loop3A_222 = arith.muli %parallel_loop3A_220, %parallel_loop3A_221 : i32
      %parallel_loop3A_223 = arith.constant 0 : i32
      %parallel_loop3A_224 = arith.addi %parallel_loop3A_222, %parallel_loop3A_223 : i32
      %parallel_loop3A_225 = arith.constant 16 : i32
      %parallel_loop3A_226 = arith.muli %parallel_loop3A_224, %parallel_loop3A_225 : i32
      %parallel_loop3A_227 = arith.constant 9216 : i32
      %parallel_loop3A_228 = arith.addi %parallel_loop3A_227, %parallel_loop3A_226 : i32
      %parallel_loop3A_229 = arith.index_cast %parallel_loop3A_228 : i32 to index
      %parallel_loop3A_230 = tpu.vector_load %arg4[%parallel_loop3A_229] {strides = array<i32>} : memref<18432xi32, #tpu.memory_space<vmem>>, vector<16xi32>,
      tpu.vector_store_idx %arg5[%parallel_loop3A_230], %broadcast_in_dim3A_3 {add = true} : memref<49280xf32, #tpu.memory_space<vmem>>[vector<16xi32>], vector<16xf32>,
      %parallel_loop3A_231 = arith.constant 8 : i32
      %parallel_loop3A_232 = arith.muli %parallel_loop3A_220, %parallel_loop3A_231 : i32
      %parallel_loop3A_233 = arith.constant 1 : i32
      %parallel_loop3A_234 = arith.addi %parallel_loop3A_232, %parallel_loop3A_233 : i32
      %parallel_loop3A_235 = arith.constant 16 : i32
      %parallel_loop3A_236 = arith.muli %parallel_loop3A_234, %parallel_loop3A_235 : i32
      %parallel_loop3A_237 = arith.constant 9216 : i32
      %parallel_loop3A_238 = arith.addi %parallel_loop3A_237, %parallel_loop3A_236 : i32
      %parallel_loop3A_239 = arith.index_cast %parallel_loop3A_238 : i32 to index
      %parallel_loop3A_240 = tpu.vector_load %arg4[%parallel_loop3A_239] {strides = array<i32>} : memref<18432xi32, #tpu.memory_space<vmem>>, vector<16xi32>,
      tpu.vector_store_idx %arg5[%parallel_loop3A_240], %broadcast_in_dim3A_3 {add = true} : memref<49280xf32, #tpu.memory_space<vmem>>[vector<16xi32>], vector<16xf32>,
      %parallel_loop3A_241 = arith.constant 8 : i32
      %parallel_loop3A_242 = arith.muli %parallel_loop3A_220, %parallel_loop3A_241 : i32
      %parallel_loop3A_243 = arith.constant 2 : i32
      %parallel_loop3A_244 = arith.addi %parallel_loop3A_242, %parallel_loop3A_243 : i32
      %parallel_loop3A_245 = arith.constant 16 : i32
      %parallel_loop3A_246 = arith.muli %parallel_loop3A_244, %parallel_loop3A_245 : i32
      %parallel_loop3A_247 = arith.constant 9216 : i32
      %parallel_loop3A_248 = arith.addi %parallel_loop3A_247, %parallel_loop3A_246 : i32
      %parallel_loop3A_249 = arith.index_cast %parallel_loop3A_248 : i32 to index
      %parallel_loop3A_250 = tpu.vector_load %arg4[%parallel_loop3A_249] {strides = array<i32>} : memref<18432xi32, #tpu.memory_space<vmem>>, vector<16xi32>,
      tpu.vector_store_idx %arg5[%parallel_loop3A_250], %broadcast_in_dim3A_3 {add = true} : memref<49280xf32, #tpu.memory_space<vmem>>[vector<16xi32>], vector<16xf32>,
      %parallel_loop3A_251 = arith.constant 8 : i32
      %parallel_loop3A_252 = arith.muli %parallel_loop3A_220, %parallel_loop3A_251 : i32
      %parallel_loop3A_253 = arith.constant 3 : i32
      %parallel_loop3A_254 = arith.addi %parallel_loop3A_252, %parallel_loop3A_253 : i32
      %parallel_loop3A_255 = arith.constant 16 : i32
      %parallel_loop3A_256 = arith.muli %parallel_loop3A_254, %parallel_loop3A_255 : i32
      %parallel_loop3A_257 = arith.constant 9216 : i32
      %parallel_loop3A_258 = arith.addi %parallel_loop3A_257, %parallel_loop3A_256 : i32
      %parallel_loop3A_259 = arith.index_cast %parallel_loop3A_258 : i32 to index
      %parallel_loop3A_260 = tpu.vector_load %arg4[%parallel_loop3A_259] {strides = array<i32>} : memref<18432xi32, #tpu.memory_space<vmem>>, vector<16xi32>,
      tpu.vector_store_idx %arg5[%parallel_loop3A_260], %broadcast_in_dim3A_3 {add = true} : memref<49280xf32, #tpu.memory_space<vmem>>[vector<16xi32>], vector<16xf32>,
      %parallel_loop3A_261 = arith.constant 8 : i32
      %parallel_loop3A_262 = arith.muli %parallel_loop3A_220, %parallel_loop3A_261 : i32
      %parallel_loop3A_263 = arith.constant 4 : i32
      %parallel_loop3A_264 = arith.addi %parallel_loop3A_262, %parallel_loop3A_263 : i32
      %parallel_loop3A_265 = arith.constant 16 : i32
      %parallel_loop3A_266 = arith.muli %parallel_loop3A_264, %parallel_loop3A_265 : i32
      %parallel_loop3A_267 = arith.constant 9216 : i32
      %parallel_loop3A_268 = arith.addi %parallel_loop3A_267, %parallel_loop3A_266 : i32
      %parallel_loop3A_269 = arith.index_cast %parallel_loop3A_268 : i32 to index
      %parallel_loop3A_270 = tpu.vector_load %arg4[%parallel_loop3A_269] {strides = array<i32>} : memref<18432xi32, #tpu.memory_space<vmem>>, vector<16xi32>,
      tpu.vector_store_idx %arg5[%parallel_loop3A_270], %broadcast_in_dim3A_3 {add = true} : memref<49280xf32, #tpu.memory_space<vmem>>[vector<16xi32>], vector<16xf32>,
      %parallel_loop3A_271 = arith.constant 8 : i32
      %parallel_loop3A_272 = arith.muli %parallel_loop3A_220, %parallel_loop3A_271 : i32
      %parallel_loop3A_273 = arith.constant 5 : i32
      %parallel_loop3A_274 = arith.addi %parallel_loop3A_272, %parallel_loop3A_273 : i32
      %parallel_loop3A_275 = arith.constant 16 : i32
      %parallel_loop3A_276 = arith.muli %parallel_loop3A_274, %parallel_loop3A_275 : i32
      %parallel_loop3A_277 = arith.constant 9216 : i32
      %parallel_loop3A_278 = arith.addi %parallel_loop3A_277, %parallel_loop3A_276 : i32
      %parallel_loop3A_279 = arith.index_cast %parallel_loop3A_278 : i32 to index
      %parallel_loop3A_280 = tpu.vector_load %arg4[%parallel_loop3A_279] {strides = array<i32>} : memref<18432xi32, #tpu.memory_space<vmem>>, vector<16xi32>,
      tpu.vector_store_idx %arg5[%parallel_loop3A_280], %broadcast_in_dim3A_3 {add = true} : memref<49280xf32, #tpu.memory_space<vmem>>[vector<16xi32>], vector<16xf32>,
      %parallel_loop3A_281 = arith.constant 8 : i32
      %parallel_loop3A_282 = arith.muli %parallel_loop3A_220, %parallel_loop3A_281 : i32
      %parallel_loop3A_283 = arith.constant 6 : i32
      %parallel_loop3A_284 = arith.addi %parallel_loop3A_282, %parallel_loop3A_283 : i32
      %parallel_loop3A_285 = arith.constant 16 : i32
      %parallel_loop3A_286 = arith.muli %parallel_loop3A_284, %parallel_loop3A_285 : i32
      %parallel_loop3A_287 = arith.constant 9216 : i32
      %parallel_loop3A_288 = arith.addi %parallel_loop3A_287, %parallel_loop3A_286 : i32
      %parallel_loop3A_289 = arith.index_cast %parallel_loop3A_288 : i32 to index
      %parallel_loop3A_290 = tpu.vector_load %arg4[%parallel_loop3A_289] {strides = array<i32>} : memref<18432xi32, #tpu.memory_space<vmem>>, vector<16xi32>,
      tpu.vector_store_idx %arg5[%parallel_loop3A_290], %broadcast_in_dim3A_3 {add = true} : memref<49280xf32, #tpu.memory_space<vmem>>[vector<16xi32>], vector<16xf32>,
      %parallel_loop3A_291 = arith.constant 8 : i32
      %parallel_loop3A_292 = arith.muli %parallel_loop3A_220, %parallel_loop3A_291 : i32
      %parallel_loop3A_293 = arith.constant 7 : i32
      %parallel_loop3A_294 = arith.addi %parallel_loop3A_292, %parallel_loop3A_293 : i32
      %parallel_loop3A_295 = arith.constant 16 : i32
      %parallel_loop3A_296 = arith.muli %parallel_loop3A_294, %parallel_loop3A_295 : i32
      %parallel_loop3A_297 = arith.constant 9216 : i32
      %parallel_loop3A_298 = arith.addi %parallel_loop3A_297, %parallel_loop3A_296 : i32
      %parallel_loop3A_299 = arith.index_cast %parallel_loop3A_298 : i32 to index
      %parallel_loop3A_300 = tpu.vector_load %arg4[%parallel_loop3A_299] {strides = array<i32>} : memref<18432xi32, #tpu.memory_space<vmem>>, vector<16xi32>,
      tpu.vector_store_idx %arg5[%parallel_loop3A_300], %broadcast_in_dim3A_3 {add = true} : memref<49280xf32, #tpu.memory_space<vmem>>[vector<16xi32>], vector<16xf32>,
    } {sc.loop_unroll_factor = 1 : i64, sc.parallel_access}
    %dma_wait3A_85 = arith.constant 0 : i32
    %dma_wait3A_86 = tpu.memref_slice %arg4[%dma_wait3A_85] : memref<18432xi32, #tpu.memory_space<vmem>> -> memref<9216xi32, #tpu.memory_space<vmem>>
    %dma_wait3A_87 = tpu.memref_slice %arg2[%add3A_75] : memref<3538944xi32, #tpu.memory_space<hbm>> -> memref<9216xi32, #tpu.memory_space<hbm>>
    %dma_wait3A_88 = arith.constant 0 : i32
    %dma_wait3A_89 = tpu.memref_slice %arg4[%dma_wait3A_88] : memref<18432xi32, #tpu.memory_space<vmem>> -> memref<9216xi32, #tpu.memory_space<vmem>>
    %dma_wait3A_90 = tpu.memref_slice %arg2[%add3A_75] : memref<3538944xi32, #tpu.memory_space<hbm>> -> memref<9216xi32, #tpu.memory_space<hbm>>
    tpu.wait_dma2 semaphore(%arg7 : memref<!tpu.dma_semaphore, #tpu.memory_space<semaphore_mem>>) src(%dma_wait3A_90 : memref<9216xi32, #tpu.memory_space<hbm>>) dst(%dma_wait3A_89 : memref<9216xi32, #tpu.memory_space<vmem>>)
    %add3A_91 = arith.constant 46080 : i32
    %add3A_92 = arith.addi %mul3A_11, %add3A_91 : i32
    %dma_start3A_93 = arith.constant 9216 : i32
    %dma_start3A_94 = tpu.memref_slice %arg4[%dma_start3A_93] : memref<18432xi32, #tpu.memory_space<vmem>> -> memref<9216xi32, #tpu.memory_space<vmem>>
    %dma_start3A_95 = tpu.memref_slice %arg2[%add3A_92] : memref<3538944xi32, #tpu.memory_space<hbm>> -> memref<9216xi32, #tpu.memory_space<hbm>>
    %dma_start3A_96 = arith.constant 9216 : i32
    %dma_start3A_97 = tpu.memref_slice %arg4[%dma_start3A_96] : memref<18432xi32, #tpu.memory_space<vmem>> -> memref<9216xi32, #tpu.memory_space<vmem>>
    %dma_start3A_98 = tpu.memref_slice %arg2[%add3A_92] : memref<3538944xi32, #tpu.memory_space<hbm>> -> memref<9216xi32, #tpu.memory_space<hbm>>
    tpu.enqueue_dma source(%dma_start3A_98 : memref<9216xi32, #tpu.memory_space<hbm>>) target(%dma_start3A_97 : memref<9216xi32, #tpu.memory_space<vmem>>) target_semaphore(%arg8 : memref<!tpu.dma_semaphore, #tpu.memory_space<semaphore_mem>>)
    %parallel_loop3A_99 = arith.constant 0 : i32
    %parallel_loop3A_100 = arith.constant 72 : i32
    %parallel_loop3A_101 = arith.constant 1 : i32
    scf.for %parallel_loop3A_220 = %parallel_loop3A_99 to %parallel_loop3A_100 step %parallel_loop3A_101  : i32 {
      %parallel_loop3A_221 = arith.constant 8 : i32
      %parallel_loop3A_222 = arith.muli %parallel_loop3A_220, %parallel_loop3A_221 : i32
      %parallel_loop3A_223 = arith.constant 0 : i32
      %parallel_loop3A_224 = arith.addi %parallel_loop3A_222, %parallel_loop3A_223 : i32
      %parallel_loop3A_225 = arith.constant 16 : i32
      %parallel_loop3A_226 = arith.muli %parallel_loop3A_224, %parallel_loop3A_225 : i32
      %parallel_loop3A_227 = arith.constant 0 : i32
      %parallel_loop3A_228 = arith.addi %parallel_loop3A_227, %parallel_loop3A_226 : i32
      %parallel_loop3A_229 = arith.index_cast %parallel_loop3A_228 : i32 to index
      %parallel_loop3A_230 = tpu.vector_load %arg4[%parallel_loop3A_229] {strides = array<i32>} : memref<18432xi32, #tpu.memory_space<vmem>>, vector<16xi32>,
      tpu.vector_store_idx %arg5[%parallel_loop3A_230], %broadcast_in_dim3A_3 {add = true} : memref<49280xf32, #tpu.memory_space<vmem>>[vector<16xi32>], vector<16xf32>,
      %parallel_loop3A_231 = arith.constant 8 : i32
      %parallel_loop3A_232 = arith.muli %parallel_loop3A_220, %parallel_loop3A_231 : i32
      %parallel_loop3A_233 = arith.constant 1 : i32
      %parallel_loop3A_234 = arith.addi %parallel_loop3A_232, %parallel_loop3A_233 : i32
      %parallel_loop3A_235 = arith.constant 16 : i32
      %parallel_loop3A_236 = arith.muli %parallel_loop3A_234, %parallel_loop3A_235 : i32
      %parallel_loop3A_237 = arith.constant 0 : i32
      %parallel_loop3A_238 = arith.addi %parallel_loop3A_237, %parallel_loop3A_236 : i32
      %parallel_loop3A_239 = arith.index_cast %parallel_loop3A_238 : i32 to index
      %parallel_loop3A_240 = tpu.vector_load %arg4[%parallel_loop3A_239] {strides = array<i32>} : memref<18432xi32, #tpu.memory_space<vmem>>, vector<16xi32>,
      tpu.vector_store_idx %arg5[%parallel_loop3A_240], %broadcast_in_dim3A_3 {add = true} : memref<49280xf32, #tpu.memory_space<vmem>>[vector<16xi32>], vector<16xf32>,
      %parallel_loop3A_241 = arith.constant 8 : i32
      %parallel_loop3A_242 = arith.muli %parallel_loop3A_220, %parallel_loop3A_241 : i32
      %parallel_loop3A_243 = arith.constant 2 : i32
      %parallel_loop3A_244 = arith.addi %parallel_loop3A_242, %parallel_loop3A_243 : i32
      %parallel_loop3A_245 = arith.constant 16 : i32
      %parallel_loop3A_246 = arith.muli %parallel_loop3A_244, %parallel_loop3A_245 : i32
      %parallel_loop3A_247 = arith.constant 0 : i32
      %parallel_loop3A_248 = arith.addi %parallel_loop3A_247, %parallel_loop3A_246 : i32
      %parallel_loop3A_249 = arith.index_cast %parallel_loop3A_248 : i32 to index
      %parallel_loop3A_250 = tpu.vector_load %arg4[%parallel_loop3A_249] {strides = array<i32>} : memref<18432xi32, #tpu.memory_space<vmem>>, vector<16xi32>,
      tpu.vector_store_idx %arg5[%parallel_loop3A_250], %broadcast_in_dim3A_3 {add = true} : memref<49280xf32, #tpu.memory_space<vmem>>[vector<16xi32>], vector<16xf32>,
      %parallel_loop3A_251 = arith.constant 8 : i32
      %parallel_loop3A_252 = arith.muli %parallel_loop3A_220, %parallel_loop3A_251 : i32
      %parallel_loop3A_253 = arith.constant 3 : i32
      %parallel_loop3A_254 = arith.addi %parallel_loop3A_252, %parallel_loop3A_253 : i32
      %parallel_loop3A_255 = arith.constant 16 : i32
      %parallel_loop3A_256 = arith.muli %parallel_loop3A_254, %parallel_loop3A_255 : i32
      %parallel_loop3A_257 = arith.constant 0 : i32
      %parallel_loop3A_258 = arith.addi %parallel_loop3A_257, %parallel_loop3A_256 : i32
      %parallel_loop3A_259 = arith.index_cast %parallel_loop3A_258 : i32 to index
      %parallel_loop3A_260 = tpu.vector_load %arg4[%parallel_loop3A_259] {strides = array<i32>} : memref<18432xi32, #tpu.memory_space<vmem>>, vector<16xi32>,
      tpu.vector_store_idx %arg5[%parallel_loop3A_260], %broadcast_in_dim3A_3 {add = true} : memref<49280xf32, #tpu.memory_space<vmem>>[vector<16xi32>], vector<16xf32>,
      %parallel_loop3A_261 = arith.constant 8 : i32
      %parallel_loop3A_262 = arith.muli %parallel_loop3A_220, %parallel_loop3A_261 : i32
      %parallel_loop3A_263 = arith.constant 4 : i32
      %parallel_loop3A_264 = arith.addi %parallel_loop3A_262, %parallel_loop3A_263 : i32
      %parallel_loop3A_265 = arith.constant 16 : i32
      %parallel_loop3A_266 = arith.muli %parallel_loop3A_264, %parallel_loop3A_265 : i32
      %parallel_loop3A_267 = arith.constant 0 : i32
      %parallel_loop3A_268 = arith.addi %parallel_loop3A_267, %parallel_loop3A_266 : i32
      %parallel_loop3A_269 = arith.index_cast %parallel_loop3A_268 : i32 to index
      %parallel_loop3A_270 = tpu.vector_load %arg4[%parallel_loop3A_269] {strides = array<i32>} : memref<18432xi32, #tpu.memory_space<vmem>>, vector<16xi32>,
      tpu.vector_store_idx %arg5[%parallel_loop3A_270], %broadcast_in_dim3A_3 {add = true} : memref<49280xf32, #tpu.memory_space<vmem>>[vector<16xi32>], vector<16xf32>,
      %parallel_loop3A_271 = arith.constant 8 : i32
      %parallel_loop3A_272 = arith.muli %parallel_loop3A_220, %parallel_loop3A_271 : i32
      %parallel_loop3A_273 = arith.constant 5 : i32
      %parallel_loop3A_274 = arith.addi %parallel_loop3A_272, %parallel_loop3A_273 : i32
      %parallel_loop3A_275 = arith.constant 16 : i32
      %parallel_loop3A_276 = arith.muli %parallel_loop3A_274, %parallel_loop3A_275 : i32
      %parallel_loop3A_277 = arith.constant 0 : i32
      %parallel_loop3A_278 = arith.addi %parallel_loop3A_277, %parallel_loop3A_276 : i32
      %parallel_loop3A_279 = arith.index_cast %parallel_loop3A_278 : i32 to index
      %parallel_loop3A_280 = tpu.vector_load %arg4[%parallel_loop3A_279] {strides = array<i32>} : memref<18432xi32, #tpu.memory_space<vmem>>, vector<16xi32>,
      tpu.vector_store_idx %arg5[%parallel_loop3A_280], %broadcast_in_dim3A_3 {add = true} : memref<49280xf32, #tpu.memory_space<vmem>>[vector<16xi32>], vector<16xf32>,
      %parallel_loop3A_281 = arith.constant 8 : i32
      %parallel_loop3A_282 = arith.muli %parallel_loop3A_220, %parallel_loop3A_281 : i32
      %parallel_loop3A_283 = arith.constant 6 : i32
      %parallel_loop3A_284 = arith.addi %parallel_loop3A_282, %parallel_loop3A_283 : i32
      %parallel_loop3A_285 = arith.constant 16 : i32
      %parallel_loop3A_286 = arith.muli %parallel_loop3A_284, %parallel_loop3A_285 : i32
      %parallel_loop3A_287 = arith.constant 0 : i32
      %parallel_loop3A_288 = arith.addi %parallel_loop3A_287, %parallel_loop3A_286 : i32
      %parallel_loop3A_289 = arith.index_cast %parallel_loop3A_288 : i32 to index
      %parallel_loop3A_290 = tpu.vector_load %arg4[%parallel_loop3A_289] {strides = array<i32>} : memref<18432xi32, #tpu.memory_space<vmem>>, vector<16xi32>,
      tpu.vector_store_idx %arg5[%parallel_loop3A_290], %broadcast_in_dim3A_3 {add = true} : memref<49280xf32, #tpu.memory_space<vmem>>[vector<16xi32>], vector<16xf32>,
      %parallel_loop3A_291 = arith.constant 8 : i32
      %parallel_loop3A_292 = arith.muli %parallel_loop3A_220, %parallel_loop3A_291 : i32
      %parallel_loop3A_293 = arith.constant 7 : i32
      %parallel_loop3A_294 = arith.addi %parallel_loop3A_292, %parallel_loop3A_293 : i32
      %parallel_loop3A_295 = arith.constant 16 : i32
      %parallel_loop3A_296 = arith.muli %parallel_loop3A_294, %parallel_loop3A_295 : i32
      %parallel_loop3A_297 = arith.constant 0 : i32
      %parallel_loop3A_298 = arith.addi %parallel_loop3A_297, %parallel_loop3A_296 : i32
      %parallel_loop3A_299 = arith.index_cast %parallel_loop3A_298 : i32 to index
      %parallel_loop3A_300 = tpu.vector_load %arg4[%parallel_loop3A_299] {strides = array<i32>} : memref<18432xi32, #tpu.memory_space<vmem>>, vector<16xi32>,
      tpu.vector_store_idx %arg5[%parallel_loop3A_300], %broadcast_in_dim3A_3 {add = true} : memref<49280xf32, #tpu.memory_space<vmem>>[vector<16xi32>], vector<16xf32>,
    } {sc.loop_unroll_factor = 1 : i64, sc.parallel_access}
    %dma_wait3A_102 = arith.constant 9216 : i32
    %dma_wait3A_103 = tpu.memref_slice %arg4[%dma_wait3A_102] : memref<18432xi32, #tpu.memory_space<vmem>> -> memref<9216xi32, #tpu.memory_space<vmem>>
    %dma_wait3A_104 = tpu.memref_slice %arg2[%add3A_92] : memref<3538944xi32, #tpu.memory_space<hbm>> -> memref<9216xi32, #tpu.memory_space<hbm>>
    %dma_wait3A_105 = arith.constant 9216 : i32
    %dma_wait3A_106 = tpu.memref_slice %arg4[%dma_wait3A_105] : memref<18432xi32, #tpu.memory_space<vmem>> -> memref<9216xi32, #tpu.memory_space<vmem>>
    %dma_wait3A_107 = tpu.memref_slice %arg2[%add3A_92] : memref<3538944xi32, #tpu.memory_space<hbm>> -> memref<9216xi32, #tpu.memory_space<hbm>>
    tpu.wait_dma2 semaphore(%arg8 : memref<!tpu.dma_semaphore, #tpu.memory_space<semaphore_mem>>) src(%dma_wait3A_107 : memref<9216xi32, #tpu.memory_space<hbm>>) dst(%dma_wait3A_106 : memref<9216xi32, #tpu.memory_space<vmem>>)
    %add3A_108 = arith.constant 55296 : i32
    %add3A_109 = arith.addi %mul3A_11, %add3A_108 : i32
    %dma_start3A_110 = arith.constant 0 : i32
    %dma_start3A_111 = tpu.memref_slice %arg4[%dma_start3A_110] : memref<18432xi32, #tpu.memory_space<vmem>> -> memref<9216xi32, #tpu.memory_space<vmem>>
    %dma_start3A_112 = tpu.memref_slice %arg2[%add3A_109] : memref<3538944xi32, #tpu.memory_space<hbm>> -> memref<9216xi32, #tpu.memory_space<hbm>>
    %dma_start3A_113 = arith.constant 0 : i32
    %dma_start3A_114 = tpu.memref_slice %arg4[%dma_start3A_113] : memref<18432xi32, #tpu.memory_space<vmem>> -> memref<9216xi32, #tpu.memory_space<vmem>>
    %dma_start3A_115 = tpu.memref_slice %arg2[%add3A_109] : memref<3538944xi32, #tpu.memory_space<hbm>> -> memref<9216xi32, #tpu.memory_space<hbm>>
    tpu.enqueue_dma source(%dma_start3A_115 : memref<9216xi32, #tpu.memory_space<hbm>>) target(%dma_start3A_114 : memref<9216xi32, #tpu.memory_space<vmem>>) target_semaphore(%arg7 : memref<!tpu.dma_semaphore, #tpu.memory_space<semaphore_mem>>)
    %parallel_loop3A_116 = arith.constant 0 : i32
    %parallel_loop3A_117 = arith.constant 72 : i32
    %parallel_loop3A_118 = arith.constant 1 : i32
    scf.for %parallel_loop3A_220 = %parallel_loop3A_116 to %parallel_loop3A_117 step %parallel_loop3A_118  : i32 {
      %parallel_loop3A_221 = arith.constant 8 : i32
      %parallel_loop3A_222 = arith.muli %parallel_loop3A_220, %parallel_loop3A_221 : i32
      %parallel_loop3A_223 = arith.constant 0 : i32
      %parallel_loop3A_224 = arith.addi %parallel_loop3A_222, %parallel_loop3A_223 : i32
      %parallel_loop3A_225 = arith.constant 16 : i32
      %parallel_loop3A_226 = arith.muli %parallel_loop3A_224, %parallel_loop3A_225 : i32
      %parallel_loop3A_227 = arith.constant 9216 : i32
      %parallel_loop3A_228 = arith.addi %parallel_loop3A_227, %parallel_loop3A_226 : i32
      %parallel_loop3A_229 = arith.index_cast %parallel_loop3A_228 : i32 to index
      %parallel_loop3A_230 = tpu.vector_load %arg4[%parallel_loop3A_229] {strides = array<i32>} : memref<18432xi32, #tpu.memory_space<vmem>>, vector<16xi32>,
      tpu.vector_store_idx %arg5[%parallel_loop3A_230], %broadcast_in_dim3A_3 {add = true} : memref<49280xf32, #tpu.memory_space<vmem>>[vector<16xi32>], vector<16xf32>,
      %parallel_loop3A_231 = arith.constant 8 : i32
      %parallel_loop3A_232 = arith.muli %parallel_loop3A_220, %parallel_loop3A_231 : i32
      %parallel_loop3A_233 = arith.constant 1 : i32
      %parallel_loop3A_234 = arith.addi %parallel_loop3A_232, %parallel_loop3A_233 : i32
      %parallel_loop3A_235 = arith.constant 16 : i32
      %parallel_loop3A_236 = arith.muli %parallel_loop3A_234, %parallel_loop3A_235 : i32
      %parallel_loop3A_237 = arith.constant 9216 : i32
      %parallel_loop3A_238 = arith.addi %parallel_loop3A_237, %parallel_loop3A_236 : i32
      %parallel_loop3A_239 = arith.index_cast %parallel_loop3A_238 : i32 to index
      %parallel_loop3A_240 = tpu.vector_load %arg4[%parallel_loop3A_239] {strides = array<i32>} : memref<18432xi32, #tpu.memory_space<vmem>>, vector<16xi32>,
      tpu.vector_store_idx %arg5[%parallel_loop3A_240], %broadcast_in_dim3A_3 {add = true} : memref<49280xf32, #tpu.memory_space<vmem>>[vector<16xi32>], vector<16xf32>,
      %parallel_loop3A_241 = arith.constant 8 : i32
      %parallel_loop3A_242 = arith.muli %parallel_loop3A_220, %parallel_loop3A_241 : i32
      %parallel_loop3A_243 = arith.constant 2 : i32
      %parallel_loop3A_244 = arith.addi %parallel_loop3A_242, %parallel_loop3A_243 : i32
      %parallel_loop3A_245 = arith.constant 16 : i32
      %parallel_loop3A_246 = arith.muli %parallel_loop3A_244, %parallel_loop3A_245 : i32
      %parallel_loop3A_247 = arith.constant 9216 : i32
      %parallel_loop3A_248 = arith.addi %parallel_loop3A_247, %parallel_loop3A_246 : i32
      %parallel_loop3A_249 = arith.index_cast %parallel_loop3A_248 : i32 to index
      %parallel_loop3A_250 = tpu.vector_load %arg4[%parallel_loop3A_249] {strides = array<i32>} : memref<18432xi32, #tpu.memory_space<vmem>>, vector<16xi32>,
      tpu.vector_store_idx %arg5[%parallel_loop3A_250], %broadcast_in_dim3A_3 {add = true} : memref<49280xf32, #tpu.memory_space<vmem>>[vector<16xi32>], vector<16xf32>,
      %parallel_loop3A_251 = arith.constant 8 : i32
      %parallel_loop3A_252 = arith.muli %parallel_loop3A_220, %parallel_loop3A_251 : i32
      %parallel_loop3A_253 = arith.constant 3 : i32
      %parallel_loop3A_254 = arith.addi %parallel_loop3A_252, %parallel_loop3A_253 : i32
      %parallel_loop3A_255 = arith.constant 16 : i32
      %parallel_loop3A_256 = arith.muli %parallel_loop3A_254, %parallel_loop3A_255 : i32
      %parallel_loop3A_257 = arith.constant 9216 : i32
      %parallel_loop3A_258 = arith.addi %parallel_loop3A_257, %parallel_loop3A_256 : i32
      %parallel_loop3A_259 = arith.index_cast %parallel_loop3A_258 : i32 to index
      %parallel_loop3A_260 = tpu.vector_load %arg4[%parallel_loop3A_259] {strides = array<i32>} : memref<18432xi32, #tpu.memory_space<vmem>>, vector<16xi32>,
      tpu.vector_store_idx %arg5[%parallel_loop3A_260], %broadcast_in_dim3A_3 {add = true} : memref<49280xf32, #tpu.memory_space<vmem>>[vector<16xi32>], vector<16xf32>,
      %parallel_loop3A_261 = arith.constant 8 : i32
      %parallel_loop3A_262 = arith.muli %parallel_loop3A_220, %parallel_loop3A_261 : i32
      %parallel_loop3A_263 = arith.constant 4 : i32
      %parallel_loop3A_264 = arith.addi %parallel_loop3A_262, %parallel_loop3A_263 : i32
      %parallel_loop3A_265 = arith.constant 16 : i32
      %parallel_loop3A_266 = arith.muli %parallel_loop3A_264, %parallel_loop3A_265 : i32
      %parallel_loop3A_267 = arith.constant 9216 : i32
      %parallel_loop3A_268 = arith.addi %parallel_loop3A_267, %parallel_loop3A_266 : i32
      %parallel_loop3A_269 = arith.index_cast %parallel_loop3A_268 : i32 to index
      %parallel_loop3A_270 = tpu.vector_load %arg4[%parallel_loop3A_269] {strides = array<i32>} : memref<18432xi32, #tpu.memory_space<vmem>>, vector<16xi32>,
      tpu.vector_store_idx %arg5[%parallel_loop3A_270], %broadcast_in_dim3A_3 {add = true} : memref<49280xf32, #tpu.memory_space<vmem>>[vector<16xi32>], vector<16xf32>,
      %parallel_loop3A_271 = arith.constant 8 : i32
      %parallel_loop3A_272 = arith.muli %parallel_loop3A_220, %parallel_loop3A_271 : i32
      %parallel_loop3A_273 = arith.constant 5 : i32
      %parallel_loop3A_274 = arith.addi %parallel_loop3A_272, %parallel_loop3A_273 : i32
      %parallel_loop3A_275 = arith.constant 16 : i32
      %parallel_loop3A_276 = arith.muli %parallel_loop3A_274, %parallel_loop3A_275 : i32
      %parallel_loop3A_277 = arith.constant 9216 : i32
      %parallel_loop3A_278 = arith.addi %parallel_loop3A_277, %parallel_loop3A_276 : i32
      %parallel_loop3A_279 = arith.index_cast %parallel_loop3A_278 : i32 to index
      %parallel_loop3A_280 = tpu.vector_load %arg4[%parallel_loop3A_279] {strides = array<i32>} : memref<18432xi32, #tpu.memory_space<vmem>>, vector<16xi32>,
      tpu.vector_store_idx %arg5[%parallel_loop3A_280], %broadcast_in_dim3A_3 {add = true} : memref<49280xf32, #tpu.memory_space<vmem>>[vector<16xi32>], vector<16xf32>,
      %parallel_loop3A_281 = arith.constant 8 : i32
      %parallel_loop3A_282 = arith.muli %parallel_loop3A_220, %parallel_loop3A_281 : i32
      %parallel_loop3A_283 = arith.constant 6 : i32
      %parallel_loop3A_284 = arith.addi %parallel_loop3A_282, %parallel_loop3A_283 : i32
      %parallel_loop3A_285 = arith.constant 16 : i32
      %parallel_loop3A_286 = arith.muli %parallel_loop3A_284, %parallel_loop3A_285 : i32
      %parallel_loop3A_287 = arith.constant 9216 : i32
      %parallel_loop3A_288 = arith.addi %parallel_loop3A_287, %parallel_loop3A_286 : i32
      %parallel_loop3A_289 = arith.index_cast %parallel_loop3A_288 : i32 to index
      %parallel_loop3A_290 = tpu.vector_load %arg4[%parallel_loop3A_289] {strides = array<i32>} : memref<18432xi32, #tpu.memory_space<vmem>>, vector<16xi32>,
      tpu.vector_store_idx %arg5[%parallel_loop3A_290], %broadcast_in_dim3A_3 {add = true} : memref<49280xf32, #tpu.memory_space<vmem>>[vector<16xi32>], vector<16xf32>,
      %parallel_loop3A_291 = arith.constant 8 : i32
      %parallel_loop3A_292 = arith.muli %parallel_loop3A_220, %parallel_loop3A_291 : i32
      %parallel_loop3A_293 = arith.constant 7 : i32
      %parallel_loop3A_294 = arith.addi %parallel_loop3A_292, %parallel_loop3A_293 : i32
      %parallel_loop3A_295 = arith.constant 16 : i32
      %parallel_loop3A_296 = arith.muli %parallel_loop3A_294, %parallel_loop3A_295 : i32
      %parallel_loop3A_297 = arith.constant 9216 : i32
      %parallel_loop3A_298 = arith.addi %parallel_loop3A_297, %parallel_loop3A_296 : i32
      %parallel_loop3A_299 = arith.index_cast %parallel_loop3A_298 : i32 to index
      %parallel_loop3A_300 = tpu.vector_load %arg4[%parallel_loop3A_299] {strides = array<i32>} : memref<18432xi32, #tpu.memory_space<vmem>>, vector<16xi32>,
      tpu.vector_store_idx %arg5[%parallel_loop3A_300], %broadcast_in_dim3A_3 {add = true} : memref<49280xf32, #tpu.memory_space<vmem>>[vector<16xi32>], vector<16xf32>,
    } {sc.loop_unroll_factor = 1 : i64, sc.parallel_access}
    %dma_wait3A_119 = arith.constant 0 : i32
    %dma_wait3A_120 = tpu.memref_slice %arg4[%dma_wait3A_119] : memref<18432xi32, #tpu.memory_space<vmem>> -> memref<9216xi32, #tpu.memory_space<vmem>>
    %dma_wait3A_121 = tpu.memref_slice %arg2[%add3A_109] : memref<3538944xi32, #tpu.memory_space<hbm>> -> memref<9216xi32, #tpu.memory_space<hbm>>
    %dma_wait3A_122 = arith.constant 0 : i32
    %dma_wait3A_123 = tpu.memref_slice %arg4[%dma_wait3A_122] : memref<18432xi32, #tpu.memory_space<vmem>> -> memref<9216xi32, #tpu.memory_space<vmem>>
    %dma_wait3A_124 = tpu.memref_slice %arg2[%add3A_109] : memref<3538944xi32, #tpu.memory_space<hbm>> -> memref<9216xi32, #tpu.memory_space<hbm>>
    tpu.wait_dma2 semaphore(%arg7 : memref<!tpu.dma_semaphore, #tpu.memory_space<semaphore_mem>>) src(%dma_wait3A_124 : memref<9216xi32, #tpu.memory_space<hbm>>) dst(%dma_wait3A_123 : memref<9216xi32, #tpu.memory_space<vmem>>)
    %add3A_125 = arith.constant 64512 : i32
    %add3A_126 = arith.addi %mul3A_11, %add3A_125 : i32
    %dma_start3A_127 = arith.constant 9216 : i32
    %dma_start3A_128 = tpu.memref_slice %arg4[%dma_start3A_127] : memref<18432xi32, #tpu.memory_space<vmem>> -> memref<9216xi32, #tpu.memory_space<vmem>>
    %dma_start3A_129 = tpu.memref_slice %arg2[%add3A_126] : memref<3538944xi32, #tpu.memory_space<hbm>> -> memref<9216xi32, #tpu.memory_space<hbm>>
    %dma_start3A_130 = arith.constant 9216 : i32
    %dma_start3A_131 = tpu.memref_slice %arg4[%dma_start3A_130] : memref<18432xi32, #tpu.memory_space<vmem>> -> memref<9216xi32, #tpu.memory_space<vmem>>
    %dma_start3A_132 = tpu.memref_slice %arg2[%add3A_126] : memref<3538944xi32, #tpu.memory_space<hbm>> -> memref<9216xi32, #tpu.memory_space<hbm>>
    tpu.enqueue_dma source(%dma_start3A_132 : memref<9216xi32, #tpu.memory_space<hbm>>) target(%dma_start3A_131 : memref<9216xi32, #tpu.memory_space<vmem>>) target_semaphore(%arg8 : memref<!tpu.dma_semaphore, #tpu.memory_space<semaphore_mem>>)
    %parallel_loop3A_133 = arith.constant 0 : i32
    %parallel_loop3A_134 = arith.constant 72 : i32
    %parallel_loop3A_135 = arith.constant 1 : i32
    scf.for %parallel_loop3A_220 = %parallel_loop3A_133 to %parallel_loop3A_134 step %parallel_loop3A_135  : i32 {
      %parallel_loop3A_221 = arith.constant 8 : i32
      %parallel_loop3A_222 = arith.muli %parallel_loop3A_220, %parallel_loop3A_221 : i32
      %parallel_loop3A_223 = arith.constant 0 : i32
      %parallel_loop3A_224 = arith.addi %parallel_loop3A_222, %parallel_loop3A_223 : i32
      %parallel_loop3A_225 = arith.constant 16 : i32
      %parallel_loop3A_226 = arith.muli %parallel_loop3A_224, %parallel_loop3A_225 : i32
      %parallel_loop3A_227 = arith.constant 0 : i32
      %parallel_loop3A_228 = arith.addi %parallel_loop3A_227, %parallel_loop3A_226 : i32
      %parallel_loop3A_229 = arith.index_cast %parallel_loop3A_228 : i32 to index
      %parallel_loop3A_230 = tpu.vector_load %arg4[%parallel_loop3A_229] {strides = array<i32>} : memref<18432xi32, #tpu.memory_space<vmem>>, vector<16xi32>,
      tpu.vector_store_idx %arg5[%parallel_loop3A_230], %broadcast_in_dim3A_3 {add = true} : memref<49280xf32, #tpu.memory_space<vmem>>[vector<16xi32>], vector<16xf32>,
      %parallel_loop3A_231 = arith.constant 8 : i32
      %parallel_loop3A_232 = arith.muli %parallel_loop3A_220, %parallel_loop3A_231 : i32
      %parallel_loop3A_233 = arith.constant 1 : i32
      %parallel_loop3A_234 = arith.addi %parallel_loop3A_232, %parallel_loop3A_233 : i32
      %parallel_loop3A_235 = arith.constant 16 : i32
      %parallel_loop3A_236 = arith.muli %parallel_loop3A_234, %parallel_loop3A_235 : i32
      %parallel_loop3A_237 = arith.constant 0 : i32
      %parallel_loop3A_238 = arith.addi %parallel_loop3A_237, %parallel_loop3A_236 : i32
      %parallel_loop3A_239 = arith.index_cast %parallel_loop3A_238 : i32 to index
      %parallel_loop3A_240 = tpu.vector_load %arg4[%parallel_loop3A_239] {strides = array<i32>} : memref<18432xi32, #tpu.memory_space<vmem>>, vector<16xi32>,
      tpu.vector_store_idx %arg5[%parallel_loop3A_240], %broadcast_in_dim3A_3 {add = true} : memref<49280xf32, #tpu.memory_space<vmem>>[vector<16xi32>], vector<16xf32>,
      %parallel_loop3A_241 = arith.constant 8 : i32
      %parallel_loop3A_242 = arith.muli %parallel_loop3A_220, %parallel_loop3A_241 : i32
      %parallel_loop3A_243 = arith.constant 2 : i32
      %parallel_loop3A_244 = arith.addi %parallel_loop3A_242, %parallel_loop3A_243 : i32
      %parallel_loop3A_245 = arith.constant 16 : i32
      %parallel_loop3A_246 = arith.muli %parallel_loop3A_244, %parallel_loop3A_245 : i32
      %parallel_loop3A_247 = arith.constant 0 : i32
      %parallel_loop3A_248 = arith.addi %parallel_loop3A_247, %parallel_loop3A_246 : i32
      %parallel_loop3A_249 = arith.index_cast %parallel_loop3A_248 : i32 to index
      %parallel_loop3A_250 = tpu.vector_load %arg4[%parallel_loop3A_249] {strides = array<i32>} : memref<18432xi32, #tpu.memory_space<vmem>>, vector<16xi32>,
      tpu.vector_store_idx %arg5[%parallel_loop3A_250], %broadcast_in_dim3A_3 {add = true} : memref<49280xf32, #tpu.memory_space<vmem>>[vector<16xi32>], vector<16xf32>,
      %parallel_loop3A_251 = arith.constant 8 : i32
      %parallel_loop3A_252 = arith.muli %parallel_loop3A_220, %parallel_loop3A_251 : i32
      %parallel_loop3A_253 = arith.constant 3 : i32
      %parallel_loop3A_254 = arith.addi %parallel_loop3A_252, %parallel_loop3A_253 : i32
      %parallel_loop3A_255 = arith.constant 16 : i32
      %parallel_loop3A_256 = arith.muli %parallel_loop3A_254, %parallel_loop3A_255 : i32
      %parallel_loop3A_257 = arith.constant 0 : i32
      %parallel_loop3A_258 = arith.addi %parallel_loop3A_257, %parallel_loop3A_256 : i32
      %parallel_loop3A_259 = arith.index_cast %parallel_loop3A_258 : i32 to index
      %parallel_loop3A_260 = tpu.vector_load %arg4[%parallel_loop3A_259] {strides = array<i32>} : memref<18432xi32, #tpu.memory_space<vmem>>, vector<16xi32>,
      tpu.vector_store_idx %arg5[%parallel_loop3A_260], %broadcast_in_dim3A_3 {add = true} : memref<49280xf32, #tpu.memory_space<vmem>>[vector<16xi32>], vector<16xf32>,
      %parallel_loop3A_261 = arith.constant 8 : i32
      %parallel_loop3A_262 = arith.muli %parallel_loop3A_220, %parallel_loop3A_261 : i32
      %parallel_loop3A_263 = arith.constant 4 : i32
      %parallel_loop3A_264 = arith.addi %parallel_loop3A_262, %parallel_loop3A_263 : i32
      %parallel_loop3A_265 = arith.constant 16 : i32
      %parallel_loop3A_266 = arith.muli %parallel_loop3A_264, %parallel_loop3A_265 : i32
      %parallel_loop3A_267 = arith.constant 0 : i32
      %parallel_loop3A_268 = arith.addi %parallel_loop3A_267, %parallel_loop3A_266 : i32
      %parallel_loop3A_269 = arith.index_cast %parallel_loop3A_268 : i32 to index
      %parallel_loop3A_270 = tpu.vector_load %arg4[%parallel_loop3A_269] {strides = array<i32>} : memref<18432xi32, #tpu.memory_space<vmem>>, vector<16xi32>,
      tpu.vector_store_idx %arg5[%parallel_loop3A_270], %broadcast_in_dim3A_3 {add = true} : memref<49280xf32, #tpu.memory_space<vmem>>[vector<16xi32>], vector<16xf32>,
      %parallel_loop3A_271 = arith.constant 8 : i32
      %parallel_loop3A_272 = arith.muli %parallel_loop3A_220, %parallel_loop3A_271 : i32
      %parallel_loop3A_273 = arith.constant 5 : i32
      %parallel_loop3A_274 = arith.addi %parallel_loop3A_272, %parallel_loop3A_273 : i32
      %parallel_loop3A_275 = arith.constant 16 : i32
      %parallel_loop3A_276 = arith.muli %parallel_loop3A_274, %parallel_loop3A_275 : i32
      %parallel_loop3A_277 = arith.constant 0 : i32
      %parallel_loop3A_278 = arith.addi %parallel_loop3A_277, %parallel_loop3A_276 : i32
      %parallel_loop3A_279 = arith.index_cast %parallel_loop3A_278 : i32 to index
      %parallel_loop3A_280 = tpu.vector_load %arg4[%parallel_loop3A_279] {strides = array<i32>} : memref<18432xi32, #tpu.memory_space<vmem>>, vector<16xi32>,
      tpu.vector_store_idx %arg5[%parallel_loop3A_280], %broadcast_in_dim3A_3 {add = true} : memref<49280xf32, #tpu.memory_space<vmem>>[vector<16xi32>], vector<16xf32>,
      %parallel_loop3A_281 = arith.constant 8 : i32
      %parallel_loop3A_282 = arith.muli %parallel_loop3A_220, %parallel_loop3A_281 : i32
      %parallel_loop3A_283 = arith.constant 6 : i32
      %parallel_loop3A_284 = arith.addi %parallel_loop3A_282, %parallel_loop3A_283 : i32
      %parallel_loop3A_285 = arith.constant 16 : i32
      %parallel_loop3A_286 = arith.muli %parallel_loop3A_284, %parallel_loop3A_285 : i32
      %parallel_loop3A_287 = arith.constant 0 : i32
      %parallel_loop3A_288 = arith.addi %parallel_loop3A_287, %parallel_loop3A_286 : i32
      %parallel_loop3A_289 = arith.index_cast %parallel_loop3A_288 : i32 to index
      %parallel_loop3A_290 = tpu.vector_load %arg4[%parallel_loop3A_289] {strides = array<i32>} : memref<18432xi32, #tpu.memory_space<vmem>>, vector<16xi32>,
      tpu.vector_store_idx %arg5[%parallel_loop3A_290], %broadcast_in_dim3A_3 {add = true} : memref<49280xf32, #tpu.memory_space<vmem>>[vector<16xi32>], vector<16xf32>,
      %parallel_loop3A_291 = arith.constant 8 : i32
      %parallel_loop3A_292 = arith.muli %parallel_loop3A_220, %parallel_loop3A_291 : i32
      %parallel_loop3A_293 = arith.constant 7 : i32
      %parallel_loop3A_294 = arith.addi %parallel_loop3A_292, %parallel_loop3A_293 : i32
      %parallel_loop3A_295 = arith.constant 16 : i32
      %parallel_loop3A_296 = arith.muli %parallel_loop3A_294, %parallel_loop3A_295 : i32
      %parallel_loop3A_297 = arith.constant 0 : i32
      %parallel_loop3A_298 = arith.addi %parallel_loop3A_297, %parallel_loop3A_296 : i32
      %parallel_loop3A_299 = arith.index_cast %parallel_loop3A_298 : i32 to index
      %parallel_loop3A_300 = tpu.vector_load %arg4[%parallel_loop3A_299] {strides = array<i32>} : memref<18432xi32, #tpu.memory_space<vmem>>, vector<16xi32>,
      tpu.vector_store_idx %arg5[%parallel_loop3A_300], %broadcast_in_dim3A_3 {add = true} : memref<49280xf32, #tpu.memory_space<vmem>>[vector<16xi32>], vector<16xf32>,
    } {sc.loop_unroll_factor = 1 : i64, sc.parallel_access}
    %dma_wait3A_136 = arith.constant 9216 : i32
    %dma_wait3A_137 = tpu.memref_slice %arg4[%dma_wait3A_136] : memref<18432xi32, #tpu.memory_space<vmem>> -> memref<9216xi32, #tpu.memory_space<vmem>>
    %dma_wait3A_138 = tpu.memref_slice %arg2[%add3A_126] : memref<3538944xi32, #tpu.memory_space<hbm>> -> memref<9216xi32, #tpu.memory_space<hbm>>
    %dma_wait3A_139 = arith.constant 9216 : i32
    %dma_wait3A_140 = tpu.memref_slice %arg4[%dma_wait3A_139] : memref<18432xi32, #tpu.memory_space<vmem>> -> memref<9216xi32, #tpu.memory_space<vmem>>
    %dma_wait3A_141 = tpu.memref_slice %arg2[%add3A_126] : memref<3538944xi32, #tpu.memory_space<hbm>> -> memref<9216xi32, #tpu.memory_space<hbm>>
    tpu.wait_dma2 semaphore(%arg8 : memref<!tpu.dma_semaphore, #tpu.memory_space<semaphore_mem>>) src(%dma_wait3A_141 : memref<9216xi32, #tpu.memory_space<hbm>>) dst(%dma_wait3A_140 : memref<9216xi32, #tpu.memory_space<vmem>>)
    %add3A_142 = arith.constant 73728 : i32
    %add3A_143 = arith.addi %mul3A_11, %add3A_142 : i32
    %dma_start3A_144 = arith.constant 0 : i32
    %dma_start3A_145 = tpu.memref_slice %arg4[%dma_start3A_144] : memref<18432xi32, #tpu.memory_space<vmem>> -> memref<9216xi32, #tpu.memory_space<vmem>>
    %dma_start3A_146 = tpu.memref_slice %arg2[%add3A_143] : memref<3538944xi32, #tpu.memory_space<hbm>> -> memref<9216xi32, #tpu.memory_space<hbm>>
    %dma_start3A_147 = arith.constant 0 : i32
    %dma_start3A_148 = tpu.memref_slice %arg4[%dma_start3A_147] : memref<18432xi32, #tpu.memory_space<vmem>> -> memref<9216xi32, #tpu.memory_space<vmem>>
    %dma_start3A_149 = tpu.memref_slice %arg2[%add3A_143] : memref<3538944xi32, #tpu.memory_space<hbm>> -> memref<9216xi32, #tpu.memory_space<hbm>>
    tpu.enqueue_dma source(%dma_start3A_149 : memref<9216xi32, #tpu.memory_space<hbm>>) target(%dma_start3A_148 : memref<9216xi32, #tpu.memory_space<vmem>>) target_semaphore(%arg7 : memref<!tpu.dma_semaphore, #tpu.memory_space<semaphore_mem>>)
    %parallel_loop3A_150 = arith.constant 0 : i32
    %parallel_loop3A_151 = arith.constant 72 : i32
    %parallel_loop3A_152 = arith.constant 1 : i32
    scf.for %parallel_loop3A_220 = %parallel_loop3A_150 to %parallel_loop3A_151 step %parallel_loop3A_152  : i32 {
      %parallel_loop3A_221 = arith.constant 8 : i32
      %parallel_loop3A_222 = arith.muli %parallel_loop3A_220, %parallel_loop3A_221 : i32
      %parallel_loop3A_223 = arith.constant 0 : i32
      %parallel_loop3A_224 = arith.addi %parallel_loop3A_222, %parallel_loop3A_223 : i32
      %parallel_loop3A_225 = arith.constant 16 : i32
      %parallel_loop3A_226 = arith.muli %parallel_loop3A_224, %parallel_loop3A_225 : i32
      %parallel_loop3A_227 = arith.constant 9216 : i32
      %parallel_loop3A_228 = arith.addi %parallel_loop3A_227, %parallel_loop3A_226 : i32
      %parallel_loop3A_229 = arith.index_cast %parallel_loop3A_228 : i32 to index
      %parallel_loop3A_230 = tpu.vector_load %arg4[%parallel_loop3A_229] {strides = array<i32>} : memref<18432xi32, #tpu.memory_space<vmem>>, vector<16xi32>,
      tpu.vector_store_idx %arg5[%parallel_loop3A_230], %broadcast_in_dim3A_3 {add = true} : memref<49280xf32, #tpu.memory_space<vmem>>[vector<16xi32>], vector<16xf32>,
      %parallel_loop3A_231 = arith.constant 8 : i32
      %parallel_loop3A_232 = arith.muli %parallel_loop3A_220, %parallel_loop3A_231 : i32
      %parallel_loop3A_233 = arith.constant 1 : i32
      %parallel_loop3A_234 = arith.addi %parallel_loop3A_232, %parallel_loop3A_233 : i32
      %parallel_loop3A_235 = arith.constant 16 : i32
      %parallel_loop3A_236 = arith.muli %parallel_loop3A_234, %parallel_loop3A_235 : i32
      %parallel_loop3A_237 = arith.constant 9216 : i32
      %parallel_loop3A_238 = arith.addi %parallel_loop3A_237, %parallel_loop3A_236 : i32
      %parallel_loop3A_239 = arith.index_cast %parallel_loop3A_238 : i32 to index
      %parallel_loop3A_240 = tpu.vector_load %arg4[%parallel_loop3A_239] {strides = array<i32>} : memref<18432xi32, #tpu.memory_space<vmem>>, vector<16xi32>,
      tpu.vector_store_idx %arg5[%parallel_loop3A_240], %broadcast_in_dim3A_3 {add = true} : memref<49280xf32, #tpu.memory_space<vmem>>[vector<16xi32>], vector<16xf32>,
      %parallel_loop3A_241 = arith.constant 8 : i32
      %parallel_loop3A_242 = arith.muli %parallel_loop3A_220, %parallel_loop3A_241 : i32
      %parallel_loop3A_243 = arith.constant 2 : i32
      %parallel_loop3A_244 = arith.addi %parallel_loop3A_242, %parallel_loop3A_243 : i32
      %parallel_loop3A_245 = arith.constant 16 : i32
      %parallel_loop3A_246 = arith.muli %parallel_loop3A_244, %parallel_loop3A_245 : i32
      %parallel_loop3A_247 = arith.constant 9216 : i32
      %parallel_loop3A_248 = arith.addi %parallel_loop3A_247, %parallel_loop3A_246 : i32
      %parallel_loop3A_249 = arith.index_cast %parallel_loop3A_248 : i32 to index
      %parallel_loop3A_250 = tpu.vector_load %arg4[%parallel_loop3A_249] {strides = array<i32>} : memref<18432xi32, #tpu.memory_space<vmem>>, vector<16xi32>,
      tpu.vector_store_idx %arg5[%parallel_loop3A_250], %broadcast_in_dim3A_3 {add = true} : memref<49280xf32, #tpu.memory_space<vmem>>[vector<16xi32>], vector<16xf32>,
      %parallel_loop3A_251 = arith.constant 8 : i32
      %parallel_loop3A_252 = arith.muli %parallel_loop3A_220, %parallel_loop3A_251 : i32
      %parallel_loop3A_253 = arith.constant 3 : i32
      %parallel_loop3A_254 = arith.addi %parallel_loop3A_252, %parallel_loop3A_253 : i32
      %parallel_loop3A_255 = arith.constant 16 : i32
      %parallel_loop3A_256 = arith.muli %parallel_loop3A_254, %parallel_loop3A_255 : i32
      %parallel_loop3A_257 = arith.constant 9216 : i32
      %parallel_loop3A_258 = arith.addi %parallel_loop3A_257, %parallel_loop3A_256 : i32
      %parallel_loop3A_259 = arith.index_cast %parallel_loop3A_258 : i32 to index
      %parallel_loop3A_260 = tpu.vector_load %arg4[%parallel_loop3A_259] {strides = array<i32>} : memref<18432xi32, #tpu.memory_space<vmem>>, vector<16xi32>,
      tpu.vector_store_idx %arg5[%parallel_loop3A_260], %broadcast_in_dim3A_3 {add = true} : memref<49280xf32, #tpu.memory_space<vmem>>[vector<16xi32>], vector<16xf32>,
      %parallel_loop3A_261 = arith.constant 8 : i32
      %parallel_loop3A_262 = arith.muli %parallel_loop3A_220, %parallel_loop3A_261 : i32
      %parallel_loop3A_263 = arith.constant 4 : i32
      %parallel_loop3A_264 = arith.addi %parallel_loop3A_262, %parallel_loop3A_263 : i32
      %parallel_loop3A_265 = arith.constant 16 : i32
      %parallel_loop3A_266 = arith.muli %parallel_loop3A_264, %parallel_loop3A_265 : i32
      %parallel_loop3A_267 = arith.constant 9216 : i32
      %parallel_loop3A_268 = arith.addi %parallel_loop3A_267, %parallel_loop3A_266 : i32
      %parallel_loop3A_269 = arith.index_cast %parallel_loop3A_268 : i32 to index
      %parallel_loop3A_270 = tpu.vector_load %arg4[%parallel_loop3A_269] {strides = array<i32>} : memref<18432xi32, #tpu.memory_space<vmem>>, vector<16xi32>,
      tpu.vector_store_idx %arg5[%parallel_loop3A_270], %broadcast_in_dim3A_3 {add = true} : memref<49280xf32, #tpu.memory_space<vmem>>[vector<16xi32>], vector<16xf32>,
      %parallel_loop3A_271 = arith.constant 8 : i32
      %parallel_loop3A_272 = arith.muli %parallel_loop3A_220, %parallel_loop3A_271 : i32
      %parallel_loop3A_273 = arith.constant 5 : i32
      %parallel_loop3A_274 = arith.addi %parallel_loop3A_272, %parallel_loop3A_273 : i32
      %parallel_loop3A_275 = arith.constant 16 : i32
      %parallel_loop3A_276 = arith.muli %parallel_loop3A_274, %parallel_loop3A_275 : i32
      %parallel_loop3A_277 = arith.constant 9216 : i32
      %parallel_loop3A_278 = arith.addi %parallel_loop3A_277, %parallel_loop3A_276 : i32
      %parallel_loop3A_279 = arith.index_cast %parallel_loop3A_278 : i32 to index
      %parallel_loop3A_280 = tpu.vector_load %arg4[%parallel_loop3A_279] {strides = array<i32>} : memref<18432xi32, #tpu.memory_space<vmem>>, vector<16xi32>,
      tpu.vector_store_idx %arg5[%parallel_loop3A_280], %broadcast_in_dim3A_3 {add = true} : memref<49280xf32, #tpu.memory_space<vmem>>[vector<16xi32>], vector<16xf32>,
      %parallel_loop3A_281 = arith.constant 8 : i32
      %parallel_loop3A_282 = arith.muli %parallel_loop3A_220, %parallel_loop3A_281 : i32
      %parallel_loop3A_283 = arith.constant 6 : i32
      %parallel_loop3A_284 = arith.addi %parallel_loop3A_282, %parallel_loop3A_283 : i32
      %parallel_loop3A_285 = arith.constant 16 : i32
      %parallel_loop3A_286 = arith.muli %parallel_loop3A_284, %parallel_loop3A_285 : i32
      %parallel_loop3A_287 = arith.constant 9216 : i32
      %parallel_loop3A_288 = arith.addi %parallel_loop3A_287, %parallel_loop3A_286 : i32
      %parallel_loop3A_289 = arith.index_cast %parallel_loop3A_288 : i32 to index
      %parallel_loop3A_290 = tpu.vector_load %arg4[%parallel_loop3A_289] {strides = array<i32>} : memref<18432xi32, #tpu.memory_space<vmem>>, vector<16xi32>,
      tpu.vector_store_idx %arg5[%parallel_loop3A_290], %broadcast_in_dim3A_3 {add = true} : memref<49280xf32, #tpu.memory_space<vmem>>[vector<16xi32>], vector<16xf32>,
      %parallel_loop3A_291 = arith.constant 8 : i32
      %parallel_loop3A_292 = arith.muli %parallel_loop3A_220, %parallel_loop3A_291 : i32
      %parallel_loop3A_293 = arith.constant 7 : i32
      %parallel_loop3A_294 = arith.addi %parallel_loop3A_292, %parallel_loop3A_293 : i32
      %parallel_loop3A_295 = arith.constant 16 : i32
      %parallel_loop3A_296 = arith.muli %parallel_loop3A_294, %parallel_loop3A_295 : i32
      %parallel_loop3A_297 = arith.constant 9216 : i32
      %parallel_loop3A_298 = arith.addi %parallel_loop3A_297, %parallel_loop3A_296 : i32
      %parallel_loop3A_299 = arith.index_cast %parallel_loop3A_298 : i32 to index
      %parallel_loop3A_300 = tpu.vector_load %arg4[%parallel_loop3A_299] {strides = array<i32>} : memref<18432xi32, #tpu.memory_space<vmem>>, vector<16xi32>,
      tpu.vector_store_idx %arg5[%parallel_loop3A_300], %broadcast_in_dim3A_3 {add = true} : memref<49280xf32, #tpu.memory_space<vmem>>[vector<16xi32>], vector<16xf32>,
    } {sc.loop_unroll_factor = 1 : i64, sc.parallel_access}
    %dma_wait3A_153 = arith.constant 0 : i32
    %dma_wait3A_154 = tpu.memref_slice %arg4[%dma_wait3A_153] : memref<18432xi32, #tpu.memory_space<vmem>> -> memref<9216xi32, #tpu.memory_space<vmem>>
    %dma_wait3A_155 = tpu.memref_slice %arg2[%add3A_143] : memref<3538944xi32, #tpu.memory_space<hbm>> -> memref<9216xi32, #tpu.memory_space<hbm>>
    %dma_wait3A_156 = arith.constant 0 : i32
    %dma_wait3A_157 = tpu.memref_slice %arg4[%dma_wait3A_156] : memref<18432xi32, #tpu.memory_space<vmem>> -> memref<9216xi32, #tpu.memory_space<vmem>>
    %dma_wait3A_158 = tpu.memref_slice %arg2[%add3A_143] : memref<3538944xi32, #tpu.memory_space<hbm>> -> memref<9216xi32, #tpu.memory_space<hbm>>
    tpu.wait_dma2 semaphore(%arg7 : memref<!tpu.dma_semaphore, #tpu.memory_space<semaphore_mem>>) src(%dma_wait3A_158 : memref<9216xi32, #tpu.memory_space<hbm>>) dst(%dma_wait3A_157 : memref<9216xi32, #tpu.memory_space<vmem>>)
    %add3A_159 = arith.constant 82944 : i32
    %add3A_160 = arith.addi %mul3A_11, %add3A_159 : i32
    %dma_start3A_161 = arith.constant 9216 : i32
    %dma_start3A_162 = tpu.memref_slice %arg4[%dma_start3A_161] : memref<18432xi32, #tpu.memory_space<vmem>> -> memref<9216xi32, #tpu.memory_space<vmem>>
    %dma_start3A_163 = tpu.memref_slice %arg2[%add3A_160] : memref<3538944xi32, #tpu.memory_space<hbm>> -> memref<9216xi32, #tpu.memory_space<hbm>>
    %dma_start3A_164 = arith.constant 9216 : i32
    %dma_start3A_165 = tpu.memref_slice %arg4[%dma_start3A_164] : memref<18432xi32, #tpu.memory_space<vmem>> -> memref<9216xi32, #tpu.memory_space<vmem>>
    %dma_start3A_166 = tpu.memref_slice %arg2[%add3A_160] : memref<3538944xi32, #tpu.memory_space<hbm>> -> memref<9216xi32, #tpu.memory_space<hbm>>
    tpu.enqueue_dma source(%dma_start3A_166 : memref<9216xi32, #tpu.memory_space<hbm>>) target(%dma_start3A_165 : memref<9216xi32, #tpu.memory_space<vmem>>) target_semaphore(%arg8 : memref<!tpu.dma_semaphore, #tpu.memory_space<semaphore_mem>>)
    %parallel_loop3A_167 = arith.constant 0 : i32
    %parallel_loop3A_168 = arith.constant 72 : i32
    %parallel_loop3A_169 = arith.constant 1 : i32
    scf.for %parallel_loop3A_220 = %parallel_loop3A_167 to %parallel_loop3A_168 step %parallel_loop3A_169  : i32 {
      %parallel_loop3A_221 = arith.constant 8 : i32
      %parallel_loop3A_222 = arith.muli %parallel_loop3A_220, %parallel_loop3A_221 : i32
      %parallel_loop3A_223 = arith.constant 0 : i32
      %parallel_loop3A_224 = arith.addi %parallel_loop3A_222, %parallel_loop3A_223 : i32
      %parallel_loop3A_225 = arith.constant 16 : i32
      %parallel_loop3A_226 = arith.muli %parallel_loop3A_224, %parallel_loop3A_225 : i32
      %parallel_loop3A_227 = arith.constant 0 : i32
      %parallel_loop3A_228 = arith.addi %parallel_loop3A_227, %parallel_loop3A_226 : i32
      %parallel_loop3A_229 = arith.index_cast %parallel_loop3A_228 : i32 to index
      %parallel_loop3A_230 = tpu.vector_load %arg4[%parallel_loop3A_229] {strides = array<i32>} : memref<18432xi32, #tpu.memory_space<vmem>>, vector<16xi32>,
      tpu.vector_store_idx %arg5[%parallel_loop3A_230], %broadcast_in_dim3A_3 {add = true} : memref<49280xf32, #tpu.memory_space<vmem>>[vector<16xi32>], vector<16xf32>,
      %parallel_loop3A_231 = arith.constant 8 : i32
      %parallel_loop3A_232 = arith.muli %parallel_loop3A_220, %parallel_loop3A_231 : i32
      %parallel_loop3A_233 = arith.constant 1 : i32
      %parallel_loop3A_234 = arith.addi %parallel_loop3A_232, %parallel_loop3A_233 : i32
      %parallel_loop3A_235 = arith.constant 16 : i32
      %parallel_loop3A_236 = arith.muli %parallel_loop3A_234, %parallel_loop3A_235 : i32
      %parallel_loop3A_237 = arith.constant 0 : i32
      %parallel_loop3A_238 = arith.addi %parallel_loop3A_237, %parallel_loop3A_236 : i32
      %parallel_loop3A_239 = arith.index_cast %parallel_loop3A_238 : i32 to index
      %parallel_loop3A_240 = tpu.vector_load %arg4[%parallel_loop3A_239] {strides = array<i32>} : memref<18432xi32, #tpu.memory_space<vmem>>, vector<16xi32>,
      tpu.vector_store_idx %arg5[%parallel_loop3A_240], %broadcast_in_dim3A_3 {add = true} : memref<49280xf32, #tpu.memory_space<vmem>>[vector<16xi32>], vector<16xf32>,
      %parallel_loop3A_241 = arith.constant 8 : i32
      %parallel_loop3A_242 = arith.muli %parallel_loop3A_220, %parallel_loop3A_241 : i32
      %parallel_loop3A_243 = arith.constant 2 : i32
      %parallel_loop3A_244 = arith.addi %parallel_loop3A_242, %parallel_loop3A_243 : i32
      %parallel_loop3A_245 = arith.constant 16 : i32
      %parallel_loop3A_246 = arith.muli %parallel_loop3A_244, %parallel_loop3A_245 : i32
      %parallel_loop3A_247 = arith.constant 0 : i32
      %parallel_loop3A_248 = arith.addi %parallel_loop3A_247, %parallel_loop3A_246 : i32
      %parallel_loop3A_249 = arith.index_cast %parallel_loop3A_248 : i32 to index
      %parallel_loop3A_250 = tpu.vector_load %arg4[%parallel_loop3A_249] {strides = array<i32>} : memref<18432xi32, #tpu.memory_space<vmem>>, vector<16xi32>,
      tpu.vector_store_idx %arg5[%parallel_loop3A_250], %broadcast_in_dim3A_3 {add = true} : memref<49280xf32, #tpu.memory_space<vmem>>[vector<16xi32>], vector<16xf32>,
      %parallel_loop3A_251 = arith.constant 8 : i32
      %parallel_loop3A_252 = arith.muli %parallel_loop3A_220, %parallel_loop3A_251 : i32
      %parallel_loop3A_253 = arith.constant 3 : i32
      %parallel_loop3A_254 = arith.addi %parallel_loop3A_252, %parallel_loop3A_253 : i32
      %parallel_loop3A_255 = arith.constant 16 : i32
      %parallel_loop3A_256 = arith.muli %parallel_loop3A_254, %parallel_loop3A_255 : i32
      %parallel_loop3A_257 = arith.constant 0 : i32
      %parallel_loop3A_258 = arith.addi %parallel_loop3A_257, %parallel_loop3A_256 : i32
      %parallel_loop3A_259 = arith.index_cast %parallel_loop3A_258 : i32 to index
      %parallel_loop3A_260 = tpu.vector_load %arg4[%parallel_loop3A_259] {strides = array<i32>} : memref<18432xi32, #tpu.memory_space<vmem>>, vector<16xi32>,
      tpu.vector_store_idx %arg5[%parallel_loop3A_260], %broadcast_in_dim3A_3 {add = true} : memref<49280xf32, #tpu.memory_space<vmem>>[vector<16xi32>], vector<16xf32>,
      %parallel_loop3A_261 = arith.constant 8 : i32
      %parallel_loop3A_262 = arith.muli %parallel_loop3A_220, %parallel_loop3A_261 : i32
      %parallel_loop3A_263 = arith.constant 4 : i32
      %parallel_loop3A_264 = arith.addi %parallel_loop3A_262, %parallel_loop3A_263 : i32
      %parallel_loop3A_265 = arith.constant 16 : i32
      %parallel_loop3A_266 = arith.muli %parallel_loop3A_264, %parallel_loop3A_265 : i32
      %parallel_loop3A_267 = arith.constant 0 : i32
      %parallel_loop3A_268 = arith.addi %parallel_loop3A_267, %parallel_loop3A_266 : i32
      %parallel_loop3A_269 = arith.index_cast %parallel_loop3A_268 : i32 to index
      %parallel_loop3A_270 = tpu.vector_load %arg4[%parallel_loop3A_269] {strides = array<i32>} : memref<18432xi32, #tpu.memory_space<vmem>>, vector<16xi32>,
      tpu.vector_store_idx %arg5[%parallel_loop3A_270], %broadcast_in_dim3A_3 {add = true} : memref<49280xf32, #tpu.memory_space<vmem>>[vector<16xi32>], vector<16xf32>,
      %parallel_loop3A_271 = arith.constant 8 : i32
      %parallel_loop3A_272 = arith.muli %parallel_loop3A_220, %parallel_loop3A_271 : i32
      %parallel_loop3A_273 = arith.constant 5 : i32
      %parallel_loop3A_274 = arith.addi %parallel_loop3A_272, %parallel_loop3A_273 : i32
      %parallel_loop3A_275 = arith.constant 16 : i32
      %parallel_loop3A_276 = arith.muli %parallel_loop3A_274, %parallel_loop3A_275 : i32
      %parallel_loop3A_277 = arith.constant 0 : i32
      %parallel_loop3A_278 = arith.addi %parallel_loop3A_277, %parallel_loop3A_276 : i32
      %parallel_loop3A_279 = arith.index_cast %parallel_loop3A_278 : i32 to index
      %parallel_loop3A_280 = tpu.vector_load %arg4[%parallel_loop3A_279] {strides = array<i32>} : memref<18432xi32, #tpu.memory_space<vmem>>, vector<16xi32>,
      tpu.vector_store_idx %arg5[%parallel_loop3A_280], %broadcast_in_dim3A_3 {add = true} : memref<49280xf32, #tpu.memory_space<vmem>>[vector<16xi32>], vector<16xf32>,
      %parallel_loop3A_281 = arith.constant 8 : i32
      %parallel_loop3A_282 = arith.muli %parallel_loop3A_220, %parallel_loop3A_281 : i32
      %parallel_loop3A_283 = arith.constant 6 : i32
      %parallel_loop3A_284 = arith.addi %parallel_loop3A_282, %parallel_loop3A_283 : i32
      %parallel_loop3A_285 = arith.constant 16 : i32
      %parallel_loop3A_286 = arith.muli %parallel_loop3A_284, %parallel_loop3A_285 : i32
      %parallel_loop3A_287 = arith.constant 0 : i32
      %parallel_loop3A_288 = arith.addi %parallel_loop3A_287, %parallel_loop3A_286 : i32
      %parallel_loop3A_289 = arith.index_cast %parallel_loop3A_288 : i32 to index
      %parallel_loop3A_290 = tpu.vector_load %arg4[%parallel_loop3A_289] {strides = array<i32>} : memref<18432xi32, #tpu.memory_space<vmem>>, vector<16xi32>,
      tpu.vector_store_idx %arg5[%parallel_loop3A_290], %broadcast_in_dim3A_3 {add = true} : memref<49280xf32, #tpu.memory_space<vmem>>[vector<16xi32>], vector<16xf32>,
      %parallel_loop3A_291 = arith.constant 8 : i32
      %parallel_loop3A_292 = arith.muli %parallel_loop3A_220, %parallel_loop3A_291 : i32
      %parallel_loop3A_293 = arith.constant 7 : i32
      %parallel_loop3A_294 = arith.addi %parallel_loop3A_292, %parallel_loop3A_293 : i32
      %parallel_loop3A_295 = arith.constant 16 : i32
      %parallel_loop3A_296 = arith.muli %parallel_loop3A_294, %parallel_loop3A_295 : i32
      %parallel_loop3A_297 = arith.constant 0 : i32
      %parallel_loop3A_298 = arith.addi %parallel_loop3A_297, %parallel_loop3A_296 : i32
      %parallel_loop3A_299 = arith.index_cast %parallel_loop3A_298 : i32 to index
      %parallel_loop3A_300 = tpu.vector_load %arg4[%parallel_loop3A_299] {strides = array<i32>} : memref<18432xi32, #tpu.memory_space<vmem>>, vector<16xi32>,
      tpu.vector_store_idx %arg5[%parallel_loop3A_300], %broadcast_in_dim3A_3 {add = true} : memref<49280xf32, #tpu.memory_space<vmem>>[vector<16xi32>], vector<16xf32>,
    } {sc.loop_unroll_factor = 1 : i64, sc.parallel_access}
    %dma_wait3A_170 = arith.constant 9216 : i32
    %dma_wait3A_171 = tpu.memref_slice %arg4[%dma_wait3A_170] : memref<18432xi32, #tpu.memory_space<vmem>> -> memref<9216xi32, #tpu.memory_space<vmem>>
    %dma_wait3A_172 = tpu.memref_slice %arg2[%add3A_160] : memref<3538944xi32, #tpu.memory_space<hbm>> -> memref<9216xi32, #tpu.memory_space<hbm>>
    %dma_wait3A_173 = arith.constant 9216 : i32
    %dma_wait3A_174 = tpu.memref_slice %arg4[%dma_wait3A_173] : memref<18432xi32, #tpu.memory_space<vmem>> -> memref<9216xi32, #tpu.memory_space<vmem>>
    %dma_wait3A_175 = tpu.memref_slice %arg2[%add3A_160] : memref<3538944xi32, #tpu.memory_space<hbm>> -> memref<9216xi32, #tpu.memory_space<hbm>>
    tpu.wait_dma2 semaphore(%arg8 : memref<!tpu.dma_semaphore, #tpu.memory_space<semaphore_mem>>) src(%dma_wait3A_175 : memref<9216xi32, #tpu.memory_space<hbm>>) dst(%dma_wait3A_174 : memref<9216xi32, #tpu.memory_space<vmem>>)
    %add3A_176 = arith.constant 92160 : i32
    %add3A_177 = arith.addi %mul3A_11, %add3A_176 : i32
    %dma_start3A_178 = arith.constant 0 : i32
    %dma_start3A_179 = tpu.memref_slice %arg4[%dma_start3A_178] : memref<18432xi32, #tpu.memory_space<vmem>> -> memref<9216xi32, #tpu.memory_space<vmem>>
    %dma_start3A_180 = tpu.memref_slice %arg2[%add3A_177] : memref<3538944xi32, #tpu.memory_space<hbm>> -> memref<9216xi32, #tpu.memory_space<hbm>>
    %dma_start3A_181 = arith.constant 0 : i32
    %dma_start3A_182 = tpu.memref_slice %arg4[%dma_start3A_181] : memref<18432xi32, #tpu.memory_space<vmem>> -> memref<9216xi32, #tpu.memory_space<vmem>>
    %dma_start3A_183 = tpu.memref_slice %arg2[%add3A_177] : memref<3538944xi32, #tpu.memory_space<hbm>> -> memref<9216xi32, #tpu.memory_space<hbm>>
    tpu.enqueue_dma source(%dma_start3A_183 : memref<9216xi32, #tpu.memory_space<hbm>>) target(%dma_start3A_182 : memref<9216xi32, #tpu.memory_space<vmem>>) target_semaphore(%arg7 : memref<!tpu.dma_semaphore, #tpu.memory_space<semaphore_mem>>)
    %parallel_loop3A_184 = arith.constant 0 : i32
    %parallel_loop3A_185 = arith.constant 72 : i32
    %parallel_loop3A_186 = arith.constant 1 : i32
    scf.for %parallel_loop3A_220 = %parallel_loop3A_184 to %parallel_loop3A_185 step %parallel_loop3A_186  : i32 {
      %parallel_loop3A_221 = arith.constant 8 : i32
      %parallel_loop3A_222 = arith.muli %parallel_loop3A_220, %parallel_loop3A_221 : i32
      %parallel_loop3A_223 = arith.constant 0 : i32
      %parallel_loop3A_224 = arith.addi %parallel_loop3A_222, %parallel_loop3A_223 : i32
      %parallel_loop3A_225 = arith.constant 16 : i32
      %parallel_loop3A_226 = arith.muli %parallel_loop3A_224, %parallel_loop3A_225 : i32
      %parallel_loop3A_227 = arith.constant 9216 : i32
      %parallel_loop3A_228 = arith.addi %parallel_loop3A_227, %parallel_loop3A_226 : i32
      %parallel_loop3A_229 = arith.index_cast %parallel_loop3A_228 : i32 to index
      %parallel_loop3A_230 = tpu.vector_load %arg4[%parallel_loop3A_229] {strides = array<i32>} : memref<18432xi32, #tpu.memory_space<vmem>>, vector<16xi32>,
      tpu.vector_store_idx %arg5[%parallel_loop3A_230], %broadcast_in_dim3A_3 {add = true} : memref<49280xf32, #tpu.memory_space<vmem>>[vector<16xi32>], vector<16xf32>,
      %parallel_loop3A_231 = arith.constant 8 : i32
      %parallel_loop3A_232 = arith.muli %parallel_loop3A_220, %parallel_loop3A_231 : i32
      %parallel_loop3A_233 = arith.constant 1 : i32
      %parallel_loop3A_234 = arith.addi %parallel_loop3A_232, %parallel_loop3A_233 : i32
      %parallel_loop3A_235 = arith.constant 16 : i32
      %parallel_loop3A_236 = arith.muli %parallel_loop3A_234, %parallel_loop3A_235 : i32
      %parallel_loop3A_237 = arith.constant 9216 : i32
      %parallel_loop3A_238 = arith.addi %parallel_loop3A_237, %parallel_loop3A_236 : i32
      %parallel_loop3A_239 = arith.index_cast %parallel_loop3A_238 : i32 to index
      %parallel_loop3A_240 = tpu.vector_load %arg4[%parallel_loop3A_239] {strides = array<i32>} : memref<18432xi32, #tpu.memory_space<vmem>>, vector<16xi32>,
      tpu.vector_store_idx %arg5[%parallel_loop3A_240], %broadcast_in_dim3A_3 {add = true} : memref<49280xf32, #tpu.memory_space<vmem>>[vector<16xi32>], vector<16xf32>,
      %parallel_loop3A_241 = arith.constant 8 : i32
      %parallel_loop3A_242 = arith.muli %parallel_loop3A_220, %parallel_loop3A_241 : i32
      %parallel_loop3A_243 = arith.constant 2 : i32
      %parallel_loop3A_244 = arith.addi %parallel_loop3A_242, %parallel_loop3A_243 : i32
      %parallel_loop3A_245 = arith.constant 16 : i32
      %parallel_loop3A_246 = arith.muli %parallel_loop3A_244, %parallel_loop3A_245 : i32
      %parallel_loop3A_247 = arith.constant 9216 : i32
      %parallel_loop3A_248 = arith.addi %parallel_loop3A_247, %parallel_loop3A_246 : i32
      %parallel_loop3A_249 = arith.index_cast %parallel_loop3A_248 : i32 to index
      %parallel_loop3A_250 = tpu.vector_load %arg4[%parallel_loop3A_249] {strides = array<i32>} : memref<18432xi32, #tpu.memory_space<vmem>>, vector<16xi32>,
      tpu.vector_store_idx %arg5[%parallel_loop3A_250], %broadcast_in_dim3A_3 {add = true} : memref<49280xf32, #tpu.memory_space<vmem>>[vector<16xi32>], vector<16xf32>,
      %parallel_loop3A_251 = arith.constant 8 : i32
      %parallel_loop3A_252 = arith.muli %parallel_loop3A_220, %parallel_loop3A_251 : i32
      %parallel_loop3A_253 = arith.constant 3 : i32
      %parallel_loop3A_254 = arith.addi %parallel_loop3A_252, %parallel_loop3A_253 : i32
      %parallel_loop3A_255 = arith.constant 16 : i32
      %parallel_loop3A_256 = arith.muli %parallel_loop3A_254, %parallel_loop3A_255 : i32
      %parallel_loop3A_257 = arith.constant 9216 : i32
      %parallel_loop3A_258 = arith.addi %parallel_loop3A_257, %parallel_loop3A_256 : i32
      %parallel_loop3A_259 = arith.index_cast %parallel_loop3A_258 : i32 to index
      %parallel_loop3A_260 = tpu.vector_load %arg4[%parallel_loop3A_259] {strides = array<i32>} : memref<18432xi32, #tpu.memory_space<vmem>>, vector<16xi32>,
      tpu.vector_store_idx %arg5[%parallel_loop3A_260], %broadcast_in_dim3A_3 {add = true} : memref<49280xf32, #tpu.memory_space<vmem>>[vector<16xi32>], vector<16xf32>,
      %parallel_loop3A_261 = arith.constant 8 : i32
      %parallel_loop3A_262 = arith.muli %parallel_loop3A_220, %parallel_loop3A_261 : i32
      %parallel_loop3A_263 = arith.constant 4 : i32
      %parallel_loop3A_264 = arith.addi %parallel_loop3A_262, %parallel_loop3A_263 : i32
      %parallel_loop3A_265 = arith.constant 16 : i32
      %parallel_loop3A_266 = arith.muli %parallel_loop3A_264, %parallel_loop3A_265 : i32
      %parallel_loop3A_267 = arith.constant 9216 : i32
      %parallel_loop3A_268 = arith.addi %parallel_loop3A_267, %parallel_loop3A_266 : i32
      %parallel_loop3A_269 = arith.index_cast %parallel_loop3A_268 : i32 to index
      %parallel_loop3A_270 = tpu.vector_load %arg4[%parallel_loop3A_269] {strides = array<i32>} : memref<18432xi32, #tpu.memory_space<vmem>>, vector<16xi32>,
      tpu.vector_store_idx %arg5[%parallel_loop3A_270], %broadcast_in_dim3A_3 {add = true} : memref<49280xf32, #tpu.memory_space<vmem>>[vector<16xi32>], vector<16xf32>,
      %parallel_loop3A_271 = arith.constant 8 : i32
      %parallel_loop3A_272 = arith.muli %parallel_loop3A_220, %parallel_loop3A_271 : i32
      %parallel_loop3A_273 = arith.constant 5 : i32
      %parallel_loop3A_274 = arith.addi %parallel_loop3A_272, %parallel_loop3A_273 : i32
      %parallel_loop3A_275 = arith.constant 16 : i32
      %parallel_loop3A_276 = arith.muli %parallel_loop3A_274, %parallel_loop3A_275 : i32
      %parallel_loop3A_277 = arith.constant 9216 : i32
      %parallel_loop3A_278 = arith.addi %parallel_loop3A_277, %parallel_loop3A_276 : i32
      %parallel_loop3A_279 = arith.index_cast %parallel_loop3A_278 : i32 to index
      %parallel_loop3A_280 = tpu.vector_load %arg4[%parallel_loop3A_279] {strides = array<i32>} : memref<18432xi32, #tpu.memory_space<vmem>>, vector<16xi32>,
      tpu.vector_store_idx %arg5[%parallel_loop3A_280], %broadcast_in_dim3A_3 {add = true} : memref<49280xf32, #tpu.memory_space<vmem>>[vector<16xi32>], vector<16xf32>,
      %parallel_loop3A_281 = arith.constant 8 : i32
      %parallel_loop3A_282 = arith.muli %parallel_loop3A_220, %parallel_loop3A_281 : i32
      %parallel_loop3A_283 = arith.constant 6 : i32
      %parallel_loop3A_284 = arith.addi %parallel_loop3A_282, %parallel_loop3A_283 : i32
      %parallel_loop3A_285 = arith.constant 16 : i32
      %parallel_loop3A_286 = arith.muli %parallel_loop3A_284, %parallel_loop3A_285 : i32
      %parallel_loop3A_287 = arith.constant 9216 : i32
      %parallel_loop3A_288 = arith.addi %parallel_loop3A_287, %parallel_loop3A_286 : i32
      %parallel_loop3A_289 = arith.index_cast %parallel_loop3A_288 : i32 to index
      %parallel_loop3A_290 = tpu.vector_load %arg4[%parallel_loop3A_289] {strides = array<i32>} : memref<18432xi32, #tpu.memory_space<vmem>>, vector<16xi32>,
      tpu.vector_store_idx %arg5[%parallel_loop3A_290], %broadcast_in_dim3A_3 {add = true} : memref<49280xf32, #tpu.memory_space<vmem>>[vector<16xi32>], vector<16xf32>,
      %parallel_loop3A_291 = arith.constant 8 : i32
      %parallel_loop3A_292 = arith.muli %parallel_loop3A_220, %parallel_loop3A_291 : i32
      %parallel_loop3A_293 = arith.constant 7 : i32
      %parallel_loop3A_294 = arith.addi %parallel_loop3A_292, %parallel_loop3A_293 : i32
      %parallel_loop3A_295 = arith.constant 16 : i32
      %parallel_loop3A_296 = arith.muli %parallel_loop3A_294, %parallel_loop3A_295 : i32
      %parallel_loop3A_297 = arith.constant 9216 : i32
      %parallel_loop3A_298 = arith.addi %parallel_loop3A_297, %parallel_loop3A_296 : i32
      %parallel_loop3A_299 = arith.index_cast %parallel_loop3A_298 : i32 to index
      %parallel_loop3A_300 = tpu.vector_load %arg4[%parallel_loop3A_299] {strides = array<i32>} : memref<18432xi32, #tpu.memory_space<vmem>>, vector<16xi32>,
      tpu.vector_store_idx %arg5[%parallel_loop3A_300], %broadcast_in_dim3A_3 {add = true} : memref<49280xf32, #tpu.memory_space<vmem>>[vector<16xi32>], vector<16xf32>,
    } {sc.loop_unroll_factor = 1 : i64, sc.parallel_access}
    %dma_wait3A_187 = arith.constant 0 : i32
    %dma_wait3A_188 = tpu.memref_slice %arg4[%dma_wait3A_187] : memref<18432xi32, #tpu.memory_space<vmem>> -> memref<9216xi32, #tpu.memory_space<vmem>>
    %dma_wait3A_189 = tpu.memref_slice %arg2[%add3A_177] : memref<3538944xi32, #tpu.memory_space<hbm>> -> memref<9216xi32, #tpu.memory_space<hbm>>
    %dma_wait3A_190 = arith.constant 0 : i32
    %dma_wait3A_191 = tpu.memref_slice %arg4[%dma_wait3A_190] : memref<18432xi32, #tpu.memory_space<vmem>> -> memref<9216xi32, #tpu.memory_space<vmem>>
    %dma_wait3A_192 = tpu.memref_slice %arg2[%add3A_177] : memref<3538944xi32, #tpu.memory_space<hbm>> -> memref<9216xi32, #tpu.memory_space<hbm>>
    tpu.wait_dma2 semaphore(%arg7 : memref<!tpu.dma_semaphore, #tpu.memory_space<semaphore_mem>>) src(%dma_wait3A_192 : memref<9216xi32, #tpu.memory_space<hbm>>) dst(%dma_wait3A_191 : memref<9216xi32, #tpu.memory_space<vmem>>)
    %add3A_193 = arith.constant 101376 : i32
    %add3A_194 = arith.addi %mul3A_11, %add3A_193 : i32
    %dma_start3A_195 = arith.constant 9216 : i32
    %dma_start3A_196 = tpu.memref_slice %arg4[%dma_start3A_195] : memref<18432xi32, #tpu.memory_space<vmem>> -> memref<9216xi32, #tpu.memory_space<vmem>>
    %dma_start3A_197 = tpu.memref_slice %arg2[%add3A_194] : memref<3538944xi32, #tpu.memory_space<hbm>> -> memref<9216xi32, #tpu.memory_space<hbm>>
    %dma_start3A_198 = arith.constant 9216 : i32
    %dma_start3A_199 = tpu.memref_slice %arg4[%dma_start3A_198] : memref<18432xi32, #tpu.memory_space<vmem>> -> memref<9216xi32, #tpu.memory_space<vmem>>
    %dma_start3A_200 = tpu.memref_slice %arg2[%add3A_194] : memref<3538944xi32, #tpu.memory_space<hbm>> -> memref<9216xi32, #tpu.memory_space<hbm>>
    tpu.enqueue_dma source(%dma_start3A_200 : memref<9216xi32, #tpu.memory_space<hbm>>) target(%dma_start3A_199 : memref<9216xi32, #tpu.memory_space<vmem>>) target_semaphore(%arg8 : memref<!tpu.dma_semaphore, #tpu.memory_space<semaphore_mem>>)
    %parallel_loop3A_201 = arith.constant 0 : i32
    %parallel_loop3A_202 = arith.constant 72 : i32
    %parallel_loop3A_203 = arith.constant 1 : i32
    scf.for %parallel_loop3A_220 = %parallel_loop3A_201 to %parallel_loop3A_202 step %parallel_loop3A_203  : i32 {
      %parallel_loop3A_221 = arith.constant 8 : i32
      %parallel_loop3A_222 = arith.muli %parallel_loop3A_220, %parallel_loop3A_221 : i32
      %parallel_loop3A_223 = arith.constant 0 : i32
      %parallel_loop3A_224 = arith.addi %parallel_loop3A_222, %parallel_loop3A_223 : i32
      %parallel_loop3A_225 = arith.constant 16 : i32
      %parallel_loop3A_226 = arith.muli %parallel_loop3A_224, %parallel_loop3A_225 : i32
      %parallel_loop3A_227 = arith.constant 0 : i32
      %parallel_loop3A_228 = arith.addi %parallel_loop3A_227, %parallel_loop3A_226 : i32
      %parallel_loop3A_229 = arith.index_cast %parallel_loop3A_228 : i32 to index
      %parallel_loop3A_230 = tpu.vector_load %arg4[%parallel_loop3A_229] {strides = array<i32>} : memref<18432xi32, #tpu.memory_space<vmem>>, vector<16xi32>,
      tpu.vector_store_idx %arg5[%parallel_loop3A_230], %broadcast_in_dim3A_3 {add = true} : memref<49280xf32, #tpu.memory_space<vmem>>[vector<16xi32>], vector<16xf32>,
      %parallel_loop3A_231 = arith.constant 8 : i32
      %parallel_loop3A_232 = arith.muli %parallel_loop3A_220, %parallel_loop3A_231 : i32
      %parallel_loop3A_233 = arith.constant 1 : i32
      %parallel_loop3A_234 = arith.addi %parallel_loop3A_232, %parallel_loop3A_233 : i32
      %parallel_loop3A_235 = arith.constant 16 : i32
      %parallel_loop3A_236 = arith.muli %parallel_loop3A_234, %parallel_loop3A_235 : i32
      %parallel_loop3A_237 = arith.constant 0 : i32
      %parallel_loop3A_238 = arith.addi %parallel_loop3A_237, %parallel_loop3A_236 : i32
      %parallel_loop3A_239 = arith.index_cast %parallel_loop3A_238 : i32 to index
      %parallel_loop3A_240 = tpu.vector_load %arg4[%parallel_loop3A_239] {strides = array<i32>} : memref<18432xi32, #tpu.memory_space<vmem>>, vector<16xi32>,
      tpu.vector_store_idx %arg5[%parallel_loop3A_240], %broadcast_in_dim3A_3 {add = true} : memref<49280xf32, #tpu.memory_space<vmem>>[vector<16xi32>], vector<16xf32>,
      %parallel_loop3A_241 = arith.constant 8 : i32
      %parallel_loop3A_242 = arith.muli %parallel_loop3A_220, %parallel_loop3A_241 : i32
      %parallel_loop3A_243 = arith.constant 2 : i32
      %parallel_loop3A_244 = arith.addi %parallel_loop3A_242, %parallel_loop3A_243 : i32
      %parallel_loop3A_245 = arith.constant 16 : i32
      %parallel_loop3A_246 = arith.muli %parallel_loop3A_244, %parallel_loop3A_245 : i32
      %parallel_loop3A_247 = arith.constant 0 : i32
      %parallel_loop3A_248 = arith.addi %parallel_loop3A_247, %parallel_loop3A_246 : i32
      %parallel_loop3A_249 = arith.index_cast %parallel_loop3A_248 : i32 to index
      %parallel_loop3A_250 = tpu.vector_load %arg4[%parallel_loop3A_249] {strides = array<i32>} : memref<18432xi32, #tpu.memory_space<vmem>>, vector<16xi32>,
      tpu.vector_store_idx %arg5[%parallel_loop3A_250], %broadcast_in_dim3A_3 {add = true} : memref<49280xf32, #tpu.memory_space<vmem>>[vector<16xi32>], vector<16xf32>,
      %parallel_loop3A_251 = arith.constant 8 : i32
      %parallel_loop3A_252 = arith.muli %parallel_loop3A_220, %parallel_loop3A_251 : i32
      %parallel_loop3A_253 = arith.constant 3 : i32
      %parallel_loop3A_254 = arith.addi %parallel_loop3A_252, %parallel_loop3A_253 : i32
      %parallel_loop3A_255 = arith.constant 16 : i32
      %parallel_loop3A_256 = arith.muli %parallel_loop3A_254, %parallel_loop3A_255 : i32
      %parallel_loop3A_257 = arith.constant 0 : i32
      %parallel_loop3A_258 = arith.addi %parallel_loop3A_257, %parallel_loop3A_256 : i32
      %parallel_loop3A_259 = arith.index_cast %parallel_loop3A_258 : i32 to index
      %parallel_loop3A_260 = tpu.vector_load %arg4[%parallel_loop3A_259] {strides = array<i32>} : memref<18432xi32, #tpu.memory_space<vmem>>, vector<16xi32>,
      tpu.vector_store_idx %arg5[%parallel_loop3A_260], %broadcast_in_dim3A_3 {add = true} : memref<49280xf32, #tpu.memory_space<vmem>>[vector<16xi32>], vector<16xf32>,
      %parallel_loop3A_261 = arith.constant 8 : i32
      %parallel_loop3A_262 = arith.muli %parallel_loop3A_220, %parallel_loop3A_261 : i32
      %parallel_loop3A_263 = arith.constant 4 : i32
      %parallel_loop3A_264 = arith.addi %parallel_loop3A_262, %parallel_loop3A_263 : i32
      %parallel_loop3A_265 = arith.constant 16 : i32
      %parallel_loop3A_266 = arith.muli %parallel_loop3A_264, %parallel_loop3A_265 : i32
      %parallel_loop3A_267 = arith.constant 0 : i32
      %parallel_loop3A_268 = arith.addi %parallel_loop3A_267, %parallel_loop3A_266 : i32
      %parallel_loop3A_269 = arith.index_cast %parallel_loop3A_268 : i32 to index
      %parallel_loop3A_270 = tpu.vector_load %arg4[%parallel_loop3A_269] {strides = array<i32>} : memref<18432xi32, #tpu.memory_space<vmem>>, vector<16xi32>,
      tpu.vector_store_idx %arg5[%parallel_loop3A_270], %broadcast_in_dim3A_3 {add = true} : memref<49280xf32, #tpu.memory_space<vmem>>[vector<16xi32>], vector<16xf32>,
      %parallel_loop3A_271 = arith.constant 8 : i32
      %parallel_loop3A_272 = arith.muli %parallel_loop3A_220, %parallel_loop3A_271 : i32
      %parallel_loop3A_273 = arith.constant 5 : i32
      %parallel_loop3A_274 = arith.addi %parallel_loop3A_272, %parallel_loop3A_273 : i32
      %parallel_loop3A_275 = arith.constant 16 : i32
      %parallel_loop3A_276 = arith.muli %parallel_loop3A_274, %parallel_loop3A_275 : i32
      %parallel_loop3A_277 = arith.constant 0 : i32
      %parallel_loop3A_278 = arith.addi %parallel_loop3A_277, %parallel_loop3A_276 : i32
      %parallel_loop3A_279 = arith.index_cast %parallel_loop3A_278 : i32 to index
      %parallel_loop3A_280 = tpu.vector_load %arg4[%parallel_loop3A_279] {strides = array<i32>} : memref<18432xi32, #tpu.memory_space<vmem>>, vector<16xi32>,
      tpu.vector_store_idx %arg5[%parallel_loop3A_280], %broadcast_in_dim3A_3 {add = true} : memref<49280xf32, #tpu.memory_space<vmem>>[vector<16xi32>], vector<16xf32>,
      %parallel_loop3A_281 = arith.constant 8 : i32
      %parallel_loop3A_282 = arith.muli %parallel_loop3A_220, %parallel_loop3A_281 : i32
      %parallel_loop3A_283 = arith.constant 6 : i32
      %parallel_loop3A_284 = arith.addi %parallel_loop3A_282, %parallel_loop3A_283 : i32
      %parallel_loop3A_285 = arith.constant 16 : i32
      %parallel_loop3A_286 = arith.muli %parallel_loop3A_284, %parallel_loop3A_285 : i32
      %parallel_loop3A_287 = arith.constant 0 : i32
      %parallel_loop3A_288 = arith.addi %parallel_loop3A_287, %parallel_loop3A_286 : i32
      %parallel_loop3A_289 = arith.index_cast %parallel_loop3A_288 : i32 to index
      %parallel_loop3A_290 = tpu.vector_load %arg4[%parallel_loop3A_289] {strides = array<i32>} : memref<18432xi32, #tpu.memory_space<vmem>>, vector<16xi32>,
      tpu.vector_store_idx %arg5[%parallel_loop3A_290], %broadcast_in_dim3A_3 {add = true} : memref<49280xf32, #tpu.memory_space<vmem>>[vector<16xi32>], vector<16xf32>,
      %parallel_loop3A_291 = arith.constant 8 : i32
      %parallel_loop3A_292 = arith.muli %parallel_loop3A_220, %parallel_loop3A_291 : i32
      %parallel_loop3A_293 = arith.constant 7 : i32
      %parallel_loop3A_294 = arith.addi %parallel_loop3A_292, %parallel_loop3A_293 : i32
      %parallel_loop3A_295 = arith.constant 16 : i32
      %parallel_loop3A_296 = arith.muli %parallel_loop3A_294, %parallel_loop3A_295 : i32
      %parallel_loop3A_297 = arith.constant 0 : i32
      %parallel_loop3A_298 = arith.addi %parallel_loop3A_297, %parallel_loop3A_296 : i32
      %parallel_loop3A_299 = arith.index_cast %parallel_loop3A_298 : i32 to index
      %parallel_loop3A_300 = tpu.vector_load %arg4[%parallel_loop3A_299] {strides = array<i32>} : memref<18432xi32, #tpu.memory_space<vmem>>, vector<16xi32>,
      tpu.vector_store_idx %arg5[%parallel_loop3A_300], %broadcast_in_dim3A_3 {add = true} : memref<49280xf32, #tpu.memory_space<vmem>>[vector<16xi32>], vector<16xf32>,
    } {sc.loop_unroll_factor = 1 : i64, sc.parallel_access}
    %dma_wait3A_204 = arith.constant 9216 : i32
    %dma_wait3A_205 = tpu.memref_slice %arg4[%dma_wait3A_204] : memref<18432xi32, #tpu.memory_space<vmem>> -> memref<9216xi32, #tpu.memory_space<vmem>>
    %dma_wait3A_206 = tpu.memref_slice %arg2[%add3A_194] : memref<3538944xi32, #tpu.memory_space<hbm>> -> memref<9216xi32, #tpu.memory_space<hbm>>
    %dma_wait3A_207 = arith.constant 9216 : i32
    %dma_wait3A_208 = tpu.memref_slice %arg4[%dma_wait3A_207] : memref<18432xi32, #tpu.memory_space<vmem>> -> memref<9216xi32, #tpu.memory_space<vmem>>
    %dma_wait3A_209 = tpu.memref_slice %arg2[%add3A_194] : memref<3538944xi32, #tpu.memory_space<hbm>> -> memref<9216xi32, #tpu.memory_space<hbm>>
    tpu.wait_dma2 semaphore(%arg8 : memref<!tpu.dma_semaphore, #tpu.memory_space<semaphore_mem>>) src(%dma_wait3A_209 : memref<9216xi32, #tpu.memory_space<hbm>>) dst(%dma_wait3A_208 : memref<9216xi32, #tpu.memory_space<vmem>>)
    %parallel_loop3A_210 = arith.constant 0 : i32
    %parallel_loop3A_211 = arith.constant 72 : i32
    %parallel_loop3A_212 = arith.constant 1 : i32
    scf.for %parallel_loop3A_220 = %parallel_loop3A_210 to %parallel_loop3A_211 step %parallel_loop3A_212  : i32 {
      %parallel_loop3A_221 = arith.constant 8 : i32
      %parallel_loop3A_222 = arith.muli %parallel_loop3A_220, %parallel_loop3A_221 : i32
      %parallel_loop3A_223 = arith.constant 0 : i32
      %parallel_loop3A_224 = arith.addi %parallel_loop3A_222, %parallel_loop3A_223 : i32
      %parallel_loop3A_225 = arith.constant 16 : i32
      %parallel_loop3A_226 = arith.muli %parallel_loop3A_224, %parallel_loop3A_225 : i32
      %parallel_loop3A_227 = arith.constant 9216 : i32
      %parallel_loop3A_228 = arith.addi %parallel_loop3A_227, %parallel_loop3A_226 : i32
      %parallel_loop3A_229 = arith.index_cast %parallel_loop3A_228 : i32 to index
      %parallel_loop3A_230 = tpu.vector_load %arg4[%parallel_loop3A_229] {strides = array<i32>} : memref<18432xi32, #tpu.memory_space<vmem>>, vector<16xi32>,
      tpu.vector_store_idx %arg5[%parallel_loop3A_230], %broadcast_in_dim3A_3 {add = true} : memref<49280xf32, #tpu.memory_space<vmem>>[vector<16xi32>], vector<16xf32>,
      %parallel_loop3A_231 = arith.constant 8 : i32
      %parallel_loop3A_232 = arith.muli %parallel_loop3A_220, %parallel_loop3A_231 : i32
      %parallel_loop3A_233 = arith.constant 1 : i32
      %parallel_loop3A_234 = arith.addi %parallel_loop3A_232, %parallel_loop3A_233 : i32
      %parallel_loop3A_235 = arith.constant 16 : i32
      %parallel_loop3A_236 = arith.muli %parallel_loop3A_234, %parallel_loop3A_235 : i32
      %parallel_loop3A_237 = arith.constant 9216 : i32
      %parallel_loop3A_238 = arith.addi %parallel_loop3A_237, %parallel_loop3A_236 : i32
      %parallel_loop3A_239 = arith.index_cast %parallel_loop3A_238 : i32 to index
      %parallel_loop3A_240 = tpu.vector_load %arg4[%parallel_loop3A_239] {strides = array<i32>} : memref<18432xi32, #tpu.memory_space<vmem>>, vector<16xi32>,
      tpu.vector_store_idx %arg5[%parallel_loop3A_240], %broadcast_in_dim3A_3 {add = true} : memref<49280xf32, #tpu.memory_space<vmem>>[vector<16xi32>], vector<16xf32>,
      %parallel_loop3A_241 = arith.constant 8 : i32
      %parallel_loop3A_242 = arith.muli %parallel_loop3A_220, %parallel_loop3A_241 : i32
      %parallel_loop3A_243 = arith.constant 2 : i32
      %parallel_loop3A_244 = arith.addi %parallel_loop3A_242, %parallel_loop3A_243 : i32
      %parallel_loop3A_245 = arith.constant 16 : i32
      %parallel_loop3A_246 = arith.muli %parallel_loop3A_244, %parallel_loop3A_245 : i32
      %parallel_loop3A_247 = arith.constant 9216 : i32
      %parallel_loop3A_248 = arith.addi %parallel_loop3A_247, %parallel_loop3A_246 : i32
      %parallel_loop3A_249 = arith.index_cast %parallel_loop3A_248 : i32 to index
      %parallel_loop3A_250 = tpu.vector_load %arg4[%parallel_loop3A_249] {strides = array<i32>} : memref<18432xi32, #tpu.memory_space<vmem>>, vector<16xi32>,
      tpu.vector_store_idx %arg5[%parallel_loop3A_250], %broadcast_in_dim3A_3 {add = true} : memref<49280xf32, #tpu.memory_space<vmem>>[vector<16xi32>], vector<16xf32>,
      %parallel_loop3A_251 = arith.constant 8 : i32
      %parallel_loop3A_252 = arith.muli %parallel_loop3A_220, %parallel_loop3A_251 : i32
      %parallel_loop3A_253 = arith.constant 3 : i32
      %parallel_loop3A_254 = arith.addi %parallel_loop3A_252, %parallel_loop3A_253 : i32
      %parallel_loop3A_255 = arith.constant 16 : i32
      %parallel_loop3A_256 = arith.muli %parallel_loop3A_254, %parallel_loop3A_255 : i32
      %parallel_loop3A_257 = arith.constant 9216 : i32
      %parallel_loop3A_258 = arith.addi %parallel_loop3A_257, %parallel_loop3A_256 : i32
      %parallel_loop3A_259 = arith.index_cast %parallel_loop3A_258 : i32 to index
      %parallel_loop3A_260 = tpu.vector_load %arg4[%parallel_loop3A_259] {strides = array<i32>} : memref<18432xi32, #tpu.memory_space<vmem>>, vector<16xi32>,
      tpu.vector_store_idx %arg5[%parallel_loop3A_260], %broadcast_in_dim3A_3 {add = true} : memref<49280xf32, #tpu.memory_space<vmem>>[vector<16xi32>], vector<16xf32>,
      %parallel_loop3A_261 = arith.constant 8 : i32
      %parallel_loop3A_262 = arith.muli %parallel_loop3A_220, %parallel_loop3A_261 : i32
      %parallel_loop3A_263 = arith.constant 4 : i32
      %parallel_loop3A_264 = arith.addi %parallel_loop3A_262, %parallel_loop3A_263 : i32
      %parallel_loop3A_265 = arith.constant 16 : i32
      %parallel_loop3A_266 = arith.muli %parallel_loop3A_264, %parallel_loop3A_265 : i32
      %parallel_loop3A_267 = arith.constant 9216 : i32
      %parallel_loop3A_268 = arith.addi %parallel_loop3A_267, %parallel_loop3A_266 : i32
      %parallel_loop3A_269 = arith.index_cast %parallel_loop3A_268 : i32 to index
      %parallel_loop3A_270 = tpu.vector_load %arg4[%parallel_loop3A_269] {strides = array<i32>} : memref<18432xi32, #tpu.memory_space<vmem>>, vector<16xi32>,
      tpu.vector_store_idx %arg5[%parallel_loop3A_270], %broadcast_in_dim3A_3 {add = true} : memref<49280xf32, #tpu.memory_space<vmem>>[vector<16xi32>], vector<16xf32>,
      %parallel_loop3A_271 = arith.constant 8 : i32
      %parallel_loop3A_272 = arith.muli %parallel_loop3A_220, %parallel_loop3A_271 : i32
      %parallel_loop3A_273 = arith.constant 5 : i32
      %parallel_loop3A_274 = arith.addi %parallel_loop3A_272, %parallel_loop3A_273 : i32
      %parallel_loop3A_275 = arith.constant 16 : i32
      %parallel_loop3A_276 = arith.muli %parallel_loop3A_274, %parallel_loop3A_275 : i32
      %parallel_loop3A_277 = arith.constant 9216 : i32
      %parallel_loop3A_278 = arith.addi %parallel_loop3A_277, %parallel_loop3A_276 : i32
      %parallel_loop3A_279 = arith.index_cast %parallel_loop3A_278 : i32 to index
      %parallel_loop3A_280 = tpu.vector_load %arg4[%parallel_loop3A_279] {strides = array<i32>} : memref<18432xi32, #tpu.memory_space<vmem>>, vector<16xi32>,
      tpu.vector_store_idx %arg5[%parallel_loop3A_280], %broadcast_in_dim3A_3 {add = true} : memref<49280xf32, #tpu.memory_space<vmem>>[vector<16xi32>], vector<16xf32>,
      %parallel_loop3A_281 = arith.constant 8 : i32
      %parallel_loop3A_282 = arith.muli %parallel_loop3A_220, %parallel_loop3A_281 : i32
      %parallel_loop3A_283 = arith.constant 6 : i32
      %parallel_loop3A_284 = arith.addi %parallel_loop3A_282, %parallel_loop3A_283 : i32
      %parallel_loop3A_285 = arith.constant 16 : i32
      %parallel_loop3A_286 = arith.muli %parallel_loop3A_284, %parallel_loop3A_285 : i32
      %parallel_loop3A_287 = arith.constant 9216 : i32
      %parallel_loop3A_288 = arith.addi %parallel_loop3A_287, %parallel_loop3A_286 : i32
      %parallel_loop3A_289 = arith.index_cast %parallel_loop3A_288 : i32 to index
      %parallel_loop3A_290 = tpu.vector_load %arg4[%parallel_loop3A_289] {strides = array<i32>} : memref<18432xi32, #tpu.memory_space<vmem>>, vector<16xi32>,
      tpu.vector_store_idx %arg5[%parallel_loop3A_290], %broadcast_in_dim3A_3 {add = true} : memref<49280xf32, #tpu.memory_space<vmem>>[vector<16xi32>], vector<16xf32>,
      %parallel_loop3A_291 = arith.constant 8 : i32
      %parallel_loop3A_292 = arith.muli %parallel_loop3A_220, %parallel_loop3A_291 : i32
      %parallel_loop3A_293 = arith.constant 7 : i32
      %parallel_loop3A_294 = arith.addi %parallel_loop3A_292, %parallel_loop3A_293 : i32
      %parallel_loop3A_295 = arith.constant 16 : i32
      %parallel_loop3A_296 = arith.muli %parallel_loop3A_294, %parallel_loop3A_295 : i32
      %parallel_loop3A_297 = arith.constant 9216 : i32
      %parallel_loop3A_298 = arith.addi %parallel_loop3A_297, %parallel_loop3A_296 : i32
      %parallel_loop3A_299 = arith.index_cast %parallel_loop3A_298 : i32 to index
      %parallel_loop3A_300 = tpu.vector_load %arg4[%parallel_loop3A_299] {strides = array<i32>} : memref<18432xi32, #tpu.memory_space<vmem>>, vector<16xi32>,
      tpu.vector_store_idx %arg5[%parallel_loop3A_300], %broadcast_in_dim3A_3 {add = true} : memref<49280xf32, #tpu.memory_space<vmem>>[vector<16xi32>], vector<16xf32>,
    } {sc.loop_unroll_factor = 1 : i64, sc.parallel_access}
    %scan3A_213 = arith.constant 0 : i32
    %scan3A_214 = arith.constant 0 : i32
    %scan3A_215 = arith.constant 192 : i32
    %scan3A_216 = arith.addi %scan3A_214, %scan3A_215 : i32
    %scan3A_217 = arith.constant 1 : i32
    %scan3A_218 = scf.for %scan3A_220 = %scan3A_214 to %scan3A_216 step %scan3A_217 iter_args(%scan3A_221 = %scan3A_213) -> (i32)  : i32 {
      %mul3A_222 = arith.constant 16 : i32
      %mul3A_223 = arith.muli %scan3A_220, %mul3A_222 : i32
      %add3A_224 = arith.constant 0 : i32
      %add3A_225 = arith.addi %add3A_224, %mul3A_223 : i32
      %get3A = arith.index_cast %add3A_225 : i32 to index
      %get3A_226 = tpu.vector_load %arg5[%get3A] {strides = array<i32>} : memref<49280xf32, #tpu.memory_space<vmem>>, vector<16xf32>,
      %add3A_227 = arith.addf %broadcast_in_dim3A_1, %get3A_226 : vector<16xf32>
      %mul3A_228 = arith.constant 16 : i32
      %mul3A_229 = arith.muli %scan3A_220, %mul3A_228 : i32
      %add3A_230 = arith.constant 3073 : i32
      %add3A_231 = arith.addi %add3A_230, %mul3A_229 : i32
      %get3A_232 = arith.index_cast %add3A_231 : i32 to index
      %get3A_233 = tpu.vector_load %arg5[%get3A_232] {strides = array<i32>} : memref<49280xf32, #tpu.memory_space<vmem>>, vector<16xf32>,
      %add3A_234 = arith.addf %add3A_227, %get3A_233 : vector<16xf32>
      %mul3A_235 = arith.constant 16 : i32
      %mul3A_236 = arith.muli %scan3A_220, %mul3A_235 : i32
      %add3A_237 = arith.constant 6146 : i32
      %add3A_238 = arith.addi %add3A_237, %mul3A_236 : i32
      %get3A_239 = arith.index_cast %add3A_238 : i32 to index
      %get3A_240 = tpu.vector_load %arg5[%get3A_239] {strides = array<i32>} : memref<49280xf32, #tpu.memory_space<vmem>>, vector<16xf32>,
      %add3A_241 = arith.addf %add3A_234, %get3A_240 : vector<16xf32>
      %mul3A_242 = arith.constant 16 : i32
      %mul3A_243 = arith.muli %scan3A_220, %mul3A_242 : i32
      %add3A_244 = arith.constant 9219 : i32
      %add3A_245 = arith.addi %add3A_244, %mul3A_243 : i32
      %get3A_246 = arith.index_cast %add3A_245 : i32 to index
      %get3A_247 = tpu.vector_load %arg5[%get3A_246] {strides = array<i32>} : memref<49280xf32, #tpu.memory_space<vmem>>, vector<16xf32>,
      %add3A_248 = arith.addf %add3A_241, %get3A_247 : vector<16xf32>
      %mul3A_249 = arith.constant 16 : i32
      %mul3A_250 = arith.muli %scan3A_220, %mul3A_249 : i32
      %add3A_251 = arith.constant 12292 : i32
      %add3A_252 = arith.addi %add3A_251, %mul3A_250 : i32
      %get3A_253 = arith.index_cast %add3A_252 : i32 to index
      %get3A_254 = tpu.vector_load %arg5[%get3A_253] {strides = array<i32>} : memref<49280xf32, #tpu.memory_space<vmem>>, vector<16xf32>,
      %add3A_255 = arith.addf %add3A_248, %get3A_254 : vector<16xf32>
      %mul3A_256 = arith.constant 16 : i32
      %mul3A_257 = arith.muli %scan3A_220, %mul3A_256 : i32
      %add3A_258 = arith.constant 15365 : i32
      %add3A_259 = arith.addi %add3A_258, %mul3A_257 : i32
      %get3A_260 = arith.index_cast %add3A_259 : i32 to index
      %get3A_261 = tpu.vector_load %arg5[%get3A_260] {strides = array<i32>} : memref<49280xf32, #tpu.memory_space<vmem>>, vector<16xf32>,
      %add3A_262 = arith.addf %add3A_255, %get3A_261 : vector<16xf32>
      %mul3A_263 = arith.constant 16 : i32
      %mul3A_264 = arith.muli %scan3A_220, %mul3A_263 : i32
      %add3A_265 = arith.constant 18438 : i32
      %add3A_266 = arith.addi %add3A_265, %mul3A_264 : i32
      %get3A_267 = arith.index_cast %add3A_266 : i32 to index
      %get3A_268 = tpu.vector_load %arg5[%get3A_267] {strides = array<i32>} : memref<49280xf32, #tpu.memory_space<vmem>>, vector<16xf32>,
      %add3A_269 = arith.addf %add3A_262, %get3A_268 : vector<16xf32>
      %mul3A_270 = arith.constant 16 : i32
      %mul3A_271 = arith.muli %scan3A_220, %mul3A_270 : i32
      %add3A_272 = arith.constant 21511 : i32
      %add3A_273 = arith.addi %add3A_272, %mul3A_271 : i32
      %get3A_274 = arith.index_cast %add3A_273 : i32 to index
      %get3A_275 = tpu.vector_load %arg5[%get3A_274] {strides = array<i32>} : memref<49280xf32, #tpu.memory_space<vmem>>, vector<16xf32>,
      %add3A_276 = arith.addf %add3A_269, %get3A_275 : vector<16xf32>
      %mul3A_277 = arith.constant 16 : i32
      %mul3A_278 = arith.muli %scan3A_220, %mul3A_277 : i32
      %add3A_279 = arith.constant 24584 : i32
      %add3A_280 = arith.addi %add3A_279, %mul3A_278 : i32
      %get3A_281 = arith.index_cast %add3A_280 : i32 to index
      %get3A_282 = tpu.vector_load %arg5[%get3A_281] {strides = array<i32>} : memref<49280xf32, #tpu.memory_space<vmem>>, vector<16xf32>,
      %add3A_283 = arith.addf %add3A_276, %get3A_282 : vector<16xf32>
      %mul3A_284 = arith.constant 16 : i32
      %mul3A_285 = arith.muli %scan3A_220, %mul3A_284 : i32
      %add3A_286 = arith.constant 27657 : i32
      %add3A_287 = arith.addi %add3A_286, %mul3A_285 : i32
      %get3A_288 = arith.index_cast %add3A_287 : i32 to index
      %get3A_289 = tpu.vector_load %arg5[%get3A_288] {strides = array<i32>} : memref<49280xf32, #tpu.memory_space<vmem>>, vector<16xf32>,
      %add3A_290 = arith.addf %add3A_283, %get3A_289 : vector<16xf32>
      %mul3A_291 = arith.constant 16 : i32
      %mul3A_292 = arith.muli %scan3A_220, %mul3A_291 : i32
      %add3A_293 = arith.constant 30730 : i32
      %add3A_294 = arith.addi %add3A_293, %mul3A_292 : i32
      %get3A_295 = arith.index_cast %add3A_294 : i32 to index
      %get3A_296 = tpu.vector_load %arg5[%get3A_295] {strides = array<i32>} : memref<49280xf32, #tpu.memory_space<vmem>>, vector<16xf32>,
      %add3A_297 = arith.addf %add3A_290, %get3A_296 : vector<16xf32>
      %mul3A_298 = arith.constant 16 : i32
      %mul3A_299 = arith.muli %scan3A_220, %mul3A_298 : i32
      %add3A_300 = arith.constant 33803 : i32
      %add3A_301 = arith.addi %add3A_300, %mul3A_299 : i32
      %get3A_302 = arith.index_cast %add3A_301 : i32 to index
      %get3A_303 = tpu.vector_load %arg5[%get3A_302] {strides = array<i32>} : memref<49280xf32, #tpu.memory_space<vmem>>, vector<16xf32>,
      %add3A_304 = arith.addf %add3A_297, %get3A_303 : vector<16xf32>
      %mul3A_305 = arith.constant 16 : i32
      %mul3A_306 = arith.muli %scan3A_220, %mul3A_305 : i32
      %add3A_307 = arith.constant 36876 : i32
      %add3A_308 = arith.addi %add3A_307, %mul3A_306 : i32
      %get3A_309 = arith.index_cast %add3A_308 : i32 to index
      %get3A_310 = tpu.vector_load %arg5[%get3A_309] {strides = array<i32>} : memref<49280xf32, #tpu.memory_space<vmem>>, vector<16xf32>,
      %add3A_311 = arith.addf %add3A_304, %get3A_310 : vector<16xf32>
      %mul3A_312 = arith.constant 16 : i32
      %mul3A_313 = arith.muli %scan3A_220, %mul3A_312 : i32
      %add3A_314 = arith.constant 39949 : i32
      %add3A_315 = arith.addi %add3A_314, %mul3A_313 : i32
      %get3A_316 = arith.index_cast %add3A_315 : i32 to index
      %get3A_317 = tpu.vector_load %arg5[%get3A_316] {strides = array<i32>} : memref<49280xf32, #tpu.memory_space<vmem>>, vector<16xf32>,
      %add3A_318 = arith.addf %add3A_311, %get3A_317 : vector<16xf32>
      %mul3A_319 = arith.constant 16 : i32
      %mul3A_320 = arith.muli %scan3A_220, %mul3A_319 : i32
      %add3A_321 = arith.constant 43022 : i32
      %add3A_322 = arith.addi %add3A_321, %mul3A_320 : i32
      %get3A_323 = arith.index_cast %add3A_322 : i32 to index
      %get3A_324 = tpu.vector_load %arg5[%get3A_323] {strides = array<i32>} : memref<49280xf32, #tpu.memory_space<vmem>>, vector<16xf32>,
      %add3A_325 = arith.addf %add3A_318, %get3A_324 : vector<16xf32>
      %mul3A_326 = arith.constant 16 : i32
      %mul3A_327 = arith.muli %scan3A_220, %mul3A_326 : i32
      %add3A_328 = arith.constant 46095 : i32
      %add3A_329 = arith.addi %add3A_328, %mul3A_327 : i32
      %get3A_330 = arith.index_cast %add3A_329 : i32 to index
      %get3A_331 = tpu.vector_load %arg5[%get3A_330] {strides = array<i32>} : memref<49280xf32, #tpu.memory_space<vmem>>, vector<16xf32>,
      %add3A_332 = arith.addf %add3A_325, %get3A_331 : vector<16xf32>
      %mul3A_333 = arith.constant 16 : i32
      %mul3A_334 = arith.muli %scan3A_220, %mul3A_333 : i32
      %swap3A = arith.index_cast %mul3A_334 : i32 to index
      %swap3A_335 = tpu.vector_load %arg6[%swap3A] {strides = array<i32>} : memref<3072xf32, #tpu.memory_space<vmem>>, vector<16xf32>,
      tpu.vector_store %arg6[%swap3A], %add3A_332 {strides = array<i32>} : memref<3072xf32, #tpu.memory_space<vmem>>, vector<16xf32>,
      %scan3A_336 = arith.constant 0 : i32
      scf.yield %scan3A_336 : i32
    }
    %scan3A_219 = arith.constant 192 : i32
    "tpu.region"() ({
      %run_scoped3A = tpu.sem_alloc : memref<!tpu.dma_semaphore, #tpu.memory_space<semaphore_mem>>
      %dma_start3A_220 = arith.constant 0 : i32
      %dma_start3A_221 = tpu.memref_slice %arg3[%add3A, %dma_start3A_220] : memref<32x3072xf32, #tpu.memory_space<hbm>> -> memref<1x3072xf32, #tpu.memory_space<hbm>>
      %dma_start3A_222 = tpu.memref_squeeze %dma_start3A_221 : memref<1x3072xf32, #tpu.memory_space<hbm>> -> memref<3072xf32, #tpu.memory_space<hbm>>
      %dma_start3A_223 = arith.constant 0 : i32
      %dma_start3A_224 = tpu.memref_slice %arg3[%add3A, %dma_start3A_223] : memref<32x3072xf32, #tpu.memory_space<hbm>> -> memref<1x3072xf32, #tpu.memory_space<hbm>>
      %dma_start3A_225 = tpu.memref_squeeze %dma_start3A_224 : memref<1x3072xf32, #tpu.memory_space<hbm>> -> memref<3072xf32, #tpu.memory_space<hbm>>
      tpu.enqueue_dma source(%arg6 : memref<3072xf32, #tpu.memory_space<vmem>>) target(%dma_start3A_225 : memref<3072xf32, #tpu.memory_space<hbm>>) target_semaphore(%run_scoped3A : memref<!tpu.dma_semaphore, #tpu.memory_space<semaphore_mem>>)
      %dma_wait3A_226 = arith.constant 0 : i32
      %dma_wait3A_227 = tpu.memref_slice %arg3[%add3A, %dma_wait3A_226] : memref<32x3072xf32, #tpu.memory_space<hbm>> -> memref<1x3072xf32, #tpu.memory_space<hbm>>
      %dma_wait3A_228 = tpu.memref_squeeze %dma_wait3A_227 : memref<1x3072xf32, #tpu.memory_space<hbm>> -> memref<3072xf32, #tpu.memory_space<hbm>>
      %dma_wait3A_229 = arith.constant 0 : i32
      %dma_wait3A_230 = tpu.memref_slice %arg3[%add3A, %dma_wait3A_229] : memref<32x3072xf32, #tpu.memory_space<hbm>> -> memref<1x3072xf32, #tpu.memory_space<hbm>>
      %dma_wait3A_231 = tpu.memref_squeeze %dma_wait3A_230 : memref<1x3072xf32, #tpu.memory_space<hbm>> -> memref<3072xf32, #tpu.memory_space<hbm>>
      tpu.wait_dma2 semaphore(%run_scoped3A : memref<!tpu.dma_semaphore, #tpu.memory_space<semaphore_mem>>) src(%arg6 : memref<3072xf32, #tpu.memory_space<vmem>>) dst(%dma_wait3A_231 : memref<3072xf32, #tpu.memory_space<hbm>>)
      tpu.yield
    }) : () -> ()
    return
  }
}

module attributes {stable_mosaic.version = 14 : i64} {
  func.func @_tca_body(%arg0: i32, %arg1: memref<2304x128xf32, #tpu.memory_space<vmem>>, %arg2: memref<2304x128xf32, #tpu.memory_space<vmem>>, %arg3: memref<6912x128xf32, #tpu.memory_space<vmem>>, %arg4: memref<2x2304x128xi32, #tpu.memory_space<vmem>>, %arg5: memref<1x1xf32, #tpu.memory_space<vmem>>, %arg6: memref<1x1xf32, #tpu.memory_space<vmem>>) attributes {dimension_semantics = [#tpu.dimension_semantics<arbitrary>], iteration_bounds = array<i64: 4>, scalar_prefetch = 0 : i64, scratch_operands = 0 : i64, tpu.core_type = #tpu.core_type<tc>, window_params = [{transform_indices = @transform_0, window_bounds = array<i64: 2304, 128>}, {transform_indices = @transform_1, window_bounds = array<i64: 2304, 128>}, {transform_indices = @transform_2, window_bounds = array<i64: 6912, 128>}, {transform_indices = @transform_3, window_bounds = array<i64: 2, 2304, 128>}, {pipeline_mode = #tpu.pipeline_mode<synchronous>, transform_indices = @transform_4, window_bounds = array<i64: 1, 1>}, {pipeline_mode = #tpu.pipeline_mode<synchronous>, transform_indices = @transform_5, window_bounds = array<i64: 1, 1>}]} {
    %iota3A = tpu.iota {dimensions = array<i32: 1>} : vector<2304x128xi32>
    %jit3A = arith.constant 16 : i32
    %eq3A = arith.constant 0 : i32
    %eq3A_0 = arith.cmpi eq, %jit3A, %eq3A : i32
    %jit3A_1 = arith.constant 1 : i32
    %select_n3A = arith.select %eq3A_0, %jit3A_1, %jit3A : i32
    %rem3A = vector.broadcast %select_n3A : i32 to vector<2304x128xi32>
    %rem3A_2 = arith.remsi %iota3A, %rem3A : vector<2304x128xi32>
    %ne3A = arith.constant 0 : i32
    %ne3A_3 = vector.broadcast %ne3A : i32 to vector<2304x128xi32>
    %ne3A_4 = arith.cmpi ne, %rem3A_2, %ne3A_3 : vector<2304x128xi32>
    %lt3A = arith.constant 0 : i32
    %lt3A_5 = vector.broadcast %lt3A : i32 to vector<2304x128xi32>
    %lt3A_6 = arith.cmpi slt, %rem3A_2, %lt3A_5 : vector<2304x128xi32>
    %lt3A_7 = arith.constant 0 : i32
    %lt3A_8 = arith.cmpi slt, %select_n3A, %lt3A_7 : i32
    %ne3A_9 = vector.broadcast %lt3A_8 : i1 to vector<2304x128xi1>
    %ne3A_10 = vector.broadcast %ne3A_9 : vector<2304x128xi1> to vector<2304x128xi1>
    %ne3A_11 = arith.xori %lt3A_6, %ne3A_10 : vector<2304x128xi1>
    %and3A = arith.andi %ne3A_11, %ne3A_4 : vector<2304x128xi1>
    %add3A = vector.broadcast %select_n3A : i32 to vector<2304x128xi32>
    %add3A_12 = arith.addi %rem3A_2, %add3A : vector<2304x128xi32>
    %select_n3A_13 = arith.select %and3A, %add3A_12, %rem3A_2 : vector<2304x128xi1>, vector<2304x128xi32>
    %mul3A = arith.constant 257 : i32
    %mul3A_14 = vector.broadcast %mul3A : i32 to vector<2304x128xi32>
    %mul3A_15 = arith.muli %select_n3A_13, %mul3A_14 : vector<2304x128xi32>
    %get3A = arith.constant 0 : index
    %get3A_16 = arith.constant 0 : index
    %get3A_17 = vector.load %arg1[%get3A, %get3A_16] : memref<2304x128xf32, #tpu.memory_space<vmem>>, vector<2304x128xf32>
    %mul3A_18 = arith.constant 2.550000e+02 : f32
    %mul3A_19 = vector.broadcast %mul3A_18 : f32 to vector<2304x128xf32>
    %mul3A_20 = arith.mulf %get3A_17, %mul3A_19 : vector<2304x128xf32>
    %sub3A = arith.constant 0.000000e+00 : f32
    %sub3A_21 = vector.broadcast %sub3A : f32 to vector<2304x128xf32>
    %sub3A_22 = arith.subf %mul3A_20, %sub3A_21 : vector<2304x128xf32>
    %div3A = arith.constant 0.99609375 : f32
    %div3A_23 = vector.broadcast %div3A : f32 to vector<2304x128xf32>
    %div3A_24 = arith.divf %sub3A_22, %div3A_23 : vector<2304x128xf32>
    %floor3A = math.floor %div3A_24 : vector<2304x128xf32>
    %jit3A_25 = arith.constant 0 : i32
    %jit3A_26 = arith.constant 255 : i32
    %convert_element_type3A = arith.sitofp %jit3A_25 : i32 to f32
    %max3A = vector.broadcast %convert_element_type3A : f32 to vector<2304x128xf32>
    %max3A_27 = arith.maximumf %max3A, %floor3A : vector<2304x128xf32>
    %convert_element_type3A_28 = arith.sitofp %jit3A_26 : i32 to f32
    %min3A = vector.broadcast %convert_element_type3A_28 : f32 to vector<2304x128xf32>
    %min3A_29 = arith.minimumf %min3A, %max3A_27 : vector<2304x128xf32>
    %convert_element_type3A_30 = arith.fptosi %min3A_29 : vector<2304x128xf32> to vector<2304x128xi32>
    %add3A_31 = arith.addi %convert_element_type3A_30, %mul3A_15 : vector<2304x128xi32>
    %swap3A = arith.constant 0 : index
    %swap3A_32 = arith.constant 0 : index
    %swap3A_33 = arith.constant 0 : index
    %swap3A_34 = vector.load %arg4[%swap3A, %swap3A_32, %swap3A_33] : memref<2x2304x128xi32, #tpu.memory_space<vmem>>, vector<1x2304x128xi32>
    %swap3A_35 = vector.shape_cast %swap3A_34 : vector<1x2304x128xi32> to vector<2304x128xi32>
    %swap3A_36 = vector.shape_cast %add3A_31 : vector<2304x128xi32> to vector<1x2304x128xi32>
    tpu.vector_store %arg4[%swap3A, %swap3A_32, %swap3A_33], %swap3A_36 {strides = array<i32>} : memref<2x2304x128xi32, #tpu.memory_space<vmem>>, vector<1x2304x128xi32>,
    %get3A_37 = arith.constant 0 : index
    %get3A_38 = arith.constant 0 : index
    %get3A_39 = vector.load %arg2[%get3A_37, %get3A_38] : memref<2304x128xf32, #tpu.memory_space<vmem>>, vector<2304x128xf32>
    %mul3A_40 = arith.constant 2.550000e+02 : f32
    %mul3A_41 = vector.broadcast %mul3A_40 : f32 to vector<2304x128xf32>
    %mul3A_42 = arith.mulf %get3A_39, %mul3A_41 : vector<2304x128xf32>
    %sub3A_43 = arith.constant 0.000000e+00 : f32
    %sub3A_44 = vector.broadcast %sub3A_43 : f32 to vector<2304x128xf32>
    %sub3A_45 = arith.subf %mul3A_42, %sub3A_44 : vector<2304x128xf32>
    %div3A_46 = arith.constant 0.99609375 : f32
    %div3A_47 = vector.broadcast %div3A_46 : f32 to vector<2304x128xf32>
    %div3A_48 = arith.divf %sub3A_45, %div3A_47 : vector<2304x128xf32>
    %floor3A_49 = math.floor %div3A_48 : vector<2304x128xf32>
    %jit3A_50 = arith.constant 0 : i32
    %jit3A_51 = arith.constant 255 : i32
    %convert_element_type3A_52 = arith.sitofp %jit3A_50 : i32 to f32
    %max3A_53 = vector.broadcast %convert_element_type3A_52 : f32 to vector<2304x128xf32>
    %max3A_54 = arith.maximumf %max3A_53, %floor3A_49 : vector<2304x128xf32>
    %convert_element_type3A_55 = arith.sitofp %jit3A_51 : i32 to f32
    %min3A_56 = vector.broadcast %convert_element_type3A_55 : f32 to vector<2304x128xf32>
    %min3A_57 = arith.minimumf %min3A_56, %max3A_54 : vector<2304x128xf32>
    %convert_element_type3A_58 = arith.fptosi %min3A_57 : vector<2304x128xf32> to vector<2304x128xi32>
    %add3A_59 = arith.addi %convert_element_type3A_58, %mul3A_15 : vector<2304x128xi32>
    %swap3A_60 = arith.constant 1 : index
    %swap3A_61 = arith.constant 0 : index
    %swap3A_62 = arith.constant 0 : index
    %swap3A_63 = vector.load %arg4[%swap3A_60, %swap3A_61, %swap3A_62] : memref<2x2304x128xi32, #tpu.memory_space<vmem>>, vector<1x2304x128xi32>
    %swap3A_64 = vector.shape_cast %swap3A_63 : vector<1x2304x128xi32> to vector<2304x128xi32>
    %swap3A_65 = vector.shape_cast %add3A_59 : vector<2304x128xi32> to vector<1x2304x128xi32>
    tpu.vector_store %arg4[%swap3A_60, %swap3A_61, %swap3A_62], %swap3A_65 {strides = array<i32>} : memref<2x2304x128xi32, #tpu.memory_space<vmem>>, vector<1x2304x128xi32>,
    %get3A_66 = arith.constant 0 : index
    %get3A_67 = arith.constant 0 : index
    %get3A_68 = vector.load %arg3[%get3A_66, %get3A_67] : memref<6912x128xf32, #tpu.memory_space<vmem>>, vector<6912x128xf32>
    %reduce_min3A = vector.shape_cast %get3A_68 : vector<6912x128xf32> to vector<1x6912x128xf32>
    %reduce_min3A_69 = arith.constant dense<0x7F800000> : vector<1xf32>
    %reduce_min3A_70 = vector.multi_reduction <minimumf>, %reduce_min3A, %reduce_min3A_69 [1, 2] : vector<1x6912x128xf32> to vector<1xf32>
    %reduce_min3A_71 = vector.shape_cast %reduce_min3A_70 : vector<1xf32> to vector<1x1x1xf32>
    %reduce_min3A_72 = vector.extract %reduce_min3A_71[0, 0, 0] : f32 from vector<1x1x1xf32>
    %reshape3A = vector.broadcast %reduce_min3A_72 : f32 to vector<1x1xf32>
    %reduce_max3A = vector.shape_cast %get3A_68 : vector<6912x128xf32> to vector<1x6912x128xf32>
    %reduce_max3A_73 = arith.constant dense<0xFF800000> : vector<1xf32>
    %reduce_max3A_74 = vector.multi_reduction <maximumf>, %reduce_max3A, %reduce_max3A_73 [1, 2] : vector<1x6912x128xf32> to vector<1xf32>
    %reduce_max3A_75 = vector.shape_cast %reduce_max3A_74 : vector<1xf32> to vector<1x1x1xf32>
    %reduce_max3A_76 = vector.extract %reduce_max3A_75[0, 0, 0] : f32 from vector<1x1x1xf32>
    %reshape3A_77 = vector.broadcast %reduce_max3A_76 : f32 to vector<1x1xf32>
    %eq3A_78 = arith.constant 0 : i32
    %eq3A_79 = arith.cmpi eq, %arg0, %eq3A_78 : i32
    %convert_element_type3A_80 = arith.extui %eq3A_79 : i1 to i32
    %cond3A = arith.constant 0 : i32
    %cond3A_81 = arith.cmpi ne, %convert_element_type3A_80, %cond3A : i32
    scf.if %cond3A_81 {
      %swap3A_86 = arith.constant 0 : index
      %swap3A_87 = arith.constant 0 : index
      %swap3A_88 = vector.load %arg5[%swap3A_86, %swap3A_87] : memref<1x1xf32, #tpu.memory_space<vmem>>, vector<1x1xf32>
      tpu.vector_store %arg5[%swap3A_86, %swap3A_87], %reshape3A {strides = array<i32>} : memref<1x1xf32, #tpu.memory_space<vmem>>, vector<1x1xf32>,
      %swap3A_89 = arith.constant 0 : index
      %swap3A_90 = arith.constant 0 : index
      %swap3A_91 = vector.load %arg6[%swap3A_89, %swap3A_90] : memref<1x1xf32, #tpu.memory_space<vmem>>, vector<1x1xf32>
      tpu.vector_store %arg6[%swap3A_89, %swap3A_90], %reshape3A_77 {strides = array<i32>} : memref<1x1xf32, #tpu.memory_space<vmem>>, vector<1x1xf32>,
    } else {
    }
    %gt3A = arith.constant 0 : i32
    %gt3A_82 = arith.cmpi sgt, %arg0, %gt3A : i32
    %convert_element_type3A_83 = arith.extui %gt3A_82 : i1 to i32
    %cond3A_84 = arith.constant 0 : i32
    %cond3A_85 = arith.cmpi ne, %convert_element_type3A_83, %cond3A_84 : i32
    scf.if %cond3A_85 {
      %get3A_86 = arith.constant 0 : index
      %get3A_87 = arith.constant 0 : index
      %get3A_88 = vector.load %arg5[%get3A_86, %get3A_87] : memref<1x1xf32, #tpu.memory_space<vmem>>, vector<1x1xf32>
      %min3A_89 = arith.minimumf %get3A_88, %reshape3A : vector<1x1xf32>
      %swap3A_90 = arith.constant 0 : index
      %swap3A_91 = arith.constant 0 : index
      %swap3A_92 = vector.load %arg5[%swap3A_90, %swap3A_91] : memref<1x1xf32, #tpu.memory_space<vmem>>, vector<1x1xf32>
      tpu.vector_store %arg5[%swap3A_90, %swap3A_91], %min3A_89 {strides = array<i32>} : memref<1x1xf32, #tpu.memory_space<vmem>>, vector<1x1xf32>,
      %get3A_93 = arith.constant 0 : index
      %get3A_94 = arith.constant 0 : index
      %get3A_95 = vector.load %arg6[%get3A_93, %get3A_94] : memref<1x1xf32, #tpu.memory_space<vmem>>, vector<1x1xf32>
      %max3A_96 = arith.maximumf %get3A_95, %reshape3A_77 : vector<1x1xf32>
      %swap3A_97 = arith.constant 0 : index
      %swap3A_98 = arith.constant 0 : index
      %swap3A_99 = vector.load %arg6[%swap3A_97, %swap3A_98] : memref<1x1xf32, #tpu.memory_space<vmem>>, vector<1x1xf32>
      tpu.vector_store %arg6[%swap3A_97, %swap3A_98], %max3A_96 {strides = array<i32>} : memref<1x1xf32, #tpu.memory_space<vmem>>, vector<1x1xf32>,
    } else {
    }
    return
  }
  func.func @transform_0(%arg0: i32) -> (i32, i32) {
    %c0_i32 = arith.constant 0 : i32
    %c0_i32_0 = arith.constant 0 : i32
    return %arg0, %c0_i32 : i32, i32
  }
  func.func @transform_1(%arg0: i32) -> (i32, i32) {
    %c0_i32 = arith.constant 0 : i32
    %c0_i32_0 = arith.constant 0 : i32
    return %arg0, %c0_i32 : i32, i32
  }
  func.func @transform_2(%arg0: i32) -> (i32, i32) {
    %c0_i32 = arith.constant 0 : i32
    %c0_i32_0 = arith.constant 0 : i32
    return %arg0, %c0_i32 : i32, i32
  }
  func.func @transform_3(%arg0: i32) -> (i32, i32, i32) {
    %c0_i32 = arith.constant 0 : i32
    %c0_i32_0 = arith.constant 0 : i32
    %c0_i32_1 = arith.constant 0 : i32
    return %c0_i32, %arg0, %c0_i32_0 : i32, i32, i32
  }
  func.func @transform_4(%arg0: i32) -> (i32, i32) {
    %c0_i32 = arith.constant 0 : i32
    %c0_i32_0 = arith.constant 0 : i32
    %c0_i32_1 = arith.constant 0 : i32
    return %c0_i32, %c0_i32_0 : i32, i32
  }
  func.func @transform_5(%arg0: i32) -> (i32, i32) {
    %c0_i32 = arith.constant 0 : i32
    %c0_i32_0 = arith.constant 0 : i32
    %c0_i32_1 = arith.constant 0 : i32
    return %c0_i32, %c0_i32_0 : i32, i32
  }
}

module attributes {stable_mosaic.version = 14 : i64} {
  func.func @_tcb_body(%arg0: i32, %arg1: memref<8xf32, #tpu.memory_space<smem>>, %arg2: memref<8xf32, #tpu.memory_space<smem>>, %arg3: memref<1xf32, #tpu.memory_space<smem>>, %arg4: memref<1xf32, #tpu.memory_space<smem>>, %arg5: memref<1x1152x128xf32, #tpu.memory_space<vmem>>, %arg6: memref<1x1152x128xf32, #tpu.memory_space<vmem>>, %arg7: memref<1x3x1152x128xf32, #tpu.memory_space<vmem>>, %arg8: memref<1x3x1152x128xi32, #tpu.memory_space<vmem>>) attributes {dimension_semantics = [#tpu.dimension_semantics<arbitrary>], iteration_bounds = array<i64: 8>, scalar_prefetch = 0 : i64, scratch_operands = 0 : i64, tpu.core_type = #tpu.core_type<tc>, window_params = [{transform_indices = @transform_0, window_bounds = array<i64: 8>}, {transform_indices = @transform_1, window_bounds = array<i64: 8>}, {transform_indices = @transform_2, window_bounds = array<i64: 1>}, {transform_indices = @transform_3, window_bounds = array<i64: 1>}, {transform_indices = @transform_4, window_bounds = array<i64: 1, 1152, 128>}, {transform_indices = @transform_5, window_bounds = array<i64: 1, 1152, 128>}, {transform_indices = @transform_6, window_bounds = array<i64: 1, 3, 1152, 128>}, {transform_indices = @transform_7, window_bounds = array<i64: 1, 3, 1152, 128>}]} {
    %get3A = arith.index_cast %arg0 : i32 to index
    %get3A_0 = memref.load %arg1[%get3A] : memref<8xf32, #tpu.memory_space<smem>>
    %get3A_1 = arith.index_cast %arg0 : i32 to index
    %get3A_2 = memref.load %arg2[%get3A_1] : memref<8xf32, #tpu.memory_space<smem>>
    %get3A_3 = arith.constant 0 : index
    %get3A_4 = memref.load %arg3[%get3A_3] : memref<1xf32, #tpu.memory_space<smem>>
    %get3A_5 = arith.constant 0 : index
    %get3A_6 = memref.load %arg4[%get3A_5] : memref<1xf32, #tpu.memory_space<smem>>
    %eq3A = arith.constant 0.000000e+00 : f32
    %eq3A_7 = arith.cmpf oeq, %get3A_4, %eq3A : f32
    %add3A = arith.constant 1.000000e-03 : f32
    %add3A_8 = arith.addf %get3A_4, %add3A : f32
    %select_n3A = arith.select %eq3A_7, %add3A_8, %get3A_4 : f32
    %sub3A = arith.subf %get3A_6, %select_n3A : f32
    %div3A = arith.constant 2.560000e+02 : f32
    %div3A_9 = arith.divf %sub3A, %div3A : f32
    %get3A_10 = arith.constant 0 : index
    %get3A_11 = arith.constant 0 : index
    %get3A_12 = arith.constant 0 : index
    %get3A_13 = vector.load %arg5[%get3A_10, %get3A_11, %get3A_12] : memref<1x1152x128xf32, #tpu.memory_space<vmem>>, vector<1x1152x128xf32>
    %get3A_14 = vector.shape_cast %get3A_13 : vector<1x1152x128xf32> to vector<1152x128xf32>
    %get3A_15 = arith.constant 0 : index
    %get3A_16 = arith.constant 0 : index
    %get3A_17 = arith.constant 0 : index
    %get3A_18 = vector.load %arg6[%get3A_15, %get3A_16, %get3A_17] : memref<1x1152x128xf32, #tpu.memory_space<vmem>>, vector<1x1152x128xf32>
    %get3A_19 = vector.shape_cast %get3A_18 : vector<1x1152x128xf32> to vector<1152x128xf32>
    %mul3A = arith.constant 2.550000e+02 : f32
    %mul3A_20 = vector.broadcast %mul3A : f32 to vector<1152x128xf32>
    %mul3A_21 = arith.mulf %get3A_14, %mul3A_20 : vector<1152x128xf32>
    %gt3A = vector.broadcast %get3A_0 : f32 to vector<1152x128xf32>
    %gt3A_22 = arith.cmpf ogt, %mul3A_21, %gt3A : vector<1152x128xf32>
    %jit3A = arith.constant 512 : i32
    %jit3A_23 = arith.constant 0 : i32
    %broadcast_in_dim3A = vector.broadcast %jit3A : i32 to vector<1152x128xi32>
    %broadcast_in_dim3A_24 = vector.broadcast %jit3A_23 : i32 to vector<1152x128xi32>
    %select_n3A_25 = arith.select %gt3A_22, %broadcast_in_dim3A, %broadcast_in_dim3A_24 : vector<1152x128xi1>, vector<1152x128xi32>
    %mul3A_26 = arith.constant 2.550000e+02 : f32
    %mul3A_27 = vector.broadcast %mul3A_26 : f32 to vector<1152x128xf32>
    %mul3A_28 = arith.mulf %get3A_19, %mul3A_27 : vector<1152x128xf32>
    %gt3A_29 = vector.broadcast %get3A_2 : f32 to vector<1152x128xf32>
    %gt3A_30 = arith.cmpf ogt, %mul3A_28, %gt3A_29 : vector<1152x128xf32>
    %jit3A_31 = arith.constant 256 : i32
    %jit3A_32 = arith.constant 0 : i32
    %broadcast_in_dim3A_33 = vector.broadcast %jit3A_31 : i32 to vector<1152x128xi32>
    %broadcast_in_dim3A_34 = vector.broadcast %jit3A_32 : i32 to vector<1152x128xi32>
    %select_n3A_35 = arith.select %gt3A_30, %broadcast_in_dim3A_33, %broadcast_in_dim3A_34 : vector<1152x128xi1>, vector<1152x128xi32>
    %add3A_36 = arith.addi %select_n3A_25, %select_n3A_35 : vector<1152x128xi32>
    %iota3A = tpu.iota {dimensions = array<i32: 1>} : vector<1152x128xi32>
    %jit3A_37 = arith.constant 16 : i32
    %eq3A_38 = arith.constant 0 : i32
    %eq3A_39 = arith.cmpi eq, %jit3A_37, %eq3A_38 : i32
    %jit3A_40 = arith.constant 1 : i32
    %select_n3A_41 = arith.select %eq3A_39, %jit3A_40, %jit3A_37 : i32
    %rem3A = vector.broadcast %select_n3A_41 : i32 to vector<1152x128xi32>
    %rem3A_42 = arith.remsi %iota3A, %rem3A : vector<1152x128xi32>
    %ne3A = arith.constant 0 : i32
    %ne3A_43 = vector.broadcast %ne3A : i32 to vector<1152x128xi32>
    %ne3A_44 = arith.cmpi ne, %rem3A_42, %ne3A_43 : vector<1152x128xi32>
    %lt3A = arith.constant 0 : i32
    %lt3A_45 = vector.broadcast %lt3A : i32 to vector<1152x128xi32>
    %lt3A_46 = arith.cmpi slt, %rem3A_42, %lt3A_45 : vector<1152x128xi32>
    %lt3A_47 = arith.constant 0 : i32
    %lt3A_48 = arith.cmpi slt, %select_n3A_41, %lt3A_47 : i32
    %ne3A_49 = vector.broadcast %lt3A_48 : i1 to vector<1152x128xi1>
    %ne3A_50 = vector.broadcast %ne3A_49 : vector<1152x128xi1> to vector<1152x128xi1>
    %ne3A_51 = arith.xori %lt3A_46, %ne3A_50 : vector<1152x128xi1>
    %and3A = arith.andi %ne3A_51, %ne3A_44 : vector<1152x128xi1>
    %add3A_52 = vector.broadcast %select_n3A_41 : i32 to vector<1152x128xi32>
    %add3A_53 = arith.addi %rem3A_42, %add3A_52 : vector<1152x128xi32>
    %select_n3A_54 = arith.select %and3A, %add3A_53, %rem3A_42 : vector<1152x128xi1>, vector<1152x128xi32>
    %mul3A_55 = arith.constant 3073 : i32
    %mul3A_56 = vector.broadcast %mul3A_55 : i32 to vector<1152x128xi32>
    %mul3A_57 = arith.muli %select_n3A_54, %mul3A_56 : vector<1152x128xi32>
    %get3A_58 = arith.constant 0 : index
    %get3A_59 = arith.constant 0 : index
    %get3A_60 = arith.constant 0 : index
    %get3A_61 = arith.constant 0 : index
    %get3A_62 = vector.load %arg7[%get3A_58, %get3A_59, %get3A_60, %get3A_61] : memref<1x3x1152x128xf32, #tpu.memory_space<vmem>>, vector<1x1x1152x128xf32>
    %get3A_63 = vector.shape_cast %get3A_62 : vector<1x1x1152x128xf32> to vector<1152x128xf32>
    %ge3A = vector.broadcast %select_n3A : f32 to vector<1152x128xf32>
    %ge3A_64 = arith.cmpf oge, %get3A_63, %ge3A : vector<1152x128xf32>
    %le3A = vector.broadcast %get3A_6 : f32 to vector<1152x128xf32>
    %le3A_65 = arith.cmpf ole, %get3A_63, %le3A : vector<1152x128xf32>
    %and3A_66 = arith.andi %ge3A_64, %le3A_65 : vector<1152x128xi1>
    %sub3A_67 = vector.broadcast %select_n3A : f32 to vector<1152x128xf32>
    %sub3A_68 = arith.subf %get3A_63, %sub3A_67 : vector<1152x128xf32>
    %div3A_69 = vector.broadcast %div3A_9 : f32 to vector<1152x128xf32>
    %div3A_70 = arith.divf %sub3A_68, %div3A_69 : vector<1152x128xf32>
    %floor3A = math.floor %div3A_70 : vector<1152x128xf32>
    %jit3A_71 = arith.constant 0 : i32
    %jit3A_72 = arith.constant 255 : i32
    %convert_element_type3A = arith.sitofp %jit3A_71 : i32 to f32
    %max3A = vector.broadcast %convert_element_type3A : f32 to vector<1152x128xf32>
    %max3A_73 = arith.maximumf %max3A, %floor3A : vector<1152x128xf32>
    %convert_element_type3A_74 = arith.sitofp %jit3A_72 : i32 to f32
    %min3A = vector.broadcast %convert_element_type3A_74 : f32 to vector<1152x128xf32>
    %min3A_75 = arith.minimumf %min3A, %max3A_73 : vector<1152x128xf32>
    %convert_element_type3A_76 = arith.fptosi %min3A_75 : vector<1152x128xf32> to vector<1152x128xi32>
    %add3A_77 = arith.addi %convert_element_type3A_76, %add3A_36 : vector<1152x128xi32>
    %add3A_78 = arith.constant 0 : i32
    %add3A_79 = vector.broadcast %add3A_78 : i32 to vector<1152x128xi32>
    %add3A_80 = arith.addi %add3A_77, %add3A_79 : vector<1152x128xi32>
    %jit3A_81 = arith.constant 3072 : i32
    %broadcast_in_dim3A_82 = vector.broadcast %jit3A_81 : i32 to vector<1152x128xi32>
    %select_n3A_83 = arith.select %and3A_66, %add3A_80, %broadcast_in_dim3A_82 : vector<1152x128xi1>, vector<1152x128xi32>
    %add3A_84 = arith.addi %select_n3A_83, %mul3A_57 : vector<1152x128xi32>
    %swap3A = arith.constant 0 : index
    %swap3A_85 = arith.constant 0 : index
    %swap3A_86 = arith.constant 0 : index
    %swap3A_87 = arith.constant 0 : index
    %swap3A_88 = vector.load %arg8[%swap3A, %swap3A_85, %swap3A_86, %swap3A_87] : memref<1x3x1152x128xi32, #tpu.memory_space<vmem>>, vector<1x1x1152x128xi32>
    %swap3A_89 = vector.shape_cast %swap3A_88 : vector<1x1x1152x128xi32> to vector<1152x128xi32>
    %swap3A_90 = vector.shape_cast %add3A_84 : vector<1152x128xi32> to vector<1x1x1152x128xi32>
    tpu.vector_store %arg8[%swap3A, %swap3A_85, %swap3A_86, %swap3A_87], %swap3A_90 {strides = array<i32>} : memref<1x3x1152x128xi32, #tpu.memory_space<vmem>>, vector<1x1x1152x128xi32>,
    %get3A_91 = arith.constant 0 : index
    %get3A_92 = arith.constant 1 : index
    %get3A_93 = arith.constant 0 : index
    %get3A_94 = arith.constant 0 : index
    %get3A_95 = vector.load %arg7[%get3A_91, %get3A_92, %get3A_93, %get3A_94] : memref<1x3x1152x128xf32, #tpu.memory_space<vmem>>, vector<1x1x1152x128xf32>
    %get3A_96 = vector.shape_cast %get3A_95 : vector<1x1x1152x128xf32> to vector<1152x128xf32>
    %ge3A_97 = vector.broadcast %select_n3A : f32 to vector<1152x128xf32>
    %ge3A_98 = arith.cmpf oge, %get3A_96, %ge3A_97 : vector<1152x128xf32>
    %le3A_99 = vector.broadcast %get3A_6 : f32 to vector<1152x128xf32>
    %le3A_100 = arith.cmpf ole, %get3A_96, %le3A_99 : vector<1152x128xf32>
    %and3A_101 = arith.andi %ge3A_98, %le3A_100 : vector<1152x128xi1>
    %sub3A_102 = vector.broadcast %select_n3A : f32 to vector<1152x128xf32>
    %sub3A_103 = arith.subf %get3A_96, %sub3A_102 : vector<1152x128xf32>
    %div3A_104 = vector.broadcast %div3A_9 : f32 to vector<1152x128xf32>
    %div3A_105 = arith.divf %sub3A_103, %div3A_104 : vector<1152x128xf32>
    %floor3A_106 = math.floor %div3A_105 : vector<1152x128xf32>
    %jit3A_107 = arith.constant 0 : i32
    %jit3A_108 = arith.constant 255 : i32
    %convert_element_type3A_109 = arith.sitofp %jit3A_107 : i32 to f32
    %max3A_110 = vector.broadcast %convert_element_type3A_109 : f32 to vector<1152x128xf32>
    %max3A_111 = arith.maximumf %max3A_110, %floor3A_106 : vector<1152x128xf32>
    %convert_element_type3A_112 = arith.sitofp %jit3A_108 : i32 to f32
    %min3A_113 = vector.broadcast %convert_element_type3A_112 : f32 to vector<1152x128xf32>
    %min3A_114 = arith.minimumf %min3A_113, %max3A_111 : vector<1152x128xf32>
    %convert_element_type3A_115 = arith.fptosi %min3A_114 : vector<1152x128xf32> to vector<1152x128xi32>
    %add3A_116 = arith.addi %convert_element_type3A_115, %add3A_36 : vector<1152x128xi32>
    %add3A_117 = arith.constant 1024 : i32
    %add3A_118 = vector.broadcast %add3A_117 : i32 to vector<1152x128xi32>
    %add3A_119 = arith.addi %add3A_116, %add3A_118 : vector<1152x128xi32>
    %jit3A_120 = arith.constant 3072 : i32
    %broadcast_in_dim3A_121 = vector.broadcast %jit3A_120 : i32 to vector<1152x128xi32>
    %select_n3A_122 = arith.select %and3A_101, %add3A_119, %broadcast_in_dim3A_121 : vector<1152x128xi1>, vector<1152x128xi32>
    %add3A_123 = arith.addi %select_n3A_122, %mul3A_57 : vector<1152x128xi32>
    %swap3A_124 = arith.constant 0 : index
    %swap3A_125 = arith.constant 1 : index
    %swap3A_126 = arith.constant 0 : index
    %swap3A_127 = arith.constant 0 : index
    %swap3A_128 = vector.load %arg8[%swap3A_124, %swap3A_125, %swap3A_126, %swap3A_127] : memref<1x3x1152x128xi32, #tpu.memory_space<vmem>>, vector<1x1x1152x128xi32>
    %swap3A_129 = vector.shape_cast %swap3A_128 : vector<1x1x1152x128xi32> to vector<1152x128xi32>
    %swap3A_130 = vector.shape_cast %add3A_123 : vector<1152x128xi32> to vector<1x1x1152x128xi32>
    tpu.vector_store %arg8[%swap3A_124, %swap3A_125, %swap3A_126, %swap3A_127], %swap3A_130 {strides = array<i32>} : memref<1x3x1152x128xi32, #tpu.memory_space<vmem>>, vector<1x1x1152x128xi32>,
    %get3A_131 = arith.constant 0 : index
    %get3A_132 = arith.constant 2 : index
    %get3A_133 = arith.constant 0 : index
    %get3A_134 = arith.constant 0 : index
    %get3A_135 = vector.load %arg7[%get3A_131, %get3A_132, %get3A_133, %get3A_134] : memref<1x3x1152x128xf32, #tpu.memory_space<vmem>>, vector<1x1x1152x128xf32>
    %get3A_136 = vector.shape_cast %get3A_135 : vector<1x1x1152x128xf32> to vector<1152x128xf32>
    %ge3A_137 = vector.broadcast %select_n3A : f32 to vector<1152x128xf32>
    %ge3A_138 = arith.cmpf oge, %get3A_136, %ge3A_137 : vector<1152x128xf32>
    %le3A_139 = vector.broadcast %get3A_6 : f32 to vector<1152x128xf32>
    %le3A_140 = arith.cmpf ole, %get3A_136, %le3A_139 : vector<1152x128xf32>
    %and3A_141 = arith.andi %ge3A_138, %le3A_140 : vector<1152x128xi1>
    %sub3A_142 = vector.broadcast %select_n3A : f32 to vector<1152x128xf32>
    %sub3A_143 = arith.subf %get3A_136, %sub3A_142 : vector<1152x128xf32>
    %div3A_144 = vector.broadcast %div3A_9 : f32 to vector<1152x128xf32>
    %div3A_145 = arith.divf %sub3A_143, %div3A_144 : vector<1152x128xf32>
    %floor3A_146 = math.floor %div3A_145 : vector<1152x128xf32>
    %jit3A_147 = arith.constant 0 : i32
    %jit3A_148 = arith.constant 255 : i32
    %convert_element_type3A_149 = arith.sitofp %jit3A_147 : i32 to f32
    %max3A_150 = vector.broadcast %convert_element_type3A_149 : f32 to vector<1152x128xf32>
    %max3A_151 = arith.maximumf %max3A_150, %floor3A_146 : vector<1152x128xf32>
    %convert_element_type3A_152 = arith.sitofp %jit3A_148 : i32 to f32
    %min3A_153 = vector.broadcast %convert_element_type3A_152 : f32 to vector<1152x128xf32>
    %min3A_154 = arith.minimumf %min3A_153, %max3A_151 : vector<1152x128xf32>
    %convert_element_type3A_155 = arith.fptosi %min3A_154 : vector<1152x128xf32> to vector<1152x128xi32>
    %add3A_156 = arith.addi %convert_element_type3A_155, %add3A_36 : vector<1152x128xi32>
    %add3A_157 = arith.constant 2048 : i32
    %add3A_158 = vector.broadcast %add3A_157 : i32 to vector<1152x128xi32>
    %add3A_159 = arith.addi %add3A_156, %add3A_158 : vector<1152x128xi32>
    %jit3A_160 = arith.constant 3072 : i32
    %broadcast_in_dim3A_161 = vector.broadcast %jit3A_160 : i32 to vector<1152x128xi32>
    %select_n3A_162 = arith.select %and3A_141, %add3A_159, %broadcast_in_dim3A_161 : vector<1152x128xi1>, vector<1152x128xi32>
    %add3A_163 = arith.addi %select_n3A_162, %mul3A_57 : vector<1152x128xi32>
    %swap3A_164 = arith.constant 0 : index
    %swap3A_165 = arith.constant 2 : index
    %swap3A_166 = arith.constant 0 : index
    %swap3A_167 = arith.constant 0 : index
    %swap3A_168 = vector.load %arg8[%swap3A_164, %swap3A_165, %swap3A_166, %swap3A_167] : memref<1x3x1152x128xi32, #tpu.memory_space<vmem>>, vector<1x1x1152x128xi32>
    %swap3A_169 = vector.shape_cast %swap3A_168 : vector<1x1x1152x128xi32> to vector<1152x128xi32>
    %swap3A_170 = vector.shape_cast %add3A_163 : vector<1152x128xi32> to vector<1x1x1152x128xi32>
    tpu.vector_store %arg8[%swap3A_164, %swap3A_165, %swap3A_166, %swap3A_167], %swap3A_170 {strides = array<i32>} : memref<1x3x1152x128xi32, #tpu.memory_space<vmem>>, vector<1x1x1152x128xi32>,
    return
  }
  func.func @transform_0(%arg0: i32) -> i32 {
    %c0_i32 = arith.constant 0 : i32
    %c0_i32_0 = arith.constant 0 : i32
    return %c0_i32 : i32
  }
  func.func @transform_1(%arg0: i32) -> i32 {
    %c0_i32 = arith.constant 0 : i32
    %c0_i32_0 = arith.constant 0 : i32
    return %c0_i32 : i32
  }
  func.func @transform_2(%arg0: i32) -> i32 {
    %c0_i32 = arith.constant 0 : i32
    %c0_i32_0 = arith.constant 0 : i32
    return %c0_i32 : i32
  }
  func.func @transform_3(%arg0: i32) -> i32 {
    %c0_i32 = arith.constant 0 : i32
    %c0_i32_0 = arith.constant 0 : i32
    return %c0_i32 : i32
  }
  func.func @transform_4(%arg0: i32) -> (i32, i32, i32) {
    %c0_i32 = arith.constant 0 : i32
    %c0_i32_0 = arith.constant 0 : i32
    %c0_i32_1 = arith.constant 0 : i32
    return %arg0, %c0_i32, %c0_i32_0 : i32, i32, i32
  }
  func.func @transform_5(%arg0: i32) -> (i32, i32, i32) {
    %c0_i32 = arith.constant 0 : i32
    %c0_i32_0 = arith.constant 0 : i32
    %c0_i32_1 = arith.constant 0 : i32
    return %arg0, %c0_i32, %c0_i32_0 : i32, i32, i32
  }
  func.func @transform_6(%arg0: i32) -> (i32, i32, i32, i32) {
    %c0_i32 = arith.constant 0 : i32
    %c0_i32_0 = arith.constant 0 : i32
    %c0_i32_1 = arith.constant 0 : i32
    %c0_i32_2 = arith.constant 0 : i32
    return %arg0, %c0_i32, %c0_i32_0, %c0_i32_1 : i32, i32, i32, i32
  }
  func.func @transform_7(%arg0: i32) -> (i32, i32, i32, i32) {
    %c0_i32 = arith.constant 0 : i32
    %c0_i32_0 = arith.constant 0 : i32
    %c0_i32_1 = arith.constant 0 : i32
    %c0_i32_2 = arith.constant 0 : i32
    return %arg0, %c0_i32, %c0_i32_0, %c0_i32_1 : i32, i32, i32, i32
  }
}

module attributes {stable_mosaic.version = 14 : i64} {
  func.func @_ce_body(%arg0: memref<32x3072xf32, #tpu.memory_space<vmem>>, %arg1: memref<8x128xf32, #tpu.memory_space<vmem>>) attributes {dimension_semantics = [], scalar_prefetch = 0 : i64, scratch_operands = 0 : i64, tpu.core_type = #tpu.core_type<tc>} {
    %get3A = arith.constant 0 : index
    %get3A_0 = arith.constant 0 : index
    %get3A_1 = vector.load %arg0[%get3A, %get3A_0] : memref<32x3072xf32, #tpu.memory_space<vmem>>, vector<32x3072xf32>
    %reshape3A = vector.shape_cast %get3A_1 : vector<32x3072xf32> to vector<32x12x256xf32>
    %reduce_sum3A = arith.constant dense<0.000000e+00> : vector<12x256xf32>
    %reduce_sum3A_2 = vector.multi_reduction <add>, %reshape3A, %reduce_sum3A [0] : vector<32x12x256xf32> to vector<12x256xf32>
    %slice3A = vector.extract_strided_slice %reduce_sum3A_2 {offsets = [2, 0], sizes = [1, 256], strides = [1, 1]} : vector<12x256xf32> to vector<1x256xf32>
    %squeeze3A = vector.shape_cast %slice3A : vector<1x256xf32> to vector<256xf32>
    %slice3A_3 = vector.extract_strided_slice %reduce_sum3A_2 {offsets = [3, 0], sizes = [1, 256], strides = [1, 1]} : vector<12x256xf32> to vector<1x256xf32>
    %squeeze3A_4 = vector.shape_cast %slice3A_3 : vector<1x256xf32> to vector<256xf32>
    %add3A = arith.addf %squeeze3A, %squeeze3A_4 : vector<256xf32>
    %slice3A_5 = vector.extract_strided_slice %reduce_sum3A_2 {offsets = [6, 0], sizes = [1, 256], strides = [1, 1]} : vector<12x256xf32> to vector<1x256xf32>
    %squeeze3A_6 = vector.shape_cast %slice3A_5 : vector<1x256xf32> to vector<256xf32>
    %slice3A_7 = vector.extract_strided_slice %reduce_sum3A_2 {offsets = [7, 0], sizes = [1, 256], strides = [1, 1]} : vector<12x256xf32> to vector<1x256xf32>
    %squeeze3A_8 = vector.shape_cast %slice3A_7 : vector<1x256xf32> to vector<256xf32>
    %add3A_9 = arith.addf %squeeze3A_6, %squeeze3A_8 : vector<256xf32>
    %slice3A_10 = vector.extract_strided_slice %reduce_sum3A_2 {offsets = [10, 0], sizes = [1, 256], strides = [1, 1]} : vector<12x256xf32> to vector<1x256xf32>
    %squeeze3A_11 = vector.shape_cast %slice3A_10 : vector<1x256xf32> to vector<256xf32>
    %slice3A_12 = vector.extract_strided_slice %reduce_sum3A_2 {offsets = [11, 0], sizes = [1, 256], strides = [1, 1]} : vector<12x256xf32> to vector<1x256xf32>
    %squeeze3A_13 = vector.shape_cast %slice3A_12 : vector<1x256xf32> to vector<256xf32>
    %add3A_14 = arith.addf %squeeze3A_11, %squeeze3A_13 : vector<256xf32>
    %slice3A_15 = vector.extract_strided_slice %reduce_sum3A_2 {offsets = [0, 0], sizes = [1, 256], strides = [1, 1]} : vector<12x256xf32> to vector<1x256xf32>
    %squeeze3A_16 = vector.shape_cast %slice3A_15 : vector<1x256xf32> to vector<256xf32>
    %slice3A_17 = vector.extract_strided_slice %reduce_sum3A_2 {offsets = [1, 0], sizes = [1, 256], strides = [1, 1]} : vector<12x256xf32> to vector<1x256xf32>
    %squeeze3A_18 = vector.shape_cast %slice3A_17 : vector<1x256xf32> to vector<256xf32>
    %add3A_19 = arith.addf %squeeze3A_16, %squeeze3A_18 : vector<256xf32>
    %slice3A_20 = vector.extract_strided_slice %reduce_sum3A_2 {offsets = [4, 0], sizes = [1, 256], strides = [1, 1]} : vector<12x256xf32> to vector<1x256xf32>
    %squeeze3A_21 = vector.shape_cast %slice3A_20 : vector<1x256xf32> to vector<256xf32>
    %slice3A_22 = vector.extract_strided_slice %reduce_sum3A_2 {offsets = [5, 0], sizes = [1, 256], strides = [1, 1]} : vector<12x256xf32> to vector<1x256xf32>
    %squeeze3A_23 = vector.shape_cast %slice3A_22 : vector<1x256xf32> to vector<256xf32>
    %add3A_24 = arith.addf %squeeze3A_21, %squeeze3A_23 : vector<256xf32>
    %slice3A_25 = vector.extract_strided_slice %reduce_sum3A_2 {offsets = [8, 0], sizes = [1, 256], strides = [1, 1]} : vector<12x256xf32> to vector<1x256xf32>
    %squeeze3A_26 = vector.shape_cast %slice3A_25 : vector<1x256xf32> to vector<256xf32>
    %slice3A_27 = vector.extract_strided_slice %reduce_sum3A_2 {offsets = [9, 0], sizes = [1, 256], strides = [1, 1]} : vector<12x256xf32> to vector<1x256xf32>
    %squeeze3A_28 = vector.shape_cast %slice3A_27 : vector<1x256xf32> to vector<256xf32>
    %add3A_29 = arith.addf %squeeze3A_26, %squeeze3A_28 : vector<256xf32>
    %slice3A_30 = vector.extract_strided_slice %reduce_sum3A_2 {offsets = [1, 0], sizes = [1, 256], strides = [1, 1]} : vector<12x256xf32> to vector<1x256xf32>
    %squeeze3A_31 = vector.shape_cast %slice3A_30 : vector<1x256xf32> to vector<256xf32>
    %slice3A_32 = vector.extract_strided_slice %reduce_sum3A_2 {offsets = [3, 0], sizes = [1, 256], strides = [1, 1]} : vector<12x256xf32> to vector<1x256xf32>
    %squeeze3A_33 = vector.shape_cast %slice3A_32 : vector<1x256xf32> to vector<256xf32>
    %add3A_34 = arith.addf %squeeze3A_31, %squeeze3A_33 : vector<256xf32>
    %slice3A_35 = vector.extract_strided_slice %reduce_sum3A_2 {offsets = [5, 0], sizes = [1, 256], strides = [1, 1]} : vector<12x256xf32> to vector<1x256xf32>
    %squeeze3A_36 = vector.shape_cast %slice3A_35 : vector<1x256xf32> to vector<256xf32>
    %slice3A_37 = vector.extract_strided_slice %reduce_sum3A_2 {offsets = [7, 0], sizes = [1, 256], strides = [1, 1]} : vector<12x256xf32> to vector<1x256xf32>
    %squeeze3A_38 = vector.shape_cast %slice3A_37 : vector<1x256xf32> to vector<256xf32>
    %add3A_39 = arith.addf %squeeze3A_36, %squeeze3A_38 : vector<256xf32>
    %slice3A_40 = vector.extract_strided_slice %reduce_sum3A_2 {offsets = [9, 0], sizes = [1, 256], strides = [1, 1]} : vector<12x256xf32> to vector<1x256xf32>
    %squeeze3A_41 = vector.shape_cast %slice3A_40 : vector<1x256xf32> to vector<256xf32>
    %slice3A_42 = vector.extract_strided_slice %reduce_sum3A_2 {offsets = [11, 0], sizes = [1, 256], strides = [1, 1]} : vector<12x256xf32> to vector<1x256xf32>
    %squeeze3A_43 = vector.shape_cast %slice3A_42 : vector<1x256xf32> to vector<256xf32>
    %add3A_44 = arith.addf %squeeze3A_41, %squeeze3A_43 : vector<256xf32>
    %slice3A_45 = vector.extract_strided_slice %reduce_sum3A_2 {offsets = [0, 0], sizes = [1, 256], strides = [1, 1]} : vector<12x256xf32> to vector<1x256xf32>
    %squeeze3A_46 = vector.shape_cast %slice3A_45 : vector<1x256xf32> to vector<256xf32>
    %slice3A_47 = vector.extract_strided_slice %reduce_sum3A_2 {offsets = [2, 0], sizes = [1, 256], strides = [1, 1]} : vector<12x256xf32> to vector<1x256xf32>
    %squeeze3A_48 = vector.shape_cast %slice3A_47 : vector<1x256xf32> to vector<256xf32>
    %add3A_49 = arith.addf %squeeze3A_46, %squeeze3A_48 : vector<256xf32>
    %slice3A_50 = vector.extract_strided_slice %reduce_sum3A_2 {offsets = [4, 0], sizes = [1, 256], strides = [1, 1]} : vector<12x256xf32> to vector<1x256xf32>
    %squeeze3A_51 = vector.shape_cast %slice3A_50 : vector<1x256xf32> to vector<256xf32>
    %slice3A_52 = vector.extract_strided_slice %reduce_sum3A_2 {offsets = [6, 0], sizes = [1, 256], strides = [1, 1]} : vector<12x256xf32> to vector<1x256xf32>
    %squeeze3A_53 = vector.shape_cast %slice3A_52 : vector<1x256xf32> to vector<256xf32>
    %add3A_54 = arith.addf %squeeze3A_51, %squeeze3A_53 : vector<256xf32>
    %slice3A_55 = vector.extract_strided_slice %reduce_sum3A_2 {offsets = [8, 0], sizes = [1, 256], strides = [1, 1]} : vector<12x256xf32> to vector<1x256xf32>
    %squeeze3A_56 = vector.shape_cast %slice3A_55 : vector<1x256xf32> to vector<256xf32>
    %slice3A_57 = vector.extract_strided_slice %reduce_sum3A_2 {offsets = [10, 0], sizes = [1, 256], strides = [1, 1]} : vector<12x256xf32> to vector<1x256xf32>
    %squeeze3A_58 = vector.shape_cast %slice3A_57 : vector<1x256xf32> to vector<256xf32>
    %add3A_59 = arith.addf %squeeze3A_56, %squeeze3A_58 : vector<256xf32>
    %reduce_sum3A_60 = vector.shape_cast %add3A : vector<256xf32> to vector<1x256xf32>
    %reduce_sum3A_61 = arith.constant dense<0.000000e+00> : vector<1xf32>
    %reduce_sum3A_62 = vector.multi_reduction <add>, %reduce_sum3A_60, %reduce_sum3A_61 [1] : vector<1x256xf32> to vector<1xf32>
    %reduce_sum3A_63 = vector.shape_cast %reduce_sum3A_62 : vector<1xf32> to vector<1x1xf32>
    %reduce_sum3A_64 = vector.extract %reduce_sum3A_63[0, 0] : f32 from vector<1x1xf32>
    %reduce_sum3A_65 = vector.shape_cast %add3A_9 : vector<256xf32> to vector<1x256xf32>
    %reduce_sum3A_66 = arith.constant dense<0.000000e+00> : vector<1xf32>
    %reduce_sum3A_67 = vector.multi_reduction <add>, %reduce_sum3A_65, %reduce_sum3A_66 [1] : vector<1x256xf32> to vector<1xf32>
    %reduce_sum3A_68 = vector.shape_cast %reduce_sum3A_67 : vector<1xf32> to vector<1x1xf32>
    %reduce_sum3A_69 = vector.extract %reduce_sum3A_68[0, 0] : f32 from vector<1x1xf32>
    %add3A_70 = arith.addf %reduce_sum3A_64, %reduce_sum3A_69 : f32
    %reduce_sum3A_71 = vector.shape_cast %add3A_14 : vector<256xf32> to vector<1x256xf32>
    %reduce_sum3A_72 = arith.constant dense<0.000000e+00> : vector<1xf32>
    %reduce_sum3A_73 = vector.multi_reduction <add>, %reduce_sum3A_71, %reduce_sum3A_72 [1] : vector<1x256xf32> to vector<1xf32>
    %reduce_sum3A_74 = vector.shape_cast %reduce_sum3A_73 : vector<1xf32> to vector<1x1xf32>
    %reduce_sum3A_75 = vector.extract %reduce_sum3A_74[0, 0] : f32 from vector<1x1xf32>
    %add3A_76 = arith.addf %add3A_70, %reduce_sum3A_75 : f32
    %div3A = vector.broadcast %add3A_76 : f32 to vector<256xf32>
    %div3A_77 = arith.divf %add3A, %div3A : vector<256xf32>
    %jit3A = arith.constant 1.000000e-10 : f32
    %max3A = vector.broadcast %jit3A : f32 to vector<256xf32>
    %max3A_78 = arith.maximumf %max3A, %div3A_77 : vector<256xf32>
    %div3A_79 = vector.broadcast %add3A_76 : f32 to vector<256xf32>
    %div3A_80 = arith.divf %add3A_9, %div3A_79 : vector<256xf32>
    %jit3A_81 = arith.constant 1.000000e-10 : f32
    %max3A_82 = vector.broadcast %jit3A_81 : f32 to vector<256xf32>
    %max3A_83 = arith.maximumf %max3A_82, %div3A_80 : vector<256xf32>
    %div3A_84 = vector.broadcast %add3A_76 : f32 to vector<256xf32>
    %div3A_85 = arith.divf %add3A_14, %div3A_84 : vector<256xf32>
    %jit3A_86 = arith.constant 1.000000e-10 : f32
    %max3A_87 = vector.broadcast %jit3A_86 : f32 to vector<256xf32>
    %max3A_88 = arith.maximumf %max3A_87, %div3A_85 : vector<256xf32>
    %reduce_sum3A_89 = vector.shape_cast %add3A_19 : vector<256xf32> to vector<1x256xf32>
    %reduce_sum3A_90 = arith.constant dense<0.000000e+00> : vector<1xf32>
    %reduce_sum3A_91 = vector.multi_reduction <add>, %reduce_sum3A_89, %reduce_sum3A_90 [1] : vector<1x256xf32> to vector<1xf32>
    %reduce_sum3A_92 = vector.shape_cast %reduce_sum3A_91 : vector<1xf32> to vector<1x1xf32>
    %reduce_sum3A_93 = vector.extract %reduce_sum3A_92[0, 0] : f32 from vector<1x1xf32>
    %reduce_sum3A_94 = vector.shape_cast %add3A_24 : vector<256xf32> to vector<1x256xf32>
    %reduce_sum3A_95 = arith.constant dense<0.000000e+00> : vector<1xf32>
    %reduce_sum3A_96 = vector.multi_reduction <add>, %reduce_sum3A_94, %reduce_sum3A_95 [1] : vector<1x256xf32> to vector<1xf32>
    %reduce_sum3A_97 = vector.shape_cast %reduce_sum3A_96 : vector<1xf32> to vector<1x1xf32>
    %reduce_sum3A_98 = vector.extract %reduce_sum3A_97[0, 0] : f32 from vector<1x1xf32>
    %add3A_99 = arith.addf %reduce_sum3A_93, %reduce_sum3A_98 : f32
    %reduce_sum3A_100 = vector.shape_cast %add3A_29 : vector<256xf32> to vector<1x256xf32>
    %reduce_sum3A_101 = arith.constant dense<0.000000e+00> : vector<1xf32>
    %reduce_sum3A_102 = vector.multi_reduction <add>, %reduce_sum3A_100, %reduce_sum3A_101 [1] : vector<1x256xf32> to vector<1xf32>
    %reduce_sum3A_103 = vector.shape_cast %reduce_sum3A_102 : vector<1xf32> to vector<1x1xf32>
    %reduce_sum3A_104 = vector.extract %reduce_sum3A_103[0, 0] : f32 from vector<1x1xf32>
    %add3A_105 = arith.addf %add3A_99, %reduce_sum3A_104 : f32
    %div3A_106 = vector.broadcast %add3A_105 : f32 to vector<256xf32>
    %div3A_107 = arith.divf %add3A_19, %div3A_106 : vector<256xf32>
    %jit3A_108 = arith.constant 1.000000e-10 : f32
    %max3A_109 = vector.broadcast %jit3A_108 : f32 to vector<256xf32>
    %max3A_110 = arith.maximumf %max3A_109, %div3A_107 : vector<256xf32>
    %div3A_111 = vector.broadcast %add3A_105 : f32 to vector<256xf32>
    %div3A_112 = arith.divf %add3A_24, %div3A_111 : vector<256xf32>
    %jit3A_113 = arith.constant 1.000000e-10 : f32
    %max3A_114 = vector.broadcast %jit3A_113 : f32 to vector<256xf32>
    %max3A_115 = arith.maximumf %max3A_114, %div3A_112 : vector<256xf32>
    %div3A_116 = vector.broadcast %add3A_105 : f32 to vector<256xf32>
    %div3A_117 = arith.divf %add3A_29, %div3A_116 : vector<256xf32>
    %jit3A_118 = arith.constant 1.000000e-10 : f32
    %max3A_119 = vector.broadcast %jit3A_118 : f32 to vector<256xf32>
    %max3A_120 = arith.maximumf %max3A_119, %div3A_117 : vector<256xf32>
    %reduce_sum3A_121 = vector.shape_cast %add3A_34 : vector<256xf32> to vector<1x256xf32>
    %reduce_sum3A_122 = arith.constant dense<0.000000e+00> : vector<1xf32>
    %reduce_sum3A_123 = vector.multi_reduction <add>, %reduce_sum3A_121, %reduce_sum3A_122 [1] : vector<1x256xf32> to vector<1xf32>
    %reduce_sum3A_124 = vector.shape_cast %reduce_sum3A_123 : vector<1xf32> to vector<1x1xf32>
    %reduce_sum3A_125 = vector.extract %reduce_sum3A_124[0, 0] : f32 from vector<1x1xf32>
    %reduce_sum3A_126 = vector.shape_cast %add3A_39 : vector<256xf32> to vector<1x256xf32>
    %reduce_sum3A_127 = arith.constant dense<0.000000e+00> : vector<1xf32>
    %reduce_sum3A_128 = vector.multi_reduction <add>, %reduce_sum3A_126, %reduce_sum3A_127 [1] : vector<1x256xf32> to vector<1xf32>
    %reduce_sum3A_129 = vector.shape_cast %reduce_sum3A_128 : vector<1xf32> to vector<1x1xf32>
    %reduce_sum3A_130 = vector.extract %reduce_sum3A_129[0, 0] : f32 from vector<1x1xf32>
    %add3A_131 = arith.addf %reduce_sum3A_125, %reduce_sum3A_130 : f32
    %reduce_sum3A_132 = vector.shape_cast %add3A_44 : vector<256xf32> to vector<1x256xf32>
    %reduce_sum3A_133 = arith.constant dense<0.000000e+00> : vector<1xf32>
    %reduce_sum3A_134 = vector.multi_reduction <add>, %reduce_sum3A_132, %reduce_sum3A_133 [1] : vector<1x256xf32> to vector<1xf32>
    %reduce_sum3A_135 = vector.shape_cast %reduce_sum3A_134 : vector<1xf32> to vector<1x1xf32>
    %reduce_sum3A_136 = vector.extract %reduce_sum3A_135[0, 0] : f32 from vector<1x1xf32>
    %add3A_137 = arith.addf %add3A_131, %reduce_sum3A_136 : f32
    %div3A_138 = vector.broadcast %add3A_137 : f32 to vector<256xf32>
    %div3A_139 = arith.divf %add3A_34, %div3A_138 : vector<256xf32>
    %jit3A_140 = arith.constant 1.000000e-10 : f32
    %max3A_141 = vector.broadcast %jit3A_140 : f32 to vector<256xf32>
    %max3A_142 = arith.maximumf %max3A_141, %div3A_139 : vector<256xf32>
    %div3A_143 = vector.broadcast %add3A_137 : f32 to vector<256xf32>
    %div3A_144 = arith.divf %add3A_39, %div3A_143 : vector<256xf32>
    %jit3A_145 = arith.constant 1.000000e-10 : f32
    %max3A_146 = vector.broadcast %jit3A_145 : f32 to vector<256xf32>
    %max3A_147 = arith.maximumf %max3A_146, %div3A_144 : vector<256xf32>
    %div3A_148 = vector.broadcast %add3A_137 : f32 to vector<256xf32>
    %div3A_149 = arith.divf %add3A_44, %div3A_148 : vector<256xf32>
    %jit3A_150 = arith.constant 1.000000e-10 : f32
    %max3A_151 = vector.broadcast %jit3A_150 : f32 to vector<256xf32>
    %max3A_152 = arith.maximumf %max3A_151, %div3A_149 : vector<256xf32>
    %reduce_sum3A_153 = vector.shape_cast %add3A_49 : vector<256xf32> to vector<1x256xf32>
    %reduce_sum3A_154 = arith.constant dense<0.000000e+00> : vector<1xf32>
    %reduce_sum3A_155 = vector.multi_reduction <add>, %reduce_sum3A_153, %reduce_sum3A_154 [1] : vector<1x256xf32> to vector<1xf32>
    %reduce_sum3A_156 = vector.shape_cast %reduce_sum3A_155 : vector<1xf32> to vector<1x1xf32>
    %reduce_sum3A_157 = vector.extract %reduce_sum3A_156[0, 0] : f32 from vector<1x1xf32>
    %reduce_sum3A_158 = vector.shape_cast %add3A_54 : vector<256xf32> to vector<1x256xf32>
    %reduce_sum3A_159 = arith.constant dense<0.000000e+00> : vector<1xf32>
    %reduce_sum3A_160 = vector.multi_reduction <add>, %reduce_sum3A_158, %reduce_sum3A_159 [1] : vector<1x256xf32> to vector<1xf32>
    %reduce_sum3A_161 = vector.shape_cast %reduce_sum3A_160 : vector<1xf32> to vector<1x1xf32>
    %reduce_sum3A_162 = vector.extract %reduce_sum3A_161[0, 0] : f32 from vector<1x1xf32>
    %add3A_163 = arith.addf %reduce_sum3A_157, %reduce_sum3A_162 : f32
    %reduce_sum3A_164 = vector.shape_cast %add3A_59 : vector<256xf32> to vector<1x256xf32>
    %reduce_sum3A_165 = arith.constant dense<0.000000e+00> : vector<1xf32>
    %reduce_sum3A_166 = vector.multi_reduction <add>, %reduce_sum3A_164, %reduce_sum3A_165 [1] : vector<1x256xf32> to vector<1xf32>
    %reduce_sum3A_167 = vector.shape_cast %reduce_sum3A_166 : vector<1xf32> to vector<1x1xf32>
    %reduce_sum3A_168 = vector.extract %reduce_sum3A_167[0, 0] : f32 from vector<1x1xf32>
    %add3A_169 = arith.addf %add3A_163, %reduce_sum3A_168 : f32
    %div3A_170 = vector.broadcast %add3A_169 : f32 to vector<256xf32>
    %div3A_171 = arith.divf %add3A_49, %div3A_170 : vector<256xf32>
    %jit3A_172 = arith.constant 1.000000e-10 : f32
    %max3A_173 = vector.broadcast %jit3A_172 : f32 to vector<256xf32>
    %max3A_174 = arith.maximumf %max3A_173, %div3A_171 : vector<256xf32>
    %div3A_175 = vector.broadcast %add3A_169 : f32 to vector<256xf32>
    %div3A_176 = arith.divf %add3A_54, %div3A_175 : vector<256xf32>
    %jit3A_177 = arith.constant 1.000000e-10 : f32
    %max3A_178 = vector.broadcast %jit3A_177 : f32 to vector<256xf32>
    %max3A_179 = arith.maximumf %max3A_178, %div3A_176 : vector<256xf32>
    %div3A_180 = vector.broadcast %add3A_169 : f32 to vector<256xf32>
    %div3A_181 = arith.divf %add3A_59, %div3A_180 : vector<256xf32>
    %jit3A_182 = arith.constant 1.000000e-10 : f32
    %max3A_183 = vector.broadcast %jit3A_182 : f32 to vector<256xf32>
    %max3A_184 = arith.maximumf %max3A_183, %div3A_181 : vector<256xf32>
    %log3A = math.log %max3A_142 : vector<256xf32>
    %log3A_185 = math.log %max3A_147 : vector<256xf32>
    %log3A_186 = math.log %max3A_152 : vector<256xf32>
    %log3A_187 = math.log %max3A_174 : vector<256xf32>
    %log3A_188 = math.log %max3A_179 : vector<256xf32>
    %log3A_189 = math.log %max3A_184 : vector<256xf32>
    %mul3A = arith.mulf %max3A_78, %log3A : vector<256xf32>
    %reduce_sum3A_190 = vector.shape_cast %mul3A : vector<256xf32> to vector<1x256xf32>
    %reduce_sum3A_191 = arith.constant dense<0.000000e+00> : vector<1xf32>
    %reduce_sum3A_192 = vector.multi_reduction <add>, %reduce_sum3A_190, %reduce_sum3A_191 [1] : vector<1x256xf32> to vector<1xf32>
    %reduce_sum3A_193 = vector.shape_cast %reduce_sum3A_192 : vector<1xf32> to vector<1x1xf32>
    %reduce_sum3A_194 = vector.extract %reduce_sum3A_193[0, 0] : f32 from vector<1x1xf32>
    %mul3A_195 = arith.mulf %max3A_83, %log3A_185 : vector<256xf32>
    %reduce_sum3A_196 = vector.shape_cast %mul3A_195 : vector<256xf32> to vector<1x256xf32>
    %reduce_sum3A_197 = arith.constant dense<0.000000e+00> : vector<1xf32>
    %reduce_sum3A_198 = vector.multi_reduction <add>, %reduce_sum3A_196, %reduce_sum3A_197 [1] : vector<1x256xf32> to vector<1xf32>
    %reduce_sum3A_199 = vector.shape_cast %reduce_sum3A_198 : vector<1xf32> to vector<1x1xf32>
    %reduce_sum3A_200 = vector.extract %reduce_sum3A_199[0, 0] : f32 from vector<1x1xf32>
    %add3A_201 = arith.addf %reduce_sum3A_194, %reduce_sum3A_200 : f32
    %mul3A_202 = arith.mulf %max3A_88, %log3A_186 : vector<256xf32>
    %reduce_sum3A_203 = vector.shape_cast %mul3A_202 : vector<256xf32> to vector<1x256xf32>
    %reduce_sum3A_204 = arith.constant dense<0.000000e+00> : vector<1xf32>
    %reduce_sum3A_205 = vector.multi_reduction <add>, %reduce_sum3A_203, %reduce_sum3A_204 [1] : vector<1x256xf32> to vector<1xf32>
    %reduce_sum3A_206 = vector.shape_cast %reduce_sum3A_205 : vector<1xf32> to vector<1x1xf32>
    %reduce_sum3A_207 = vector.extract %reduce_sum3A_206[0, 0] : f32 from vector<1x1xf32>
    %add3A_208 = arith.addf %add3A_201, %reduce_sum3A_207 : f32
    %neg3A = arith.constant 0.000000e+00 : f32
    %neg3A_209 = arith.subf %neg3A, %add3A_208 : f32
    %mul3A_210 = arith.mulf %max3A_110, %log3A_187 : vector<256xf32>
    %reduce_sum3A_211 = vector.shape_cast %mul3A_210 : vector<256xf32> to vector<1x256xf32>
    %reduce_sum3A_212 = arith.constant dense<0.000000e+00> : vector<1xf32>
    %reduce_sum3A_213 = vector.multi_reduction <add>, %reduce_sum3A_211, %reduce_sum3A_212 [1] : vector<1x256xf32> to vector<1xf32>
    %reduce_sum3A_214 = vector.shape_cast %reduce_sum3A_213 : vector<1xf32> to vector<1x1xf32>
    %reduce_sum3A_215 = vector.extract %reduce_sum3A_214[0, 0] : f32 from vector<1x1xf32>
    %mul3A_216 = arith.mulf %max3A_115, %log3A_188 : vector<256xf32>
    %reduce_sum3A_217 = vector.shape_cast %mul3A_216 : vector<256xf32> to vector<1x256xf32>
    %reduce_sum3A_218 = arith.constant dense<0.000000e+00> : vector<1xf32>
    %reduce_sum3A_219 = vector.multi_reduction <add>, %reduce_sum3A_217, %reduce_sum3A_218 [1] : vector<1x256xf32> to vector<1xf32>
    %reduce_sum3A_220 = vector.shape_cast %reduce_sum3A_219 : vector<1xf32> to vector<1x1xf32>
    %reduce_sum3A_221 = vector.extract %reduce_sum3A_220[0, 0] : f32 from vector<1x1xf32>
    %add3A_222 = arith.addf %reduce_sum3A_215, %reduce_sum3A_221 : f32
    %mul3A_223 = arith.mulf %max3A_120, %log3A_189 : vector<256xf32>
    %reduce_sum3A_224 = vector.shape_cast %mul3A_223 : vector<256xf32> to vector<1x256xf32>
    %reduce_sum3A_225 = arith.constant dense<0.000000e+00> : vector<1xf32>
    %reduce_sum3A_226 = vector.multi_reduction <add>, %reduce_sum3A_224, %reduce_sum3A_225 [1] : vector<1x256xf32> to vector<1xf32>
    %reduce_sum3A_227 = vector.shape_cast %reduce_sum3A_226 : vector<1xf32> to vector<1x1xf32>
    %reduce_sum3A_228 = vector.extract %reduce_sum3A_227[0, 0] : f32 from vector<1x1xf32>
    %add3A_229 = arith.addf %add3A_222, %reduce_sum3A_228 : f32
    %neg3A_230 = arith.constant 0.000000e+00 : f32
    %neg3A_231 = arith.subf %neg3A_230, %add3A_229 : f32
    %add3A_232 = arith.addf %neg3A_209, %neg3A_231 : f32
    %mul3A_233 = arith.mulf %max3A_78, %log3A_187 : vector<256xf32>
    %reduce_sum3A_234 = vector.shape_cast %mul3A_233 : vector<256xf32> to vector<1x256xf32>
    %reduce_sum3A_235 = arith.constant dense<0.000000e+00> : vector<1xf32>
    %reduce_sum3A_236 = vector.multi_reduction <add>, %reduce_sum3A_234, %reduce_sum3A_235 [1] : vector<1x256xf32> to vector<1xf32>
    %reduce_sum3A_237 = vector.shape_cast %reduce_sum3A_236 : vector<1xf32> to vector<1x1xf32>
    %reduce_sum3A_238 = vector.extract %reduce_sum3A_237[0, 0] : f32 from vector<1x1xf32>
    %mul3A_239 = arith.mulf %max3A_83, %log3A_188 : vector<256xf32>
    %reduce_sum3A_240 = vector.shape_cast %mul3A_239 : vector<256xf32> to vector<1x256xf32>
    %reduce_sum3A_241 = arith.constant dense<0.000000e+00> : vector<1xf32>
    %reduce_sum3A_242 = vector.multi_reduction <add>, %reduce_sum3A_240, %reduce_sum3A_241 [1] : vector<1x256xf32> to vector<1xf32>
    %reduce_sum3A_243 = vector.shape_cast %reduce_sum3A_242 : vector<1xf32> to vector<1x1xf32>
    %reduce_sum3A_244 = vector.extract %reduce_sum3A_243[0, 0] : f32 from vector<1x1xf32>
    %add3A_245 = arith.addf %reduce_sum3A_238, %reduce_sum3A_244 : f32
    %mul3A_246 = arith.mulf %max3A_88, %log3A_189 : vector<256xf32>
    %reduce_sum3A_247 = vector.shape_cast %mul3A_246 : vector<256xf32> to vector<1x256xf32>
    %reduce_sum3A_248 = arith.constant dense<0.000000e+00> : vector<1xf32>
    %reduce_sum3A_249 = vector.multi_reduction <add>, %reduce_sum3A_247, %reduce_sum3A_248 [1] : vector<1x256xf32> to vector<1xf32>
    %reduce_sum3A_250 = vector.shape_cast %reduce_sum3A_249 : vector<1xf32> to vector<1x1xf32>
    %reduce_sum3A_251 = vector.extract %reduce_sum3A_250[0, 0] : f32 from vector<1x1xf32>
    %add3A_252 = arith.addf %add3A_245, %reduce_sum3A_251 : f32
    %neg3A_253 = arith.constant 0.000000e+00 : f32
    %neg3A_254 = arith.subf %neg3A_253, %add3A_252 : f32
    %mul3A_255 = arith.mulf %max3A_110, %log3A : vector<256xf32>
    %reduce_sum3A_256 = vector.shape_cast %mul3A_255 : vector<256xf32> to vector<1x256xf32>
    %reduce_sum3A_257 = arith.constant dense<0.000000e+00> : vector<1xf32>
    %reduce_sum3A_258 = vector.multi_reduction <add>, %reduce_sum3A_256, %reduce_sum3A_257 [1] : vector<1x256xf32> to vector<1xf32>
    %reduce_sum3A_259 = vector.shape_cast %reduce_sum3A_258 : vector<1xf32> to vector<1x1xf32>
    %reduce_sum3A_260 = vector.extract %reduce_sum3A_259[0, 0] : f32 from vector<1x1xf32>
    %mul3A_261 = arith.mulf %max3A_115, %log3A_185 : vector<256xf32>
    %reduce_sum3A_262 = vector.shape_cast %mul3A_261 : vector<256xf32> to vector<1x256xf32>
    %reduce_sum3A_263 = arith.constant dense<0.000000e+00> : vector<1xf32>
    %reduce_sum3A_264 = vector.multi_reduction <add>, %reduce_sum3A_262, %reduce_sum3A_263 [1] : vector<1x256xf32> to vector<1xf32>
    %reduce_sum3A_265 = vector.shape_cast %reduce_sum3A_264 : vector<1xf32> to vector<1x1xf32>
    %reduce_sum3A_266 = vector.extract %reduce_sum3A_265[0, 0] : f32 from vector<1x1xf32>
    %add3A_267 = arith.addf %reduce_sum3A_260, %reduce_sum3A_266 : f32
    %mul3A_268 = arith.mulf %max3A_120, %log3A_186 : vector<256xf32>
    %reduce_sum3A_269 = vector.shape_cast %mul3A_268 : vector<256xf32> to vector<1x256xf32>
    %reduce_sum3A_270 = arith.constant dense<0.000000e+00> : vector<1xf32>
    %reduce_sum3A_271 = vector.multi_reduction <add>, %reduce_sum3A_269, %reduce_sum3A_270 [1] : vector<1x256xf32> to vector<1xf32>
    %reduce_sum3A_272 = vector.shape_cast %reduce_sum3A_271 : vector<1xf32> to vector<1x1xf32>
    %reduce_sum3A_273 = vector.extract %reduce_sum3A_272[0, 0] : f32 from vector<1x1xf32>
    %add3A_274 = arith.addf %add3A_267, %reduce_sum3A_273 : f32
    %neg3A_275 = arith.constant 0.000000e+00 : f32
    %neg3A_276 = arith.subf %neg3A_275, %add3A_274 : f32
    %add3A_277 = arith.addf %neg3A_254, %neg3A_276 : f32
    %neg3A_278 = arith.constant 0.000000e+00 : f32
    %neg3A_279 = arith.subf %neg3A_278, %add3A_277 : f32
    %mul3A_280 = arith.constant 1.000000e+00 : f32
    %mul3A_281 = arith.mulf %mul3A_280, %add3A_232 : f32
    %mul3A_282 = arith.constant 5.000000e-01 : f32
    %mul3A_283 = arith.mulf %mul3A_282, %neg3A_279 : f32
    %add3A_284 = arith.addf %mul3A_281, %mul3A_283 : f32
    %broadcast_in_dim3A = vector.broadcast %add3A_284 : f32 to vector<8x128xf32>
    %swap3A = arith.constant 0 : index
    %swap3A_285 = arith.constant 0 : index
    %swap3A_286 = vector.load %arg1[%swap3A, %swap3A_285] : memref<8x128xf32, #tpu.memory_space<vmem>>, vector<8x128xf32>
    tpu.vector_store %arg1[%swap3A, %swap3A_285], %broadcast_in_dim3A {strides = array<i32>} : memref<8x128xf32, #tpu.memory_space<vmem>>, vector<8x128xf32>,
    return
  }
}

</mosaic_0001>

<sc_bundles>
// kernel: kernel.10.cloned.1.call-start
scs
__scs_entry_jumppad:
0x0: {  	(pc) =	sbr.rel $0x88, $3  }
0x1: {  	(tag) =	ssettag $0x0;
	lr =	simm.s32 $0x1  }
0x2: {  	[smem:$0x3F9E] =	sst lr;
	_ =	strace $0xD0000000  }
0x3: {  	_ = 	snop  }
0x4: {  	_ = 	snop  }
0x5: {  	_ = 	snop  }
0x6: {  	_ = 	snop  }
0x7: {  	_ = 	snop  }
__scs_overlays_trampoline_lowered:
0x8: {  	[smem:$0x3FAD] =	sst s0  }
0x9: {  	[smem:$0x3FAE] =	sst s1  }
0xa: {  	[smem:$0x3FAF] =	sst s2  }
0xb: {  	[smem:$0x3FB0] =	sst s3  }
0xc: {  	[smem:$0x3FB1] =	sst s4  }
0xd: {  	[smem:$0x3FB2] =	sst s5  }
0xe: {  	[smem:$0x3FB3] =	sst s6  }
0xf: {  	[smem:$0x3FB4] =	sst s7  }
0x10: {  	[smem:$0x3FB5] =	sst s8  }
0x11: {  	[smem:$0x3FB6] =	sst s9;
	s0 =	simm.s32 @!p0 $0x0  }
0x12: {  	s1 =	sld [smem:$0x3F9C];
	s0 =	simm.s32 @p0 $0x1  }
0x13: {  	[smem:$0x3FB7] =	sst s0;
	s0 =	simm.s32 @!p1 $0x0  }
0x14: {  	s2 =	sld [smem:$0x3F9B];
	s0 =	simm.s32 @p1 $0x1  }
0x15: {  	[smem:$0x3FB8] =	sst s0;
	s0 =	simm.s32 @!p2 $0x0  }
0x16: {  	s3 =	sld [smem:$0x3FDB];
	s0 =	simm.s32 @p2 $0x1  }
0x17: {  	s4 =	simm.s32 $0x1BF5;
	[smem:$0x3FBA] =	sst s0  }
0x18: {  	s0 =	sld [smem:$0x3F9D];
	_ =	swait.ge [sflag:s4], $0x0  }
0x19: {  	s7 =	sld [smem:$0x3F9E]  }
0x1a: {  	s8 =	sadd.s32 $0xFFFFE003, lr  }
0x1b: {  	s9 =	sadd.s32 $0xFFFFFEF7, lr;
	s5 =	simm.s32 $0xFFFFFFFF;
	p2 =	slt.u32 s8, $0xFFFFF086  }
0x1c: {  	p1 =	slt.u32 s9, $0xF7A;
	s5 =	simm.s32 @!p2 $0x0  }
0x1d: {  	s5 =	simm.s32 @p1 $0x1;
	p0 =	seq.s32 s7, s2  }
0x1e: {  	s7 =	smul.u32 @!p0 $0xF7A, s2;
	p2 =	seq.s32 @!p0 s5, $0x0  }
0x1f: {  	s9 =	smul.u32 $0xF7A, s1;
	s8 =	simm.s32 @!p0 $0x1BF5;
	p2 =	por !p2, p0  }
0x20: {  	[sflag:s8] =	ssyncset.s32 @!p0 $0xFFFFF086;
	s6 =	sadd.s32 @!p0 s3, s7;
	s7 =	simm.s32 @!p0 $0x108  }
0x21: {  	s3 =	sadd.s32 s3, s9;
	s6 =	sadd.s32 @!p0 $0x88, s6;
	s7 =	simm.s32 @p2 $0x1082  }
0x22: {  	[simem:s7], [sflag:s8] =	dma.local @!p0 [hbm:s6], $0xF7A  }
0x23: {  	s9 =	sor.u32 $0xD0000000, s2;
	s6 =	simm.s32 $0x108;
	_ =	swait.ge @!p0 [sflag:s8], $0x0  }
0x24: {  	s3 =	sadd.s32 $0x88, s3;
	s6 =	simm.s32 @!p1 $0x1082;
	[sflag:s4] =	ssyncset.s32 $0xFFFFF086  }
0x25: {  	[simem:s6], [sflag:s4] =	dma.local [hbm:s3], $0xF7A  }
0x26: {  	[smem:$0x3F9E] =	sst s1;
	(tag) =	ssettag s2;
	_ =	strace s9  }
0x27: {  	s1 =	sld [smem:$0x3FAE]  }
0x28: {  	s2 =	sld [smem:$0x3FAF]  }
0x29: {  	s4 =	sld [smem:$0x3FB1]  }
0x2a: {  	p0 =	seq.s32 s5, $0x0;
	s5 =	sld [smem:$0x3FB2]  }
0x2b: {  	s6 =	sld [smem:$0x3FB3]  }
0x2c: {  	s7 =	sld [smem:$0x3FB4]  }
0x2d: {  	s3 =	simm.s32 $0x108;
	s8 =	sld [smem:$0x3FB5]  }
0x2e: {  	s3 =	simm.s32 @!p0 $0x1082;
	s9 =	sld [smem:$0x3FB6]  }
0x2f: {  	lr =	sadd.s32 s0, s3;
	s0 =	sld [smem:$0x3FAD]  }
0x30: {  	s3 =	sld [smem:$0x3FB0]  }
0x31: {  	[smem:$0x3FB9] =	sst s10  }
0x32: {  	s10 =	sld [smem:$0x3FB7];
	_ =	sdelay $0x3  }
0x33: {  	p0 =	seq.s32 s10, $0x1;
	s10 =	sld [smem:$0x3FB9];
	_ =	sdelay $0x3  }
0x34: {  	[smem:$0x3FB9] =	sst s10  }
0x35: {  	s10 =	sld [smem:$0x3FB8];
	_ =	sdelay $0x3  }
0x36: {  	p1 =	seq.s32 s10, $0x1;
	s10 =	sld [smem:$0x3FB9];
	_ =	sdelay $0x3  }
0x37: {  	[smem:$0x3FB9] =	sst s10  }
0x38: {  	s10 =	sld [smem:$0x3FBA]  }
0x39: {  	_ = 	snop;
	(pc) =	sbr.ind lr, $3  }
0x3a: {  	_ = 	snop  }
0x3b: {  	_ = 	snop  }
0x3c: {  	p2 =	seq.s32 s10, $0x1;
	s10 =	sld [smem:$0x3FB9]  }
0x3d: {  	_ =	shalt  }
0x3e: {  	_ =	shalt  }
0x3f: {  	_ =	shalt  }
0x40: {  	_ =	shalt  }
0x41: {  	_ =	shalt  }
0x42: {  	_ =	shalt  }
0x43: {  	_ =	shalt  }
0x44: {  	_ =	shalt  }
0x45: {  	_ =	shalt  }
0x46: {  	_ =	shalt  }
0x47: {  	_ =	shalt  }
0x48: {  	_ =	shalt  }
0x49: {  	_ =	shalt  }
0x4a: {  	_ =	shalt  }
0x4b: {  	_ =	shalt  }
0x4c: {  	_ =	shalt  }
0x4d: {  	_ =	shalt  }
0x4e: {  	_ =	shalt  }
0x4f: {  	_ =	shalt  }
0x50: {  	_ =	shalt  }
0x51: {  	_ =	shalt  }
0x52: {  	_ =	shalt  }
0x53: {  	_ =	shalt  }
0x54: {  	_ =	shalt  }
0x55: {  	_ =	shalt  }
0x56: {  	_ =	shalt  }
0x57: {  	_ =	shalt  }
0x58: {  	_ =	shalt  }
0x59: {  	_ =	shalt  }
0x5a: {  	_ =	shalt  }
0x5b: {  	_ =	shalt  }
0x5c: {  	_ =	shalt  }
0x5d: {  	_ =	shalt  }
0x5e: {  	_ =	shalt  }
0x5f: {  	_ =	shalt  }
0x60: {  	_ =	shalt  }
0x61: {  	_ =	shalt  }
0x62: {  	_ =	shalt  }
0x63: {  	_ =	shalt  }
0x64: {  	_ =	shalt  }
0x65: {  	_ =	shalt  }
0x66: {  	_ =	shalt  }
0x67: {  	_ =	shalt  }
0x68: {  	_ =	shalt  }
0x69: {  	_ =	shalt  }
0x6a: {  	_ =	shalt  }
0x6b: {  	_ =	shalt  }
0x6c: {  	_ =	shalt  }
0x6d: {  	_ =	shalt  }
0x6e: {  	_ =	shalt  }
0x6f: {  	_ =	shalt  }
0x70: {  	_ =	shalt  }
0x71: {  	_ =	shalt  }
0x72: {  	_ =	shalt  }
0x73: {  	_ =	shalt  }
0x74: {  	_ =	shalt  }
0x75: {  	_ =	shalt  }
0x76: {  	_ =	shalt  }
0x77: {  	_ =	shalt  }
0x78: {  	_ =	shalt  }
0x79: {  	_ =	shalt  }
0x7a: {  	_ =	shalt  }
0x7b: {  	_ =	shalt  }
0x7c: {  	_ =	shalt  }
0x7d: {  	_ =	shalt  }
0x7e: {  	_ =	shalt  }
0x7f: {  	_ =	shalt  }
0x80: {  	_ =	shalt  }
0x81: {  	_ =	shalt  }
0x82: {  	_ =	shalt  }
0x83: {  	_ =	shalt  }
0x84: {  	_ =	shalt  }
0x85: {  	_ =	shalt  }
0x86: {  	_ =	shalt  }
0x87: {  	_ =	shalt  }
.Lfunc_end0:
.L_simem_size_0:
called_computation.1_lowered:
.L_overlay_start_0:
0x88: {  	s2 =	sld [smem:$0x3FD9]  }
0x89: {  	s3 =	sld [smem:$0x3FFE];
	_ =	sdelay $0x1  }
0x8a: {  	s1 =	srdreg.scid  }
0x8b: {  	s0 =	sand.u32 $0x1, s1  }
0x8c: {  	s16 =	sshll.u32 s0, $0xA;
	s2 =	sadd.s32 s3, s2  }
0x8d: {  	s2 =	sadd.s32 s2, s16  }
0x8e: {  	[smem:$0x3FC5] =	sst s2  }
0x8f: {  	_ = 	snop  }
0x90: {  	(tm) =	ssettm $0x1  }
0x91: {  	s17 =	sld [smem:$0x3FFB];
	_ =	sdelay $0x3  }
0x92: {  	_ =	strace s17  }
0x93: {  	s2 =	sld [smem:$0x3FFC];
	_ =	sdelay $0x3  }
0x94: {  	_ =	strace s2  }
0x95: {  	s2 =	sld [smem:$0x3FFD];
	_ =	sdelay $0x3  }
0x96: {  	_ =	strace s2  }
0x97: {  	_ =	strace $0x8FFFFFFF  }
0x98: {  	s18 =	sld [smem:$0x3FDB];
	_ =	sdelay $0x1  }
0x99: {  	s19 =	simm.s32 $_scs_section_size  }
0x9a: {  	s4 =	simm.s32 $_size__tile_overlayer_lowered;
	s5 =	simm.s32 $_tile_overlayer_lowered  }
0x9b: {  	s22 =	simm.s32 $0x1BFF;
	s21 =	sshll.u32 s5, $0x1;
	s2 =	sadd.s32 s19, s18  }
0x9c: {  	s6 =	simm.s32 $0x0;
	s20 =	sshll.u32 s4, $0x1;
	s4 =	sadd.s32 s21, s2  }
0x9d: {  	[timem:s6], [sflag:s22] =	dma.local [hbm:s4], s20  }
0x9e: {  	_ =	swait.ge [sflag:s22], s20  }
0x9f: {  	s3 =	ssub.s32 $0x0, s20;
	[sflag:s22] =	ssyncset.done $0x0  }
0xa0: {  	[sflag:s22] =	ssyncadd.s32 s3;
	_ =	sdelay $0x1  }
0xa1: {  	s23 =	simm.s32 $0x1B8B  }
0xa2: {  	_ =	swait.ge [sflag:s23], $0x1  }
0xa3: {  	[sflag:s23] =	ssyncset.done $0x0  }
0xa4: {  	s25 =	simm.s32 $0x1B8E;
	s24 =	sld [smem:$0x3FFE];
	[sflag:s23] =	ssyncadd.s32 $0xFFFFFFFF  }
0xa5: {  	s26 =	simm.s32 $execute0_lowered;
	[smem:$0x3FD2] =	sst s25  }
0xa6: {  	s4 =	sshll.u32 s26, $0x1;
	_ =	strace $0x80000049;
	[dreg:$0x1] =	wrdreg $0xFFFFFFFF  }
0xa7: {  	s28 =	simm.s32 $_size_execute0_lowered;
	s2 =	sadd.s32 s2, s4;
	[dreg:$0x0] =	wrdreg $0x0  }
0xa8: {  	s4 =	sshll.u32 s28, $0x1;
	[dreg:$0x2] =	wrdreg s2  }
0xa9: {  	[dreg:$0x3] =	wrdreg s4  }
0xaa: {  	[dreg:$0x4] =	wrdreg $0xC0  }
0xab: {  	_ =	task [dreg:s6], $0x5FFFF  }
0xac: {  	[dreg:$0x1] =	wrdreg $0xFFFFFFFF  }
0xad: {  	[dreg:$0x0] =	wrdreg $0x60  }
0xae: {  	[dreg:$0x2] =	wrdreg s24  }
0xaf: {  	[dreg:$0x3] =	wrdreg $0x9  }
0xb0: {  	_ =	task.clear_ibuf [dreg:s6], $0x4FFFF;
	_ =	strace $0x90000049  }
0xb1: {  	s29 =	simm.s32 $0x9;
	_ =	strace $0x8000004B  }
0xb2: {  	_ =	swait.ge [sflag:s29], $0x1  }
0xb3: {  	[sflag:s29] =	ssyncadd.s32 $0xFFFFFFFF  }
0xb4: {  	_ =	strace $0x9000004B  }
0xb5: {  	_ =	sfence  }
0xb6: {  	s30 =	sld [smem:$0x0];
	_ =	sdelay $0x2  }
0xb7: {  	s31 =	sshll.u32 s1, $0xD;
	s1 =	sshrl.u32 s1, $0x2  }
0xb8: {  	s3 =	sand.u32 $0x4000, s31;
	s1 =	sadd.s32 s1, s30  }
0xb9: {  	s0 =	sor.u32 s3, s0;
	s1 =	sshll.u32 s1, $0x11  }
0xba: {  	s0 =	sor.u32 s1, s0  }
0xbb: {  	s0 =	sadd.s32 $0x8F2B, s0  }
0xbc: {  	[sflag:s0] =	ssyncadd.remote.s32 $0x1  }
0xbd: {  	_ =	sfence.sel $0xFFFF  }
0xbe: {  	[dreg:$0x0] =	wrdreg $0xFFFFFFFF;
	(pc) =	sbr.abs _section_cstart, $3  }
0xbf: {  	[dreg:$0x1] =	wrdreg $0xFFFFFFFF  }
0xc0: {  	_ =	task.clear_ibuf [dreg:s6], $0x2FFFF;
	_ =	strace $0x9FFFFFFF  }
0xc1: {  	(tm) =	ssettm $0x7FFFFFFF  }
tec
execute0_lowered:
.L_overlay_start_1:
0x0: {  	(tag) =	ssettag $0x1  }
0x1: {  	s1 =	srdreg.scid  }
0x2: {  	s0 =	stileid.u32;
	s3 =	rddreg [dreg:$0x0];
	s17 =	simm.s32 $0x1  }
0x3: {  	s18 =	simm.s32 $0x2400;
	s19 =	simm.s32 $0x4800;
	s20 =	simm.s32 $0x2  }
0x4: {  	s21 =	simm.s32 $0x80;
	s22 =	simm.s32 $0x400;
	s23 =	simm.s32 $0x10880  }
0x5: {  	s24 =	simm.s32 $0x3;
	s4 =	sand.u32 $0x1, s1;
	s2 =	sshll.u32 s0, $0x1  }
0x6: {  	s6 =	sshrl.u32 s0, $0x2;
	s5 =	sor.u32 s4, s2;
	s2 =	simm.s32 $0x0  }
0x7: {  	s6 =	smul.u32 $0x6000, s6;
	s4 =	ssub.s32 $0x2, s4;
	s7 =	sshll.u32 s5, $0x7  }
0x8: {  	[smem:$0x7FF] =	sst s2;
	s5 =	smul.u32 $0x1B000, s5;
	s7 =	sand.u32 $0x380, s7  }
0x9: {  	s31 =	sshrl.u32 s4, $0x1;
	_ =	strace $0x8000004A;
	s6 =	sor.u32 s6, s7  }
0xa: {  	s16 =	ssub.s32 s4, s31;
	s5 =	sshrl.u32 s5, $0x3;
	s6 =	sshrl.u32 s6, $0x3  }
0xb: {  	s16 =	smax.u32 s16, $0x1;
	s15 =	sadd.s32 s6, s3;
	s3 =	sadd.s32 s3, s5  }
0xc: {  	s4 =	sadd.s32 $0x480, s3;
	s5 =	sadd.s32 $0x900, s3;
	s6 =	sadd.s32 $0xD80, s3  }
0xd: {  	s7 =	sadd.s32 $0x1200, s3;
	s8 =	sadd.s32 $0x1680, s3;
	s9 =	sadd.s32 $0x1B00, s3  }
0xe: {  	s10 =	sadd.s32 $0x1F80, s3;
	s11 =	sadd.s32 $0x2400, s3;
	s12 =	sadd.s32 $0x2880, s3  }
0xf: {  	v0 =	vimm.f32 $0.0e+00;
	v1 =	vimm.f32 $1.000000000e+00;
	s13 =	sadd.s32 $0x2D00, s3;
	s14 =	sadd.s32 $0x3180, s3;
	s15 =	sadd.s32 $0x6C000, s15  }
.LBB2_1:
0x10: {  	s25 =	simm.s32 $0x0;
	s26 =	simm.s32 $0x200  }
.LBB2_2:
0x11: {  	p0 =	sne.s32 s26, $0x30000;
	[tilespmem:s25+$0x4870] =	vst v0  }
0x12: {  	[tilespmem:s25+$0x4800] =	vst v0  }
0x13: {  	[tilespmem:s25+$0x4810] =	vst v0  }
.Ltmp0:
0x14: {  	[tilespmem:s25+$0x4820] =	vst v0;
	(pc) =	sbr.rel @p0 .LBB2_2-.Ltmp0, $4  }
0x15: {  	[tilespmem:s25+$0x4830] =	vst v0  }
0x16: {  	[tilespmem:s25+$0x4840] =	vst v0  }
0x17: {  	[tilespmem:s25+$0x4850] =	vst v0  }
0x18: {  	[tilespmem:s25+$0x4860] =	vst v0;
	s25 =	sshra.s32 s26, $0x2;
	s26 =	sadd.s32 $0x200, s26  }
0x19: {  	[tilespmem:s25+$0x4870] =	vst v0  }
0x1a: {  	[tilespmem:s25+$0x4800] =	vst v0  }
0x1b: {  	[tilespmem:s25+$0x4810] =	vst v0  }
0x1c: {  	[tilespmem:s25+$0x4820] =	vst v0  }
0x1d: {  	[tilespmem:s25+$0x4830] =	vst v0  }
0x1e: {  	[tilespmem:s25+$0x4840] =	vst v0  }
0x1f: {  	[tilespmem:s25+$0x4850] =	vst v0  }
0x20: {  	[tilespmem:s25+$0x4860] =	vst v0;
	s31 =	simm.s32 $0x0  }
0x21: {  	[tilespmem:s31], [sflag:$0x1] =	stream.linear.gather [hbm4b:s3+s31], $0x2400, $0x38;
	[tilespmem:$0x11480] =	vst v63  }
0x22: {  	_ =	swait.ge [sflag:s17], $0x2400  }
0x23: {  	[sflag:s17] =	ssyncset.done $0x0  }
0x24: {  	[sflag:s17] =	ssyncadd.s32 $0xFFFFDC00  }
0x25: {  	[tilespmem:s18], [sflag:$0x2] =	stream.linear.gather [hbm4b:s4+s31], $0x2400, $0x38;
	[tilespmem:$0x11480] =	vst v63  }
0x26: {  	s31 =	simm.s32 $0x0  }
0x27: {  	v2 =	vld [tilespmem:s31+$0x0];
	_ =	sdelay $0x7  }
0x28: {  	[tilespmem:v2+s19+$0x0] =	vst.idx.add.f32.msk $0xffff, v1  }
0x29: {  	v2 =	vld [tilespmem:s31+$0x10];
	_ =	sdelay $0x5  }
0x2a: {  	s25 =	simm.s32 $0x80  }
0x2b: {  	v3 =	vld [tilespmem:s25+$0x0]  }
0x2c: {  	[tilespmem:v2+s19+$0x0] =	vst.idx.add.f32.msk $0xffff, v1  }
0x2d: {  	v2 =	vld [tilespmem:s31+$0x20];
	_ =	sdelay $0x5  }
0x2e: {  	[tilespmem:v3+s19+$0x0] =	vst.idx.add.f32.msk $0xffff, v1  }
0x2f: {  	v3 =	vld [tilespmem:s25+$0x10]  }
0x30: {  	[tilespmem:v2+s19+$0x0] =	vst.idx.add.f32.msk $0xffff, v1  }
0x31: {  	v2 =	vld [tilespmem:s31+$0x30];
	_ =	sdelay $0x3  }
0x32: {  	s26 =	simm.s32 $0x100  }
0x33: {  	v4 =	vld [tilespmem:s26+$0x0]  }
0x34: {  	[tilespmem:v3+s19+$0x0] =	vst.idx.add.f32.msk $0xffff, v1  }
0x35: {  	v3 =	vld [tilespmem:s25+$0x20]  }
0x36: {  	[tilespmem:v2+s19+$0x0] =	vst.idx.add.f32.msk $0xffff, v1  }
0x37: {  	v2 =	vld [tilespmem:s31+$0x40];
	_ =	sdelay $0x3  }
0x38: {  	[tilespmem:v4+s19+$0x0] =	vst.idx.add.f32.msk $0xffff, v1  }
0x39: {  	v4 =	vld [tilespmem:s26+$0x10]  }
0x3a: {  	[tilespmem:v3+s19+$0x0] =	vst.idx.add.f32.msk $0xffff, v1  }
0x3b: {  	v3 =	vld [tilespmem:s25+$0x30]  }
0x3c: {  	[tilespmem:v2+s19+$0x0] =	vst.idx.add.f32.msk $0xffff, v1  }
0x3d: {  	v2 =	vld [tilespmem:s31+$0x50];
	_ =	sdelay $0x1  }
0x3e: {  	s28 =	simm.s32 $0x180  }
0x3f: {  	v5 =	vld [tilespmem:s28+$0x0]  }
0x40: {  	[tilespmem:v4+s19+$0x0] =	vst.idx.add.f32.msk $0xffff, v1  }
0x41: {  	v4 =	vld [tilespmem:s26+$0x20]  }
0x42: {  	[tilespmem:v3+s19+$0x0] =	vst.idx.add.f32.msk $0xffff, v1  }
0x43: {  	v3 =	vld [tilespmem:s25+$0x40]  }
0x44: {  	[tilespmem:v2+s19+$0x0] =	vst.idx.add.f32.msk $0xffff, v1  }
0x45: {  	v2 =	vld [tilespmem:s31+$0x60];
	_ =	sdelay $0x1  }
0x46: {  	[tilespmem:v5+s19+$0x0] =	vst.idx.add.f32.msk $0xffff, v1  }
0x47: {  	v5 =	vld [tilespmem:s28+$0x10]  }
0x48: {  	[tilespmem:v4+s19+$0x0] =	vst.idx.add.f32.msk $0xffff, v1  }
0x49: {  	v4 =	vld [tilespmem:s26+$0x30]  }
0x4a: {  	[tilespmem:v3+s19+$0x0] =	vst.idx.add.f32.msk $0xffff, v1  }
0x4b: {  	v3 =	vld [tilespmem:s25+$0x50]  }
0x4c: {  	[tilespmem:v2+s19+$0x0] =	vst.idx.add.f32.msk $0xffff, v1  }
0x4d: {  	s29 =	simm.s32 $0x200;
	s30 =	simm.s32 $0xA00;
	v2 =	vld [tilespmem:s31+$0x70]  }
.LBB2_4:
0x4e: {  	p0 =	sne.s32 s30, $0x8E00;
	v6 =	vld [tilespmem:s29+$0x0];
	s31 =	smov.u32 s26;
	s26 =	smov.u32 s28  }
0x4f: {  	s28 =	smov.u32 s29;
	[tilespmem:v5+s19+$0x0] =	vst.idx.add.f32.msk $0xffff, v1  }
0x50: {  	v7 =	vld [tilespmem:s26+$0x20]  }
0x51: {  	[tilespmem:v4+s19+$0x0] =	vst.idx.add.f32.msk $0xffff, v1  }
0x52: {  	v8 =	vld [tilespmem:s31+$0x40]  }
0x53: {  	[tilespmem:v3+s19+$0x0] =	vst.idx.add.f32.msk $0xffff, v1  }
0x54: {  	v9 =	vld [tilespmem:s25+$0x60]  }
0x55: {  	[tilespmem:v2+s19+$0x0] =	vst.idx.add.f32.msk $0xffff, v1  }
0x56: {  	[tilespmem:v6+s19+$0x0] =	vst.idx.add.f32.msk $0xffff, v1  }
0x57: {  	v5 =	vld [tilespmem:s28+$0x10]  }
0x58: {  	[tilespmem:v7+s19+$0x0] =	vst.idx.add.f32.msk $0xffff, v1  }
.Ltmp1:
0x59: {  	v4 =	vld [tilespmem:s26+$0x30];
	(pc) =	sbr.rel @p0 .LBB2_4-.Ltmp1, $4  }
0x5a: {  	[tilespmem:v8+s19+$0x0] =	vst.idx.add.f32.msk $0xffff, v1  }
0x5b: {  	v3 =	vld [tilespmem:s31+$0x50]  }
0x5c: {  	[tilespmem:v9+s19+$0x0] =	vst.idx.add.f32.msk $0xffff, v1  }
0x5d: {  	s29 =	sshra.s32 s30, $0x2;
	s30 =	sadd.s32 $0x200, s30;
	v2 =	vld [tilespmem:s25+$0x70];
	s25 =	smov.u32 s31  }
0x5e: {  	v6 =	vld [tilespmem:s29+$0x0];
	_ =	sdelay $0x7  }
0x5f: {  	[tilespmem:v6+s19+$0x0] =	vst.idx.add.f32.msk $0xffff, v1  }
0x60: {  	v6 =	vld [tilespmem:s29+$0x10];
	_ =	sdelay $0x5  }
0x61: {  	[tilespmem:v5+s19+$0x0] =	vst.idx.add.f32.msk $0xffff, v1  }
0x62: {  	v5 =	vld [tilespmem:s28+$0x20]  }
0x63: {  	[tilespmem:v6+s19+$0x0] =	vst.idx.add.f32.msk $0xffff, v1  }
0x64: {  	v6 =	vld [tilespmem:s29+$0x20];
	_ =	sdelay $0x5  }
0x65: {  	[tilespmem:v5+s19+$0x0] =	vst.idx.add.f32.msk $0xffff, v1  }
0x66: {  	v5 =	vld [tilespmem:s28+$0x30]  }
0x67: {  	[tilespmem:v6+s19+$0x0] =	vst.idx.add.f32.msk $0xffff, v1  }
0x68: {  	v6 =	vld [tilespmem:s29+$0x30];
	_ =	sdelay $0x3  }
0x69: {  	[tilespmem:v4+s19+$0x0] =	vst.idx.add.f32.msk $0xffff, v1  }
0x6a: {  	v4 =	vld [tilespmem:s26+$0x40]  }
0x6b: {  	[tilespmem:v5+s19+$0x0] =	vst.idx.add.f32.msk $0xffff, v1  }
0x6c: {  	v5 =	vld [tilespmem:s28+$0x40]  }
0x6d: {  	[tilespmem:v6+s19+$0x0] =	vst.idx.add.f32.msk $0xffff, v1  }
0x6e: {  	v6 =	vld [tilespmem:s29+$0x40];
	_ =	sdelay $0x3  }
0x6f: {  	[tilespmem:v4+s19+$0x0] =	vst.idx.add.f32.msk $0xffff, v1  }
0x70: {  	v4 =	vld [tilespmem:s26+$0x50]  }
0x71: {  	[tilespmem:v5+s19+$0x0] =	vst.idx.add.f32.msk $0xffff, v1  }
0x72: {  	v5 =	vld [tilespmem:s28+$0x50]  }
0x73: {  	[tilespmem:v6+s19+$0x0] =	vst.idx.add.f32.msk $0xffff, v1  }
0x74: {  	v6 =	vld [tilespmem:s29+$0x50];
	_ =	sdelay $0x1  }
0x75: {  	[tilespmem:v3+s19+$0x0] =	vst.idx.add.f32.msk $0xffff, v1  }
0x76: {  	v3 =	vld [tilespmem:s25+$0x60]  }
0x77: {  	[tilespmem:v4+s19+$0x0] =	vst.idx.add.f32.msk $0xffff, v1  }
0x78: {  	v4 =	vld [tilespmem:s26+$0x60]  }
0x79: {  	[tilespmem:v5+s19+$0x0] =	vst.idx.add.f32.msk $0xffff, v1  }
0x7a: {  	v5 =	vld [tilespmem:s28+$0x60]  }
0x7b: {  	[tilespmem:v6+s19+$0x0] =	vst.idx.add.f32.msk $0xffff, v1  }
0x7c: {  	v6 =	vld [tilespmem:s29+$0x60];
	_ =	sdelay $0x1  }
0x7d: {  	[tilespmem:v3+s19+$0x0] =	vst.idx.add.f32.msk $0xffff, v1  }
0x7e: {  	v3 =	vld [tilespmem:s25+$0x70]  }
0x7f: {  	[tilespmem:v4+s19+$0x0] =	vst.idx.add.f32.msk $0xffff, v1  }
0x80: {  	v4 =	vld [tilespmem:s26+$0x70]  }
0x81: {  	[tilespmem:v5+s19+$0x0] =	vst.idx.add.f32.msk $0xffff, v1  }
0x82: {  	v5 =	vld [tilespmem:s28+$0x70]  }
0x83: {  	[tilespmem:v6+s19+$0x0] =	vst.idx.add.f32.msk $0xffff, v1  }
0x84: {  	v6 =	vld [tilespmem:s29+$0x70];
	_ =	sdelay $0x3  }
0x85: {  	[tilespmem:v2+s19+$0x0] =	vst.idx.add.f32.msk $0xffff, v1  }
0x86: {  	[tilespmem:v3+s19+$0x0] =	vst.idx.add.f32.msk $0xffff, v1  }
0x87: {  	[tilespmem:v4+s19+$0x0] =	vst.idx.add.f32.msk $0xffff, v1  }
0x88: {  	[tilespmem:v5+s19+$0x0] =	vst.idx.add.f32.msk $0xffff, v1  }
0x89: {  	[tilespmem:v6+s19+$0x0] =	vst.idx.add.f32.msk $0xffff, v1  }
0x8a: {  	_ =	swait.ge [sflag:s20], $0x2400  }
0x8b: {  	[sflag:s20] =	ssyncset.done $0x0  }
0x8c: {  	s31 =	simm.s32 $0x0;
	[sflag:s20] =	ssyncadd.s32 $0xFFFFDC00  }
0x8d: {  	[tilespmem:s31], [sflag:$0x1] =	stream.linear.gather [hbm4b:s5+s31], $0x2400, $0x38;
	[tilespmem:$0x11480] =	vst v63  }
0x8e: {  	s31 =	simm.s32 $0x0  }
0x8f: {  	v2 =	vld [tilespmem:s31+$0x2400];
	_ =	sdelay $0x7  }
0x90: {  	[tilespmem:v2+s19+$0x0] =	vst.idx.add.f32.msk $0xffff, v1  }
0x91: {  	v2 =	vld [tilespmem:s31+$0x2410];
	_ =	sdelay $0x5  }
0x92: {  	s25 =	simm.s32 $0x80  }
0x93: {  	v3 =	vld [tilespmem:s25+$0x2400]  }
0x94: {  	[tilespmem:v2+s19+$0x0] =	vst.idx.add.f32.msk $0xffff, v1  }
0x95: {  	v2 =	vld [tilespmem:s31+$0x2420];
	_ =	sdelay $0x5  }
0x96: {  	[tilespmem:v3+s19+$0x0] =	vst.idx.add.f32.msk $0xffff, v1  }
0x97: {  	v3 =	vld [tilespmem:s25+$0x2410]  }
0x98: {  	[tilespmem:v2+s19+$0x0] =	vst.idx.add.f32.msk $0xffff, v1  }
0x99: {  	v2 =	vld [tilespmem:s31+$0x2430];
	_ =	sdelay $0x3  }
0x9a: {  	s26 =	simm.s32 $0x100  }
0x9b: {  	v4 =	vld [tilespmem:s26+$0x2400]  }
0x9c: {  	[tilespmem:v3+s19+$0x0] =	vst.idx.add.f32.msk $0xffff, v1  }
0x9d: {  	v3 =	vld [tilespmem:s25+$0x2420]  }
0x9e: {  	[tilespmem:v2+s19+$0x0] =	vst.idx.add.f32.msk $0xffff, v1  }
0x9f: {  	v2 =	vld [tilespmem:s31+$0x2440];
	_ =	sdelay $0x3  }
0xa0: {  	[tilespmem:v4+s19+$0x0] =	vst.idx.add.f32.msk $0xffff, v1  }
0xa1: {  	v4 =	vld [tilespmem:s26+$0x2410]  }
0xa2: {  	[tilespmem:v3+s19+$0x0] =	vst.idx.add.f32.msk $0xffff, v1  }
0xa3: {  	v3 =	vld [tilespmem:s25+$0x2430]  }
0xa4: {  	[tilespmem:v2+s19+$0x0] =	vst.idx.add.f32.msk $0xffff, v1  }
0xa5: {  	v2 =	vld [tilespmem:s31+$0x2450];
	_ =	sdelay $0x1  }
0xa6: {  	s28 =	simm.s32 $0x180  }
0xa7: {  	v5 =	vld [tilespmem:s28+$0x2400]  }
0xa8: {  	[tilespmem:v4+s19+$0x0] =	vst.idx.add.f32.msk $0xffff, v1  }
0xa9: {  	v4 =	vld [tilespmem:s26+$0x2420]  }
0xaa: {  	[tilespmem:v3+s19+$0x0] =	vst.idx.add.f32.msk $0xffff, v1  }
0xab: {  	v3 =	vld [tilespmem:s25+$0x2440]  }
0xac: {  	[tilespmem:v2+s19+$0x0] =	vst.idx.add.f32.msk $0xffff, v1  }
0xad: {  	v2 =	vld [tilespmem:s31+$0x2460];
	_ =	sdelay $0x1  }
0xae: {  	[tilespmem:v5+s19+$0x0] =	vst.idx.add.f32.msk $0xffff, v1  }
0xaf: {  	v5 =	vld [tilespmem:s28+$0x2410]  }
0xb0: {  	[tilespmem:v4+s19+$0x0] =	vst.idx.add.f32.msk $0xffff, v1  }
0xb1: {  	v4 =	vld [tilespmem:s26+$0x2430]  }
0xb2: {  	[tilespmem:v3+s19+$0x0] =	vst.idx.add.f32.msk $0xffff, v1  }
0xb3: {  	v3 =	vld [tilespmem:s25+$0x2450]  }
0xb4: {  	[tilespmem:v2+s19+$0x0] =	vst.idx.add.f32.msk $0xffff, v1  }
0xb5: {  	s30 =	simm.s32 $0xA00;
	s29 =	simm.s32 $0x200;
	v2 =	vld [tilespmem:s31+$0x2470]  }
.LBB2_6:
0xb6: {  	p0 =	sne.s32 s30, $0x8E00;
	v6 =	vld [tilespmem:s29+$0x2400];
	s31 =	smov.u32 s26;
	s26 =	smov.u32 s28  }
0xb7: {  	s28 =	smov.u32 s29;
	[tilespmem:v5+s19+$0x0] =	vst.idx.add.f32.msk $0xffff, v1  }
0xb8: {  	v7 =	vld [tilespmem:s26+$0x2420]  }
0xb9: {  	[tilespmem:v4+s19+$0x0] =	vst.idx.add.f32.msk $0xffff, v1  }
0xba: {  	v8 =	vld [tilespmem:s31+$0x2440]  }
0xbb: {  	[tilespmem:v3+s19+$0x0] =	vst.idx.add.f32.msk $0xffff, v1  }
0xbc: {  	v9 =	vld [tilespmem:s25+$0x2460]  }
0xbd: {  	[tilespmem:v2+s19+$0x0] =	vst.idx.add.f32.msk $0xffff, v1  }
0xbe: {  	[tilespmem:v6+s19+$0x0] =	vst.idx.add.f32.msk $0xffff, v1  }
0xbf: {  	v5 =	vld [tilespmem:s28+$0x2410]  }
0xc0: {  	[tilespmem:v7+s19+$0x0] =	vst.idx.add.f32.msk $0xffff, v1  }
.Ltmp2:
0xc1: {  	v4 =	vld [tilespmem:s26+$0x2430];
	(pc) =	sbr.rel @p0 .LBB2_6-.Ltmp2, $4  }
0xc2: {  	[tilespmem:v8+s19+$0x0] =	vst.idx.add.f32.msk $0xffff, v1  }
0xc3: {  	v3 =	vld [tilespmem:s31+$0x2450]  }
0xc4: {  	[tilespmem:v9+s19+$0x0] =	vst.idx.add.f32.msk $0xffff, v1  }
0xc5: {  	s29 =	sshra.s32 s30, $0x2;
	s30 =	sadd.s32 $0x200, s30;
	v2 =	vld [tilespmem:s25+$0x2470];
	s25 =	smov.u32 s31  }
0xc6: {  	v6 =	vld [tilespmem:s29+$0x2400];
	_ =	sdelay $0x7  }
0xc7: {  	[tilespmem:v6+s19+$0x0] =	vst.idx.add.f32.msk $0xffff, v1  }
0xc8: {  	v6 =	vld [tilespmem:s29+$0x2410];
	_ =	sdelay $0x5  }
0xc9: {  	[tilespmem:v5+s19+$0x0] =	vst.idx.add.f32.msk $0xffff, v1  }
0xca: {  	v5 =	vld [tilespmem:s28+$0x2420]  }
0xcb: {  	[tilespmem:v6+s19+$0x0] =	vst.idx.add.f32.msk $0xffff, v1  }
0xcc: {  	v6 =	vld [tilespmem:s29+$0x2420];
	_ =	sdelay $0x5  }
0xcd: {  	[tilespmem:v5+s19+$0x0] =	vst.idx.add.f32.msk $0xffff, v1  }
0xce: {  	v5 =	vld [tilespmem:s28+$0x2430]  }
0xcf: {  	[tilespmem:v6+s19+$0x0] =	vst.idx.add.f32.msk $0xffff, v1  }
0xd0: {  	v6 =	vld [tilespmem:s29+$0x2430];
	_ =	sdelay $0x3  }
0xd1: {  	[tilespmem:v4+s19+$0x0] =	vst.idx.add.f32.msk $0xffff, v1  }
0xd2: {  	v4 =	vld [tilespmem:s26+$0x2440]  }
0xd3: {  	[tilespmem:v5+s19+$0x0] =	vst.idx.add.f32.msk $0xffff, v1  }
0xd4: {  	v5 =	vld [tilespmem:s28+$0x2440]  }
0xd5: {  	[tilespmem:v6+s19+$0x0] =	vst.idx.add.f32.msk $0xffff, v1  }
0xd6: {  	v6 =	vld [tilespmem:s29+$0x2440];
	_ =	sdelay $0x3  }
0xd7: {  	[tilespmem:v4+s19+$0x0] =	vst.idx.add.f32.msk $0xffff, v1  }
0xd8: {  	v4 =	vld [tilespmem:s26+$0x2450]  }
0xd9: {  	[tilespmem:v5+s19+$0x0] =	vst.idx.add.f32.msk $0xffff, v1  }
0xda: {  	v5 =	vld [tilespmem:s28+$0x2450]  }
0xdb: {  	[tilespmem:v6+s19+$0x0] =	vst.idx.add.f32.msk $0xffff, v1  }
0xdc: {  	v6 =	vld [tilespmem:s29+$0x2450];
	_ =	sdelay $0x1  }
0xdd: {  	[tilespmem:v3+s19+$0x0] =	vst.idx.add.f32.msk $0xffff, v1  }
0xde: {  	v3 =	vld [tilespmem:s25+$0x2460]  }
0xdf: {  	[tilespmem:v4+s19+$0x0] =	vst.idx.add.f32.msk $0xffff, v1  }
0xe0: {  	v4 =	vld [tilespmem:s26+$0x2460]  }
0xe1: {  	[tilespmem:v5+s19+$0x0] =	vst.idx.add.f32.msk $0xffff, v1  }
0xe2: {  	v5 =	vld [tilespmem:s28+$0x2460]  }
0xe3: {  	[tilespmem:v6+s19+$0x0] =	vst.idx.add.f32.msk $0xffff, v1  }
0xe4: {  	v6 =	vld [tilespmem:s29+$0x2460];
	_ =	sdelay $0x1  }
0xe5: {  	[tilespmem:v3+s19+$0x0] =	vst.idx.add.f32.msk $0xffff, v1  }
0xe6: {  	v3 =	vld [tilespmem:s25+$0x2470]  }
0xe7: {  	[tilespmem:v4+s19+$0x0] =	vst.idx.add.f32.msk $0xffff, v1  }
0xe8: {  	v4 =	vld [tilespmem:s26+$0x2470]  }
0xe9: {  	[tilespmem:v5+s19+$0x0] =	vst.idx.add.f32.msk $0xffff, v1  }
0xea: {  	v5 =	vld [tilespmem:s28+$0x2470]  }
0xeb: {  	[tilespmem:v6+s19+$0x0] =	vst.idx.add.f32.msk $0xffff, v1  }
0xec: {  	v6 =	vld [tilespmem:s29+$0x2470];
	_ =	sdelay $0x3  }
0xed: {  	[tilespmem:v2+s19+$0x0] =	vst.idx.add.f32.msk $0xffff, v1  }
0xee: {  	[tilespmem:v3+s19+$0x0] =	vst.idx.add.f32.msk $0xffff, v1  }
0xef: {  	[tilespmem:v4+s19+$0x0] =	vst.idx.add.f32.msk $0xffff, v1  }
0xf0: {  	[tilespmem:v5+s19+$0x0] =	vst.idx.add.f32.msk $0xffff, v1  }
0xf1: {  	[tilespmem:v6+s19+$0x0] =	vst.idx.add.f32.msk $0xffff, v1  }
0xf2: {  	_ =	swait.ge [sflag:s17], $0x2400  }
0xf3: {  	[sflag:s17] =	ssyncset.done $0x0  }
0xf4: {  	s31 =	simm.s32 $0x0;
	[sflag:s17] =	ssyncadd.s32 $0xFFFFDC00  }
0xf5: {  	[tilespmem:s18], [sflag:$0x2] =	stream.linear.gather [hbm4b:s6+s31], $0x2400, $0x38;
	[tilespmem:$0x11480] =	vst v63  }
0xf6: {  	s31 =	simm.s32 $0x0  }
0xf7: {  	v2 =	vld [tilespmem:s31+$0x0];
	_ =	sdelay $0x7  }
0xf8: {  	[tilespmem:v2+s19+$0x0] =	vst.idx.add.f32.msk $0xffff, v1  }
0xf9: {  	v2 =	vld [tilespmem:s31+$0x10];
	_ =	sdelay $0x5  }
0xfa: {  	s25 =	simm.s32 $0x80  }
0xfb: {  	v3 =	vld [tilespmem:s25+$0x0]  }
0xfc: {  	[tilespmem:v2+s19+$0x0] =	vst.idx.add.f32.msk $0xffff, v1  }
0xfd: {  	v2 =	vld [tilespmem:s31+$0x20];
	_ =	sdelay $0x5  }
0xfe: {  	[tilespmem:v3+s19+$0x0] =	vst.idx.add.f32.msk $0xffff, v1  }
0xff: {  	v3 =	vld [tilespmem:s25+$0x10]  }
0x100: {  	[tilespmem:v2+s19+$0x0] =	vst.idx.add.f32.msk $0xffff, v1  }
0x101: {  	v2 =	vld [tilespmem:s31+$0x30];
	_ =	sdelay $0x3  }
0x102: {  	s26 =	simm.s32 $0x100  }
0x103: {  	v4 =	vld [tilespmem:s26+$0x0]  }
0x104: {  	[tilespmem:v3+s19+$0x0] =	vst.idx.add.f32.msk $0xffff, v1  }
0x105: {  	v3 =	vld [tilespmem:s25+$0x20]  }
0x106: {  	[tilespmem:v2+s19+$0x0] =	vst.idx.add.f32.msk $0xffff, v1  }
0x107: {  	v2 =	vld [tilespmem:s31+$0x40];
	_ =	sdelay $0x3  }
0x108: {  	[tilespmem:v4+s19+$0x0] =	vst.idx.add.f32.msk $0xffff, v1  }
0x109: {  	v4 =	vld [tilespmem:s26+$0x10]  }
0x10a: {  	[tilespmem:v3+s19+$0x0] =	vst.idx.add.f32.msk $0xffff, v1  }
0x10b: {  	v3 =	vld [tilespmem:s25+$0x30]  }
0x10c: {  	[tilespmem:v2+s19+$0x0] =	vst.idx.add.f32.msk $0xffff, v1  }
0x10d: {  	v2 =	vld [tilespmem:s31+$0x50];
	_ =	sdelay $0x1  }
0x10e: {  	s28 =	simm.s32 $0x180  }
0x10f: {  	v5 =	vld [tilespmem:s28+$0x0]  }
0x110: {  	[tilespmem:v4+s19+$0x0] =	vst.idx.add.f32.msk $0xffff, v1  }
0x111: {  	v4 =	vld [tilespmem:s26+$0x20]  }
0x112: {  	[tilespmem:v3+s19+$0x0] =	vst.idx.add.f32.msk $0xffff, v1  }
0x113: {  	v3 =	vld [tilespmem:s25+$0x40]  }
0x114: {  	[tilespmem:v2+s19+$0x0] =	vst.idx.add.f32.msk $0xffff, v1  }
0x115: {  	v2 =	vld [tilespmem:s31+$0x60];
	_ =	sdelay $0x1  }
0x116: {  	[tilespmem:v5+s19+$0x0] =	vst.idx.add.f32.msk $0xffff, v1  }
0x117: {  	v5 =	vld [tilespmem:s28+$0x10]  }
0x118: {  	[tilespmem:v4+s19+$0x0] =	vst.idx.add.f32.msk $0xffff, v1  }
0x119: {  	v4 =	vld [tilespmem:s26+$0x30]  }
0x11a: {  	[tilespmem:v3+s19+$0x0] =	vst.idx.add.f32.msk $0xffff, v1  }
0x11b: {  	v3 =	vld [tilespmem:s25+$0x50]  }
0x11c: {  	[tilespmem:v2+s19+$0x0] =	vst.idx.add.f32.msk $0xffff, v1  }
0x11d: {  	s30 =	simm.s32 $0xA00;
	s29 =	simm.s32 $0x200;
	v2 =	vld [tilespmem:s31+$0x70]  }
.LBB2_8:
0x11e: {  	p0 =	sne.s32 s30, $0x8E00;
	v6 =	vld [tilespmem:s29+$0x0];
	s31 =	smov.u32 s26;
	s26 =	smov.u32 s28  }
0x11f: {  	s28 =	smov.u32 s29;
	[tilespmem:v5+s19+$0x0] =	vst.idx.add.f32.msk $0xffff, v1  }
0x120: {  	v7 =	vld [tilespmem:s26+$0x20]  }
0x121: {  	[tilespmem:v4+s19+$0x0] =	vst.idx.add.f32.msk $0xffff, v1  }
0x122: {  	v8 =	vld [tilespmem:s31+$0x40]  }
0x123: {  	[tilespmem:v3+s19+$0x0] =	vst.idx.add.f32.msk $0xffff, v1  }
0x124: {  	v9 =	vld [tilespmem:s25+$0x60]  }
0x125: {  	[tilespmem:v2+s19+$0x0] =	vst.idx.add.f32.msk $0xffff, v1  }
0x126: {  	[tilespmem:v6+s19+$0x0] =	vst.idx.add.f32.msk $0xffff, v1  }
0x127: {  	v5 =	vld [tilespmem:s28+$0x10]  }
0x128: {  	[tilespmem:v7+s19+$0x0] =	vst.idx.add.f32.msk $0xffff, v1  }
.Ltmp3:
0x129: {  	v4 =	vld [tilespmem:s26+$0x30];
	(pc) =	sbr.rel @p0 .LBB2_8-.Ltmp3, $4  }
0x12a: {  	[tilespmem:v8+s19+$0x0] =	vst.idx.add.f32.msk $0xffff, v1  }
0x12b: {  	v3 =	vld [tilespmem:s31+$0x50]  }
0x12c: {  	[tilespmem:v9+s19+$0x0] =	vst.idx.add.f32.msk $0xffff, v1  }
0x12d: {  	s29 =	sshra.s32 s30, $0x2;
	s30 =	sadd.s32 $0x200, s30;
	v2 =	vld [tilespmem:s25+$0x70];
	s25 =	smov.u32 s31  }
0x12e: {  	v6 =	vld [tilespmem:s29+$0x0];
	_ =	sdelay $0x7  }
0x12f: {  	[tilespmem:v6+s19+$0x0] =	vst.idx.add.f32.msk $0xffff, v1  }
0x130: {  	v6 =	vld [tilespmem:s29+$0x10];
	_ =	sdelay $0x5  }
0x131: {  	[tilespmem:v5+s19+$0x0] =	vst.idx.add.f32.msk $0xffff, v1  }
0x132: {  	v5 =	vld [tilespmem:s28+$0x20]  }
0x133: {  	[tilespmem:v6+s19+$0x0] =	vst.idx.add.f32.msk $0xffff, v1  }
0x134: {  	v6 =	vld [tilespmem:s29+$0x20];
	_ =	sdelay $0x5  }
0x135: {  	[tilespmem:v5+s19+$0x0] =	vst.idx.add.f32.msk $0xffff, v1  }
0x136: {  	v5 =	vld [tilespmem:s28+$0x30]  }
0x137: {  	[tilespmem:v6+s19+$0x0] =	vst.idx.add.f32.msk $0xffff, v1  }
0x138: {  	v6 =	vld [tilespmem:s29+$0x30];
	_ =	sdelay $0x3  }
0x139: {  	[tilespmem:v4+s19+$0x0] =	vst.idx.add.f32.msk $0xffff, v1  }
0x13a: {  	v4 =	vld [tilespmem:s26+$0x40]  }
0x13b: {  	[tilespmem:v5+s19+$0x0] =	vst.idx.add.f32.msk $0xffff, v1  }
0x13c: {  	v5 =	vld [tilespmem:s28+$0x40]  }
0x13d: {  	[tilespmem:v6+s19+$0x0] =	vst.idx.add.f32.msk $0xffff, v1  }
0x13e: {  	v6 =	vld [tilespmem:s29+$0x40];
	_ =	sdelay $0x3  }
0x13f: {  	[tilespmem:v4+s19+$0x0] =	vst.idx.add.f32.msk $0xffff, v1  }
0x140: {  	v4 =	vld [tilespmem:s26+$0x50]  }
0x141: {  	[tilespmem:v5+s19+$0x0] =	vst.idx.add.f32.msk $0xffff, v1  }
0x142: {  	v5 =	vld [tilespmem:s28+$0x50]  }
0x143: {  	[tilespmem:v6+s19+$0x0] =	vst.idx.add.f32.msk $0xffff, v1  }
0x144: {  	v6 =	vld [tilespmem:s29+$0x50];
	_ =	sdelay $0x1  }
0x145: {  	[tilespmem:v3+s19+$0x0] =	vst.idx.add.f32.msk $0xffff, v1  }
0x146: {  	v3 =	vld [tilespmem:s25+$0x60]  }
0x147: {  	[tilespmem:v4+s19+$0x0] =	vst.idx.add.f32.msk $0xffff, v1  }
0x148: {  	v4 =	vld [tilespmem:s26+$0x60]  }
0x149: {  	[tilespmem:v5+s19+$0x0] =	vst.idx.add.f32.msk $0xffff, v1  }
0x14a: {  	v5 =	vld [tilespmem:s28+$0x60]  }
0x14b: {  	[tilespmem:v6+s19+$0x0] =	vst.idx.add.f32.msk $0xffff, v1  }
0x14c: {  	v6 =	vld [tilespmem:s29+$0x60];
	_ =	sdelay $0x1  }
0x14d: {  	[tilespmem:v3+s19+$0x0] =	vst.idx.add.f32.msk $0xffff, v1  }
0x14e: {  	v3 =	vld [tilespmem:s25+$0x70]  }
0x14f: {  	[tilespmem:v4+s19+$0x0] =	vst.idx.add.f32.msk $0xffff, v1  }
0x150: {  	v4 =	vld [tilespmem:s26+$0x70]  }
0x151: {  	[tilespmem:v5+s19+$0x0] =	vst.idx.add.f32.msk $0xffff, v1  }
0x152: {  	v5 =	vld [tilespmem:s28+$0x70]  }
0x153: {  	[tilespmem:v6+s19+$0x0] =	vst.idx.add.f32.msk $0xffff, v1  }
0x154: {  	v6 =	vld [tilespmem:s29+$0x70];
	_ =	sdelay $0x3  }
0x155: {  	[tilespmem:v2+s19+$0x0] =	vst.idx.add.f32.msk $0xffff, v1  }
0x156: {  	[tilespmem:v3+s19+$0x0] =	vst.idx.add.f32.msk $0xffff, v1  }
0x157: {  	[tilespmem:v4+s19+$0x0] =	vst.idx.add.f32.msk $0xffff, v1  }
0x158: {  	[tilespmem:v5+s19+$0x0] =	vst.idx.add.f32.msk $0xffff, v1  }
0x159: {  	[tilespmem:v6+s19+$0x0] =	vst.idx.add.f32.msk $0xffff, v1  }
0x15a: {  	_ =	swait.ge [sflag:s20], $0x2400  }
0x15b: {  	[sflag:s20] =	ssyncset.done $0x0  }
0x15c: {  	s31 =	simm.s32 $0x0;
	[sflag:s20] =	ssyncadd.s32 $0xFFFFDC00  }
0x15d: {  	[tilespmem:s31], [sflag:$0x1] =	stream.linear.gather [hbm4b:s7+s31], $0x2400, $0x38;
	[tilespmem:$0x11480] =	vst v63  }
0x15e: {  	s31 =	simm.s32 $0x0  }
0x15f: {  	v2 =	vld [tilespmem:s31+$0x2400];
	_ =	sdelay $0x7  }
0x160: {  	[tilespmem:v2+s19+$0x0] =	vst.idx.add.f32.msk $0xffff, v1  }
0x161: {  	v2 =	vld [tilespmem:s31+$0x2410];
	_ =	sdelay $0x5  }
0x162: {  	s25 =	simm.s32 $0x80  }
0x163: {  	v3 =	vld [tilespmem:s25+$0x2400]  }
0x164: {  	[tilespmem:v2+s19+$0x0] =	vst.idx.add.f32.msk $0xffff, v1  }
0x165: {  	v2 =	vld [tilespmem:s31+$0x2420];
	_ =	sdelay $0x5  }
0x166: {  	[tilespmem:v3+s19+$0x0] =	vst.idx.add.f32.msk $0xffff, v1  }
0x167: {  	v3 =	vld [tilespmem:s25+$0x2410]  }
0x168: {  	[tilespmem:v2+s19+$0x0] =	vst.idx.add.f32.msk $0xffff, v1  }
0x169: {  	v2 =	vld [tilespmem:s31+$0x2430];
	_ =	sdelay $0x3  }
0x16a: {  	s26 =	simm.s32 $0x100  }
0x16b: {  	v4 =	vld [tilespmem:s26+$0x2400]  }
0x16c: {  	[tilespmem:v3+s19+$0x0] =	vst.idx.add.f32.msk $0xffff, v1  }
0x16d: {  	v3 =	vld [tilespmem:s25+$0x2420]  }
0x16e: {  	[tilespmem:v2+s19+$0x0] =	vst.idx.add.f32.msk $0xffff, v1  }
0x16f: {  	v2 =	vld [tilespmem:s31+$0x2440];
	_ =	sdelay $0x3  }
0x170: {  	[tilespmem:v4+s19+$0x0] =	vst.idx.add.f32.msk $0xffff, v1  }
0x171: {  	v4 =	vld [tilespmem:s26+$0x2410]  }
0x172: {  	[tilespmem:v3+s19+$0x0] =	vst.idx.add.f32.msk $0xffff, v1  }
0x173: {  	v3 =	vld [tilespmem:s25+$0x2430]  }
0x174: {  	[tilespmem:v2+s19+$0x0] =	vst.idx.add.f32.msk $0xffff, v1  }
0x175: {  	v2 =	vld [tilespmem:s31+$0x2450];
	_ =	sdelay $0x1  }
0x176: {  	s28 =	simm.s32 $0x180  }
0x177: {  	v5 =	vld [tilespmem:s28+$0x2400]  }
0x178: {  	[tilespmem:v4+s19+$0x0] =	vst.idx.add.f32.msk $0xffff, v1  }
0x179: {  	v4 =	vld [tilespmem:s26+$0x2420]  }
0x17a: {  	[tilespmem:v3+s19+$0x0] =	vst.idx.add.f32.msk $0xffff, v1  }
0x17b: {  	v3 =	vld [tilespmem:s25+$0x2440]  }
0x17c: {  	[tilespmem:v2+s19+$0x0] =	vst.idx.add.f32.msk $0xffff, v1  }
0x17d: {  	v2 =	vld [tilespmem:s31+$0x2460];
	_ =	sdelay $0x1  }
0x17e: {  	[tilespmem:v5+s19+$0x0] =	vst.idx.add.f32.msk $0xffff, v1  }
0x17f: {  	v5 =	vld [tilespmem:s28+$0x2410]  }
0x180: {  	[tilespmem:v4+s19+$0x0] =	vst.idx.add.f32.msk $0xffff, v1  }
0x181: {  	v4 =	vld [tilespmem:s26+$0x2430]  }
0x182: {  	[tilespmem:v3+s19+$0x0] =	vst.idx.add.f32.msk $0xffff, v1  }
0x183: {  	v3 =	vld [tilespmem:s25+$0x2450]  }
0x184: {  	[tilespmem:v2+s19+$0x0] =	vst.idx.add.f32.msk $0xffff, v1  }
0x185: {  	s30 =	simm.s32 $0xA00;
	s29 =	simm.s32 $0x200;
	v2 =	vld [tilespmem:s31+$0x2470]  }
.LBB2_10:
0x186: {  	p0 =	sne.s32 s30, $0x8E00;
	v6 =	vld [tilespmem:s29+$0x2400];
	s31 =	smov.u32 s26;
	s26 =	smov.u32 s28  }
0x187: {  	s28 =	smov.u32 s29;
	[tilespmem:v5+s19+$0x0] =	vst.idx.add.f32.msk $0xffff, v1  }
0x188: {  	v7 =	vld [tilespmem:s26+$0x2420]  }
0x189: {  	[tilespmem:v4+s19+$0x0] =	vst.idx.add.f32.msk $0xffff, v1  }
0x18a: {  	v8 =	vld [tilespmem:s31+$0x2440]  }
0x18b: {  	[tilespmem:v3+s19+$0x0] =	vst.idx.add.f32.msk $0xffff, v1  }
0x18c: {  	v9 =	vld [tilespmem:s25+$0x2460]  }
0x18d: {  	[tilespmem:v2+s19+$0x0] =	vst.idx.add.f32.msk $0xffff, v1  }
0x18e: {  	[tilespmem:v6+s19+$0x0] =	vst.idx.add.f32.msk $0xffff, v1  }
0x18f: {  	v5 =	vld [tilespmem:s28+$0x2410]  }
0x190: {  	[tilespmem:v7+s19+$0x0] =	vst.idx.add.f32.msk $0xffff, v1  }
.Ltmp4:
0x191: {  	v4 =	vld [tilespmem:s26+$0x2430];
	(pc) =	sbr.rel @p0 .LBB2_10-.Ltmp4, $4  }
0x192: {  	[tilespmem:v8+s19+$0x0] =	vst.idx.add.f32.msk $0xffff, v1  }
0x193: {  	v3 =	vld [tilespmem:s31+$0x2450]  }
0x194: {  	[tilespmem:v9+s19+$0x0] =	vst.idx.add.f32.msk $0xffff, v1  }
0x195: {  	s29 =	sshra.s32 s30, $0x2;
	s30 =	sadd.s32 $0x200, s30;
	v2 =	vld [tilespmem:s25+$0x2470];
	s25 =	smov.u32 s31  }
0x196: {  	v6 =	vld [tilespmem:s29+$0x2400];
	_ =	sdelay $0x7  }
0x197: {  	[tilespmem:v6+s19+$0x0] =	vst.idx.add.f32.msk $0xffff, v1  }
0x198: {  	v6 =	vld [tilespmem:s29+$0x2410];
	_ =	sdelay $0x5  }
0x199: {  	[tilespmem:v5+s19+$0x0] =	vst.idx.add.f32.msk $0xffff, v1  }
0x19a: {  	v5 =	vld [tilespmem:s28+$0x2420]  }
0x19b: {  	[tilespmem:v6+s19+$0x0] =	vst.idx.add.f32.msk $0xffff, v1  }
0x19c: {  	v6 =	vld [tilespmem:s29+$0x2420];
	_ =	sdelay $0x5  }
0x19d: {  	[tilespmem:v5+s19+$0x0] =	vst.idx.add.f32.msk $0xffff, v1  }
0x19e: {  	v5 =	vld [tilespmem:s28+$0x2430]  }
0x19f: {  	[tilespmem:v6+s19+$0x0] =	vst.idx.add.f32.msk $0xffff, v1  }
0x1a0: {  	v6 =	vld [tilespmem:s29+$0x2430];
	_ =	sdelay $0x3  }
0x1a1: {  	[tilespmem:v4+s19+$0x0] =	vst.idx.add.f32.msk $0xffff, v1  }
0x1a2: {  	v4 =	vld [tilespmem:s26+$0x2440]  }
0x1a3: {  	[tilespmem:v5+s19+$0x0] =	vst.idx.add.f32.msk $0xffff, v1  }
0x1a4: {  	v5 =	vld [tilespmem:s28+$0x2440]  }
0x1a5: {  	[tilespmem:v6+s19+$0x0] =	vst.idx.add.f32.msk $0xffff, v1  }
0x1a6: {  	v6 =	vld [tilespmem:s29+$0x2440];
	_ =	sdelay $0x3  }
0x1a7: {  	[tilespmem:v4+s19+$0x0] =	vst.idx.add.f32.msk $0xffff, v1  }
0x1a8: {  	v4 =	vld [tilespmem:s26+$0x2450]  }
0x1a9: {  	[tilespmem:v5+s19+$0x0] =	vst.idx.add.f32.msk $0xffff, v1  }
0x1aa: {  	v5 =	vld [tilespmem:s28+$0x2450]  }
0x1ab: {  	[tilespmem:v6+s19+$0x0] =	vst.idx.add.f32.msk $0xffff, v1  }
0x1ac: {  	v6 =	vld [tilespmem:s29+$0x2450];
	_ =	sdelay $0x1  }
0x1ad: {  	[tilespmem:v3+s19+$0x0] =	vst.idx.add.f32.msk $0xffff, v1  }
0x1ae: {  	v3 =	vld [tilespmem:s25+$0x2460]  }
0x1af: {  	[tilespmem:v4+s19+$0x0] =	vst.idx.add.f32.msk $0xffff, v1  }
0x1b0: {  	v4 =	vld [tilespmem:s26+$0x2460]  }
0x1b1: {  	[tilespmem:v5+s19+$0x0] =	vst.idx.add.f32.msk $0xffff, v1  }
0x1b2: {  	v5 =	vld [tilespmem:s28+$0x2460]  }
0x1b3: {  	[tilespmem:v6+s19+$0x0] =	vst.idx.add.f32.msk $0xffff, v1  }
0x1b4: {  	v6 =	vld [tilespmem:s29+$0x2460];
	_ =	sdelay $0x1  }
0x1b5: {  	[tilespmem:v3+s19+$0x0] =	vst.idx.add.f32.msk $0xffff, v1  }
0x1b6: {  	v3 =	vld [tilespmem:s25+$0x2470]  }
0x1b7: {  	[tilespmem:v4+s19+$0x0] =	vst.idx.add.f32.msk $0xffff, v1  }
0x1b8: {  	v4 =	vld [tilespmem:s26+$0x2470]  }
0x1b9: {  	[tilespmem:v5+s19+$0x0] =	vst.idx.add.f32.msk $0xffff, v1  }
0x1ba: {  	v5 =	vld [tilespmem:s28+$0x2470]  }
0x1bb: {  	[tilespmem:v6+s19+$0x0] =	vst.idx.add.f32.msk $0xffff, v1  }
0x1bc: {  	v6 =	vld [tilespmem:s29+$0x2470];
	_ =	sdelay $0x3  }
0x1bd: {  	[tilespmem:v2+s19+$0x0] =	vst.idx.add.f32.msk $0xffff, v1  }
0x1be: {  	[tilespmem:v3+s19+$0x0] =	vst.idx.add.f32.msk $0xffff, v1  }
0x1bf: {  	[tilespmem:v4+s19+$0x0] =	vst.idx.add.f32.msk $0xffff, v1  }
0x1c0: {  	[tilespmem:v5+s19+$0x0] =	vst.idx.add.f32.msk $0xffff, v1  }
0x1c1: {  	[tilespmem:v6+s19+$0x0] =	vst.idx.add.f32.msk $0xffff, v1  }
0x1c2: {  	_ =	swait.ge [sflag:s17], $0x2400  }
0x1c3: {  	[sflag:s17] =	ssyncset.done $0x0  }
0x1c4: {  	s31 =	simm.s32 $0x0;
	[sflag:s17] =	ssyncadd.s32 $0xFFFFDC00  }
0x1c5: {  	[tilespmem:s18], [sflag:$0x2] =	stream.linear.gather [hbm4b:s8+s31], $0x2400, $0x38;
	[tilespmem:$0x11480] =	vst v63  }
0x1c6: {  	s31 =	simm.s32 $0x0  }
0x1c7: {  	v2 =	vld [tilespmem:s31+$0x0];
	_ =	sdelay $0x7  }
0x1c8: {  	[tilespmem:v2+s19+$0x0] =	vst.idx.add.f32.msk $0xffff, v1  }
0x1c9: {  	v2 =	vld [tilespmem:s31+$0x10];
	_ =	sdelay $0x5  }
0x1ca: {  	s25 =	simm.s32 $0x80  }
0x1cb: {  	v3 =	vld [tilespmem:s25+$0x0]  }
0x1cc: {  	[tilespmem:v2+s19+$0x0] =	vst.idx.add.f32.msk $0xffff, v1  }
0x1cd: {  	v2 =	vld [tilespmem:s31+$0x20];
	_ =	sdelay $0x5  }
0x1ce: {  	[tilespmem:v3+s19+$0x0] =	vst.idx.add.f32.msk $0xffff, v1  }
0x1cf: {  	v3 =	vld [tilespmem:s25+$0x10]  }
0x1d0: {  	[tilespmem:v2+s19+$0x0] =	vst.idx.add.f32.msk $0xffff, v1  }
0x1d1: {  	v2 =	vld [tilespmem:s31+$0x30];
	_ =	sdelay $0x3  }
0x1d2: {  	s26 =	simm.s32 $0x100  }
0x1d3: {  	v4 =	vld [tilespmem:s26+$0x0]  }
0x1d4: {  	[tilespmem:v3+s19+$0x0] =	vst.idx.add.f32.msk $0xffff, v1  }
0x1d5: {  	v3 =	vld [tilespmem:s25+$0x20]  }
0x1d6: {  	[tilespmem:v2+s19+$0x0] =	vst.idx.add.f32.msk $0xffff, v1  }
0x1d7: {  	v2 =	vld [tilespmem:s31+$0x40];
	_ =	sdelay $0x3  }
0x1d8: {  	[tilespmem:v4+s19+$0x0] =	vst.idx.add.f32.msk $0xffff, v1  }
0x1d9: {  	v4 =	vld [tilespmem:s26+$0x10]  }
0x1da: {  	[tilespmem:v3+s19+$0x0] =	vst.idx.add.f32.msk $0xffff, v1  }
0x1db: {  	v3 =	vld [tilespmem:s25+$0x30]  }
0x1dc: {  	[tilespmem:v2+s19+$0x0] =	vst.idx.add.f32.msk $0xffff, v1  }
0x1dd: {  	v2 =	vld [tilespmem:s31+$0x50];
	_ =	sdelay $0x1  }
0x1de: {  	s28 =	simm.s32 $0x180  }
0x1df: {  	v5 =	vld [tilespmem:s28+$0x0]  }
0x1e0: {  	[tilespmem:v4+s19+$0x0] =	vst.idx.add.f32.msk $0xffff, v1  }
0x1e1: {  	v4 =	vld [tilespmem:s26+$0x20]  }
0x1e2: {  	[tilespmem:v3+s19+$0x0] =	vst.idx.add.f32.msk $0xffff, v1  }
0x1e3: {  	v3 =	vld [tilespmem:s25+$0x40]  }
0x1e4: {  	[tilespmem:v2+s19+$0x0] =	vst.idx.add.f32.msk $0xffff, v1  }
0x1e5: {  	v2 =	vld [tilespmem:s31+$0x60];
	_ =	sdelay $0x1  }
0x1e6: {  	[tilespmem:v5+s19+$0x0] =	vst.idx.add.f32.msk $0xffff, v1  }
0x1e7: {  	v5 =	vld [tilespmem:s28+$0x10]  }
0x1e8: {  	[tilespmem:v4+s19+$0x0] =	vst.idx.add.f32.msk $0xffff, v1  }
0x1e9: {  	v4 =	vld [tilespmem:s26+$0x30]  }
0x1ea: {  	[tilespmem:v3+s19+$0x0] =	vst.idx.add.f32.msk $0xffff, v1  }
0x1eb: {  	v3 =	vld [tilespmem:s25+$0x50]  }
0x1ec: {  	[tilespmem:v2+s19+$0x0] =	vst.idx.add.f32.msk $0xffff, v1  }
0x1ed: {  	s30 =	simm.s32 $0xA00;
	s29 =	simm.s32 $0x200;
	v2 =	vld [tilespmem:s31+$0x70]  }
.LBB2_12:
0x1ee: {  	p0 =	sne.s32 s30, $0x8E00;
	v6 =	vld [tilespmem:s29+$0x0];
	s31 =	smov.u32 s26;
	s26 =	smov.u32 s28  }
0x1ef: {  	s28 =	smov.u32 s29;
	[tilespmem:v5+s19+$0x0] =	vst.idx.add.f32.msk $0xffff, v1  }
0x1f0: {  	v7 =	vld [tilespmem:s26+$0x20]  }
0x1f1: {  	[tilespmem:v4+s19+$0x0] =	vst.idx.add.f32.msk $0xffff, v1  }
0x1f2: {  	v8 =	vld [tilespmem:s31+$0x40]  }
0x1f3: {  	[tilespmem:v3+s19+$0x0] =	vst.idx.add.f32.msk $0xffff, v1  }
0x1f4: {  	v9 =	vld [tilespmem:s25+$0x60]  }
0x1f5: {  	[tilespmem:v2+s19+$0x0] =	vst.idx.add.f32.msk $0xffff, v1  }
0x1f6: {  	[tilespmem:v6+s19+$0x0] =	vst.idx.add.f32.msk $0xffff, v1  }
0x1f7: {  	v5 =	vld [tilespmem:s28+$0x10]  }
0x1f8: {  	[tilespmem:v7+s19+$0x0] =	vst.idx.add.f32.msk $0xffff, v1  }
.Ltmp5:
0x1f9: {  	v4 =	vld [tilespmem:s26+$0x30];
	(pc) =	sbr.rel @p0 .LBB2_12-.Ltmp5, $4  }
0x1fa: {  	[tilespmem:v8+s19+$0x0] =	vst.idx.add.f32.msk $0xffff, v1  }
0x1fb: {  	v3 =	vld [tilespmem:s31+$0x50]  }
0x1fc: {  	[tilespmem:v9+s19+$0x0] =	vst.idx.add.f32.msk $0xffff, v1  }
0x1fd: {  	s29 =	sshra.s32 s30, $0x2;
	s30 =	sadd.s32 $0x200, s30;
	v2 =	vld [tilespmem:s25+$0x70];
	s25 =	smov.u32 s31  }
0x1fe: {  	v6 =	vld [tilespmem:s29+$0x0];
	_ =	sdelay $0x7  }
0x1ff: {  	[tilespmem:v6+s19+$0x0] =	vst.idx.add.f32.msk $0xffff, v1  }
0x200: {  	v6 =	vld [tilespmem:s29+$0x10];
	_ =	sdelay $0x5  }
0x201: {  	[tilespmem:v5+s19+$0x0] =	vst.idx.add.f32.msk $0xffff, v1  }
0x202: {  	v5 =	vld [tilespmem:s28+$0x20]  }
0x203: {  	[tilespmem:v6+s19+$0x0] =	vst.idx.add.f32.msk $0xffff, v1  }
0x204: {  	v6 =	vld [tilespmem:s29+$0x20];
	_ =	sdelay $0x5  }
0x205: {  	[tilespmem:v5+s19+$0x0] =	vst.idx.add.f32.msk $0xffff, v1  }
0x206: {  	v5 =	vld [tilespmem:s28+$0x30]  }
0x207: {  	[tilespmem:v6+s19+$0x0] =	vst.idx.add.f32.msk $0xffff, v1  }
0x208: {  	v6 =	vld [tilespmem:s29+$0x30];
	_ =	sdelay $0x3  }
0x209: {  	[tilespmem:v4+s19+$0x0] =	vst.idx.add.f32.msk $0xffff, v1  }
0x20a: {  	v4 =	vld [tilespmem:s26+$0x40]  }
0x20b: {  	[tilespmem:v5+s19+$0x0] =	vst.idx.add.f32.msk $0xffff, v1  }
0x20c: {  	v5 =	vld [tilespmem:s28+$0x40]  }
0x20d: {  	[tilespmem:v6+s19+$0x0] =	vst.idx.add.f32.msk $0xffff, v1  }
0x20e: {  	v6 =	vld [tilespmem:s29+$0x40];
	_ =	sdelay $0x3  }
0x20f: {  	[tilespmem:v4+s19+$0x0] =	vst.idx.add.f32.msk $0xffff, v1  }
0x210: {  	v4 =	vld [tilespmem:s26+$0x50]  }
0x211: {  	[tilespmem:v5+s19+$0x0] =	vst.idx.add.f32.msk $0xffff, v1  }
0x212: {  	v5 =	vld [tilespmem:s28+$0x50]  }
0x213: {  	[tilespmem:v6+s19+$0x0] =	vst.idx.add.f32.msk $0xffff, v1  }
0x214: {  	v6 =	vld [tilespmem:s29+$0x50];
	_ =	sdelay $0x1  }
0x215: {  	[tilespmem:v3+s19+$0x0] =	vst.idx.add.f32.msk $0xffff, v1  }
0x216: {  	v3 =	vld [tilespmem:s25+$0x60]  }
0x217: {  	[tilespmem:v4+s19+$0x0] =	vst.idx.add.f32.msk $0xffff, v1  }
0x218: {  	v4 =	vld [tilespmem:s26+$0x60]  }
0x219: {  	[tilespmem:v5+s19+$0x0] =	vst.idx.add.f32.msk $0xffff, v1  }
0x21a: {  	v5 =	vld [tilespmem:s28+$0x60]  }
0x21b: {  	[tilespmem:v6+s19+$0x0] =	vst.idx.add.f32.msk $0xffff, v1  }
0x21c: {  	v6 =	vld [tilespmem:s29+$0x60];
	_ =	sdelay $0x1  }
0x21d: {  	[tilespmem:v3+s19+$0x0] =	vst.idx.add.f32.msk $0xffff, v1  }
0x21e: {  	v3 =	vld [tilespmem:s25+$0x70]  }
0x21f: {  	[tilespmem:v4+s19+$0x0] =	vst.idx.add.f32.msk $0xffff, v1  }
0x220: {  	v4 =	vld [tilespmem:s26+$0x70]  }
0x221: {  	[tilespmem:v5+s19+$0x0] =	vst.idx.add.f32.msk $0xffff, v1  }
0x222: {  	v5 =	vld [tilespmem:s28+$0x70]  }
0x223: {  	[tilespmem:v6+s19+$0x0] =	vst.idx.add.f32.msk $0xffff, v1  }
0x224: {  	v6 =	vld [tilespmem:s29+$0x70];
	_ =	sdelay $0x3  }
0x225: {  	[tilespmem:v2+s19+$0x0] =	vst.idx.add.f32.msk $0xffff, v1  }
0x226: {  	[tilespmem:v3+s19+$0x0] =	vst.idx.add.f32.msk $0xffff, v1  }
0x227: {  	[tilespmem:v4+s19+$0x0] =	vst.idx.add.f32.msk $0xffff, v1  }
0x228: {  	[tilespmem:v5+s19+$0x0] =	vst.idx.add.f32.msk $0xffff, v1  }
0x229: {  	[tilespmem:v6+s19+$0x0] =	vst.idx.add.f32.msk $0xffff, v1  }
0x22a: {  	_ =	swait.ge [sflag:s20], $0x2400  }
0x22b: {  	[sflag:s20] =	ssyncset.done $0x0  }
0x22c: {  	s31 =	simm.s32 $0x0;
	[sflag:s20] =	ssyncadd.s32 $0xFFFFDC00  }
0x22d: {  	[tilespmem:s31], [sflag:$0x1] =	stream.linear.gather [hbm4b:s9+s31], $0x2400, $0x38;
	[tilespmem:$0x11480] =	vst v63  }
0x22e: {  	s31 =	simm.s32 $0x0  }
0x22f: {  	v2 =	vld [tilespmem:s31+$0x2400];
	_ =	sdelay $0x7  }
0x230: {  	[tilespmem:v2+s19+$0x0] =	vst.idx.add.f32.msk $0xffff, v1  }
0x231: {  	v2 =	vld [tilespmem:s31+$0x2410];
	_ =	sdelay $0x5  }
0x232: {  	s25 =	simm.s32 $0x80  }
0x233: {  	v3 =	vld [tilespmem:s25+$0x2400]  }
0x234: {  	[tilespmem:v2+s19+$0x0] =	vst.idx.add.f32.msk $0xffff, v1  }
0x235: {  	v2 =	vld [tilespmem:s31+$0x2420];
	_ =	sdelay $0x5  }
0x236: {  	[tilespmem:v3+s19+$0x0] =	vst.idx.add.f32.msk $0xffff, v1  }
0x237: {  	v3 =	vld [tilespmem:s25+$0x2410]  }
0x238: {  	[tilespmem:v2+s19+$0x0] =	vst.idx.add.f32.msk $0xffff, v1  }
0x239: {  	v2 =	vld [tilespmem:s31+$0x2430];
	_ =	sdelay $0x3  }
0x23a: {  	s26 =	simm.s32 $0x100  }
0x23b: {  	v4 =	vld [tilespmem:s26+$0x2400]  }
0x23c: {  	[tilespmem:v3+s19+$0x0] =	vst.idx.add.f32.msk $0xffff, v1  }
0x23d: {  	v3 =	vld [tilespmem:s25+$0x2420]  }
0x23e: {  	[tilespmem:v2+s19+$0x0] =	vst.idx.add.f32.msk $0xffff, v1  }
0x23f: {  	v2 =	vld [tilespmem:s31+$0x2440];
	_ =	sdelay $0x3  }
0x240: {  	[tilespmem:v4+s19+$0x0] =	vst.idx.add.f32.msk $0xffff, v1  }
0x241: {  	v4 =	vld [tilespmem:s26+$0x2410]  }
0x242: {  	[tilespmem:v3+s19+$0x0] =	vst.idx.add.f32.msk $0xffff, v1  }
0x243: {  	v3 =	vld [tilespmem:s25+$0x2430]  }
0x244: {  	[tilespmem:v2+s19+$0x0] =	vst.idx.add.f32.msk $0xffff, v1  }
0x245: {  	v2 =	vld [tilespmem:s31+$0x2450];
	_ =	sdelay $0x1  }
0x246: {  	s28 =	simm.s32 $0x180  }
0x247: {  	v5 =	vld [tilespmem:s28+$0x2400]  }
0x248: {  	[tilespmem:v4+s19+$0x0] =	vst.idx.add.f32.msk $0xffff, v1  }
0x249: {  	v4 =	vld [tilespmem:s26+$0x2420]  }
0x24a: {  	[tilespmem:v3+s19+$0x0] =	vst.idx.add.f32.msk $0xffff, v1  }
0x24b: {  	v3 =	vld [tilespmem:s25+$0x2440]  }
0x24c: {  	[tilespmem:v2+s19+$0x0] =	vst.idx.add.f32.msk $0xffff, v1  }
0x24d: {  	v2 =	vld [tilespmem:s31+$0x2460];
	_ =	sdelay $0x1  }
0x24e: {  	[tilespmem:v5+s19+$0x0] =	vst.idx.add.f32.msk $0xffff, v1  }
0x24f: {  	v5 =	vld [tilespmem:s28+$0x2410]  }
0x250: {  	[tilespmem:v4+s19+$0x0] =	vst.idx.add.f32.msk $0xffff, v1  }
0x251: {  	v4 =	vld [tilespmem:s26+$0x2430]  }
0x252: {  	[tilespmem:v3+s19+$0x0] =	vst.idx.add.f32.msk $0xffff, v1  }
0x253: {  	v3 =	vld [tilespmem:s25+$0x2450]  }
0x254: {  	[tilespmem:v2+s19+$0x0] =	vst.idx.add.f32.msk $0xffff, v1  }
0x255: {  	s30 =	simm.s32 $0xA00;
	s29 =	simm.s32 $0x200;
	v2 =	vld [tilespmem:s31+$0x2470]  }
.LBB2_14:
0x256: {  	p0 =	sne.s32 s30, $0x8E00;
	v6 =	vld [tilespmem:s29+$0x2400];
	s31 =	smov.u32 s26;
	s26 =	smov.u32 s28  }
0x257: {  	s28 =	smov.u32 s29;
	[tilespmem:v5+s19+$0x0] =	vst.idx.add.f32.msk $0xffff, v1  }
0x258: {  	v7 =	vld [tilespmem:s26+$0x2420]  }
0x259: {  	[tilespmem:v4+s19+$0x0] =	vst.idx.add.f32.msk $0xffff, v1  }
0x25a: {  	v8 =	vld [tilespmem:s31+$0x2440]  }
0x25b: {  	[tilespmem:v3+s19+$0x0] =	vst.idx.add.f32.msk $0xffff, v1  }
0x25c: {  	v9 =	vld [tilespmem:s25+$0x2460]  }
0x25d: {  	[tilespmem:v2+s19+$0x0] =	vst.idx.add.f32.msk $0xffff, v1  }
0x25e: {  	[tilespmem:v6+s19+$0x0] =	vst.idx.add.f32.msk $0xffff, v1  }
0x25f: {  	v5 =	vld [tilespmem:s28+$0x2410]  }
0x260: {  	[tilespmem:v7+s19+$0x0] =	vst.idx.add.f32.msk $0xffff, v1  }
.Ltmp6:
0x261: {  	v4 =	vld [tilespmem:s26+$0x2430];
	(pc) =	sbr.rel @p0 .LBB2_14-.Ltmp6, $4  }
0x262: {  	[tilespmem:v8+s19+$0x0] =	vst.idx.add.f32.msk $0xffff, v1  }
0x263: {  	v3 =	vld [tilespmem:s31+$0x2450]  }
0x264: {  	[tilespmem:v9+s19+$0x0] =	vst.idx.add.f32.msk $0xffff, v1  }
0x265: {  	s29 =	sshra.s32 s30, $0x2;
	s30 =	sadd.s32 $0x200, s30;
	v2 =	vld [tilespmem:s25+$0x2470];
	s25 =	smov.u32 s31  }
0x266: {  	v6 =	vld [tilespmem:s29+$0x2400];
	_ =	sdelay $0x7  }
0x267: {  	[tilespmem:v6+s19+$0x0] =	vst.idx.add.f32.msk $0xffff, v1  }
0x268: {  	v6 =	vld [tilespmem:s29+$0x2410];
	_ =	sdelay $0x5  }
0x269: {  	[tilespmem:v5+s19+$0x0] =	vst.idx.add.f32.msk $0xffff, v1  }
0x26a: {  	v5 =	vld [tilespmem:s28+$0x2420]  }
0x26b: {  	[tilespmem:v6+s19+$0x0] =	vst.idx.add.f32.msk $0xffff, v1  }
0x26c: {  	v6 =	vld [tilespmem:s29+$0x2420];
	_ =	sdelay $0x5  }
0x26d: {  	[tilespmem:v5+s19+$0x0] =	vst.idx.add.f32.msk $0xffff, v1  }
0x26e: {  	v5 =	vld [tilespmem:s28+$0x2430]  }
0x26f: {  	[tilespmem:v6+s19+$0x0] =	vst.idx.add.f32.msk $0xffff, v1  }
0x270: {  	v6 =	vld [tilespmem:s29+$0x2430];
	_ =	sdelay $0x3  }
0x271: {  	[tilespmem:v4+s19+$0x0] =	vst.idx.add.f32.msk $0xffff, v1  }
0x272: {  	v4 =	vld [tilespmem:s26+$0x2440]  }
0x273: {  	[tilespmem:v5+s19+$0x0] =	vst.idx.add.f32.msk $0xffff, v1  }
0x274: {  	v5 =	vld [tilespmem:s28+$0x2440]  }
0x275: {  	[tilespmem:v6+s19+$0x0] =	vst.idx.add.f32.msk $0xffff, v1  }
0x276: {  	v6 =	vld [tilespmem:s29+$0x2440];
	_ =	sdelay $0x3  }
0x277: {  	[tilespmem:v4+s19+$0x0] =	vst.idx.add.f32.msk $0xffff, v1  }
0x278: {  	v4 =	vld [tilespmem:s26+$0x2450]  }
0x279: {  	[tilespmem:v5+s19+$0x0] =	vst.idx.add.f32.msk $0xffff, v1  }
0x27a: {  	v5 =	vld [tilespmem:s28+$0x2450]  }
0x27b: {  	[tilespmem:v6+s19+$0x0] =	vst.idx.add.f32.msk $0xffff, v1  }
0x27c: {  	v6 =	vld [tilespmem:s29+$0x2450];
	_ =	sdelay $0x1  }
0x27d: {  	[tilespmem:v3+s19+$0x0] =	vst.idx.add.f32.msk $0xffff, v1  }
0x27e: {  	v3 =	vld [tilespmem:s25+$0x2460]  }
0x27f: {  	[tilespmem:v4+s19+$0x0] =	vst.idx.add.f32.msk $0xffff, v1  }
0x280: {  	v4 =	vld [tilespmem:s26+$0x2460]  }
0x281: {  	[tilespmem:v5+s19+$0x0] =	vst.idx.add.f32.msk $0xffff, v1  }
0x282: {  	v5 =	vld [tilespmem:s28+$0x2460]  }
0x283: {  	[tilespmem:v6+s19+$0x0] =	vst.idx.add.f32.msk $0xffff, v1  }
0x284: {  	v6 =	vld [tilespmem:s29+$0x2460];
	_ =	sdelay $0x1  }
0x285: {  	[tilespmem:v3+s19+$0x0] =	vst.idx.add.f32.msk $0xffff, v1  }
0x286: {  	v3 =	vld [tilespmem:s25+$0x2470]  }
0x287: {  	[tilespmem:v4+s19+$0x0] =	vst.idx.add.f32.msk $0xffff, v1  }
0x288: {  	v4 =	vld [tilespmem:s26+$0x2470]  }
0x289: {  	[tilespmem:v5+s19+$0x0] =	vst.idx.add.f32.msk $0xffff, v1  }
0x28a: {  	v5 =	vld [tilespmem:s28+$0x2470]  }
0x28b: {  	[tilespmem:v6+s19+$0x0] =	vst.idx.add.f32.msk $0xffff, v1  }
0x28c: {  	v6 =	vld [tilespmem:s29+$0x2470];
	_ =	sdelay $0x3  }
0x28d: {  	[tilespmem:v2+s19+$0x0] =	vst.idx.add.f32.msk $0xffff, v1  }
0x28e: {  	[tilespmem:v3+s19+$0x0] =	vst.idx.add.f32.msk $0xffff, v1  }
0x28f: {  	[tilespmem:v4+s19+$0x0] =	vst.idx.add.f32.msk $0xffff, v1  }
0x290: {  	[tilespmem:v5+s19+$0x0] =	vst.idx.add.f32.msk $0xffff, v1  }
0x291: {  	[tilespmem:v6+s19+$0x0] =	vst.idx.add.f32.msk $0xffff, v1  }
0x292: {  	_ =	swait.ge [sflag:s17], $0x2400  }
0x293: {  	[sflag:s17] =	ssyncset.done $0x0  }
0x294: {  	s31 =	simm.s32 $0x0;
	[sflag:s17] =	ssyncadd.s32 $0xFFFFDC00  }
0x295: {  	[tilespmem:s18], [sflag:$0x2] =	stream.linear.gather [hbm4b:s10+s31], $0x2400, $0x38;
	[tilespmem:$0x11480] =	vst v63  }
0x296: {  	s31 =	simm.s32 $0x0  }
0x297: {  	v2 =	vld [tilespmem:s31+$0x0];
	_ =	sdelay $0x7  }
0x298: {  	[tilespmem:v2+s19+$0x0] =	vst.idx.add.f32.msk $0xffff, v1  }
0x299: {  	v2 =	vld [tilespmem:s31+$0x10];
	_ =	sdelay $0x5  }
0x29a: {  	s25 =	simm.s32 $0x80  }
0x29b: {  	v3 =	vld [tilespmem:s25+$0x0]  }
0x29c: {  	[tilespmem:v2+s19+$0x0] =	vst.idx.add.f32.msk $0xffff, v1  }
0x29d: {  	v2 =	vld [tilespmem:s31+$0x20];
	_ =	sdelay $0x5  }
0x29e: {  	[tilespmem:v3+s19+$0x0] =	vst.idx.add.f32.msk $0xffff, v1  }
0x29f: {  	v3 =	vld [tilespmem:s25+$0x10]  }
0x2a0: {  	[tilespmem:v2+s19+$0x0] =	vst.idx.add.f32.msk $0xffff, v1  }
0x2a1: {  	v2 =	vld [tilespmem:s31+$0x30];
	_ =	sdelay $0x3  }
0x2a2: {  	s26 =	simm.s32 $0x100  }
0x2a3: {  	v4 =	vld [tilespmem:s26+$0x0]  }
0x2a4: {  	[tilespmem:v3+s19+$0x0] =	vst.idx.add.f32.msk $0xffff, v1  }
0x2a5: {  	v3 =	vld [tilespmem:s25+$0x20]  }
0x2a6: {  	[tilespmem:v2+s19+$0x0] =	vst.idx.add.f32.msk $0xffff, v1  }
0x2a7: {  	v2 =	vld [tilespmem:s31+$0x40];
	_ =	sdelay $0x3  }
0x2a8: {  	[tilespmem:v4+s19+$0x0] =	vst.idx.add.f32.msk $0xffff, v1  }
0x2a9: {  	v4 =	vld [tilespmem:s26+$0x10]  }
0x2aa: {  	[tilespmem:v3+s19+$0x0] =	vst.idx.add.f32.msk $0xffff, v1  }
0x2ab: {  	v3 =	vld [tilespmem:s25+$0x30]  }
0x2ac: {  	[tilespmem:v2+s19+$0x0] =	vst.idx.add.f32.msk $0xffff, v1  }
0x2ad: {  	v2 =	vld [tilespmem:s31+$0x50];
	_ =	sdelay $0x1  }
0x2ae: {  	s28 =	simm.s32 $0x180  }
0x2af: {  	v5 =	vld [tilespmem:s28+$0x0]  }
0x2b0: {  	[tilespmem:v4+s19+$0x0] =	vst.idx.add.f32.msk $0xffff, v1  }
0x2b1: {  	v4 =	vld [tilespmem:s26+$0x20]  }
0x2b2: {  	[tilespmem:v3+s19+$0x0] =	vst.idx.add.f32.msk $0xffff, v1  }
0x2b3: {  	v3 =	vld [tilespmem:s25+$0x40]  }
0x2b4: {  	[tilespmem:v2+s19+$0x0] =	vst.idx.add.f32.msk $0xffff, v1  }
0x2b5: {  	v2 =	vld [tilespmem:s31+$0x60];
	_ =	sdelay $0x1  }
0x2b6: {  	[tilespmem:v5+s19+$0x0] =	vst.idx.add.f32.msk $0xffff, v1  }
0x2b7: {  	v5 =	vld [tilespmem:s28+$0x10]  }
0x2b8: {  	[tilespmem:v4+s19+$0x0] =	vst.idx.add.f32.msk $0xffff, v1  }
0x2b9: {  	v4 =	vld [tilespmem:s26+$0x30]  }
0x2ba: {  	[tilespmem:v3+s19+$0x0] =	vst.idx.add.f32.msk $0xffff, v1  }
0x2bb: {  	v3 =	vld [tilespmem:s25+$0x50]  }
0x2bc: {  	[tilespmem:v2+s19+$0x0] =	vst.idx.add.f32.msk $0xffff, v1  }
0x2bd: {  	s30 =	simm.s32 $0xA00;
	s29 =	simm.s32 $0x200;
	v2 =	vld [tilespmem:s31+$0x70]  }
.LBB2_16:
0x2be: {  	p0 =	sne.s32 s30, $0x8E00;
	v6 =	vld [tilespmem:s29+$0x0];
	s31 =	smov.u32 s26;
	s26 =	smov.u32 s28  }
0x2bf: {  	s28 =	smov.u32 s29;
	[tilespmem:v5+s19+$0x0] =	vst.idx.add.f32.msk $0xffff, v1  }
0x2c0: {  	v7 =	vld [tilespmem:s26+$0x20]  }
0x2c1: {  	[tilespmem:v4+s19+$0x0] =	vst.idx.add.f32.msk $0xffff, v1  }
0x2c2: {  	v8 =	vld [tilespmem:s31+$0x40]  }
0x2c3: {  	[tilespmem:v3+s19+$0x0] =	vst.idx.add.f32.msk $0xffff, v1  }
0x2c4: {  	v9 =	vld [tilespmem:s25+$0x60]  }
0x2c5: {  	[tilespmem:v2+s19+$0x0] =	vst.idx.add.f32.msk $0xffff, v1  }
0x2c6: {  	[tilespmem:v6+s19+$0x0] =	vst.idx.add.f32.msk $0xffff, v1  }
0x2c7: {  	v5 =	vld [tilespmem:s28+$0x10]  }
0x2c8: {  	[tilespmem:v7+s19+$0x0] =	vst.idx.add.f32.msk $0xffff, v1  }
.Ltmp7:
0x2c9: {  	v4 =	vld [tilespmem:s26+$0x30];
	(pc) =	sbr.rel @p0 .LBB2_16-.Ltmp7, $4  }
0x2ca: {  	[tilespmem:v8+s19+$0x0] =	vst.idx.add.f32.msk $0xffff, v1  }
0x2cb: {  	v3 =	vld [tilespmem:s31+$0x50]  }
0x2cc: {  	[tilespmem:v9+s19+$0x0] =	vst.idx.add.f32.msk $0xffff, v1  }
0x2cd: {  	s29 =	sshra.s32 s30, $0x2;
	s30 =	sadd.s32 $0x200, s30;
	v2 =	vld [tilespmem:s25+$0x70];
	s25 =	smov.u32 s31  }
0x2ce: {  	v6 =	vld [tilespmem:s29+$0x0];
	_ =	sdelay $0x7  }
0x2cf: {  	[tilespmem:v6+s19+$0x0] =	vst.idx.add.f32.msk $0xffff, v1  }
0x2d0: {  	v6 =	vld [tilespmem:s29+$0x10];
	_ =	sdelay $0x5  }
0x2d1: {  	[tilespmem:v5+s19+$0x0] =	vst.idx.add.f32.msk $0xffff, v1  }
0x2d2: {  	v5 =	vld [tilespmem:s28+$0x20]  }
0x2d3: {  	[tilespmem:v6+s19+$0x0] =	vst.idx.add.f32.msk $0xffff, v1  }
0x2d4: {  	v6 =	vld [tilespmem:s29+$0x20];
	_ =	sdelay $0x5  }
0x2d5: {  	[tilespmem:v5+s19+$0x0] =	vst.idx.add.f32.msk $0xffff, v1  }
0x2d6: {  	v5 =	vld [tilespmem:s28+$0x30]  }
0x2d7: {  	[tilespmem:v6+s19+$0x0] =	vst.idx.add.f32.msk $0xffff, v1  }
0x2d8: {  	v6 =	vld [tilespmem:s29+$0x30];
	_ =	sdelay $0x3  }
0x2d9: {  	[tilespmem:v4+s19+$0x0] =	vst.idx.add.f32.msk $0xffff, v1  }
0x2da: {  	v4 =	vld [tilespmem:s26+$0x40]  }
0x2db: {  	[tilespmem:v5+s19+$0x0] =	vst.idx.add.f32.msk $0xffff, v1  }
0x2dc: {  	v5 =	vld [tilespmem:s28+$0x40]  }
0x2dd: {  	[tilespmem:v6+s19+$0x0] =	vst.idx.add.f32.msk $0xffff, v1  }
0x2de: {  	v6 =	vld [tilespmem:s29+$0x40];
	_ =	sdelay $0x3  }
0x2df: {  	[tilespmem:v4+s19+$0x0] =	vst.idx.add.f32.msk $0xffff, v1  }
0x2e0: {  	v4 =	vld [tilespmem:s26+$0x50]  }
0x2e1: {  	[tilespmem:v5+s19+$0x0] =	vst.idx.add.f32.msk $0xffff, v1  }
0x2e2: {  	v5 =	vld [tilespmem:s28+$0x50]  }
0x2e3: {  	[tilespmem:v6+s19+$0x0] =	vst.idx.add.f32.msk $0xffff, v1  }
0x2e4: {  	v6 =	vld [tilespmem:s29+$0x50];
	_ =	sdelay $0x1  }
0x2e5: {  	[tilespmem:v3+s19+$0x0] =	vst.idx.add.f32.msk $0xffff, v1  }
0x2e6: {  	v3 =	vld [tilespmem:s25+$0x60]  }
0x2e7: {  	[tilespmem:v4+s19+$0x0] =	vst.idx.add.f32.msk $0xffff, v1  }
0x2e8: {  	v4 =	vld [tilespmem:s26+$0x60]  }
0x2e9: {  	[tilespmem:v5+s19+$0x0] =	vst.idx.add.f32.msk $0xffff, v1  }
0x2ea: {  	v5 =	vld [tilespmem:s28+$0x60]  }
0x2eb: {  	[tilespmem:v6+s19+$0x0] =	vst.idx.add.f32.msk $0xffff, v1  }
0x2ec: {  	v6 =	vld [tilespmem:s29+$0x60];
	_ =	sdelay $0x1  }
0x2ed: {  	[tilespmem:v3+s19+$0x0] =	vst.idx.add.f32.msk $0xffff, v1  }
0x2ee: {  	v3 =	vld [tilespmem:s25+$0x70]  }
0x2ef: {  	[tilespmem:v4+s19+$0x0] =	vst.idx.add.f32.msk $0xffff, v1  }
0x2f0: {  	v4 =	vld [tilespmem:s26+$0x70]  }
0x2f1: {  	[tilespmem:v5+s19+$0x0] =	vst.idx.add.f32.msk $0xffff, v1  }
0x2f2: {  	v5 =	vld [tilespmem:s28+$0x70]  }
0x2f3: {  	[tilespmem:v6+s19+$0x0] =	vst.idx.add.f32.msk $0xffff, v1  }
0x2f4: {  	v6 =	vld [tilespmem:s29+$0x70];
	_ =	sdelay $0x3  }
0x2f5: {  	[tilespmem:v2+s19+$0x0] =	vst.idx.add.f32.msk $0xffff, v1  }
0x2f6: {  	[tilespmem:v3+s19+$0x0] =	vst.idx.add.f32.msk $0xffff, v1  }
0x2f7: {  	[tilespmem:v4+s19+$0x0] =	vst.idx.add.f32.msk $0xffff, v1  }
0x2f8: {  	[tilespmem:v5+s19+$0x0] =	vst.idx.add.f32.msk $0xffff, v1  }
0x2f9: {  	[tilespmem:v6+s19+$0x0] =	vst.idx.add.f32.msk $0xffff, v1  }
0x2fa: {  	_ =	swait.ge [sflag:s20], $0x2400  }
0x2fb: {  	[sflag:s20] =	ssyncset.done $0x0  }
0x2fc: {  	s31 =	simm.s32 $0x0;
	[sflag:s20] =	ssyncadd.s32 $0xFFFFDC00  }
0x2fd: {  	[tilespmem:s31], [sflag:$0x1] =	stream.linear.gather [hbm4b:s11+s31], $0x2400, $0x38;
	[tilespmem:$0x11480] =	vst v63  }
0x2fe: {  	s31 =	simm.s32 $0x0  }
0x2ff: {  	v2 =	vld [tilespmem:s31+$0x2400];
	_ =	sdelay $0x7  }
0x300: {  	[tilespmem:v2+s19+$0x0] =	vst.idx.add.f32.msk $0xffff, v1  }
0x301: {  	v2 =	vld [tilespmem:s31+$0x2410];
	_ =	sdelay $0x5  }
0x302: {  	s25 =	simm.s32 $0x80  }
0x303: {  	v3 =	vld [tilespmem:s25+$0x2400]  }
0x304: {  	[tilespmem:v2+s19+$0x0] =	vst.idx.add.f32.msk $0xffff, v1  }
0x305: {  	v2 =	vld [tilespmem:s31+$0x2420];
	_ =	sdelay $0x5  }
0x306: {  	[tilespmem:v3+s19+$0x0] =	vst.idx.add.f32.msk $0xffff, v1  }
0x307: {  	v3 =	vld [tilespmem:s25+$0x2410]  }
0x308: {  	[tilespmem:v2+s19+$0x0] =	vst.idx.add.f32.msk $0xffff, v1  }
0x309: {  	v2 =	vld [tilespmem:s31+$0x2430];
	_ =	sdelay $0x3  }
0x30a: {  	s26 =	simm.s32 $0x100  }
0x30b: {  	v4 =	vld [tilespmem:s26+$0x2400]  }
0x30c: {  	[tilespmem:v3+s19+$0x0] =	vst.idx.add.f32.msk $0xffff, v1  }
0x30d: {  	v3 =	vld [tilespmem:s25+$0x2420]  }
0x30e: {  	[tilespmem:v2+s19+$0x0] =	vst.idx.add.f32.msk $0xffff, v1  }
0x30f: {  	v2 =	vld [tilespmem:s31+$0x2440];
	_ =	sdelay $0x3  }
0x310: {  	[tilespmem:v4+s19+$0x0] =	vst.idx.add.f32.msk $0xffff, v1  }
0x311: {  	v4 =	vld [tilespmem:s26+$0x2410]  }
0x312: {  	[tilespmem:v3+s19+$0x0] =	vst.idx.add.f32.msk $0xffff, v1  }
0x313: {  	v3 =	vld [tilespmem:s25+$0x2430]  }
0x314: {  	[tilespmem:v2+s19+$0x0] =	vst.idx.add.f32.msk $0xffff, v1  }
0x315: {  	v2 =	vld [tilespmem:s31+$0x2450];
	_ =	sdelay $0x1  }
0x316: {  	s28 =	simm.s32 $0x180  }
0x317: {  	v5 =	vld [tilespmem:s28+$0x2400]  }
0x318: {  	[tilespmem:v4+s19+$0x0] =	vst.idx.add.f32.msk $0xffff, v1  }
0x319: {  	v4 =	vld [tilespmem:s26+$0x2420]  }
0x31a: {  	[tilespmem:v3+s19+$0x0] =	vst.idx.add.f32.msk $0xffff, v1  }
0x31b: {  	v3 =	vld [tilespmem:s25+$0x2440]  }
0x31c: {  	[tilespmem:v2+s19+$0x0] =	vst.idx.add.f32.msk $0xffff, v1  }
0x31d: {  	v2 =	vld [tilespmem:s31+$0x2460];
	_ =	sdelay $0x1  }
0x31e: {  	[tilespmem:v5+s19+$0x0] =	vst.idx.add.f32.msk $0xffff, v1  }
0x31f: {  	v5 =	vld [tilespmem:s28+$0x2410]  }
0x320: {  	[tilespmem:v4+s19+$0x0] =	vst.idx.add.f32.msk $0xffff, v1  }
0x321: {  	v4 =	vld [tilespmem:s26+$0x2430]  }
0x322: {  	[tilespmem:v3+s19+$0x0] =	vst.idx.add.f32.msk $0xffff, v1  }
0x323: {  	v3 =	vld [tilespmem:s25+$0x2450]  }
0x324: {  	[tilespmem:v2+s19+$0x0] =	vst.idx.add.f32.msk $0xffff, v1  }
0x325: {  	s30 =	simm.s32 $0xA00;
	s29 =	simm.s32 $0x200;
	v2 =	vld [tilespmem:s31+$0x2470]  }
.LBB2_18:
0x326: {  	p0 =	sne.s32 s30, $0x8E00;
	v6 =	vld [tilespmem:s29+$0x2400];
	s31 =	smov.u32 s26;
	s26 =	smov.u32 s28  }
0x327: {  	s28 =	smov.u32 s29;
	[tilespmem:v5+s19+$0x0] =	vst.idx.add.f32.msk $0xffff, v1  }
0x328: {  	v7 =	vld [tilespmem:s26+$0x2420]  }
0x329: {  	[tilespmem:v4+s19+$0x0] =	vst.idx.add.f32.msk $0xffff, v1  }
0x32a: {  	v8 =	vld [tilespmem:s31+$0x2440]  }
0x32b: {  	[tilespmem:v3+s19+$0x0] =	vst.idx.add.f32.msk $0xffff, v1  }
0x32c: {  	v9 =	vld [tilespmem:s25+$0x2460]  }
0x32d: {  	[tilespmem:v2+s19+$0x0] =	vst.idx.add.f32.msk $0xffff, v1  }
0x32e: {  	[tilespmem:v6+s19+$0x0] =	vst.idx.add.f32.msk $0xffff, v1  }
0x32f: {  	v5 =	vld [tilespmem:s28+$0x2410]  }
0x330: {  	[tilespmem:v7+s19+$0x0] =	vst.idx.add.f32.msk $0xffff, v1  }
.Ltmp8:
0x331: {  	v4 =	vld [tilespmem:s26+$0x2430];
	(pc) =	sbr.rel @p0 .LBB2_18-.Ltmp8, $4  }
0x332: {  	[tilespmem:v8+s19+$0x0] =	vst.idx.add.f32.msk $0xffff, v1  }
0x333: {  	v3 =	vld [tilespmem:s31+$0x2450]  }
0x334: {  	[tilespmem:v9+s19+$0x0] =	vst.idx.add.f32.msk $0xffff, v1  }
0x335: {  	s29 =	sshra.s32 s30, $0x2;
	s30 =	sadd.s32 $0x200, s30;
	v2 =	vld [tilespmem:s25+$0x2470];
	s25 =	smov.u32 s31  }
0x336: {  	v6 =	vld [tilespmem:s29+$0x2400];
	_ =	sdelay $0x7  }
0x337: {  	[tilespmem:v6+s19+$0x0] =	vst.idx.add.f32.msk $0xffff, v1  }
0x338: {  	v6 =	vld [tilespmem:s29+$0x2410];
	_ =	sdelay $0x5  }
0x339: {  	[tilespmem:v5+s19+$0x0] =	vst.idx.add.f32.msk $0xffff, v1  }
0x33a: {  	v5 =	vld [tilespmem:s28+$0x2420]  }
0x33b: {  	[tilespmem:v6+s19+$0x0] =	vst.idx.add.f32.msk $0xffff, v1  }
0x33c: {  	v6 =	vld [tilespmem:s29+$0x2420];
	_ =	sdelay $0x5  }
0x33d: {  	[tilespmem:v5+s19+$0x0] =	vst.idx.add.f32.msk $0xffff, v1  }
0x33e: {  	v5 =	vld [tilespmem:s28+$0x2430]  }
0x33f: {  	[tilespmem:v6+s19+$0x0] =	vst.idx.add.f32.msk $0xffff, v1  }
0x340: {  	v6 =	vld [tilespmem:s29+$0x2430];
	_ =	sdelay $0x3  }
0x341: {  	[tilespmem:v4+s19+$0x0] =	vst.idx.add.f32.msk $0xffff, v1  }
0x342: {  	v4 =	vld [tilespmem:s26+$0x2440]  }
0x343: {  	[tilespmem:v5+s19+$0x0] =	vst.idx.add.f32.msk $0xffff, v1  }
0x344: {  	v5 =	vld [tilespmem:s28+$0x2440]  }
0x345: {  	[tilespmem:v6+s19+$0x0] =	vst.idx.add.f32.msk $0xffff, v1  }
0x346: {  	v6 =	vld [tilespmem:s29+$0x2440];
	_ =	sdelay $0x3  }
0x347: {  	[tilespmem:v4+s19+$0x0] =	vst.idx.add.f32.msk $0xffff, v1  }
0x348: {  	v4 =	vld [tilespmem:s26+$0x2450]  }
0x349: {  	[tilespmem:v5+s19+$0x0] =	vst.idx.add.f32.msk $0xffff, v1  }
0x34a: {  	v5 =	vld [tilespmem:s28+$0x2450]  }
0x34b: {  	[tilespmem:v6+s19+$0x0] =	vst.idx.add.f32.msk $0xffff, v1  }
0x34c: {  	v6 =	vld [tilespmem:s29+$0x2450];
	_ =	sdelay $0x1  }
0x34d: {  	[tilespmem:v3+s19+$0x0] =	vst.idx.add.f32.msk $0xffff, v1  }
0x34e: {  	v3 =	vld [tilespmem:s25+$0x2460]  }
0x34f: {  	[tilespmem:v4+s19+$0x0] =	vst.idx.add.f32.msk $0xffff, v1  }
0x350: {  	v4 =	vld [tilespmem:s26+$0x2460]  }
0x351: {  	[tilespmem:v5+s19+$0x0] =	vst.idx.add.f32.msk $0xffff, v1  }
0x352: {  	v5 =	vld [tilespmem:s28+$0x2460]  }
0x353: {  	[tilespmem:v6+s19+$0x0] =	vst.idx.add.f32.msk $0xffff, v1  }
0x354: {  	v6 =	vld [tilespmem:s29+$0x2460];
	_ =	sdelay $0x1  }
0x355: {  	[tilespmem:v3+s19+$0x0] =	vst.idx.add.f32.msk $0xffff, v1  }
0x356: {  	v3 =	vld [tilespmem:s25+$0x2470]  }
0x357: {  	[tilespmem:v4+s19+$0x0] =	vst.idx.add.f32.msk $0xffff, v1  }
0x358: {  	v4 =	vld [tilespmem:s26+$0x2470]  }
0x359: {  	[tilespmem:v5+s19+$0x0] =	vst.idx.add.f32.msk $0xffff, v1  }
0x35a: {  	v5 =	vld [tilespmem:s28+$0x2470]  }
0x35b: {  	[tilespmem:v6+s19+$0x0] =	vst.idx.add.f32.msk $0xffff, v1  }
0x35c: {  	v6 =	vld [tilespmem:s29+$0x2470];
	_ =	sdelay $0x3  }
0x35d: {  	[tilespmem:v2+s19+$0x0] =	vst.idx.add.f32.msk $0xffff, v1  }
0x35e: {  	[tilespmem:v3+s19+$0x0] =	vst.idx.add.f32.msk $0xffff, v1  }
0x35f: {  	[tilespmem:v4+s19+$0x0] =	vst.idx.add.f32.msk $0xffff, v1  }
0x360: {  	[tilespmem:v5+s19+$0x0] =	vst.idx.add.f32.msk $0xffff, v1  }
0x361: {  	[tilespmem:v6+s19+$0x0] =	vst.idx.add.f32.msk $0xffff, v1  }
0x362: {  	_ =	swait.ge [sflag:s17], $0x2400  }
0x363: {  	[sflag:s17] =	ssyncset.done $0x0  }
0x364: {  	s31 =	simm.s32 $0x0;
	[sflag:s17] =	ssyncadd.s32 $0xFFFFDC00  }
0x365: {  	[tilespmem:s18], [sflag:$0x2] =	stream.linear.gather [hbm4b:s12+s31], $0x2400, $0x38;
	[tilespmem:$0x11480] =	vst v63  }
0x366: {  	s31 =	simm.s32 $0x0  }
0x367: {  	v2 =	vld [tilespmem:s31+$0x0];
	_ =	sdelay $0x7  }
0x368: {  	[tilespmem:v2+s19+$0x0] =	vst.idx.add.f32.msk $0xffff, v1  }
0x369: {  	v2 =	vld [tilespmem:s31+$0x10];
	_ =	sdelay $0x5  }
0x36a: {  	s25 =	simm.s32 $0x80  }
0x36b: {  	v3 =	vld [tilespmem:s25+$0x0]  }
0x36c: {  	[tilespmem:v2+s19+$0x0] =	vst.idx.add.f32.msk $0xffff, v1  }
0x36d: {  	v2 =	vld [tilespmem:s31+$0x20];
	_ =	sdelay $0x5  }
0x36e: {  	[tilespmem:v3+s19+$0x0] =	vst.idx.add.f32.msk $0xffff, v1  }
0x36f: {  	v3 =	vld [tilespmem:s25+$0x10]  }
0x370: {  	[tilespmem:v2+s19+$0x0] =	vst.idx.add.f32.msk $0xffff, v1  }
0x371: {  	v2 =	vld [tilespmem:s31+$0x30];
	_ =	sdelay $0x3  }
0x372: {  	s26 =	simm.s32 $0x100  }
0x373: {  	v4 =	vld [tilespmem:s26+$0x0]  }
0x374: {  	[tilespmem:v3+s19+$0x0] =	vst.idx.add.f32.msk $0xffff, v1  }
0x375: {  	v3 =	vld [tilespmem:s25+$0x20]  }
0x376: {  	[tilespmem:v2+s19+$0x0] =	vst.idx.add.f32.msk $0xffff, v1  }
0x377: {  	v2 =	vld [tilespmem:s31+$0x40];
	_ =	sdelay $0x3  }
0x378: {  	[tilespmem:v4+s19+$0x0] =	vst.idx.add.f32.msk $0xffff, v1  }
0x379: {  	v4 =	vld [tilespmem:s26+$0x10]  }
0x37a: {  	[tilespmem:v3+s19+$0x0] =	vst.idx.add.f32.msk $0xffff, v1  }
0x37b: {  	v3 =	vld [tilespmem:s25+$0x30]  }
0x37c: {  	[tilespmem:v2+s19+$0x0] =	vst.idx.add.f32.msk $0xffff, v1  }
0x37d: {  	v2 =	vld [tilespmem:s31+$0x50];
	_ =	sdelay $0x1  }
0x37e: {  	s28 =	simm.s32 $0x180  }
0x37f: {  	v5 =	vld [tilespmem:s28+$0x0]  }
0x380: {  	[tilespmem:v4+s19+$0x0] =	vst.idx.add.f32.msk $0xffff, v1  }
0x381: {  	v4 =	vld [tilespmem:s26+$0x20]  }
0x382: {  	[tilespmem:v3+s19+$0x0] =	vst.idx.add.f32.msk $0xffff, v1  }
0x383: {  	v3 =	vld [tilespmem:s25+$0x40]  }
0x384: {  	[tilespmem:v2+s19+$0x0] =	vst.idx.add.f32.msk $0xffff, v1  }
0x385: {  	v2 =	vld [tilespmem:s31+$0x60];
	_ =	sdelay $0x1  }
0x386: {  	[tilespmem:v5+s19+$0x0] =	vst.idx.add.f32.msk $0xffff, v1  }
0x387: {  	v5 =	vld [tilespmem:s28+$0x10]  }
0x388: {  	[tilespmem:v4+s19+$0x0] =	vst.idx.add.f32.msk $0xffff, v1  }
0x389: {  	v4 =	vld [tilespmem:s26+$0x30]  }
0x38a: {  	[tilespmem:v3+s19+$0x0] =	vst.idx.add.f32.msk $0xffff, v1  }
0x38b: {  	v3 =	vld [tilespmem:s25+$0x50]  }
0x38c: {  	[tilespmem:v2+s19+$0x0] =	vst.idx.add.f32.msk $0xffff, v1  }
0x38d: {  	s30 =	simm.s32 $0xA00;
	s29 =	simm.s32 $0x200;
	v2 =	vld [tilespmem:s31+$0x70]  }
.LBB2_20:
0x38e: {  	p0 =	sne.s32 s30, $0x8E00;
	v6 =	vld [tilespmem:s29+$0x0];
	s31 =	smov.u32 s26;
	s26 =	smov.u32 s28  }
0x38f: {  	s28 =	smov.u32 s29;
	[tilespmem:v5+s19+$0x0] =	vst.idx.add.f32.msk $0xffff, v1  }
0x390: {  	v7 =	vld [tilespmem:s26+$0x20]  }
0x391: {  	[tilespmem:v4+s19+$0x0] =	vst.idx.add.f32.msk $0xffff, v1  }
0x392: {  	v8 =	vld [tilespmem:s31+$0x40]  }
0x393: {  	[tilespmem:v3+s19+$0x0] =	vst.idx.add.f32.msk $0xffff, v1  }
0x394: {  	v9 =	vld [tilespmem:s25+$0x60]  }
0x395: {  	[tilespmem:v2+s19+$0x0] =	vst.idx.add.f32.msk $0xffff, v1  }
0x396: {  	[tilespmem:v6+s19+$0x0] =	vst.idx.add.f32.msk $0xffff, v1  }
0x397: {  	v5 =	vld [tilespmem:s28+$0x10]  }
0x398: {  	[tilespmem:v7+s19+$0x0] =	vst.idx.add.f32.msk $0xffff, v1  }
.Ltmp9:
0x399: {  	v4 =	vld [tilespmem:s26+$0x30];
	(pc) =	sbr.rel @p0 .LBB2_20-.Ltmp9, $4  }
0x39a: {  	[tilespmem:v8+s19+$0x0] =	vst.idx.add.f32.msk $0xffff, v1  }
0x39b: {  	v3 =	vld [tilespmem:s31+$0x50]  }
0x39c: {  	[tilespmem:v9+s19+$0x0] =	vst.idx.add.f32.msk $0xffff, v1  }
0x39d: {  	s29 =	sshra.s32 s30, $0x2;
	s30 =	sadd.s32 $0x200, s30;
	v2 =	vld [tilespmem:s25+$0x70];
	s25 =	smov.u32 s31  }
0x39e: {  	v6 =	vld [tilespmem:s29+$0x0];
	_ =	sdelay $0x7  }
0x39f: {  	[tilespmem:v6+s19+$0x0] =	vst.idx.add.f32.msk $0xffff, v1  }
0x3a0: {  	v6 =	vld [tilespmem:s29+$0x10];
	_ =	sdelay $0x5  }
0x3a1: {  	[tilespmem:v5+s19+$0x0] =	vst.idx.add.f32.msk $0xffff, v1  }
0x3a2: {  	v5 =	vld [tilespmem:s28+$0x20]  }
0x3a3: {  	[tilespmem:v6+s19+$0x0] =	vst.idx.add.f32.msk $0xffff, v1  }
0x3a4: {  	v6 =	vld [tilespmem:s29+$0x20];
	_ =	sdelay $0x5  }
0x3a5: {  	[tilespmem:v5+s19+$0x0] =	vst.idx.add.f32.msk $0xffff, v1  }
0x3a6: {  	v5 =	vld [tilespmem:s28+$0x30]  }
0x3a7: {  	[tilespmem:v6+s19+$0x0] =	vst.idx.add.f32.msk $0xffff, v1  }
0x3a8: {  	v6 =	vld [tilespmem:s29+$0x30];
	_ =	sdelay $0x3  }
0x3a9: {  	[tilespmem:v4+s19+$0x0] =	vst.idx.add.f32.msk $0xffff, v1  }
0x3aa: {  	v4 =	vld [tilespmem:s26+$0x40]  }
0x3ab: {  	[tilespmem:v5+s19+$0x0] =	vst.idx.add.f32.msk $0xffff, v1  }
0x3ac: {  	v5 =	vld [tilespmem:s28+$0x40]  }
0x3ad: {  	[tilespmem:v6+s19+$0x0] =	vst.idx.add.f32.msk $0xffff, v1  }
0x3ae: {  	v6 =	vld [tilespmem:s29+$0x40];
	_ =	sdelay $0x3  }
0x3af: {  	[tilespmem:v4+s19+$0x0] =	vst.idx.add.f32.msk $0xffff, v1  }
0x3b0: {  	v4 =	vld [tilespmem:s26+$0x50]  }
0x3b1: {  	[tilespmem:v5+s19+$0x0] =	vst.idx.add.f32.msk $0xffff, v1  }
0x3b2: {  	v5 =	vld [tilespmem:s28+$0x50]  }
0x3b3: {  	[tilespmem:v6+s19+$0x0] =	vst.idx.add.f32.msk $0xffff, v1  }
0x3b4: {  	v6 =	vld [tilespmem:s29+$0x50];
	_ =	sdelay $0x1  }
0x3b5: {  	[tilespmem:v3+s19+$0x0] =	vst.idx.add.f32.msk $0xffff, v1  }
0x3b6: {  	v3 =	vld [tilespmem:s25+$0x60]  }
0x3b7: {  	[tilespmem:v4+s19+$0x0] =	vst.idx.add.f32.msk $0xffff, v1  }
0x3b8: {  	v4 =	vld [tilespmem:s26+$0x60]  }
0x3b9: {  	[tilespmem:v5+s19+$0x0] =	vst.idx.add.f32.msk $0xffff, v1  }
0x3ba: {  	v5 =	vld [tilespmem:s28+$0x60]  }
0x3bb: {  	[tilespmem:v6+s19+$0x0] =	vst.idx.add.f32.msk $0xffff, v1  }
0x3bc: {  	v6 =	vld [tilespmem:s29+$0x60];
	_ =	sdelay $0x1  }
0x3bd: {  	[tilespmem:v3+s19+$0x0] =	vst.idx.add.f32.msk $0xffff, v1  }
0x3be: {  	v3 =	vld [tilespmem:s25+$0x70]  }
0x3bf: {  	[tilespmem:v4+s19+$0x0] =	vst.idx.add.f32.msk $0xffff, v1  }
0x3c0: {  	v4 =	vld [tilespmem:s26+$0x70]  }
0x3c1: {  	[tilespmem:v5+s19+$0x0] =	vst.idx.add.f32.msk $0xffff, v1  }
0x3c2: {  	v5 =	vld [tilespmem:s28+$0x70]  }
0x3c3: {  	[tilespmem:v6+s19+$0x0] =	vst.idx.add.f32.msk $0xffff, v1  }
0x3c4: {  	v6 =	vld [tilespmem:s29+$0x70];
	_ =	sdelay $0x3  }
0x3c5: {  	[tilespmem:v2+s19+$0x0] =	vst.idx.add.f32.msk $0xffff, v1  }
0x3c6: {  	[tilespmem:v3+s19+$0x0] =	vst.idx.add.f32.msk $0xffff, v1  }
0x3c7: {  	[tilespmem:v4+s19+$0x0] =	vst.idx.add.f32.msk $0xffff, v1  }
0x3c8: {  	[tilespmem:v5+s19+$0x0] =	vst.idx.add.f32.msk $0xffff, v1  }
0x3c9: {  	[tilespmem:v6+s19+$0x0] =	vst.idx.add.f32.msk $0xffff, v1  }
0x3ca: {  	_ =	swait.ge [sflag:s20], $0x2400  }
0x3cb: {  	[sflag:s20] =	ssyncset.done $0x0  }
0x3cc: {  	s31 =	simm.s32 $0x0;
	[sflag:s20] =	ssyncadd.s32 $0xFFFFDC00  }
0x3cd: {  	[tilespmem:s31], [sflag:$0x1] =	stream.linear.gather [hbm4b:s13+s31], $0x2400, $0x38;
	[tilespmem:$0x11480] =	vst v63  }
0x3ce: {  	s31 =	simm.s32 $0x0  }
0x3cf: {  	v2 =	vld [tilespmem:s31+$0x2400];
	_ =	sdelay $0x7  }
0x3d0: {  	[tilespmem:v2+s19+$0x0] =	vst.idx.add.f32.msk $0xffff, v1  }
0x3d1: {  	v2 =	vld [tilespmem:s31+$0x2410];
	_ =	sdelay $0x5  }
0x3d2: {  	s25 =	simm.s32 $0x80  }
0x3d3: {  	v3 =	vld [tilespmem:s25+$0x2400]  }
0x3d4: {  	[tilespmem:v2+s19+$0x0] =	vst.idx.add.f32.msk $0xffff, v1  }
0x3d5: {  	v2 =	vld [tilespmem:s31+$0x2420];
	_ =	sdelay $0x5  }
0x3d6: {  	[tilespmem:v3+s19+$0x0] =	vst.idx.add.f32.msk $0xffff, v1  }
0x3d7: {  	v3 =	vld [tilespmem:s25+$0x2410]  }
0x3d8: {  	[tilespmem:v2+s19+$0x0] =	vst.idx.add.f32.msk $0xffff, v1  }
0x3d9: {  	v2 =	vld [tilespmem:s31+$0x2430];
	_ =	sdelay $0x3  }
0x3da: {  	s26 =	simm.s32 $0x100  }
0x3db: {  	v4 =	vld [tilespmem:s26+$0x2400]  }
0x3dc: {  	[tilespmem:v3+s19+$0x0] =	vst.idx.add.f32.msk $0xffff, v1  }
0x3dd: {  	v3 =	vld [tilespmem:s25+$0x2420]  }
0x3de: {  	[tilespmem:v2+s19+$0x0] =	vst.idx.add.f32.msk $0xffff, v1  }
0x3df: {  	v2 =	vld [tilespmem:s31+$0x2440];
	_ =	sdelay $0x3  }
0x3e0: {  	[tilespmem:v4+s19+$0x0] =	vst.idx.add.f32.msk $0xffff, v1  }
0x3e1: {  	v4 =	vld [tilespmem:s26+$0x2410]  }
0x3e2: {  	[tilespmem:v3+s19+$0x0] =	vst.idx.add.f32.msk $0xffff, v1  }
0x3e3: {  	v3 =	vld [tilespmem:s25+$0x2430]  }
0x3e4: {  	[tilespmem:v2+s19+$0x0] =	vst.idx.add.f32.msk $0xffff, v1  }
0x3e5: {  	v2 =	vld [tilespmem:s31+$0x2450];
	_ =	sdelay $0x1  }
0x3e6: {  	s28 =	simm.s32 $0x180  }
0x3e7: {  	v5 =	vld [tilespmem:s28+$0x2400]  }
0x3e8: {  	[tilespmem:v4+s19+$0x0] =	vst.idx.add.f32.msk $0xffff, v1  }
0x3e9: {  	v4 =	vld [tilespmem:s26+$0x2420]  }
0x3ea: {  	[tilespmem:v3+s19+$0x0] =	vst.idx.add.f32.msk $0xffff, v1  }
0x3eb: {  	v3 =	vld [tilespmem:s25+$0x2440]  }
0x3ec: {  	[tilespmem:v2+s19+$0x0] =	vst.idx.add.f32.msk $0xffff, v1  }
0x3ed: {  	v2 =	vld [tilespmem:s31+$0x2460];
	_ =	sdelay $0x1  }
0x3ee: {  	[tilespmem:v5+s19+$0x0] =	vst.idx.add.f32.msk $0xffff, v1  }
0x3ef: {  	v5 =	vld [tilespmem:s28+$0x2410]  }
0x3f0: {  	[tilespmem:v4+s19+$0x0] =	vst.idx.add.f32.msk $0xffff, v1  }
0x3f1: {  	v4 =	vld [tilespmem:s26+$0x2430]  }
0x3f2: {  	[tilespmem:v3+s19+$0x0] =	vst.idx.add.f32.msk $0xffff, v1  }
0x3f3: {  	v3 =	vld [tilespmem:s25+$0x2450]  }
0x3f4: {  	[tilespmem:v2+s19+$0x0] =	vst.idx.add.f32.msk $0xffff, v1  }
0x3f5: {  	s30 =	simm.s32 $0xA00;
	s29 =	simm.s32 $0x200;
	v2 =	vld [tilespmem:s31+$0x2470]  }
.LBB2_22:
0x3f6: {  	p0 =	sne.s32 s30, $0x8E00;
	v6 =	vld [tilespmem:s29+$0x2400];
	s31 =	smov.u32 s26;
	s26 =	smov.u32 s28  }
0x3f7: {  	s28 =	smov.u32 s29;
	[tilespmem:v5+s19+$0x0] =	vst.idx.add.f32.msk $0xffff, v1  }
0x3f8: {  	v7 =	vld [tilespmem:s26+$0x2420]  }
0x3f9: {  	[tilespmem:v4+s19+$0x0] =	vst.idx.add.f32.msk $0xffff, v1  }
0x3fa: {  	v8 =	vld [tilespmem:s31+$0x2440]  }
0x3fb: {  	[tilespmem:v3+s19+$0x0] =	vst.idx.add.f32.msk $0xffff, v1  }
0x3fc: {  	v9 =	vld [tilespmem:s25+$0x2460]  }
0x3fd: {  	[tilespmem:v2+s19+$0x0] =	vst.idx.add.f32.msk $0xffff, v1  }
0x3fe: {  	[tilespmem:v6+s19+$0x0] =	vst.idx.add.f32.msk $0xffff, v1  }
0x3ff: {  	v5 =	vld [tilespmem:s28+$0x2410]  }
0x400: {  	[tilespmem:v7+s19+$0x0] =	vst.idx.add.f32.msk $0xffff, v1  }
.Ltmp10:
0x401: {  	v4 =	vld [tilespmem:s26+$0x2430];
	(pc) =	sbr.rel @p0 .LBB2_22-.Ltmp10, $4  }
0x402: {  	[tilespmem:v8+s19+$0x0] =	vst.idx.add.f32.msk $0xffff, v1  }
0x403: {  	v3 =	vld [tilespmem:s31+$0x2450]  }
0x404: {  	[tilespmem:v9+s19+$0x0] =	vst.idx.add.f32.msk $0xffff, v1  }
0x405: {  	s29 =	sshra.s32 s30, $0x2;
	s30 =	sadd.s32 $0x200, s30;
	v2 =	vld [tilespmem:s25+$0x2470];
	s25 =	smov.u32 s31  }
0x406: {  	v6 =	vld [tilespmem:s29+$0x2400];
	_ =	sdelay $0x7  }
0x407: {  	[tilespmem:v6+s19+$0x0] =	vst.idx.add.f32.msk $0xffff, v1  }
0x408: {  	v6 =	vld [tilespmem:s29+$0x2410];
	_ =	sdelay $0x5  }
0x409: {  	[tilespmem:v5+s19+$0x0] =	vst.idx.add.f32.msk $0xffff, v1  }
0x40a: {  	v5 =	vld [tilespmem:s28+$0x2420]  }
0x40b: {  	[tilespmem:v6+s19+$0x0] =	vst.idx.add.f32.msk $0xffff, v1  }
0x40c: {  	v6 =	vld [tilespmem:s29+$0x2420];
	_ =	sdelay $0x5  }
0x40d: {  	[tilespmem:v5+s19+$0x0] =	vst.idx.add.f32.msk $0xffff, v1  }
0x40e: {  	v5 =	vld [tilespmem:s28+$0x2430]  }
0x40f: {  	[tilespmem:v6+s19+$0x0] =	vst.idx.add.f32.msk $0xffff, v1  }
0x410: {  	v6 =	vld [tilespmem:s29+$0x2430];
	_ =	sdelay $0x3  }
0x411: {  	[tilespmem:v4+s19+$0x0] =	vst.idx.add.f32.msk $0xffff, v1  }
0x412: {  	v4 =	vld [tilespmem:s26+$0x2440]  }
0x413: {  	[tilespmem:v5+s19+$0x0] =	vst.idx.add.f32.msk $0xffff, v1  }
0x414: {  	v5 =	vld [tilespmem:s28+$0x2440]  }
0x415: {  	[tilespmem:v6+s19+$0x0] =	vst.idx.add.f32.msk $0xffff, v1  }
0x416: {  	v6 =	vld [tilespmem:s29+$0x2440];
	_ =	sdelay $0x3  }
0x417: {  	[tilespmem:v4+s19+$0x0] =	vst.idx.add.f32.msk $0xffff, v1  }
0x418: {  	v4 =	vld [tilespmem:s26+$0x2450]  }
0x419: {  	[tilespmem:v5+s19+$0x0] =	vst.idx.add.f32.msk $0xffff, v1  }
0x41a: {  	v5 =	vld [tilespmem:s28+$0x2450]  }
0x41b: {  	[tilespmem:v6+s19+$0x0] =	vst.idx.add.f32.msk $0xffff, v1  }
0x41c: {  	v6 =	vld [tilespmem:s29+$0x2450];
	_ =	sdelay $0x1  }
0x41d: {  	[tilespmem:v3+s19+$0x0] =	vst.idx.add.f32.msk $0xffff, v1  }
0x41e: {  	v3 =	vld [tilespmem:s25+$0x2460]  }
0x41f: {  	[tilespmem:v4+s19+$0x0] =	vst.idx.add.f32.msk $0xffff, v1  }
0x420: {  	v4 =	vld [tilespmem:s26+$0x2460]  }
0x421: {  	[tilespmem:v5+s19+$0x0] =	vst.idx.add.f32.msk $0xffff, v1  }
0x422: {  	v5 =	vld [tilespmem:s28+$0x2460]  }
0x423: {  	[tilespmem:v6+s19+$0x0] =	vst.idx.add.f32.msk $0xffff, v1  }
0x424: {  	v6 =	vld [tilespmem:s29+$0x2460];
	_ =	sdelay $0x1  }
0x425: {  	[tilespmem:v3+s19+$0x0] =	vst.idx.add.f32.msk $0xffff, v1  }
0x426: {  	v3 =	vld [tilespmem:s25+$0x2470]  }
0x427: {  	[tilespmem:v4+s19+$0x0] =	vst.idx.add.f32.msk $0xffff, v1  }
0x428: {  	v4 =	vld [tilespmem:s26+$0x2470]  }
0x429: {  	[tilespmem:v5+s19+$0x0] =	vst.idx.add.f32.msk $0xffff, v1  }
0x42a: {  	v5 =	vld [tilespmem:s28+$0x2470]  }
0x42b: {  	[tilespmem:v6+s19+$0x0] =	vst.idx.add.f32.msk $0xffff, v1  }
0x42c: {  	v6 =	vld [tilespmem:s29+$0x2470];
	_ =	sdelay $0x3  }
0x42d: {  	[tilespmem:v2+s19+$0x0] =	vst.idx.add.f32.msk $0xffff, v1  }
0x42e: {  	[tilespmem:v3+s19+$0x0] =	vst.idx.add.f32.msk $0xffff, v1  }
0x42f: {  	[tilespmem:v4+s19+$0x0] =	vst.idx.add.f32.msk $0xffff, v1  }
0x430: {  	[tilespmem:v5+s19+$0x0] =	vst.idx.add.f32.msk $0xffff, v1  }
0x431: {  	[tilespmem:v6+s19+$0x0] =	vst.idx.add.f32.msk $0xffff, v1  }
0x432: {  	_ =	swait.ge [sflag:s17], $0x2400  }
0x433: {  	[sflag:s17] =	ssyncset.done $0x0  }
0x434: {  	s31 =	simm.s32 $0x0;
	[sflag:s17] =	ssyncadd.s32 $0xFFFFDC00  }
0x435: {  	[tilespmem:s18], [sflag:$0x2] =	stream.linear.gather [hbm4b:s14+s31], $0x2400, $0x38;
	[tilespmem:$0x11480] =	vst v63  }
0x436: {  	s31 =	simm.s32 $0x0  }
0x437: {  	v2 =	vld [tilespmem:s31+$0x0];
	_ =	sdelay $0x7  }
0x438: {  	[tilespmem:v2+s19+$0x0] =	vst.idx.add.f32.msk $0xffff, v1  }
0x439: {  	v2 =	vld [tilespmem:s31+$0x10];
	_ =	sdelay $0x5  }
0x43a: {  	s25 =	simm.s32 $0x80  }
0x43b: {  	v3 =	vld [tilespmem:s25+$0x0]  }
0x43c: {  	[tilespmem:v2+s19+$0x0] =	vst.idx.add.f32.msk $0xffff, v1  }
0x43d: {  	v2 =	vld [tilespmem:s31+$0x20];
	_ =	sdelay $0x5  }
0x43e: {  	[tilespmem:v3+s19+$0x0] =	vst.idx.add.f32.msk $0xffff, v1  }
0x43f: {  	v3 =	vld [tilespmem:s25+$0x10]  }
0x440: {  	[tilespmem:v2+s19+$0x0] =	vst.idx.add.f32.msk $0xffff, v1  }
0x441: {  	v2 =	vld [tilespmem:s31+$0x30];
	_ =	sdelay $0x3  }
0x442: {  	s26 =	simm.s32 $0x100  }
0x443: {  	v4 =	vld [tilespmem:s26+$0x0]  }
0x444: {  	[tilespmem:v3+s19+$0x0] =	vst.idx.add.f32.msk $0xffff, v1  }
0x445: {  	v3 =	vld [tilespmem:s25+$0x20]  }
0x446: {  	[tilespmem:v2+s19+$0x0] =	vst.idx.add.f32.msk $0xffff, v1  }
0x447: {  	v2 =	vld [tilespmem:s31+$0x40];
	_ =	sdelay $0x3  }
0x448: {  	[tilespmem:v4+s19+$0x0] =	vst.idx.add.f32.msk $0xffff, v1  }
0x449: {  	v4 =	vld [tilespmem:s26+$0x10]  }
0x44a: {  	[tilespmem:v3+s19+$0x0] =	vst.idx.add.f32.msk $0xffff, v1  }
0x44b: {  	v3 =	vld [tilespmem:s25+$0x30]  }
0x44c: {  	[tilespmem:v2+s19+$0x0] =	vst.idx.add.f32.msk $0xffff, v1  }
0x44d: {  	v2 =	vld [tilespmem:s31+$0x50];
	_ =	sdelay $0x1  }
0x44e: {  	s28 =	simm.s32 $0x180  }
0x44f: {  	v5 =	vld [tilespmem:s28+$0x0]  }
0x450: {  	[tilespmem:v4+s19+$0x0] =	vst.idx.add.f32.msk $0xffff, v1  }
0x451: {  	v4 =	vld [tilespmem:s26+$0x20]  }
0x452: {  	[tilespmem:v3+s19+$0x0] =	vst.idx.add.f32.msk $0xffff, v1  }
0x453: {  	v3 =	vld [tilespmem:s25+$0x40]  }
0x454: {  	[tilespmem:v2+s19+$0x0] =	vst.idx.add.f32.msk $0xffff, v1  }
0x455: {  	v2 =	vld [tilespmem:s31+$0x60];
	_ =	sdelay $0x1  }
0x456: {  	[tilespmem:v5+s19+$0x0] =	vst.idx.add.f32.msk $0xffff, v1  }
0x457: {  	v5 =	vld [tilespmem:s28+$0x10]  }
0x458: {  	[tilespmem:v4+s19+$0x0] =	vst.idx.add.f32.msk $0xffff, v1  }
0x459: {  	v4 =	vld [tilespmem:s26+$0x30]  }
0x45a: {  	[tilespmem:v3+s19+$0x0] =	vst.idx.add.f32.msk $0xffff, v1  }
0x45b: {  	v3 =	vld [tilespmem:s25+$0x50]  }
0x45c: {  	[tilespmem:v2+s19+$0x0] =	vst.idx.add.f32.msk $0xffff, v1  }
0x45d: {  	s30 =	simm.s32 $0xA00;
	s29 =	simm.s32 $0x200;
	v2 =	vld [tilespmem:s31+$0x70]  }
.LBB2_24:
0x45e: {  	p0 =	sne.s32 s30, $0x8E00;
	v6 =	vld [tilespmem:s29+$0x0];
	s31 =	smov.u32 s26;
	s26 =	smov.u32 s28  }
0x45f: {  	s28 =	smov.u32 s29;
	[tilespmem:v5+s19+$0x0] =	vst.idx.add.f32.msk $0xffff, v1  }
0x460: {  	v7 =	vld [tilespmem:s26+$0x20]  }
0x461: {  	[tilespmem:v4+s19+$0x0] =	vst.idx.add.f32.msk $0xffff, v1  }
0x462: {  	v8 =	vld [tilespmem:s31+$0x40]  }
0x463: {  	[tilespmem:v3+s19+$0x0] =	vst.idx.add.f32.msk $0xffff, v1  }
0x464: {  	v9 =	vld [tilespmem:s25+$0x60]  }
0x465: {  	[tilespmem:v2+s19+$0x0] =	vst.idx.add.f32.msk $0xffff, v1  }
0x466: {  	[tilespmem:v6+s19+$0x0] =	vst.idx.add.f32.msk $0xffff, v1  }
0x467: {  	v5 =	vld [tilespmem:s28+$0x10]  }
0x468: {  	[tilespmem:v7+s19+$0x0] =	vst.idx.add.f32.msk $0xffff, v1  }
.Ltmp11:
0x469: {  	v4 =	vld [tilespmem:s26+$0x30];
	(pc) =	sbr.rel @p0 .LBB2_24-.Ltmp11, $4  }
0x46a: {  	[tilespmem:v8+s19+$0x0] =	vst.idx.add.f32.msk $0xffff, v1  }
0x46b: {  	v3 =	vld [tilespmem:s31+$0x50]  }
0x46c: {  	[tilespmem:v9+s19+$0x0] =	vst.idx.add.f32.msk $0xffff, v1  }
0x46d: {  	s29 =	sshra.s32 s30, $0x2;
	s30 =	sadd.s32 $0x200, s30;
	v2 =	vld [tilespmem:s25+$0x70];
	s25 =	smov.u32 s31  }
0x46e: {  	v6 =	vld [tilespmem:s29+$0x0];
	_ =	sdelay $0x7  }
0x46f: {  	[tilespmem:v6+s19+$0x0] =	vst.idx.add.f32.msk $0xffff, v1  }
0x470: {  	v6 =	vld [tilespmem:s29+$0x10];
	_ =	sdelay $0x5  }
0x471: {  	[tilespmem:v5+s19+$0x0] =	vst.idx.add.f32.msk $0xffff, v1  }
0x472: {  	v5 =	vld [tilespmem:s28+$0x20]  }
0x473: {  	[tilespmem:v6+s19+$0x0] =	vst.idx.add.f32.msk $0xffff, v1  }
0x474: {  	v6 =	vld [tilespmem:s29+$0x20];
	_ =	sdelay $0x5  }
0x475: {  	[tilespmem:v5+s19+$0x0] =	vst.idx.add.f32.msk $0xffff, v1  }
0x476: {  	v5 =	vld [tilespmem:s28+$0x30]  }
0x477: {  	[tilespmem:v6+s19+$0x0] =	vst.idx.add.f32.msk $0xffff, v1  }
0x478: {  	v6 =	vld [tilespmem:s29+$0x30];
	_ =	sdelay $0x3  }
0x479: {  	[tilespmem:v4+s19+$0x0] =	vst.idx.add.f32.msk $0xffff, v1  }
0x47a: {  	v4 =	vld [tilespmem:s26+$0x40]  }
0x47b: {  	[tilespmem:v5+s19+$0x0] =	vst.idx.add.f32.msk $0xffff, v1  }
0x47c: {  	v5 =	vld [tilespmem:s28+$0x40]  }
0x47d: {  	[tilespmem:v6+s19+$0x0] =	vst.idx.add.f32.msk $0xffff, v1  }
0x47e: {  	v6 =	vld [tilespmem:s29+$0x40];
	_ =	sdelay $0x3  }
0x47f: {  	[tilespmem:v4+s19+$0x0] =	vst.idx.add.f32.msk $0xffff, v1  }
0x480: {  	v4 =	vld [tilespmem:s26+$0x50]  }
0x481: {  	[tilespmem:v5+s19+$0x0] =	vst.idx.add.f32.msk $0xffff, v1  }
0x482: {  	v5 =	vld [tilespmem:s28+$0x50]  }
0x483: {  	[tilespmem:v6+s19+$0x0] =	vst.idx.add.f32.msk $0xffff, v1  }
0x484: {  	v6 =	vld [tilespmem:s29+$0x50];
	_ =	sdelay $0x1  }
0x485: {  	[tilespmem:v3+s19+$0x0] =	vst.idx.add.f32.msk $0xffff, v1  }
0x486: {  	v3 =	vld [tilespmem:s25+$0x60]  }
0x487: {  	[tilespmem:v4+s19+$0x0] =	vst.idx.add.f32.msk $0xffff, v1  }
0x488: {  	v4 =	vld [tilespmem:s26+$0x60]  }
0x489: {  	[tilespmem:v5+s19+$0x0] =	vst.idx.add.f32.msk $0xffff, v1  }
0x48a: {  	v5 =	vld [tilespmem:s28+$0x60]  }
0x48b: {  	[tilespmem:v6+s19+$0x0] =	vst.idx.add.f32.msk $0xffff, v1  }
0x48c: {  	v6 =	vld [tilespmem:s29+$0x60];
	_ =	sdelay $0x1  }
0x48d: {  	[tilespmem:v3+s19+$0x0] =	vst.idx.add.f32.msk $0xffff, v1  }
0x48e: {  	v3 =	vld [tilespmem:s25+$0x70]  }
0x48f: {  	[tilespmem:v4+s19+$0x0] =	vst.idx.add.f32.msk $0xffff, v1  }
0x490: {  	v4 =	vld [tilespmem:s26+$0x70]  }
0x491: {  	[tilespmem:v5+s19+$0x0] =	vst.idx.add.f32.msk $0xffff, v1  }
0x492: {  	v5 =	vld [tilespmem:s28+$0x70]  }
0x493: {  	[tilespmem:v6+s19+$0x0] =	vst.idx.add.f32.msk $0xffff, v1  }
0x494: {  	v6 =	vld [tilespmem:s29+$0x70];
	_ =	sdelay $0x3  }
0x495: {  	[tilespmem:v2+s19+$0x0] =	vst.idx.add.f32.msk $0xffff, v1  }
0x496: {  	[tilespmem:v3+s19+$0x0] =	vst.idx.add.f32.msk $0xffff, v1  }
0x497: {  	[tilespmem:v4+s19+$0x0] =	vst.idx.add.f32.msk $0xffff, v1  }
0x498: {  	[tilespmem:v5+s19+$0x0] =	vst.idx.add.f32.msk $0xffff, v1  }
0x499: {  	[tilespmem:v6+s19+$0x0] =	vst.idx.add.f32.msk $0xffff, v1  }
0x49a: {  	_ =	swait.ge [sflag:s20], $0x2400  }
0x49b: {  	[sflag:s20] =	ssyncset.done $0x0  }
0x49c: {  	s25 =	simm.s32 $0x0;
	[sflag:s20] =	ssyncadd.s32 $0xFFFFDC00  }
0x49d: {  	v2 =	vld [tilespmem:s25+$0x2400];
	_ =	sdelay $0x7  }
0x49e: {  	[tilespmem:v2+s19+$0x0] =	vst.idx.add.f32.msk $0xffff, v1  }
0x49f: {  	v2 =	vld [tilespmem:s25+$0x2410];
	_ =	sdelay $0x5  }
0x4a0: {  	s26 =	simm.s32 $0x80  }
0x4a1: {  	v3 =	vld [tilespmem:s26+$0x2400]  }
0x4a2: {  	[tilespmem:v2+s19+$0x0] =	vst.idx.add.f32.msk $0xffff, v1  }
0x4a3: {  	v2 =	vld [tilespmem:s25+$0x2420];
	_ =	sdelay $0x5  }
0x4a4: {  	[tilespmem:v3+s19+$0x0] =	vst.idx.add.f32.msk $0xffff, v1  }
0x4a5: {  	v3 =	vld [tilespmem:s26+$0x2410]  }
0x4a6: {  	[tilespmem:v2+s19+$0x0] =	vst.idx.add.f32.msk $0xffff, v1  }
0x4a7: {  	v2 =	vld [tilespmem:s25+$0x2430];
	_ =	sdelay $0x3  }
0x4a8: {  	s28 =	simm.s32 $0x100  }
0x4a9: {  	v4 =	vld [tilespmem:s28+$0x2400]  }
0x4aa: {  	[tilespmem:v3+s19+$0x0] =	vst.idx.add.f32.msk $0xffff, v1  }
0x4ab: {  	v3 =	vld [tilespmem:s26+$0x2420]  }
0x4ac: {  	[tilespmem:v2+s19+$0x0] =	vst.idx.add.f32.msk $0xffff, v1  }
0x4ad: {  	v2 =	vld [tilespmem:s25+$0x2440];
	_ =	sdelay $0x3  }
0x4ae: {  	[tilespmem:v4+s19+$0x0] =	vst.idx.add.f32.msk $0xffff, v1  }
0x4af: {  	v4 =	vld [tilespmem:s28+$0x2410]  }
0x4b0: {  	[tilespmem:v3+s19+$0x0] =	vst.idx.add.f32.msk $0xffff, v1  }
0x4b1: {  	v3 =	vld [tilespmem:s26+$0x2430]  }
0x4b2: {  	[tilespmem:v2+s19+$0x0] =	vst.idx.add.f32.msk $0xffff, v1  }
0x4b3: {  	v2 =	vld [tilespmem:s25+$0x2450];
	_ =	sdelay $0x1  }
0x4b4: {  	s29 =	simm.s32 $0x180  }
0x4b5: {  	v5 =	vld [tilespmem:s29+$0x2400]  }
0x4b6: {  	[tilespmem:v4+s19+$0x0] =	vst.idx.add.f32.msk $0xffff, v1  }
0x4b7: {  	v4 =	vld [tilespmem:s28+$0x2420]  }
0x4b8: {  	[tilespmem:v3+s19+$0x0] =	vst.idx.add.f32.msk $0xffff, v1  }
0x4b9: {  	v3 =	vld [tilespmem:s26+$0x2440]  }
0x4ba: {  	[tilespmem:v2+s19+$0x0] =	vst.idx.add.f32.msk $0xffff, v1  }
0x4bb: {  	v2 =	vld [tilespmem:s25+$0x2460];
	_ =	sdelay $0x1  }
0x4bc: {  	[tilespmem:v5+s19+$0x0] =	vst.idx.add.f32.msk $0xffff, v1  }
0x4bd: {  	v5 =	vld [tilespmem:s29+$0x2410]  }
0x4be: {  	[tilespmem:v4+s19+$0x0] =	vst.idx.add.f32.msk $0xffff, v1  }
0x4bf: {  	v4 =	vld [tilespmem:s28+$0x2430]  }
0x4c0: {  	[tilespmem:v3+s19+$0x0] =	vst.idx.add.f32.msk $0xffff, v1  }
0x4c1: {  	v3 =	vld [tilespmem:s26+$0x2450]  }
0x4c2: {  	[tilespmem:v2+s19+$0x0] =	vst.idx.add.f32.msk $0xffff, v1  }
0x4c3: {  	s30 =	simm.s32 $0x200;
	s31 =	simm.s32 $0xA00;
	v2 =	vld [tilespmem:s25+$0x2470]  }
.LBB2_26:
0x4c4: {  	p0 =	sne.s32 s31, $0x8E00;
	v6 =	vld [tilespmem:s30+$0x2400];
	s1 =	smov.u32 s28;
	s28 =	smov.u32 s29  }
0x4c5: {  	s29 =	smov.u32 s30;
	[tilespmem:v5+s19+$0x0] =	vst.idx.add.f32.msk $0xffff, v1  }
0x4c6: {  	v7 =	vld [tilespmem:s28+$0x2420]  }
0x4c7: {  	[tilespmem:v4+s19+$0x0] =	vst.idx.add.f32.msk $0xffff, v1  }
0x4c8: {  	v8 =	vld [tilespmem:s1+$0x2440]  }
0x4c9: {  	[tilespmem:v3+s19+$0x0] =	vst.idx.add.f32.msk $0xffff, v1  }
0x4ca: {  	v9 =	vld [tilespmem:s26+$0x2460]  }
0x4cb: {  	[tilespmem:v2+s19+$0x0] =	vst.idx.add.f32.msk $0xffff, v1  }
0x4cc: {  	[tilespmem:v6+s19+$0x0] =	vst.idx.add.f32.msk $0xffff, v1  }
0x4cd: {  	v5 =	vld [tilespmem:s29+$0x2410]  }
0x4ce: {  	[tilespmem:v7+s19+$0x0] =	vst.idx.add.f32.msk $0xffff, v1  }
.Ltmp12:
0x4cf: {  	v4 =	vld [tilespmem:s28+$0x2430];
	(pc) =	sbr.rel @p0 .LBB2_26-.Ltmp12, $4  }
0x4d0: {  	[tilespmem:v8+s19+$0x0] =	vst.idx.add.f32.msk $0xffff, v1  }
0x4d1: {  	v3 =	vld [tilespmem:s1+$0x2450]  }
0x4d2: {  	[tilespmem:v9+s19+$0x0] =	vst.idx.add.f32.msk $0xffff, v1  }
0x4d3: {  	s30 =	sshra.s32 s31, $0x2;
	s31 =	sadd.s32 $0x200, s31;
	v2 =	vld [tilespmem:s26+$0x2470];
	s26 =	smov.u32 s1  }
0x4d4: {  	v6 =	vld [tilespmem:s30+$0x2400];
	_ =	sdelay $0x7  }
0x4d5: {  	[tilespmem:v6+s19+$0x0] =	vst.idx.add.f32.msk $0xffff, v1  }
0x4d6: {  	v6 =	vld [tilespmem:s30+$0x2410];
	_ =	sdelay $0x5  }
0x4d7: {  	[tilespmem:v5+s19+$0x0] =	vst.idx.add.f32.msk $0xffff, v1  }
0x4d8: {  	v5 =	vld [tilespmem:s29+$0x2420]  }
0x4d9: {  	[tilespmem:v6+s19+$0x0] =	vst.idx.add.f32.msk $0xffff, v1  }
0x4da: {  	v6 =	vld [tilespmem:s30+$0x2420];
	_ =	sdelay $0x5  }
0x4db: {  	[tilespmem:v5+s19+$0x0] =	vst.idx.add.f32.msk $0xffff, v1  }
0x4dc: {  	v5 =	vld [tilespmem:s29+$0x2430]  }
0x4dd: {  	[tilespmem:v6+s19+$0x0] =	vst.idx.add.f32.msk $0xffff, v1  }
0x4de: {  	v6 =	vld [tilespmem:s30+$0x2430];
	_ =	sdelay $0x3  }
0x4df: {  	[tilespmem:v4+s19+$0x0] =	vst.idx.add.f32.msk $0xffff, v1  }
0x4e0: {  	v4 =	vld [tilespmem:s28+$0x2440]  }
0x4e1: {  	[tilespmem:v5+s19+$0x0] =	vst.idx.add.f32.msk $0xffff, v1  }
0x4e2: {  	v5 =	vld [tilespmem:s29+$0x2440]  }
0x4e3: {  	[tilespmem:v6+s19+$0x0] =	vst.idx.add.f32.msk $0xffff, v1  }
0x4e4: {  	v6 =	vld [tilespmem:s30+$0x2440];
	_ =	sdelay $0x3  }
0x4e5: {  	[tilespmem:v4+s19+$0x0] =	vst.idx.add.f32.msk $0xffff, v1  }
0x4e6: {  	v4 =	vld [tilespmem:s28+$0x2450]  }
0x4e7: {  	[tilespmem:v5+s19+$0x0] =	vst.idx.add.f32.msk $0xffff, v1  }
0x4e8: {  	v5 =	vld [tilespmem:s29+$0x2450]  }
0x4e9: {  	[tilespmem:v6+s19+$0x0] =	vst.idx.add.f32.msk $0xffff, v1  }
0x4ea: {  	v6 =	vld [tilespmem:s30+$0x2450];
	_ =	sdelay $0x1  }
0x4eb: {  	[tilespmem:v3+s19+$0x0] =	vst.idx.add.f32.msk $0xffff, v1  }
0x4ec: {  	v3 =	vld [tilespmem:s26+$0x2460]  }
0x4ed: {  	[tilespmem:v4+s19+$0x0] =	vst.idx.add.f32.msk $0xffff, v1  }
0x4ee: {  	v4 =	vld [tilespmem:s28+$0x2460]  }
0x4ef: {  	[tilespmem:v5+s19+$0x0] =	vst.idx.add.f32.msk $0xffff, v1  }
0x4f0: {  	v5 =	vld [tilespmem:s29+$0x2460]  }
0x4f1: {  	[tilespmem:v6+s19+$0x0] =	vst.idx.add.f32.msk $0xffff, v1  }
0x4f2: {  	v6 =	vld [tilespmem:s30+$0x2460];
	_ =	sdelay $0x1  }
0x4f3: {  	[tilespmem:v3+s19+$0x0] =	vst.idx.add.f32.msk $0xffff, v1  }
0x4f4: {  	v3 =	vld [tilespmem:s26+$0x2470]  }
0x4f5: {  	[tilespmem:v4+s19+$0x0] =	vst.idx.add.f32.msk $0xffff, v1  }
0x4f6: {  	v4 =	vld [tilespmem:s28+$0x2470]  }
0x4f7: {  	[tilespmem:v5+s19+$0x0] =	vst.idx.add.f32.msk $0xffff, v1  }
0x4f8: {  	v5 =	vld [tilespmem:s29+$0x2470]  }
0x4f9: {  	[tilespmem:v6+s19+$0x0] =	vst.idx.add.f32.msk $0xffff, v1  }
0x4fa: {  	v6 =	vld [tilespmem:s30+$0x2470];
	_ =	sdelay $0x3  }
0x4fb: {  	[tilespmem:v2+s19+$0x0] =	vst.idx.add.f32.msk $0xffff, v1  }
0x4fc: {  	[tilespmem:v3+s19+$0x0] =	vst.idx.add.f32.msk $0xffff, v1  }
0x4fd: {  	[tilespmem:v4+s19+$0x0] =	vst.idx.add.f32.msk $0xffff, v1  }
0x4fe: {  	[tilespmem:v5+s19+$0x0] =	vst.idx.add.f32.msk $0xffff, v1  }
0x4ff: {  	[tilespmem:v6+s19+$0x0] =	vst.idx.add.f32.msk $0xffff, v1  }
0x500: {  	v2 =	vld [tilespmem:s25+$0x4800];
	_ =	sdelay $0x1  }
0x501: {  	v3 =	vld [tilespmem:s25+$0x5401];
	_ =	sdelay $0x1  }
0x502: {  	v4 =	vld [tilespmem:s25+$0x6002]  }
0x503: {  	v2 =	vadd.f32 $0.0e+00, v2  }
0x504: {  	v5 =	vld [tilespmem:s25+$0x6C03]  }
0x505: {  	v2 =	vadd.f32 v3, v2  }
0x506: {  	v3 =	vld [tilespmem:s25+$0x7804]  }
0x507: {  	v2 =	vadd.f32 v4, v2  }
0x508: {  	v4 =	vld [tilespmem:s25+$0x8405]  }
0x509: {  	v2 =	vadd.f32 v5, v2  }
0x50a: {  	v5 =	vld [tilespmem:s25+$0x9006]  }
0x50b: {  	v2 =	vadd.f32 v3, v2  }
0x50c: {  	s26 =	simm.s32 $0x10;
	v3 =	vld [tilespmem:s25+$0x9C07]  }
0x50d: {  	v6 =	vld [tilespmem:s26+$0x4800];
	v2 =	vadd.f32 v4, v2  }
0x50e: {  	v4 =	vld [tilespmem:s25+$0xA808]  }
0x50f: {  	v7 =	vld [tilespmem:s26+$0x5401];
	v2 =	vadd.f32 v5, v2  }
0x510: {  	v5 =	vld [tilespmem:s25+$0xB409]  }
0x511: {  	v8 =	vld [tilespmem:s26+$0x6002];
	v2 =	vadd.f32 v3, v2  }
0x512: {  	v3 =	vld [tilespmem:s25+$0xC00A]  }
0x513: {  	v9 =	vld [tilespmem:s26+$0x6C03];
	v6 =	vadd.f32 $0.0e+00, v6;
	v2 =	vadd.f32 v4, v2  }
0x514: {  	v4 =	vld [tilespmem:s25+$0xCC0B]  }
0x515: {  	v10 =	vld [tilespmem:s26+$0x7804];
	v6 =	vadd.f32 v7, v6;
	v2 =	vadd.f32 v5, v2  }
0x516: {  	v7 =	vld [tilespmem:s25+$0xD80C]  }
0x517: {  	v11 =	vld [tilespmem:s26+$0x8405];
	v5 =	vadd.f32 v8, v6;
	v2 =	vadd.f32 v3, v2  }
0x518: {  	v8 =	vld [tilespmem:s25+$0xE40D]  }
0x519: {  	v3 =	vadd.f32 v9, v5;
	v5 =	vld [tilespmem:s26+$0x9006];
	v4 =	vadd.f32 v4, v2  }
0x51a: {  	v2 =	vld [tilespmem:s25+$0xF00E]  }
0x51b: {  	v6 =	vld [tilespmem:s26+$0x9C07];
	v9 =	vadd.f32 v10, v3;
	v10 =	vadd.f32 v7, v4  }
0x51c: {  	v3 =	vld [tilespmem:s25+$0xFC0F]  }
0x51d: {  	s28 =	simm.s32 $0x20;
	s29 =	simm.s32 $0xC0;
	v7 =	vadd.f32 v11, v9;
	v4 =	vld [tilespmem:s26+$0xA808];
	v8 =	vadd.f32 v8, v10  }
.LBB2_28:
0x51e: {  	p0 =	sne.s32 s29, $0x2FC0;
	v9 =	vld [tilespmem:s28+$0x4800]  }
0x51f: {  	v5 =	vadd.f32 v5, v7;
	v7 =	vld [tilespmem:s26+$0xB409];
	v2 =	vadd.f32 v2, v8  }
0x520: {  	v8 =	vld [tilespmem:s28+$0x5401]  }
0x521: {  	v5 =	vadd.f32 v6, v5;
	v6 =	vld [tilespmem:s26+$0xC00A];
	v2 =	vadd.f32 v3, v2  }
0x522: {  	v3 =	vld [tilespmem:s28+$0x6002]  }
0x523: {  	v9 =	vadd.f32 $0.0e+00, v9;
	v4 =	vadd.f32 v4, v5;
	v5 =	vld [tilespmem:s26+$0xCC0B];
	[tilespmem:s25+$0x10880] =	vst v2;
	s25 =	smov.u32 s26;
	s26 =	smov.u32 s28  }
0x524: {  	v2 =	vld [tilespmem:s26+$0x6C03]  }
0x525: {  	v8 =	vadd.f32 v8, v9;
	v4 =	vadd.f32 v7, v4;
	v7 =	vld [tilespmem:s25+$0xD80C]  }
0x526: {  	v9 =	vld [tilespmem:s26+$0x7804]  }
0x527: {  	v3 =	vadd.f32 v3, v8;
	v4 =	vadd.f32 v6, v4;
	v8 =	vld [tilespmem:s25+$0xE40D]  }
0x528: {  	v10 =	vld [tilespmem:s26+$0x8405]  }
.Ltmp13:
0x529: {  	v3 =	vadd.f32 v2, v3;
	v4 =	vadd.f32 v5, v4;
	v2 =	vld [tilespmem:s25+$0xF00E];
	(pc) =	sbr.rel @p0 .LBB2_28-.Ltmp13, $4  }
0x52a: {  	v5 =	vld [tilespmem:s26+$0x9006]  }
0x52b: {  	v9 =	vadd.f32 v9, v3;
	v11 =	vadd.f32 v7, v4;
	v3 =	vld [tilespmem:s25+$0xFC0F]  }
0x52c: {  	v6 =	vld [tilespmem:s26+$0x9C07]  }
0x52d: {  	s28 =	sshra.s32 s29, $0x2;
	s29 =	sadd.s32 $0x40, s29;
	v7 =	vadd.f32 v10, v9;
	v4 =	vld [tilespmem:s26+$0xA808];
	v8 =	vadd.f32 v8, v11  }
0x52e: {  	v9 =	vld [tilespmem:s28+$0x4800]  }
0x52f: {  	v10 =	vld [tilespmem:s26+$0xB409];
	v2 =	vadd.f32 v2, v8  }
0x530: {  	v49 =	vld [tilespmem:s28+$0x5401]  }
0x531: {  	v11 =	vld [tilespmem:s26+$0xC00A];
	v5 =	vadd.f32 v5, v7;
	v2 =	vadd.f32 v3, v2  }
0x532: {  	v3 =	vld [tilespmem:s28+$0x6002]  }
0x533: {  	v50 =	vld [tilespmem:s26+$0xCC0B];
	v5 =	vadd.f32 v6, v5;
	v51 =	vadd.f32 $0.0e+00, v9;
	[tilespmem:s25+$0x10880] =	vst v2  }
0x534: {  	v2 =	vld [tilespmem:s28+$0x6C03]  }
0x535: {  	v4 =	vadd.f32 v4, v5;
	v52 =	vadd.f32 v49, v51  }
0x536: {  	v53 =	vld [tilespmem:s28+$0x7804]  }
0x537: {  	v54 =	vld [tilespmem:s26+$0xD80C];
	v4 =	vadd.f32 v10, v4;
	v3 =	vadd.f32 v3, v52  }
0x538: {  	v55 =	vld [tilespmem:s28+$0x8405]  }
0x539: {  	v56 =	vld [tilespmem:s26+$0xE40D];
	v4 =	vadd.f32 v11, v4;
	v2 =	vadd.f32 v2, v3  }
0x53a: {  	v3 =	vld [tilespmem:s28+$0x9006]  }
0x53b: {  	v57 =	vld [tilespmem:s26+$0xF00E];
	v4 =	vadd.f32 v50, v4;
	v2 =	vadd.f32 v53, v2  }
0x53c: {  	v58 =	vld [tilespmem:s28+$0x9C07]  }
0x53d: {  	v59 =	vld [tilespmem:s26+$0xFC0F];
	v4 =	vadd.f32 v54, v4;
	v2 =	vadd.f32 v55, v2  }
0x53e: {  	v60 =	vld [tilespmem:s28+$0xA808]  }
0x53f: {  	v4 =	vadd.f32 v56, v4;
	v2 =	vadd.f32 v3, v2  }
0x540: {  	v3 =	vld [tilespmem:s28+$0xB409]  }
0x541: {  	v4 =	vadd.f32 v57, v4;
	v2 =	vadd.f32 v58, v2  }
0x542: {  	v61 =	vld [tilespmem:s28+$0xC00A]  }
0x543: {  	v4 =	vadd.f32 v59, v4;
	v2 =	vadd.f32 v60, v2  }
0x544: {  	v62 =	vld [tilespmem:s28+$0xCC0B]  }
0x545: {  	[tilespmem:s26+$0x10880] =	vst v4;
	v2 =	vadd.f32 v3, v2  }
0x546: {  	v3 =	vld [tilespmem:s28+$0xD80C]  }
0x547: {  	v2 =	vadd.f32 v61, v2  }
0x548: {  	v4 =	vld [tilespmem:s28+$0xE40D]  }
0x549: {  	v2 =	vadd.f32 v62, v2  }
0x54a: {  	v63 =	vld [tilespmem:s28+$0xF00E]  }
0x54b: {  	v2 =	vadd.f32 v3, v2  }
0x54c: {  	v3 =	vld [tilespmem:s28+$0xFC0F]  }
0x54d: {  	v2 =	vadd.f32 v4, v2;
	_ =	sdelay $0x1  }
0x54e: {  	v2 =	vadd.f32 v63, v2;
	_ =	sdelay $0x1  }
0x54f: {  	s2 =	sadd.s32 $0x1, s2;
	v2 =	vadd.f32 v3, v2  }
0x550: {  	p0 =	sne.s32 s2, s16  }
.Ltmp14:
0x551: {  	[tilespmem:s28+$0x10880] =	vst v2;
	(pc) =	sbr.rel @p0 .LBB2_1-.Ltmp14, $4  }
0x552: {  	[hbm4b:s15+s21] =	stream.strided.scatter [tilespmem:s23], [sflag:$0x3], $0xC00, s22, s21, $0x38;
	[tilespmem:$0x11480] =	vst v63  }
0x553: {  	_ =	swait.ge [sflag:s24], $0xC00  }
0x554: {  	[sflag:s24] =	ssyncset.done $0x0  }
0x555: {  	[sflag:s24] =	ssyncadd.s32 $0xFFFFF400  }
0x556: {  	_ =	sfence.sel $0x180000  }
0x557: {  	[bflag:$0x0] =	sbarrier.arrive $0xFFFF  }
0x558: {  	_ =	strace $0x9000004A  }
0x559: {  	[bflag:$0x2] =	sbarrier.arrive $0xFFFF  }
0x55a: {  	p0 =	sne.s32 s0, $0x0;
	s0 =	rddreg [dreg:$0x1]  }
0x55b: {  	s0 =	sadd.s32 @!p0 $0x100000, s0  }
0x55c: {  	[sflag:s0] =	ssyncadd.tile.s32 @!p0 $0x1;
	_ =	shalt  }
.Lfunc_end2:
_tile_overlayer_lowered:
.L_overlay_start_2:
0x55d: {  	(tag) =	ssettag $0x2  }
0x55e: {  	s0 =	rddreg [dreg:$0x0];
	s2 =	stileid.u32  }
0x55f: {  	s1 =	rddreg [dreg:$0x1];
	p0 =	sne.s32 s2, $0x0  }
0x560: {  	s3 =	rddreg [dreg:$0x2];
	[bflag:$0x3] =	sbarrier.arrive $0xFFFF;
	s2 =	simm.s32 @!p0 $0x1C03  }
0x561: {  	[timem:s3], [sflag:s2] =	dma.local @!p0 [hbm:s0], s1  }
0x562: {  	s0 =	simm.s32 @!p0 $0x3  }
0x563: {  	_ =	swait.ge @!p0 [sflag:s0], s1  }
0x564: {  	s1 =	ssub.s32 @!p0 $0x0, s1;
	[sflag:s0] =	ssyncset.done @!p0 $0x0  }
0x565: {  	[sflag:s0] =	ssyncadd.s32 @!p0 s1  }
0x566: {  	[bflag:$0x3] =	sbarrier.arrive $0xFFFF  }
0x567: {  	_ =	shalt  }

// kernel: kernel.7.cloned.1.call-start
scs
__scs_entry_jumppad:
0x0: {  	(pc) =	sbr.rel $0x88, $3  }
0x1: {  	(tag) =	ssettag $0x0;
	lr =	simm.s32 $0x1  }
0x2: {  	[smem:$0x3F9E] =	sst lr;
	_ =	strace $0xD0000000  }
0x3: {  	_ = 	snop  }
0x4: {  	_ = 	snop  }
0x5: {  	_ = 	snop  }
0x6: {  	_ = 	snop  }
0x7: {  	_ = 	snop  }
__scs_overlays_trampoline_lowered:
0x8: {  	[smem:$0x3FAD] =	sst s0  }
0x9: {  	[smem:$0x3FAE] =	sst s1  }
0xa: {  	[smem:$0x3FAF] =	sst s2  }
0xb: {  	[smem:$0x3FB0] =	sst s3  }
0xc: {  	[smem:$0x3FB1] =	sst s4  }
0xd: {  	[smem:$0x3FB2] =	sst s5  }
0xe: {  	[smem:$0x3FB3] =	sst s6  }
0xf: {  	[smem:$0x3FB4] =	sst s7  }
0x10: {  	[smem:$0x3FB5] =	sst s8  }
0x11: {  	[smem:$0x3FB6] =	sst s9;
	s0 =	simm.s32 @!p0 $0x0  }
0x12: {  	s1 =	sld [smem:$0x3F9C];
	s0 =	simm.s32 @p0 $0x1  }
0x13: {  	[smem:$0x3FB7] =	sst s0;
	s0 =	simm.s32 @!p1 $0x0  }
0x14: {  	s2 =	sld [smem:$0x3F9B];
	s0 =	simm.s32 @p1 $0x1  }
0x15: {  	[smem:$0x3FB8] =	sst s0;
	s0 =	simm.s32 @!p2 $0x0  }
0x16: {  	s3 =	sld [smem:$0x3FDB];
	s0 =	simm.s32 @p2 $0x1  }
0x17: {  	s4 =	simm.s32 $0x1BF5;
	[smem:$0x3FBA] =	sst s0  }
0x18: {  	s0 =	sld [smem:$0x3F9D];
	_ =	swait.ge [sflag:s4], $0x0  }
0x19: {  	s7 =	sld [smem:$0x3F9E]  }
0x1a: {  	s8 =	sadd.s32 $0xFFFFE003, lr  }
0x1b: {  	s9 =	sadd.s32 $0xFFFFFEF7, lr;
	s5 =	simm.s32 $0xFFFFFFFF;
	p2 =	slt.u32 s8, $0xFFFFF086  }
0x1c: {  	p1 =	slt.u32 s9, $0xF7A;
	s5 =	simm.s32 @!p2 $0x0  }
0x1d: {  	s5 =	simm.s32 @p1 $0x1;
	p0 =	seq.s32 s7, s2  }
0x1e: {  	s7 =	smul.u32 @!p0 $0xF7A, s2;
	p2 =	seq.s32 @!p0 s5, $0x0  }
0x1f: {  	s9 =	smul.u32 $0xF7A, s1;
	s8 =	simm.s32 @!p0 $0x1BF5;
	p2 =	por !p2, p0  }
0x20: {  	[sflag:s8] =	ssyncset.s32 @!p0 $0xFFFFF086;
	s6 =	sadd.s32 @!p0 s3, s7;
	s7 =	simm.s32 @!p0 $0x108  }
0x21: {  	s3 =	sadd.s32 s3, s9;
	s6 =	sadd.s32 @!p0 $0x88, s6;
	s7 =	simm.s32 @p2 $0x1082  }
0x22: {  	[simem:s7], [sflag:s8] =	dma.local @!p0 [hbm:s6], $0xF7A  }
0x23: {  	s9 =	sor.u32 $0xD0000000, s2;
	s6 =	simm.s32 $0x108;
	_ =	swait.ge @!p0 [sflag:s8], $0x0  }
0x24: {  	s3 =	sadd.s32 $0x88, s3;
	s6 =	simm.s32 @!p1 $0x1082;
	[sflag:s4] =	ssyncset.s32 $0xFFFFF086  }
0x25: {  	[simem:s6], [sflag:s4] =	dma.local [hbm:s3], $0xF7A  }
0x26: {  	[smem:$0x3F9E] =	sst s1;
	(tag) =	ssettag s2;
	_ =	strace s9  }
0x27: {  	s1 =	sld [smem:$0x3FAE]  }
0x28: {  	s2 =	sld [smem:$0x3FAF]  }
0x29: {  	s4 =	sld [smem:$0x3FB1]  }
0x2a: {  	p0 =	seq.s32 s5, $0x0;
	s5 =	sld [smem:$0x3FB2]  }
0x2b: {  	s6 =	sld [smem:$0x3FB3]  }
0x2c: {  	s7 =	sld [smem:$0x3FB4]  }
0x2d: {  	s3 =	simm.s32 $0x108;
	s8 =	sld [smem:$0x3FB5]  }
0x2e: {  	s3 =	simm.s32 @!p0 $0x1082;
	s9 =	sld [smem:$0x3FB6]  }
0x2f: {  	lr =	sadd.s32 s0, s3;
	s0 =	sld [smem:$0x3FAD]  }
0x30: {  	s3 =	sld [smem:$0x3FB0]  }
0x31: {  	[smem:$0x3FB9] =	sst s10  }
0x32: {  	s10 =	sld [smem:$0x3FB7];
	_ =	sdelay $0x3  }
0x33: {  	p0 =	seq.s32 s10, $0x1;
	s10 =	sld [smem:$0x3FB9];
	_ =	sdelay $0x3  }
0x34: {  	[smem:$0x3FB9] =	sst s10  }
0x35: {  	s10 =	sld [smem:$0x3FB8];
	_ =	sdelay $0x3  }
0x36: {  	p1 =	seq.s32 s10, $0x1;
	s10 =	sld [smem:$0x3FB9];
	_ =	sdelay $0x3  }
0x37: {  	[smem:$0x3FB9] =	sst s10  }
0x38: {  	s10 =	sld [smem:$0x3FBA]  }
0x39: {  	_ = 	snop;
	(pc) =	sbr.ind lr, $3  }
0x3a: {  	_ = 	snop  }
0x3b: {  	_ = 	snop  }
0x3c: {  	p2 =	seq.s32 s10, $0x1;
	s10 =	sld [smem:$0x3FB9]  }
0x3d: {  	_ =	shalt  }
0x3e: {  	_ =	shalt  }
0x3f: {  	_ =	shalt  }
0x40: {  	_ =	shalt  }
0x41: {  	_ =	shalt  }
0x42: {  	_ =	shalt  }
0x43: {  	_ =	shalt  }
0x44: {  	_ =	shalt  }
0x45: {  	_ =	shalt  }
0x46: {  	_ =	shalt  }
0x47: {  	_ =	shalt  }
0x48: {  	_ =	shalt  }
0x49: {  	_ =	shalt  }
0x4a: {  	_ =	shalt  }
0x4b: {  	_ =	shalt  }
0x4c: {  	_ =	shalt  }
0x4d: {  	_ =	shalt  }
0x4e: {  	_ =	shalt  }
0x4f: {  	_ =	shalt  }
0x50: {  	_ =	shalt  }
0x51: {  	_ =	shalt  }
0x52: {  	_ =	shalt  }
0x53: {  	_ =	shalt  }
0x54: {  	_ =	shalt  }
0x55: {  	_ =	shalt  }
0x56: {  	_ =	shalt  }
0x57: {  	_ =	shalt  }
0x58: {  	_ =	shalt  }
0x59: {  	_ =	shalt  }
0x5a: {  	_ =	shalt  }
0x5b: {  	_ =	shalt  }
0x5c: {  	_ =	shalt  }
0x5d: {  	_ =	shalt  }
0x5e: {  	_ =	shalt  }
0x5f: {  	_ =	shalt  }
0x60: {  	_ =	shalt  }
0x61: {  	_ =	shalt  }
0x62: {  	_ =	shalt  }
0x63: {  	_ =	shalt  }
0x64: {  	_ =	shalt  }
0x65: {  	_ =	shalt  }
0x66: {  	_ =	shalt  }
0x67: {  	_ =	shalt  }
0x68: {  	_ =	shalt  }
0x69: {  	_ =	shalt  }
0x6a: {  	_ =	shalt  }
0x6b: {  	_ =	shalt  }
0x6c: {  	_ =	shalt  }
0x6d: {  	_ =	shalt  }
0x6e: {  	_ =	shalt  }
0x6f: {  	_ =	shalt  }
0x70: {  	_ =	shalt  }
0x71: {  	_ =	shalt  }
0x72: {  	_ =	shalt  }
0x73: {  	_ =	shalt  }
0x74: {  	_ =	shalt  }
0x75: {  	_ =	shalt  }
0x76: {  	_ =	shalt  }
0x77: {  	_ =	shalt  }
0x78: {  	_ =	shalt  }
0x79: {  	_ =	shalt  }
0x7a: {  	_ =	shalt  }
0x7b: {  	_ =	shalt  }
0x7c: {  	_ =	shalt  }
0x7d: {  	_ =	shalt  }
0x7e: {  	_ =	shalt  }
0x7f: {  	_ =	shalt  }
0x80: {  	_ =	shalt  }
0x81: {  	_ =	shalt  }
0x82: {  	_ =	shalt  }
0x83: {  	_ =	shalt  }
0x84: {  	_ =	shalt  }
0x85: {  	_ =	shalt  }
0x86: {  	_ =	shalt  }
0x87: {  	_ =	shalt  }
.Lfunc_end0:
.L_simem_size_0:
called_computation_lowered:
.L_overlay_start_0:
0x88: {  	s2 =	sld [smem:$0x3FD9]  }
0x89: {  	s3 =	sld [smem:$0x3FFE];
	_ =	sdelay $0x1  }
0x8a: {  	s1 =	srdreg.scid  }
0x8b: {  	s0 =	sand.u32 $0x1, s1  }
0x8c: {  	s16 =	sshll.u32 s0, $0xA;
	s2 =	sadd.s32 s3, s2  }
0x8d: {  	s2 =	sadd.s32 s2, s16  }
0x8e: {  	[smem:$0x3FC5] =	sst s2  }
0x8f: {  	_ = 	snop  }
0x90: {  	(tm) =	ssettm $0x1  }
0x91: {  	s17 =	sld [smem:$0x3FFB];
	_ =	sdelay $0x3  }
0x92: {  	_ =	strace s17  }
0x93: {  	s2 =	sld [smem:$0x3FFC];
	_ =	sdelay $0x3  }
0x94: {  	_ =	strace s2  }
0x95: {  	s2 =	sld [smem:$0x3FFD];
	_ =	sdelay $0x3  }
0x96: {  	_ =	strace s2  }
0x97: {  	_ =	strace $0x8FFFFFFF  }
0x98: {  	s18 =	sld [smem:$0x3FDB];
	_ =	sdelay $0x1  }
0x99: {  	s19 =	simm.s32 $_scs_section_size  }
0x9a: {  	s4 =	simm.s32 $_size__tile_overlayer_lowered;
	s5 =	simm.s32 $_tile_overlayer_lowered  }
0x9b: {  	s22 =	simm.s32 $0x1BFF;
	s21 =	sshll.u32 s5, $0x1;
	s2 =	sadd.s32 s19, s18  }
0x9c: {  	s6 =	simm.s32 $0x0;
	s20 =	sshll.u32 s4, $0x1;
	s4 =	sadd.s32 s21, s2  }
0x9d: {  	[timem:s6], [sflag:s22] =	dma.local [hbm:s4], s20  }
0x9e: {  	_ =	swait.ge [sflag:s22], s20  }
0x9f: {  	s3 =	ssub.s32 $0x0, s20;
	[sflag:s22] =	ssyncset.done $0x0  }
0xa0: {  	[sflag:s22] =	ssyncadd.s32 s3;
	_ =	sdelay $0x1  }
0xa1: {  	s23 =	simm.s32 $0x1B8B  }
0xa2: {  	_ =	swait.ge [sflag:s23], $0x1  }
0xa3: {  	[sflag:s23] =	ssyncset.done $0x0  }
0xa4: {  	s25 =	simm.s32 $0x1B8E;
	s24 =	sld [smem:$0x3FFE];
	[sflag:s23] =	ssyncadd.s32 $0xFFFFFFFF  }
0xa5: {  	s26 =	simm.s32 $execute0_lowered;
	[smem:$0x3FD2] =	sst s25  }
0xa6: {  	s4 =	sshll.u32 s26, $0x1;
	_ =	strace $0x80000046;
	[dreg:$0x1] =	wrdreg $0xFFFFFFFF  }
0xa7: {  	s28 =	simm.s32 $_size_execute0_lowered;
	s2 =	sadd.s32 s2, s4;
	[dreg:$0x0] =	wrdreg $0x0  }
0xa8: {  	s4 =	sshll.u32 s28, $0x1;
	[dreg:$0x2] =	wrdreg s2  }
0xa9: {  	[dreg:$0x3] =	wrdreg s4  }
0xaa: {  	[dreg:$0x4] =	wrdreg $0xC0  }
0xab: {  	_ =	task [dreg:s6], $0x5FFFF  }
0xac: {  	[dreg:$0x1] =	wrdreg $0xFFFFFFFF  }
0xad: {  	[dreg:$0x0] =	wrdreg $0x60  }
0xae: {  	[dreg:$0x2] =	wrdreg s24  }
0xaf: {  	[dreg:$0x3] =	wrdreg $0x9  }
0xb0: {  	_ =	task.clear_ibuf [dreg:s6], $0x4FFFF;
	_ =	strace $0x90000046  }
0xb1: {  	s29 =	simm.s32 $0x9;
	_ =	strace $0x80000048  }
0xb2: {  	_ =	swait.ge [sflag:s29], $0x1  }
0xb3: {  	[sflag:s29] =	ssyncadd.s32 $0xFFFFFFFF  }
0xb4: {  	_ =	strace $0x90000048  }
0xb5: {  	_ =	sfence  }
0xb6: {  	s30 =	sld [smem:$0x0];
	_ =	sdelay $0x2  }
0xb7: {  	s31 =	sshll.u32 s1, $0xD;
	s1 =	sshrl.u32 s1, $0x2  }
0xb8: {  	s3 =	sand.u32 $0x4000, s31;
	s1 =	sadd.s32 s1, s30  }
0xb9: {  	s0 =	sor.u32 s3, s0;
	s1 =	sshll.u32 s1, $0x11  }
0xba: {  	s0 =	sor.u32 s1, s0  }
0xbb: {  	s0 =	sadd.s32 $0x8F2B, s0  }
0xbc: {  	[sflag:s0] =	ssyncadd.remote.s32 $0x1  }
0xbd: {  	_ =	sfence.sel $0xFFFF  }
0xbe: {  	[dreg:$0x0] =	wrdreg $0xFFFFFFFF;
	(pc) =	sbr.abs _section_cstart, $3  }
0xbf: {  	[dreg:$0x1] =	wrdreg $0xFFFFFFFF  }
0xc0: {  	_ =	task.clear_ibuf [dreg:s6], $0x2FFFF;
	_ =	strace $0x9FFFFFFF  }
0xc1: {  	(tm) =	ssettm $0x7FFFFFFF  }
tec
execute0_lowered:
.L_overlay_start_1:
0x0: {  	(tag) =	ssettag $0x1  }
0x1: {  	s0 =	stileid.u32  }
0x2: {  	s1 =	srdreg.scid;
	s3 =	rddreg [dreg:$0x0]  }
0x3: {  	s2 =	simm.s32 $0x0;
	s13 =	simm.s32 $0x1;
	s14 =	simm.s32 $0x2400  }
0x4: {  	s15 =	simm.s32 $0x4800;
	s16 =	simm.s32 $0x2;
	s17 =	simm.s32 $0x80  }
0x5: {  	s18 =	simm.s32 $0x400;
	s19 =	simm.s32 $0x5880;
	s20 =	simm.s32 $0x3  }
0x6: {  	s4 =	sand.u32 $0x1, s1;
	s5 =	sshll.u32 s0, $0x1;
	s1 =	rddreg [dreg:$0x1]  }
0x7: {  	[smem:$0x7FF] =	sst s2;
	s7 =	sshll.u32 s0, $0x6;
	s5 =	sor.u32 s4, s5  }
0x8: {  	_ =	strace $0x80000047;
	s7 =	sand.u32 $0x300, s7;
	s6 =	smul.u32 $0x12000, s5  }
0x9: {  	s4 =	ssub.s32 $0x2, s4;
	s9 =	sadd.s32 s7, s3;
	s31 =	sshll.u32 s5, $0x4  }
0xa: {  	s30 =	sshrl.u32 s4, $0x1;
	s10 =	sand.u32 $0x70, s31;
	s6 =	sshrl.u32 s6, $0x3  }
0xb: {  	s12 =	ssub.s32 s4, s30;
	s11 =	sadd.s32 s10, s9;
	s3 =	sadd.s32 s3, s6  }
0xc: {  	s12 =	smax.u32 s12, $0x1;
	s11 =	sadd.s32 $0x48000, s11;
	s4 =	sadd.s32 $0x480, s3  }
0xd: {  	s5 =	sadd.s32 $0x900, s3;
	s6 =	sadd.s32 $0xD80, s3;
	s7 =	sadd.s32 $0x1200, s3  }
0xe: {  	v0 =	vimm.f32 $0.0e+00;
	v1 =	vimm.f32 $1.000000000e+00;
	s8 =	sadd.s32 $0x1680, s3;
	s9 =	sadd.s32 $0x1B00, s3;
	s10 =	sadd.s32 $0x1F80, s3  }
.LBB2_1:
0xf: {  	s21 =	simm.s32 $0x0;
	s22 =	simm.s32 $0x200  }
.LBB2_2:
0x10: {  	p0 =	sne.s32 s22, $0x4000;
	[tilespmem:s21+$0x4870] =	vst v0  }
0x11: {  	[tilespmem:s21+$0x4800] =	vst v0  }
0x12: {  	[tilespmem:s21+$0x4810] =	vst v0  }
.Ltmp0:
0x13: {  	[tilespmem:s21+$0x4820] =	vst v0;
	(pc) =	sbr.rel @p0 .LBB2_2-.Ltmp0, $4  }
0x14: {  	[tilespmem:s21+$0x4830] =	vst v0  }
0x15: {  	[tilespmem:s21+$0x4840] =	vst v0  }
0x16: {  	[tilespmem:s21+$0x4850] =	vst v0  }
0x17: {  	[tilespmem:s21+$0x4860] =	vst v0;
	s21 =	sshra.s32 s22, $0x2;
	s22 =	sadd.s32 $0x200, s22  }
0x18: {  	[tilespmem:s21+$0x4870] =	vst v0  }
0x19: {  	[tilespmem:s21+$0x4800] =	vst v0  }
0x1a: {  	[tilespmem:s21+$0x4810] =	vst v0  }
0x1b: {  	[tilespmem:s21+$0x4820] =	vst v0  }
0x1c: {  	[tilespmem:s21+$0x4830] =	vst v0  }
0x1d: {  	[tilespmem:s21+$0x4840] =	vst v0  }
0x1e: {  	[tilespmem:s21+$0x4850] =	vst v0  }
0x1f: {  	[tilespmem:s21+$0x4860] =	vst v0;
	s31 =	simm.s32 $0x0  }
0x20: {  	[tilespmem:s31], [sflag:$0x1] =	stream.linear.gather [hbm4b:s3+s31], $0x2400, $0x38;
	[tilespmem:$0x5980] =	vst v63  }
0x21: {  	_ =	swait.ge [sflag:s13], $0x2400  }
0x22: {  	[sflag:s13] =	ssyncset.done $0x0  }
0x23: {  	s26 =	simm.s32 $0x0;
	[sflag:s13] =	ssyncadd.s32 $0xFFFFDC00  }
0x24: {  	[tilespmem:s14], [sflag:$0x2] =	stream.linear.gather [hbm4b:s4+s31], $0x2400, $0x38;
	[tilespmem:$0x5980] =	vst v63  }
0x25: {  	v2 =	vld [tilespmem:s26+$0x0];
	_ =	sdelay $0x7  }
0x26: {  	[tilespmem:v2+s15+$0x0] =	vst.idx.add.f32.msk $0xffff, v1  }
0x27: {  	v2 =	vld [tilespmem:s26+$0x10];
	_ =	sdelay $0x5  }
0x28: {  	s21 =	simm.s32 $0x80  }
0x29: {  	v3 =	vld [tilespmem:s21+$0x0]  }
0x2a: {  	[tilespmem:v2+s15+$0x0] =	vst.idx.add.f32.msk $0xffff, v1  }
0x2b: {  	v2 =	vld [tilespmem:s26+$0x20];
	_ =	sdelay $0x5  }
0x2c: {  	[tilespmem:v3+s15+$0x0] =	vst.idx.add.f32.msk $0xffff, v1  }
0x2d: {  	v3 =	vld [tilespmem:s21+$0x10]  }
0x2e: {  	[tilespmem:v2+s15+$0x0] =	vst.idx.add.f32.msk $0xffff, v1  }
0x2f: {  	v2 =	vld [tilespmem:s26+$0x30];
	_ =	sdelay $0x3  }
0x30: {  	s22 =	simm.s32 $0x100  }
0x31: {  	v4 =	vld [tilespmem:s22+$0x0]  }
0x32: {  	[tilespmem:v3+s15+$0x0] =	vst.idx.add.f32.msk $0xffff, v1  }
0x33: {  	v3 =	vld [tilespmem:s21+$0x20]  }
0x34: {  	[tilespmem:v2+s15+$0x0] =	vst.idx.add.f32.msk $0xffff, v1  }
0x35: {  	v2 =	vld [tilespmem:s26+$0x40];
	_ =	sdelay $0x3  }
0x36: {  	[tilespmem:v4+s15+$0x0] =	vst.idx.add.f32.msk $0xffff, v1  }
0x37: {  	v4 =	vld [tilespmem:s22+$0x10]  }
0x38: {  	[tilespmem:v3+s15+$0x0] =	vst.idx.add.f32.msk $0xffff, v1  }
0x39: {  	v3 =	vld [tilespmem:s21+$0x30]  }
0x3a: {  	[tilespmem:v2+s15+$0x0] =	vst.idx.add.f32.msk $0xffff, v1  }
0x3b: {  	v2 =	vld [tilespmem:s26+$0x50];
	_ =	sdelay $0x1  }
0x3c: {  	s23 =	simm.s32 $0x180  }
0x3d: {  	v5 =	vld [tilespmem:s23+$0x0]  }
0x3e: {  	[tilespmem:v4+s15+$0x0] =	vst.idx.add.f32.msk $0xffff, v1  }
0x3f: {  	v4 =	vld [tilespmem:s22+$0x20]  }
0x40: {  	[tilespmem:v3+s15+$0x0] =	vst.idx.add.f32.msk $0xffff, v1  }
0x41: {  	v3 =	vld [tilespmem:s21+$0x40]  }
0x42: {  	[tilespmem:v2+s15+$0x0] =	vst.idx.add.f32.msk $0xffff, v1  }
0x43: {  	v2 =	vld [tilespmem:s26+$0x60];
	_ =	sdelay $0x1  }
0x44: {  	[tilespmem:v5+s15+$0x0] =	vst.idx.add.f32.msk $0xffff, v1  }
0x45: {  	v5 =	vld [tilespmem:s23+$0x10]  }
0x46: {  	[tilespmem:v4+s15+$0x0] =	vst.idx.add.f32.msk $0xffff, v1  }
0x47: {  	v4 =	vld [tilespmem:s22+$0x30]  }
0x48: {  	[tilespmem:v3+s15+$0x0] =	vst.idx.add.f32.msk $0xffff, v1  }
0x49: {  	v3 =	vld [tilespmem:s21+$0x50]  }
0x4a: {  	[tilespmem:v2+s15+$0x0] =	vst.idx.add.f32.msk $0xffff, v1  }
0x4b: {  	s24 =	simm.s32 $0x200;
	s25 =	simm.s32 $0xA00;
	v2 =	vld [tilespmem:s26+$0x70]  }
.LBB2_4:
0x4c: {  	p0 =	sne.s32 s25, $0x8E00;
	v6 =	vld [tilespmem:s24+$0x0];
	s26 =	smov.u32 s22;
	s22 =	smov.u32 s23  }
0x4d: {  	s23 =	smov.u32 s24;
	[tilespmem:v5+s15+$0x0] =	vst.idx.add.f32.msk $0xffff, v1  }
0x4e: {  	v7 =	vld [tilespmem:s22+$0x20]  }
0x4f: {  	[tilespmem:v4+s15+$0x0] =	vst.idx.add.f32.msk $0xffff, v1  }
0x50: {  	v8 =	vld [tilespmem:s26+$0x40]  }
0x51: {  	[tilespmem:v3+s15+$0x0] =	vst.idx.add.f32.msk $0xffff, v1  }
0x52: {  	v9 =	vld [tilespmem:s21+$0x60]  }
0x53: {  	[tilespmem:v2+s15+$0x0] =	vst.idx.add.f32.msk $0xffff, v1  }
0x54: {  	[tilespmem:v6+s15+$0x0] =	vst.idx.add.f32.msk $0xffff, v1  }
0x55: {  	v5 =	vld [tilespmem:s23+$0x10]  }
0x56: {  	[tilespmem:v7+s15+$0x0] =	vst.idx.add.f32.msk $0xffff, v1  }
.Ltmp1:
0x57: {  	v4 =	vld [tilespmem:s22+$0x30];
	(pc) =	sbr.rel @p0 .LBB2_4-.Ltmp1, $4  }
0x58: {  	[tilespmem:v8+s15+$0x0] =	vst.idx.add.f32.msk $0xffff, v1  }
0x59: {  	v3 =	vld [tilespmem:s26+$0x50]  }
0x5a: {  	[tilespmem:v9+s15+$0x0] =	vst.idx.add.f32.msk $0xffff, v1  }
0x5b: {  	s24 =	sshra.s32 s25, $0x2;
	s25 =	sadd.s32 $0x200, s25;
	v2 =	vld [tilespmem:s21+$0x70];
	s21 =	smov.u32 s26  }
0x5c: {  	v6 =	vld [tilespmem:s24+$0x0];
	_ =	sdelay $0x7  }
0x5d: {  	[tilespmem:v6+s15+$0x0] =	vst.idx.add.f32.msk $0xffff, v1  }
0x5e: {  	v6 =	vld [tilespmem:s24+$0x10];
	_ =	sdelay $0x5  }
0x5f: {  	[tilespmem:v5+s15+$0x0] =	vst.idx.add.f32.msk $0xffff, v1  }
0x60: {  	v5 =	vld [tilespmem:s23+$0x20]  }
0x61: {  	[tilespmem:v6+s15+$0x0] =	vst.idx.add.f32.msk $0xffff, v1  }
0x62: {  	v6 =	vld [tilespmem:s24+$0x20];
	_ =	sdelay $0x5  }
0x63: {  	[tilespmem:v5+s15+$0x0] =	vst.idx.add.f32.msk $0xffff, v1  }
0x64: {  	v5 =	vld [tilespmem:s23+$0x30]  }
0x65: {  	[tilespmem:v6+s15+$0x0] =	vst.idx.add.f32.msk $0xffff, v1  }
0x66: {  	v6 =	vld [tilespmem:s24+$0x30];
	_ =	sdelay $0x3  }
0x67: {  	[tilespmem:v4+s15+$0x0] =	vst.idx.add.f32.msk $0xffff, v1  }
0x68: {  	v4 =	vld [tilespmem:s22+$0x40]  }
0x69: {  	[tilespmem:v5+s15+$0x0] =	vst.idx.add.f32.msk $0xffff, v1  }
0x6a: {  	v5 =	vld [tilespmem:s23+$0x40]  }
0x6b: {  	[tilespmem:v6+s15+$0x0] =	vst.idx.add.f32.msk $0xffff, v1  }
0x6c: {  	v6 =	vld [tilespmem:s24+$0x40];
	_ =	sdelay $0x3  }
0x6d: {  	[tilespmem:v4+s15+$0x0] =	vst.idx.add.f32.msk $0xffff, v1  }
0x6e: {  	v4 =	vld [tilespmem:s22+$0x50]  }
0x6f: {  	[tilespmem:v5+s15+$0x0] =	vst.idx.add.f32.msk $0xffff, v1  }
0x70: {  	v5 =	vld [tilespmem:s23+$0x50]  }
0x71: {  	[tilespmem:v6+s15+$0x0] =	vst.idx.add.f32.msk $0xffff, v1  }
0x72: {  	v6 =	vld [tilespmem:s24+$0x50];
	_ =	sdelay $0x1  }
0x73: {  	[tilespmem:v3+s15+$0x0] =	vst.idx.add.f32.msk $0xffff, v1  }
0x74: {  	v3 =	vld [tilespmem:s21+$0x60]  }
0x75: {  	[tilespmem:v4+s15+$0x0] =	vst.idx.add.f32.msk $0xffff, v1  }
0x76: {  	v4 =	vld [tilespmem:s22+$0x60]  }
0x77: {  	[tilespmem:v5+s15+$0x0] =	vst.idx.add.f32.msk $0xffff, v1  }
0x78: {  	v5 =	vld [tilespmem:s23+$0x60]  }
0x79: {  	[tilespmem:v6+s15+$0x0] =	vst.idx.add.f32.msk $0xffff, v1  }
0x7a: {  	v6 =	vld [tilespmem:s24+$0x60];
	_ =	sdelay $0x1  }
0x7b: {  	[tilespmem:v3+s15+$0x0] =	vst.idx.add.f32.msk $0xffff, v1  }
0x7c: {  	v3 =	vld [tilespmem:s21+$0x70]  }
0x7d: {  	[tilespmem:v4+s15+$0x0] =	vst.idx.add.f32.msk $0xffff, v1  }
0x7e: {  	v4 =	vld [tilespmem:s22+$0x70]  }
0x7f: {  	[tilespmem:v5+s15+$0x0] =	vst.idx.add.f32.msk $0xffff, v1  }
0x80: {  	v5 =	vld [tilespmem:s23+$0x70]  }
0x81: {  	[tilespmem:v6+s15+$0x0] =	vst.idx.add.f32.msk $0xffff, v1  }
0x82: {  	v6 =	vld [tilespmem:s24+$0x70];
	_ =	sdelay $0x3  }
0x83: {  	[tilespmem:v2+s15+$0x0] =	vst.idx.add.f32.msk $0xffff, v1  }
0x84: {  	[tilespmem:v3+s15+$0x0] =	vst.idx.add.f32.msk $0xffff, v1  }
0x85: {  	[tilespmem:v4+s15+$0x0] =	vst.idx.add.f32.msk $0xffff, v1  }
0x86: {  	[tilespmem:v5+s15+$0x0] =	vst.idx.add.f32.msk $0xffff, v1  }
0x87: {  	[tilespmem:v6+s15+$0x0] =	vst.idx.add.f32.msk $0xffff, v1  }
0x88: {  	_ =	swait.ge [sflag:s16], $0x2400  }
0x89: {  	[sflag:s16] =	ssyncset.done $0x0  }
0x8a: {  	s31 =	simm.s32 $0x0;
	s26 =	simm.s32 $0x0;
	[sflag:s16] =	ssyncadd.s32 $0xFFFFDC00  }
0x8b: {  	[tilespmem:s31], [sflag:$0x1] =	stream.linear.gather [hbm4b:s5+s31], $0x2400, $0x38;
	[tilespmem:$0x5980] =	vst v63  }
0x8c: {  	v2 =	vld [tilespmem:s26+$0x2400];
	_ =	sdelay $0x7  }
0x8d: {  	[tilespmem:v2+s15+$0x0] =	vst.idx.add.f32.msk $0xffff, v1  }
0x8e: {  	v2 =	vld [tilespmem:s26+$0x2410];
	_ =	sdelay $0x5  }
0x8f: {  	s21 =	simm.s32 $0x80  }
0x90: {  	v3 =	vld [tilespmem:s21+$0x2400]  }
0x91: {  	[tilespmem:v2+s15+$0x0] =	vst.idx.add.f32.msk $0xffff, v1  }
0x92: {  	v2 =	vld [tilespmem:s26+$0x2420];
	_ =	sdelay $0x5  }
0x93: {  	[tilespmem:v3+s15+$0x0] =	vst.idx.add.f32.msk $0xffff, v1  }
0x94: {  	v3 =	vld [tilespmem:s21+$0x2410]  }
0x95: {  	[tilespmem:v2+s15+$0x0] =	vst.idx.add.f32.msk $0xffff, v1  }
0x96: {  	v2 =	vld [tilespmem:s26+$0x2430];
	_ =	sdelay $0x3  }
0x97: {  	s22 =	simm.s32 $0x100  }
0x98: {  	v4 =	vld [tilespmem:s22+$0x2400]  }
0x99: {  	[tilespmem:v3+s15+$0x0] =	vst.idx.add.f32.msk $0xffff, v1  }
0x9a: {  	v3 =	vld [tilespmem:s21+$0x2420]  }
0x9b: {  	[tilespmem:v2+s15+$0x0] =	vst.idx.add.f32.msk $0xffff, v1  }
0x9c: {  	v2 =	vld [tilespmem:s26+$0x2440];
	_ =	sdelay $0x3  }
0x9d: {  	[tilespmem:v4+s15+$0x0] =	vst.idx.add.f32.msk $0xffff, v1  }
0x9e: {  	v4 =	vld [tilespmem:s22+$0x2410]  }
0x9f: {  	[tilespmem:v3+s15+$0x0] =	vst.idx.add.f32.msk $0xffff, v1  }
0xa0: {  	v3 =	vld [tilespmem:s21+$0x2430]  }
0xa1: {  	[tilespmem:v2+s15+$0x0] =	vst.idx.add.f32.msk $0xffff, v1  }
0xa2: {  	v2 =	vld [tilespmem:s26+$0x2450];
	_ =	sdelay $0x1  }
0xa3: {  	s23 =	simm.s32 $0x180  }
0xa4: {  	v5 =	vld [tilespmem:s23+$0x2400]  }
0xa5: {  	[tilespmem:v4+s15+$0x0] =	vst.idx.add.f32.msk $0xffff, v1  }
0xa6: {  	v4 =	vld [tilespmem:s22+$0x2420]  }
0xa7: {  	[tilespmem:v3+s15+$0x0] =	vst.idx.add.f32.msk $0xffff, v1  }
0xa8: {  	v3 =	vld [tilespmem:s21+$0x2440]  }
0xa9: {  	[tilespmem:v2+s15+$0x0] =	vst.idx.add.f32.msk $0xffff, v1  }
0xaa: {  	v2 =	vld [tilespmem:s26+$0x2460];
	_ =	sdelay $0x1  }
0xab: {  	[tilespmem:v5+s15+$0x0] =	vst.idx.add.f32.msk $0xffff, v1  }
0xac: {  	v5 =	vld [tilespmem:s23+$0x2410]  }
0xad: {  	[tilespmem:v4+s15+$0x0] =	vst.idx.add.f32.msk $0xffff, v1  }
0xae: {  	v4 =	vld [tilespmem:s22+$0x2430]  }
0xaf: {  	[tilespmem:v3+s15+$0x0] =	vst.idx.add.f32.msk $0xffff, v1  }
0xb0: {  	v3 =	vld [tilespmem:s21+$0x2450]  }
0xb1: {  	[tilespmem:v2+s15+$0x0] =	vst.idx.add.f32.msk $0xffff, v1  }
0xb2: {  	s25 =	simm.s32 $0xA00;
	s24 =	simm.s32 $0x200;
	v2 =	vld [tilespmem:s26+$0x2470]  }
.LBB2_6:
0xb3: {  	p0 =	sne.s32 s25, $0x8E00;
	v6 =	vld [tilespmem:s24+$0x2400];
	s26 =	smov.u32 s22;
	s22 =	smov.u32 s23  }
0xb4: {  	s23 =	smov.u32 s24;
	[tilespmem:v5+s15+$0x0] =	vst.idx.add.f32.msk $0xffff, v1  }
0xb5: {  	v7 =	vld [tilespmem:s22+$0x2420]  }
0xb6: {  	[tilespmem:v4+s15+$0x0] =	vst.idx.add.f32.msk $0xffff, v1  }
0xb7: {  	v8 =	vld [tilespmem:s26+$0x2440]  }
0xb8: {  	[tilespmem:v3+s15+$0x0] =	vst.idx.add.f32.msk $0xffff, v1  }
0xb9: {  	v9 =	vld [tilespmem:s21+$0x2460]  }
0xba: {  	[tilespmem:v2+s15+$0x0] =	vst.idx.add.f32.msk $0xffff, v1  }
0xbb: {  	[tilespmem:v6+s15+$0x0] =	vst.idx.add.f32.msk $0xffff, v1  }
0xbc: {  	v5 =	vld [tilespmem:s23+$0x2410]  }
0xbd: {  	[tilespmem:v7+s15+$0x0] =	vst.idx.add.f32.msk $0xffff, v1  }
.Ltmp2:
0xbe: {  	v4 =	vld [tilespmem:s22+$0x2430];
	(pc) =	sbr.rel @p0 .LBB2_6-.Ltmp2, $4  }
0xbf: {  	[tilespmem:v8+s15+$0x0] =	vst.idx.add.f32.msk $0xffff, v1  }
0xc0: {  	v3 =	vld [tilespmem:s26+$0x2450]  }
0xc1: {  	[tilespmem:v9+s15+$0x0] =	vst.idx.add.f32.msk $0xffff, v1  }
0xc2: {  	s24 =	sshra.s32 s25, $0x2;
	s25 =	sadd.s32 $0x200, s25;
	v2 =	vld [tilespmem:s21+$0x2470];
	s21 =	smov.u32 s26  }
0xc3: {  	v6 =	vld [tilespmem:s24+$0x2400];
	_ =	sdelay $0x7  }
0xc4: {  	[tilespmem:v6+s15+$0x0] =	vst.idx.add.f32.msk $0xffff, v1  }
0xc5: {  	v6 =	vld [tilespmem:s24+$0x2410];
	_ =	sdelay $0x5  }
0xc6: {  	[tilespmem:v5+s15+$0x0] =	vst.idx.add.f32.msk $0xffff, v1  }
0xc7: {  	v5 =	vld [tilespmem:s23+$0x2420]  }
0xc8: {  	[tilespmem:v6+s15+$0x0] =	vst.idx.add.f32.msk $0xffff, v1  }
0xc9: {  	v6 =	vld [tilespmem:s24+$0x2420];
	_ =	sdelay $0x5  }
0xca: {  	[tilespmem:v5+s15+$0x0] =	vst.idx.add.f32.msk $0xffff, v1  }
0xcb: {  	v5 =	vld [tilespmem:s23+$0x2430]  }
0xcc: {  	[tilespmem:v6+s15+$0x0] =	vst.idx.add.f32.msk $0xffff, v1  }
0xcd: {  	v6 =	vld [tilespmem:s24+$0x2430];
	_ =	sdelay $0x3  }
0xce: {  	[tilespmem:v4+s15+$0x0] =	vst.idx.add.f32.msk $0xffff, v1  }
0xcf: {  	v4 =	vld [tilespmem:s22+$0x2440]  }
0xd0: {  	[tilespmem:v5+s15+$0x0] =	vst.idx.add.f32.msk $0xffff, v1  }
0xd1: {  	v5 =	vld [tilespmem:s23+$0x2440]  }
0xd2: {  	[tilespmem:v6+s15+$0x0] =	vst.idx.add.f32.msk $0xffff, v1  }
0xd3: {  	v6 =	vld [tilespmem:s24+$0x2440];
	_ =	sdelay $0x3  }
0xd4: {  	[tilespmem:v4+s15+$0x0] =	vst.idx.add.f32.msk $0xffff, v1  }
0xd5: {  	v4 =	vld [tilespmem:s22+$0x2450]  }
0xd6: {  	[tilespmem:v5+s15+$0x0] =	vst.idx.add.f32.msk $0xffff, v1  }
0xd7: {  	v5 =	vld [tilespmem:s23+$0x2450]  }
0xd8: {  	[tilespmem:v6+s15+$0x0] =	vst.idx.add.f32.msk $0xffff, v1  }
0xd9: {  	v6 =	vld [tilespmem:s24+$0x2450];
	_ =	sdelay $0x1  }
0xda: {  	[tilespmem:v3+s15+$0x0] =	vst.idx.add.f32.msk $0xffff, v1  }
0xdb: {  	v3 =	vld [tilespmem:s21+$0x2460]  }
0xdc: {  	[tilespmem:v4+s15+$0x0] =	vst.idx.add.f32.msk $0xffff, v1  }
0xdd: {  	v4 =	vld [tilespmem:s22+$0x2460]  }
0xde: {  	[tilespmem:v5+s15+$0x0] =	vst.idx.add.f32.msk $0xffff, v1  }
0xdf: {  	v5 =	vld [tilespmem:s23+$0x2460]  }
0xe0: {  	[tilespmem:v6+s15+$0x0] =	vst.idx.add.f32.msk $0xffff, v1  }
0xe1: {  	v6 =	vld [tilespmem:s24+$0x2460];
	_ =	sdelay $0x1  }
0xe2: {  	[tilespmem:v3+s15+$0x0] =	vst.idx.add.f32.msk $0xffff, v1  }
0xe3: {  	v3 =	vld [tilespmem:s21+$0x2470]  }
0xe4: {  	[tilespmem:v4+s15+$0x0] =	vst.idx.add.f32.msk $0xffff, v1  }
0xe5: {  	v4 =	vld [tilespmem:s22+$0x2470]  }
0xe6: {  	[tilespmem:v5+s15+$0x0] =	vst.idx.add.f32.msk $0xffff, v1  }
0xe7: {  	v5 =	vld [tilespmem:s23+$0x2470]  }
0xe8: {  	[tilespmem:v6+s15+$0x0] =	vst.idx.add.f32.msk $0xffff, v1  }
0xe9: {  	v6 =	vld [tilespmem:s24+$0x2470];
	_ =	sdelay $0x3  }
0xea: {  	[tilespmem:v2+s15+$0x0] =	vst.idx.add.f32.msk $0xffff, v1  }
0xeb: {  	[tilespmem:v3+s15+$0x0] =	vst.idx.add.f32.msk $0xffff, v1  }
0xec: {  	[tilespmem:v4+s15+$0x0] =	vst.idx.add.f32.msk $0xffff, v1  }
0xed: {  	[tilespmem:v5+s15+$0x0] =	vst.idx.add.f32.msk $0xffff, v1  }
0xee: {  	[tilespmem:v6+s15+$0x0] =	vst.idx.add.f32.msk $0xffff, v1  }
0xef: {  	_ =	swait.ge [sflag:s13], $0x2400  }
0xf0: {  	[sflag:s13] =	ssyncset.done $0x0  }
0xf1: {  	s31 =	simm.s32 $0x0;
	s26 =	simm.s32 $0x0;
	[sflag:s13] =	ssyncadd.s32 $0xFFFFDC00  }
0xf2: {  	[tilespmem:s14], [sflag:$0x2] =	stream.linear.gather [hbm4b:s6+s31], $0x2400, $0x38;
	[tilespmem:$0x5980] =	vst v63  }
0xf3: {  	v2 =	vld [tilespmem:s26+$0x0];
	_ =	sdelay $0x7  }
0xf4: {  	[tilespmem:v2+s15+$0x0] =	vst.idx.add.f32.msk $0xffff, v1  }
0xf5: {  	v2 =	vld [tilespmem:s26+$0x10];
	_ =	sdelay $0x5  }
0xf6: {  	s21 =	simm.s32 $0x80  }
0xf7: {  	v3 =	vld [tilespmem:s21+$0x0]  }
0xf8: {  	[tilespmem:v2+s15+$0x0] =	vst.idx.add.f32.msk $0xffff, v1  }
0xf9: {  	v2 =	vld [tilespmem:s26+$0x20];
	_ =	sdelay $0x5  }
0xfa: {  	[tilespmem:v3+s15+$0x0] =	vst.idx.add.f32.msk $0xffff, v1  }
0xfb: {  	v3 =	vld [tilespmem:s21+$0x10]  }
0xfc: {  	[tilespmem:v2+s15+$0x0] =	vst.idx.add.f32.msk $0xffff, v1  }
0xfd: {  	v2 =	vld [tilespmem:s26+$0x30];
	_ =	sdelay $0x3  }
0xfe: {  	s22 =	simm.s32 $0x100  }
0xff: {  	v4 =	vld [tilespmem:s22+$0x0]  }
0x100: {  	[tilespmem:v3+s15+$0x0] =	vst.idx.add.f32.msk $0xffff, v1  }
0x101: {  	v3 =	vld [tilespmem:s21+$0x20]  }
0x102: {  	[tilespmem:v2+s15+$0x0] =	vst.idx.add.f32.msk $0xffff, v1  }
0x103: {  	v2 =	vld [tilespmem:s26+$0x40];
	_ =	sdelay $0x3  }
0x104: {  	[tilespmem:v4+s15+$0x0] =	vst.idx.add.f32.msk $0xffff, v1  }
0x105: {  	v4 =	vld [tilespmem:s22+$0x10]  }
0x106: {  	[tilespmem:v3+s15+$0x0] =	vst.idx.add.f32.msk $0xffff, v1  }
0x107: {  	v3 =	vld [tilespmem:s21+$0x30]  }
0x108: {  	[tilespmem:v2+s15+$0x0] =	vst.idx.add.f32.msk $0xffff, v1  }
0x109: {  	v2 =	vld [tilespmem:s26+$0x50];
	_ =	sdelay $0x1  }
0x10a: {  	s23 =	simm.s32 $0x180  }
0x10b: {  	v5 =	vld [tilespmem:s23+$0x0]  }
0x10c: {  	[tilespmem:v4+s15+$0x0] =	vst.idx.add.f32.msk $0xffff, v1  }
0x10d: {  	v4 =	vld [tilespmem:s22+$0x20]  }
0x10e: {  	[tilespmem:v3+s15+$0x0] =	vst.idx.add.f32.msk $0xffff, v1  }
0x10f: {  	v3 =	vld [tilespmem:s21+$0x40]  }
0x110: {  	[tilespmem:v2+s15+$0x0] =	vst.idx.add.f32.msk $0xffff, v1  }
0x111: {  	v2 =	vld [tilespmem:s26+$0x60];
	_ =	sdelay $0x1  }
0x112: {  	[tilespmem:v5+s15+$0x0] =	vst.idx.add.f32.msk $0xffff, v1  }
0x113: {  	v5 =	vld [tilespmem:s23+$0x10]  }
0x114: {  	[tilespmem:v4+s15+$0x0] =	vst.idx.add.f32.msk $0xffff, v1  }
0x115: {  	v4 =	vld [tilespmem:s22+$0x30]  }
0x116: {  	[tilespmem:v3+s15+$0x0] =	vst.idx.add.f32.msk $0xffff, v1  }
0x117: {  	v3 =	vld [tilespmem:s21+$0x50]  }
0x118: {  	[tilespmem:v2+s15+$0x0] =	vst.idx.add.f32.msk $0xffff, v1  }
0x119: {  	s25 =	simm.s32 $0xA00;
	s24 =	simm.s32 $0x200;
	v2 =	vld [tilespmem:s26+$0x70]  }
.LBB2_8:
0x11a: {  	p0 =	sne.s32 s25, $0x8E00;
	v6 =	vld [tilespmem:s24+$0x0];
	s26 =	smov.u32 s22;
	s22 =	smov.u32 s23  }
0x11b: {  	s23 =	smov.u32 s24;
	[tilespmem:v5+s15+$0x0] =	vst.idx.add.f32.msk $0xffff, v1  }
0x11c: {  	v7 =	vld [tilespmem:s22+$0x20]  }
0x11d: {  	[tilespmem:v4+s15+$0x0] =	vst.idx.add.f32.msk $0xffff, v1  }
0x11e: {  	v8 =	vld [tilespmem:s26+$0x40]  }
0x11f: {  	[tilespmem:v3+s15+$0x0] =	vst.idx.add.f32.msk $0xffff, v1  }
0x120: {  	v9 =	vld [tilespmem:s21+$0x60]  }
0x121: {  	[tilespmem:v2+s15+$0x0] =	vst.idx.add.f32.msk $0xffff, v1  }
0x122: {  	[tilespmem:v6+s15+$0x0] =	vst.idx.add.f32.msk $0xffff, v1  }
0x123: {  	v5 =	vld [tilespmem:s23+$0x10]  }
0x124: {  	[tilespmem:v7+s15+$0x0] =	vst.idx.add.f32.msk $0xffff, v1  }
.Ltmp3:
0x125: {  	v4 =	vld [tilespmem:s22+$0x30];
	(pc) =	sbr.rel @p0 .LBB2_8-.Ltmp3, $4  }
0x126: {  	[tilespmem:v8+s15+$0x0] =	vst.idx.add.f32.msk $0xffff, v1  }
0x127: {  	v3 =	vld [tilespmem:s26+$0x50]  }
0x128: {  	[tilespmem:v9+s15+$0x0] =	vst.idx.add.f32.msk $0xffff, v1  }
0x129: {  	s24 =	sshra.s32 s25, $0x2;
	s25 =	sadd.s32 $0x200, s25;
	v2 =	vld [tilespmem:s21+$0x70];
	s21 =	smov.u32 s26  }
0x12a: {  	v6 =	vld [tilespmem:s24+$0x0];
	_ =	sdelay $0x7  }
0x12b: {  	[tilespmem:v6+s15+$0x0] =	vst.idx.add.f32.msk $0xffff, v1  }
0x12c: {  	v6 =	vld [tilespmem:s24+$0x10];
	_ =	sdelay $0x5  }
0x12d: {  	[tilespmem:v5+s15+$0x0] =	vst.idx.add.f32.msk $0xffff, v1  }
0x12e: {  	v5 =	vld [tilespmem:s23+$0x20]  }
0x12f: {  	[tilespmem:v6+s15+$0x0] =	vst.idx.add.f32.msk $0xffff, v1  }
0x130: {  	v6 =	vld [tilespmem:s24+$0x20];
	_ =	sdelay $0x5  }
0x131: {  	[tilespmem:v5+s15+$0x0] =	vst.idx.add.f32.msk $0xffff, v1  }
0x132: {  	v5 =	vld [tilespmem:s23+$0x30]  }
0x133: {  	[tilespmem:v6+s15+$0x0] =	vst.idx.add.f32.msk $0xffff, v1  }
0x134: {  	v6 =	vld [tilespmem:s24+$0x30];
	_ =	sdelay $0x3  }
0x135: {  	[tilespmem:v4+s15+$0x0] =	vst.idx.add.f32.msk $0xffff, v1  }
0x136: {  	v4 =	vld [tilespmem:s22+$0x40]  }
0x137: {  	[tilespmem:v5+s15+$0x0] =	vst.idx.add.f32.msk $0xffff, v1  }
0x138: {  	v5 =	vld [tilespmem:s23+$0x40]  }
0x139: {  	[tilespmem:v6+s15+$0x0] =	vst.idx.add.f32.msk $0xffff, v1  }
0x13a: {  	v6 =	vld [tilespmem:s24+$0x40];
	_ =	sdelay $0x3  }
0x13b: {  	[tilespmem:v4+s15+$0x0] =	vst.idx.add.f32.msk $0xffff, v1  }
0x13c: {  	v4 =	vld [tilespmem:s22+$0x50]  }
0x13d: {  	[tilespmem:v5+s15+$0x0] =	vst.idx.add.f32.msk $0xffff, v1  }
0x13e: {  	v5 =	vld [tilespmem:s23+$0x50]  }
0x13f: {  	[tilespmem:v6+s15+$0x0] =	vst.idx.add.f32.msk $0xffff, v1  }
0x140: {  	v6 =	vld [tilespmem:s24+$0x50];
	_ =	sdelay $0x1  }
0x141: {  	[tilespmem:v3+s15+$0x0] =	vst.idx.add.f32.msk $0xffff, v1  }
0x142: {  	v3 =	vld [tilespmem:s21+$0x60]  }
0x143: {  	[tilespmem:v4+s15+$0x0] =	vst.idx.add.f32.msk $0xffff, v1  }
0x144: {  	v4 =	vld [tilespmem:s22+$0x60]  }
0x145: {  	[tilespmem:v5+s15+$0x0] =	vst.idx.add.f32.msk $0xffff, v1  }
0x146: {  	v5 =	vld [tilespmem:s23+$0x60]  }
0x147: {  	[tilespmem:v6+s15+$0x0] =	vst.idx.add.f32.msk $0xffff, v1  }
0x148: {  	v6 =	vld [tilespmem:s24+$0x60];
	_ =	sdelay $0x1  }
0x149: {  	[tilespmem:v3+s15+$0x0] =	vst.idx.add.f32.msk $0xffff, v1  }
0x14a: {  	v3 =	vld [tilespmem:s21+$0x70]  }
0x14b: {  	[tilespmem:v4+s15+$0x0] =	vst.idx.add.f32.msk $0xffff, v1  }
0x14c: {  	v4 =	vld [tilespmem:s22+$0x70]  }
0x14d: {  	[tilespmem:v5+s15+$0x0] =	vst.idx.add.f32.msk $0xffff, v1  }
0x14e: {  	v5 =	vld [tilespmem:s23+$0x70]  }
0x14f: {  	[tilespmem:v6+s15+$0x0] =	vst.idx.add.f32.msk $0xffff, v1  }
0x150: {  	v6 =	vld [tilespmem:s24+$0x70];
	_ =	sdelay $0x3  }
0x151: {  	[tilespmem:v2+s15+$0x0] =	vst.idx.add.f32.msk $0xffff, v1  }
0x152: {  	[tilespmem:v3+s15+$0x0] =	vst.idx.add.f32.msk $0xffff, v1  }
0x153: {  	[tilespmem:v4+s15+$0x0] =	vst.idx.add.f32.msk $0xffff, v1  }
0x154: {  	[tilespmem:v5+s15+$0x0] =	vst.idx.add.f32.msk $0xffff, v1  }
0x155: {  	[tilespmem:v6+s15+$0x0] =	vst.idx.add.f32.msk $0xffff, v1  }
0x156: {  	_ =	swait.ge [sflag:s16], $0x2400  }
0x157: {  	[sflag:s16] =	ssyncset.done $0x0  }
0x158: {  	s31 =	simm.s32 $0x0;
	s26 =	simm.s32 $0x0;
	[sflag:s16] =	ssyncadd.s32 $0xFFFFDC00  }
0x159: {  	[tilespmem:s31], [sflag:$0x1] =	stream.linear.gather [hbm4b:s7+s31], $0x2400, $0x38;
	[tilespmem:$0x5980] =	vst v63  }
0x15a: {  	v2 =	vld [tilespmem:s26+$0x2400];
	_ =	sdelay $0x7  }
0x15b: {  	[tilespmem:v2+s15+$0x0] =	vst.idx.add.f32.msk $0xffff, v1  }
0x15c: {  	v2 =	vld [tilespmem:s26+$0x2410];
	_ =	sdelay $0x5  }
0x15d: {  	s21 =	simm.s32 $0x80  }
0x15e: {  	v3 =	vld [tilespmem:s21+$0x2400]  }
0x15f: {  	[tilespmem:v2+s15+$0x0] =	vst.idx.add.f32.msk $0xffff, v1  }
0x160: {  	v2 =	vld [tilespmem:s26+$0x2420];
	_ =	sdelay $0x5  }
0x161: {  	[tilespmem:v3+s15+$0x0] =	vst.idx.add.f32.msk $0xffff, v1  }
0x162: {  	v3 =	vld [tilespmem:s21+$0x2410]  }
0x163: {  	[tilespmem:v2+s15+$0x0] =	vst.idx.add.f32.msk $0xffff, v1  }
0x164: {  	v2 =	vld [tilespmem:s26+$0x2430];
	_ =	sdelay $0x3  }
0x165: {  	s22 =	simm.s32 $0x100  }
0x166: {  	v4 =	vld [tilespmem:s22+$0x2400]  }
0x167: {  	[tilespmem:v3+s15+$0x0] =	vst.idx.add.f32.msk $0xffff, v1  }
0x168: {  	v3 =	vld [tilespmem:s21+$0x2420]  }
0x169: {  	[tilespmem:v2+s15+$0x0] =	vst.idx.add.f32.msk $0xffff, v1  }
0x16a: {  	v2 =	vld [tilespmem:s26+$0x2440];
	_ =	sdelay $0x3  }
0x16b: {  	[tilespmem:v4+s15+$0x0] =	vst.idx.add.f32.msk $0xffff, v1  }
0x16c: {  	v4 =	vld [tilespmem:s22+$0x2410]  }
0x16d: {  	[tilespmem:v3+s15+$0x0] =	vst.idx.add.f32.msk $0xffff, v1  }
0x16e: {  	v3 =	vld [tilespmem:s21+$0x2430]  }
0x16f: {  	[tilespmem:v2+s15+$0x0] =	vst.idx.add.f32.msk $0xffff, v1  }
0x170: {  	v2 =	vld [tilespmem:s26+$0x2450];
	_ =	sdelay $0x1  }
0x171: {  	s23 =	simm.s32 $0x180  }
0x172: {  	v5 =	vld [tilespmem:s23+$0x2400]  }
0x173: {  	[tilespmem:v4+s15+$0x0] =	vst.idx.add.f32.msk $0xffff, v1  }
0x174: {  	v4 =	vld [tilespmem:s22+$0x2420]  }
0x175: {  	[tilespmem:v3+s15+$0x0] =	vst.idx.add.f32.msk $0xffff, v1  }
0x176: {  	v3 =	vld [tilespmem:s21+$0x2440]  }
0x177: {  	[tilespmem:v2+s15+$0x0] =	vst.idx.add.f32.msk $0xffff, v1  }
0x178: {  	v2 =	vld [tilespmem:s26+$0x2460];
	_ =	sdelay $0x1  }
0x179: {  	[tilespmem:v5+s15+$0x0] =	vst.idx.add.f32.msk $0xffff, v1  }
0x17a: {  	v5 =	vld [tilespmem:s23+$0x2410]  }
0x17b: {  	[tilespmem:v4+s15+$0x0] =	vst.idx.add.f32.msk $0xffff, v1  }
0x17c: {  	v4 =	vld [tilespmem:s22+$0x2430]  }
0x17d: {  	[tilespmem:v3+s15+$0x0] =	vst.idx.add.f32.msk $0xffff, v1  }
0x17e: {  	v3 =	vld [tilespmem:s21+$0x2450]  }
0x17f: {  	[tilespmem:v2+s15+$0x0] =	vst.idx.add.f32.msk $0xffff, v1  }
0x180: {  	s25 =	simm.s32 $0xA00;
	s24 =	simm.s32 $0x200;
	v2 =	vld [tilespmem:s26+$0x2470]  }
.LBB2_10:
0x181: {  	p0 =	sne.s32 s25, $0x8E00;
	v6 =	vld [tilespmem:s24+$0x2400];
	s26 =	smov.u32 s22;
	s22 =	smov.u32 s23  }
0x182: {  	s23 =	smov.u32 s24;
	[tilespmem:v5+s15+$0x0] =	vst.idx.add.f32.msk $0xffff, v1  }
0x183: {  	v7 =	vld [tilespmem:s22+$0x2420]  }
0x184: {  	[tilespmem:v4+s15+$0x0] =	vst.idx.add.f32.msk $0xffff, v1  }
0x185: {  	v8 =	vld [tilespmem:s26+$0x2440]  }
0x186: {  	[tilespmem:v3+s15+$0x0] =	vst.idx.add.f32.msk $0xffff, v1  }
0x187: {  	v9 =	vld [tilespmem:s21+$0x2460]  }
0x188: {  	[tilespmem:v2+s15+$0x0] =	vst.idx.add.f32.msk $0xffff, v1  }
0x189: {  	[tilespmem:v6+s15+$0x0] =	vst.idx.add.f32.msk $0xffff, v1  }
0x18a: {  	v5 =	vld [tilespmem:s23+$0x2410]  }
0x18b: {  	[tilespmem:v7+s15+$0x0] =	vst.idx.add.f32.msk $0xffff, v1  }
.Ltmp4:
0x18c: {  	v4 =	vld [tilespmem:s22+$0x2430];
	(pc) =	sbr.rel @p0 .LBB2_10-.Ltmp4, $4  }
0x18d: {  	[tilespmem:v8+s15+$0x0] =	vst.idx.add.f32.msk $0xffff, v1  }
0x18e: {  	v3 =	vld [tilespmem:s26+$0x2450]  }
0x18f: {  	[tilespmem:v9+s15+$0x0] =	vst.idx.add.f32.msk $0xffff, v1  }
0x190: {  	s24 =	sshra.s32 s25, $0x2;
	s25 =	sadd.s32 $0x200, s25;
	v2 =	vld [tilespmem:s21+$0x2470];
	s21 =	smov.u32 s26  }
0x191: {  	v6 =	vld [tilespmem:s24+$0x2400];
	_ =	sdelay $0x7  }
0x192: {  	[tilespmem:v6+s15+$0x0] =	vst.idx.add.f32.msk $0xffff, v1  }
0x193: {  	v6 =	vld [tilespmem:s24+$0x2410];
	_ =	sdelay $0x5  }
0x194: {  	[tilespmem:v5+s15+$0x0] =	vst.idx.add.f32.msk $0xffff, v1  }
0x195: {  	v5 =	vld [tilespmem:s23+$0x2420]  }
0x196: {  	[tilespmem:v6+s15+$0x0] =	vst.idx.add.f32.msk $0xffff, v1  }
0x197: {  	v6 =	vld [tilespmem:s24+$0x2420];
	_ =	sdelay $0x5  }
0x198: {  	[tilespmem:v5+s15+$0x0] =	vst.idx.add.f32.msk $0xffff, v1  }
0x199: {  	v5 =	vld [tilespmem:s23+$0x2430]  }
0x19a: {  	[tilespmem:v6+s15+$0x0] =	vst.idx.add.f32.msk $0xffff, v1  }
0x19b: {  	v6 =	vld [tilespmem:s24+$0x2430];
	_ =	sdelay $0x3  }
0x19c: {  	[tilespmem:v4+s15+$0x0] =	vst.idx.add.f32.msk $0xffff, v1  }
0x19d: {  	v4 =	vld [tilespmem:s22+$0x2440]  }
0x19e: {  	[tilespmem:v5+s15+$0x0] =	vst.idx.add.f32.msk $0xffff, v1  }
0x19f: {  	v5 =	vld [tilespmem:s23+$0x2440]  }
0x1a0: {  	[tilespmem:v6+s15+$0x0] =	vst.idx.add.f32.msk $0xffff, v1  }
0x1a1: {  	v6 =	vld [tilespmem:s24+$0x2440];
	_ =	sdelay $0x3  }
0x1a2: {  	[tilespmem:v4+s15+$0x0] =	vst.idx.add.f32.msk $0xffff, v1  }
0x1a3: {  	v4 =	vld [tilespmem:s22+$0x2450]  }
0x1a4: {  	[tilespmem:v5+s15+$0x0] =	vst.idx.add.f32.msk $0xffff, v1  }
0x1a5: {  	v5 =	vld [tilespmem:s23+$0x2450]  }
0x1a6: {  	[tilespmem:v6+s15+$0x0] =	vst.idx.add.f32.msk $0xffff, v1  }
0x1a7: {  	v6 =	vld [tilespmem:s24+$0x2450];
	_ =	sdelay $0x1  }
0x1a8: {  	[tilespmem:v3+s15+$0x0] =	vst.idx.add.f32.msk $0xffff, v1  }
0x1a9: {  	v3 =	vld [tilespmem:s21+$0x2460]  }
0x1aa: {  	[tilespmem:v4+s15+$0x0] =	vst.idx.add.f32.msk $0xffff, v1  }
0x1ab: {  	v4 =	vld [tilespmem:s22+$0x2460]  }
0x1ac: {  	[tilespmem:v5+s15+$0x0] =	vst.idx.add.f32.msk $0xffff, v1  }
0x1ad: {  	v5 =	vld [tilespmem:s23+$0x2460]  }
0x1ae: {  	[tilespmem:v6+s15+$0x0] =	vst.idx.add.f32.msk $0xffff, v1  }
0x1af: {  	v6 =	vld [tilespmem:s24+$0x2460];
	_ =	sdelay $0x1  }
0x1b0: {  	[tilespmem:v3+s15+$0x0] =	vst.idx.add.f32.msk $0xffff, v1  }
0x1b1: {  	v3 =	vld [tilespmem:s21+$0x2470]  }
0x1b2: {  	[tilespmem:v4+s15+$0x0] =	vst.idx.add.f32.msk $0xffff, v1  }
0x1b3: {  	v4 =	vld [tilespmem:s22+$0x2470]  }
0x1b4: {  	[tilespmem:v5+s15+$0x0] =	vst.idx.add.f32.msk $0xffff, v1  }
0x1b5: {  	v5 =	vld [tilespmem:s23+$0x2470]  }
0x1b6: {  	[tilespmem:v6+s15+$0x0] =	vst.idx.add.f32.msk $0xffff, v1  }
0x1b7: {  	v6 =	vld [tilespmem:s24+$0x2470];
	_ =	sdelay $0x3  }
0x1b8: {  	[tilespmem:v2+s15+$0x0] =	vst.idx.add.f32.msk $0xffff, v1  }
0x1b9: {  	[tilespmem:v3+s15+$0x0] =	vst.idx.add.f32.msk $0xffff, v1  }
0x1ba: {  	[tilespmem:v4+s15+$0x0] =	vst.idx.add.f32.msk $0xffff, v1  }
0x1bb: {  	[tilespmem:v5+s15+$0x0] =	vst.idx.add.f32.msk $0xffff, v1  }
0x1bc: {  	[tilespmem:v6+s15+$0x0] =	vst.idx.add.f32.msk $0xffff, v1  }
0x1bd: {  	_ =	swait.ge [sflag:s13], $0x2400  }
0x1be: {  	[sflag:s13] =	ssyncset.done $0x0  }
0x1bf: {  	s31 =	simm.s32 $0x0;
	s26 =	simm.s32 $0x0;
	[sflag:s13] =	ssyncadd.s32 $0xFFFFDC00  }
0x1c0: {  	[tilespmem:s14], [sflag:$0x2] =	stream.linear.gather [hbm4b:s8+s31], $0x2400, $0x38;
	[tilespmem:$0x5980] =	vst v63  }
0x1c1: {  	v2 =	vld [tilespmem:s26+$0x0];
	_ =	sdelay $0x7  }
0x1c2: {  	[tilespmem:v2+s15+$0x0] =	vst.idx.add.f32.msk $0xffff, v1  }
0x1c3: {  	v2 =	vld [tilespmem:s26+$0x10];
	_ =	sdelay $0x5  }
0x1c4: {  	s21 =	simm.s32 $0x80  }
0x1c5: {  	v3 =	vld [tilespmem:s21+$0x0]  }
0x1c6: {  	[tilespmem:v2+s15+$0x0] =	vst.idx.add.f32.msk $0xffff, v1  }
0x1c7: {  	v2 =	vld [tilespmem:s26+$0x20];
	_ =	sdelay $0x5  }
0x1c8: {  	[tilespmem:v3+s15+$0x0] =	vst.idx.add.f32.msk $0xffff, v1  }
0x1c9: {  	v3 =	vld [tilespmem:s21+$0x10]  }
0x1ca: {  	[tilespmem:v2+s15+$0x0] =	vst.idx.add.f32.msk $0xffff, v1  }
0x1cb: {  	v2 =	vld [tilespmem:s26+$0x30];
	_ =	sdelay $0x3  }
0x1cc: {  	s22 =	simm.s32 $0x100  }
0x1cd: {  	v4 =	vld [tilespmem:s22+$0x0]  }
0x1ce: {  	[tilespmem:v3+s15+$0x0] =	vst.idx.add.f32.msk $0xffff, v1  }
0x1cf: {  	v3 =	vld [tilespmem:s21+$0x20]  }
0x1d0: {  	[tilespmem:v2+s15+$0x0] =	vst.idx.add.f32.msk $0xffff, v1  }
0x1d1: {  	v2 =	vld [tilespmem:s26+$0x40];
	_ =	sdelay $0x3  }
0x1d2: {  	[tilespmem:v4+s15+$0x0] =	vst.idx.add.f32.msk $0xffff, v1  }
0x1d3: {  	v4 =	vld [tilespmem:s22+$0x10]  }
0x1d4: {  	[tilespmem:v3+s15+$0x0] =	vst.idx.add.f32.msk $0xffff, v1  }
0x1d5: {  	v3 =	vld [tilespmem:s21+$0x30]  }
0x1d6: {  	[tilespmem:v2+s15+$0x0] =	vst.idx.add.f32.msk $0xffff, v1  }
0x1d7: {  	v2 =	vld [tilespmem:s26+$0x50];
	_ =	sdelay $0x1  }
0x1d8: {  	s23 =	simm.s32 $0x180  }
0x1d9: {  	v5 =	vld [tilespmem:s23+$0x0]  }
0x1da: {  	[tilespmem:v4+s15+$0x0] =	vst.idx.add.f32.msk $0xffff, v1  }
0x1db: {  	v4 =	vld [tilespmem:s22+$0x20]  }
0x1dc: {  	[tilespmem:v3+s15+$0x0] =	vst.idx.add.f32.msk $0xffff, v1  }
0x1dd: {  	v3 =	vld [tilespmem:s21+$0x40]  }
0x1de: {  	[tilespmem:v2+s15+$0x0] =	vst.idx.add.f32.msk $0xffff, v1  }
0x1df: {  	v2 =	vld [tilespmem:s26+$0x60];
	_ =	sdelay $0x1  }
0x1e0: {  	[tilespmem:v5+s15+$0x0] =	vst.idx.add.f32.msk $0xffff, v1  }
0x1e1: {  	v5 =	vld [tilespmem:s23+$0x10]  }
0x1e2: {  	[tilespmem:v4+s15+$0x0] =	vst.idx.add.f32.msk $0xffff, v1  }
0x1e3: {  	v4 =	vld [tilespmem:s22+$0x30]  }
0x1e4: {  	[tilespmem:v3+s15+$0x0] =	vst.idx.add.f32.msk $0xffff, v1  }
0x1e5: {  	v3 =	vld [tilespmem:s21+$0x50]  }
0x1e6: {  	[tilespmem:v2+s15+$0x0] =	vst.idx.add.f32.msk $0xffff, v1  }
0x1e7: {  	s25 =	simm.s32 $0xA00;
	s24 =	simm.s32 $0x200;
	v2 =	vld [tilespmem:s26+$0x70]  }
.LBB2_12:
0x1e8: {  	p0 =	sne.s32 s25, $0x8E00;
	v6 =	vld [tilespmem:s24+$0x0];
	s26 =	smov.u32 s22;
	s22 =	smov.u32 s23  }
0x1e9: {  	s23 =	smov.u32 s24;
	[tilespmem:v5+s15+$0x0] =	vst.idx.add.f32.msk $0xffff, v1  }
0x1ea: {  	v7 =	vld [tilespmem:s22+$0x20]  }
0x1eb: {  	[tilespmem:v4+s15+$0x0] =	vst.idx.add.f32.msk $0xffff, v1  }
0x1ec: {  	v8 =	vld [tilespmem:s26+$0x40]  }
0x1ed: {  	[tilespmem:v3+s15+$0x0] =	vst.idx.add.f32.msk $0xffff, v1  }
0x1ee: {  	v9 =	vld [tilespmem:s21+$0x60]  }
0x1ef: {  	[tilespmem:v2+s15+$0x0] =	vst.idx.add.f32.msk $0xffff, v1  }
0x1f0: {  	[tilespmem:v6+s15+$0x0] =	vst.idx.add.f32.msk $0xffff, v1  }
0x1f1: {  	v5 =	vld [tilespmem:s23+$0x10]  }
0x1f2: {  	[tilespmem:v7+s15+$0x0] =	vst.idx.add.f32.msk $0xffff, v1  }
.Ltmp5:
0x1f3: {  	v4 =	vld [tilespmem:s22+$0x30];
	(pc) =	sbr.rel @p0 .LBB2_12-.Ltmp5, $4  }
0x1f4: {  	[tilespmem:v8+s15+$0x0] =	vst.idx.add.f32.msk $0xffff, v1  }
0x1f5: {  	v3 =	vld [tilespmem:s26+$0x50]  }
0x1f6: {  	[tilespmem:v9+s15+$0x0] =	vst.idx.add.f32.msk $0xffff, v1  }
0x1f7: {  	s24 =	sshra.s32 s25, $0x2;
	s25 =	sadd.s32 $0x200, s25;
	v2 =	vld [tilespmem:s21+$0x70];
	s21 =	smov.u32 s26  }
0x1f8: {  	v6 =	vld [tilespmem:s24+$0x0];
	_ =	sdelay $0x7  }
0x1f9: {  	[tilespmem:v6+s15+$0x0] =	vst.idx.add.f32.msk $0xffff, v1  }
0x1fa: {  	v6 =	vld [tilespmem:s24+$0x10];
	_ =	sdelay $0x5  }
0x1fb: {  	[tilespmem:v5+s15+$0x0] =	vst.idx.add.f32.msk $0xffff, v1  }
0x1fc: {  	v5 =	vld [tilespmem:s23+$0x20]  }
0x1fd: {  	[tilespmem:v6+s15+$0x0] =	vst.idx.add.f32.msk $0xffff, v1  }
0x1fe: {  	v6 =	vld [tilespmem:s24+$0x20];
	_ =	sdelay $0x5  }
0x1ff: {  	[tilespmem:v5+s15+$0x0] =	vst.idx.add.f32.msk $0xffff, v1  }
0x200: {  	v5 =	vld [tilespmem:s23+$0x30]  }
0x201: {  	[tilespmem:v6+s15+$0x0] =	vst.idx.add.f32.msk $0xffff, v1  }
0x202: {  	v6 =	vld [tilespmem:s24+$0x30];
	_ =	sdelay $0x3  }
0x203: {  	[tilespmem:v4+s15+$0x0] =	vst.idx.add.f32.msk $0xffff, v1  }
0x204: {  	v4 =	vld [tilespmem:s22+$0x40]  }
0x205: {  	[tilespmem:v5+s15+$0x0] =	vst.idx.add.f32.msk $0xffff, v1  }
0x206: {  	v5 =	vld [tilespmem:s23+$0x40]  }
0x207: {  	[tilespmem:v6+s15+$0x0] =	vst.idx.add.f32.msk $0xffff, v1  }
0x208: {  	v6 =	vld [tilespmem:s24+$0x40];
	_ =	sdelay $0x3  }
0x209: {  	[tilespmem:v4+s15+$0x0] =	vst.idx.add.f32.msk $0xffff, v1  }
0x20a: {  	v4 =	vld [tilespmem:s22+$0x50]  }
0x20b: {  	[tilespmem:v5+s15+$0x0] =	vst.idx.add.f32.msk $0xffff, v1  }
0x20c: {  	v5 =	vld [tilespmem:s23+$0x50]  }
0x20d: {  	[tilespmem:v6+s15+$0x0] =	vst.idx.add.f32.msk $0xffff, v1  }
0x20e: {  	v6 =	vld [tilespmem:s24+$0x50];
	_ =	sdelay $0x1  }
0x20f: {  	[tilespmem:v3+s15+$0x0] =	vst.idx.add.f32.msk $0xffff, v1  }
0x210: {  	v3 =	vld [tilespmem:s21+$0x60]  }
0x211: {  	[tilespmem:v4+s15+$0x0] =	vst.idx.add.f32.msk $0xffff, v1  }
0x212: {  	v4 =	vld [tilespmem:s22+$0x60]  }
0x213: {  	[tilespmem:v5+s15+$0x0] =	vst.idx.add.f32.msk $0xffff, v1  }
0x214: {  	v5 =	vld [tilespmem:s23+$0x60]  }
0x215: {  	[tilespmem:v6+s15+$0x0] =	vst.idx.add.f32.msk $0xffff, v1  }
0x216: {  	v6 =	vld [tilespmem:s24+$0x60];
	_ =	sdelay $0x1  }
0x217: {  	[tilespmem:v3+s15+$0x0] =	vst.idx.add.f32.msk $0xffff, v1  }
0x218: {  	v3 =	vld [tilespmem:s21+$0x70]  }
0x219: {  	[tilespmem:v4+s15+$0x0] =	vst.idx.add.f32.msk $0xffff, v1  }
0x21a: {  	v4 =	vld [tilespmem:s22+$0x70]  }
0x21b: {  	[tilespmem:v5+s15+$0x0] =	vst.idx.add.f32.msk $0xffff, v1  }
0x21c: {  	v5 =	vld [tilespmem:s23+$0x70]  }
0x21d: {  	[tilespmem:v6+s15+$0x0] =	vst.idx.add.f32.msk $0xffff, v1  }
0x21e: {  	v6 =	vld [tilespmem:s24+$0x70];
	_ =	sdelay $0x3  }
0x21f: {  	[tilespmem:v2+s15+$0x0] =	vst.idx.add.f32.msk $0xffff, v1  }
0x220: {  	[tilespmem:v3+s15+$0x0] =	vst.idx.add.f32.msk $0xffff, v1  }
0x221: {  	[tilespmem:v4+s15+$0x0] =	vst.idx.add.f32.msk $0xffff, v1  }
0x222: {  	[tilespmem:v5+s15+$0x0] =	vst.idx.add.f32.msk $0xffff, v1  }
0x223: {  	[tilespmem:v6+s15+$0x0] =	vst.idx.add.f32.msk $0xffff, v1  }
0x224: {  	_ =	swait.ge [sflag:s16], $0x2400  }
0x225: {  	[sflag:s16] =	ssyncset.done $0x0  }
0x226: {  	s31 =	simm.s32 $0x0;
	s26 =	simm.s32 $0x0;
	[sflag:s16] =	ssyncadd.s32 $0xFFFFDC00  }
0x227: {  	[tilespmem:s31], [sflag:$0x1] =	stream.linear.gather [hbm4b:s9+s31], $0x2400, $0x38;
	[tilespmem:$0x5980] =	vst v63  }
0x228: {  	v2 =	vld [tilespmem:s26+$0x2400];
	_ =	sdelay $0x7  }
0x229: {  	[tilespmem:v2+s15+$0x0] =	vst.idx.add.f32.msk $0xffff, v1  }
0x22a: {  	v2 =	vld [tilespmem:s26+$0x2410];
	_ =	sdelay $0x5  }
0x22b: {  	s21 =	simm.s32 $0x80  }
0x22c: {  	v3 =	vld [tilespmem:s21+$0x2400]  }
0x22d: {  	[tilespmem:v2+s15+$0x0] =	vst.idx.add.f32.msk $0xffff, v1  }
0x22e: {  	v2 =	vld [tilespmem:s26+$0x2420];
	_ =	sdelay $0x5  }
0x22f: {  	[tilespmem:v3+s15+$0x0] =	vst.idx.add.f32.msk $0xffff, v1  }
0x230: {  	v3 =	vld [tilespmem:s21+$0x2410]  }
0x231: {  	[tilespmem:v2+s15+$0x0] =	vst.idx.add.f32.msk $0xffff, v1  }
0x232: {  	v2 =	vld [tilespmem:s26+$0x2430];
	_ =	sdelay $0x3  }
0x233: {  	s22 =	simm.s32 $0x100  }
0x234: {  	v4 =	vld [tilespmem:s22+$0x2400]  }
0x235: {  	[tilespmem:v3+s15+$0x0] =	vst.idx.add.f32.msk $0xffff, v1  }
0x236: {  	v3 =	vld [tilespmem:s21+$0x2420]  }
0x237: {  	[tilespmem:v2+s15+$0x0] =	vst.idx.add.f32.msk $0xffff, v1  }
0x238: {  	v2 =	vld [tilespmem:s26+$0x2440];
	_ =	sdelay $0x3  }
0x239: {  	[tilespmem:v4+s15+$0x0] =	vst.idx.add.f32.msk $0xffff, v1  }
0x23a: {  	v4 =	vld [tilespmem:s22+$0x2410]  }
0x23b: {  	[tilespmem:v3+s15+$0x0] =	vst.idx.add.f32.msk $0xffff, v1  }
0x23c: {  	v3 =	vld [tilespmem:s21+$0x2430]  }
0x23d: {  	[tilespmem:v2+s15+$0x0] =	vst.idx.add.f32.msk $0xffff, v1  }
0x23e: {  	v2 =	vld [tilespmem:s26+$0x2450];
	_ =	sdelay $0x1  }
0x23f: {  	s23 =	simm.s32 $0x180  }
0x240: {  	v5 =	vld [tilespmem:s23+$0x2400]  }
0x241: {  	[tilespmem:v4+s15+$0x0] =	vst.idx.add.f32.msk $0xffff, v1  }
0x242: {  	v4 =	vld [tilespmem:s22+$0x2420]  }
0x243: {  	[tilespmem:v3+s15+$0x0] =	vst.idx.add.f32.msk $0xffff, v1  }
0x244: {  	v3 =	vld [tilespmem:s21+$0x2440]  }
0x245: {  	[tilespmem:v2+s15+$0x0] =	vst.idx.add.f32.msk $0xffff, v1  }
0x246: {  	v2 =	vld [tilespmem:s26+$0x2460];
	_ =	sdelay $0x1  }
0x247: {  	[tilespmem:v5+s15+$0x0] =	vst.idx.add.f32.msk $0xffff, v1  }
0x248: {  	v5 =	vld [tilespmem:s23+$0x2410]  }
0x249: {  	[tilespmem:v4+s15+$0x0] =	vst.idx.add.f32.msk $0xffff, v1  }
0x24a: {  	v4 =	vld [tilespmem:s22+$0x2430]  }
0x24b: {  	[tilespmem:v3+s15+$0x0] =	vst.idx.add.f32.msk $0xffff, v1  }
0x24c: {  	v3 =	vld [tilespmem:s21+$0x2450]  }
0x24d: {  	[tilespmem:v2+s15+$0x0] =	vst.idx.add.f32.msk $0xffff, v1  }
0x24e: {  	s25 =	simm.s32 $0xA00;
	s24 =	simm.s32 $0x200;
	v2 =	vld [tilespmem:s26+$0x2470]  }
.LBB2_14:
0x24f: {  	p0 =	sne.s32 s25, $0x8E00;
	v6 =	vld [tilespmem:s24+$0x2400];
	s26 =	smov.u32 s22;
	s22 =	smov.u32 s23  }
0x250: {  	s23 =	smov.u32 s24;
	[tilespmem:v5+s15+$0x0] =	vst.idx.add.f32.msk $0xffff, v1  }
0x251: {  	v7 =	vld [tilespmem:s22+$0x2420]  }
0x252: {  	[tilespmem:v4+s15+$0x0] =	vst.idx.add.f32.msk $0xffff, v1  }
0x253: {  	v8 =	vld [tilespmem:s26+$0x2440]  }
0x254: {  	[tilespmem:v3+s15+$0x0] =	vst.idx.add.f32.msk $0xffff, v1  }
0x255: {  	v9 =	vld [tilespmem:s21+$0x2460]  }
0x256: {  	[tilespmem:v2+s15+$0x0] =	vst.idx.add.f32.msk $0xffff, v1  }
0x257: {  	[tilespmem:v6+s15+$0x0] =	vst.idx.add.f32.msk $0xffff, v1  }
0x258: {  	v5 =	vld [tilespmem:s23+$0x2410]  }
0x259: {  	[tilespmem:v7+s15+$0x0] =	vst.idx.add.f32.msk $0xffff, v1  }
.Ltmp6:
0x25a: {  	v4 =	vld [tilespmem:s22+$0x2430];
	(pc) =	sbr.rel @p0 .LBB2_14-.Ltmp6, $4  }
0x25b: {  	[tilespmem:v8+s15+$0x0] =	vst.idx.add.f32.msk $0xffff, v1  }
0x25c: {  	v3 =	vld [tilespmem:s26+$0x2450]  }
0x25d: {  	[tilespmem:v9+s15+$0x0] =	vst.idx.add.f32.msk $0xffff, v1  }
0x25e: {  	s24 =	sshra.s32 s25, $0x2;
	s25 =	sadd.s32 $0x200, s25;
	v2 =	vld [tilespmem:s21+$0x2470];
	s21 =	smov.u32 s26  }
0x25f: {  	v6 =	vld [tilespmem:s24+$0x2400];
	_ =	sdelay $0x7  }
0x260: {  	[tilespmem:v6+s15+$0x0] =	vst.idx.add.f32.msk $0xffff, v1  }
0x261: {  	v6 =	vld [tilespmem:s24+$0x2410];
	_ =	sdelay $0x5  }
0x262: {  	[tilespmem:v5+s15+$0x0] =	vst.idx.add.f32.msk $0xffff, v1  }
0x263: {  	v5 =	vld [tilespmem:s23+$0x2420]  }
0x264: {  	[tilespmem:v6+s15+$0x0] =	vst.idx.add.f32.msk $0xffff, v1  }
0x265: {  	v6 =	vld [tilespmem:s24+$0x2420];
	_ =	sdelay $0x5  }
0x266: {  	[tilespmem:v5+s15+$0x0] =	vst.idx.add.f32.msk $0xffff, v1  }
0x267: {  	v5 =	vld [tilespmem:s23+$0x2430]  }
0x268: {  	[tilespmem:v6+s15+$0x0] =	vst.idx.add.f32.msk $0xffff, v1  }
0x269: {  	v6 =	vld [tilespmem:s24+$0x2430];
	_ =	sdelay $0x3  }
0x26a: {  	[tilespmem:v4+s15+$0x0] =	vst.idx.add.f32.msk $0xffff, v1  }
0x26b: {  	v4 =	vld [tilespmem:s22+$0x2440]  }
0x26c: {  	[tilespmem:v5+s15+$0x0] =	vst.idx.add.f32.msk $0xffff, v1  }
0x26d: {  	v5 =	vld [tilespmem:s23+$0x2440]  }
0x26e: {  	[tilespmem:v6+s15+$0x0] =	vst.idx.add.f32.msk $0xffff, v1  }
0x26f: {  	v6 =	vld [tilespmem:s24+$0x2440];
	_ =	sdelay $0x3  }
0x270: {  	[tilespmem:v4+s15+$0x0] =	vst.idx.add.f32.msk $0xffff, v1  }
0x271: {  	v4 =	vld [tilespmem:s22+$0x2450]  }
0x272: {  	[tilespmem:v5+s15+$0x0] =	vst.idx.add.f32.msk $0xffff, v1  }
0x273: {  	v5 =	vld [tilespmem:s23+$0x2450]  }
0x274: {  	[tilespmem:v6+s15+$0x0] =	vst.idx.add.f32.msk $0xffff, v1  }
0x275: {  	v6 =	vld [tilespmem:s24+$0x2450];
	_ =	sdelay $0x1  }
0x276: {  	[tilespmem:v3+s15+$0x0] =	vst.idx.add.f32.msk $0xffff, v1  }
0x277: {  	v3 =	vld [tilespmem:s21+$0x2460]  }
0x278: {  	[tilespmem:v4+s15+$0x0] =	vst.idx.add.f32.msk $0xffff, v1  }
0x279: {  	v4 =	vld [tilespmem:s22+$0x2460]  }
0x27a: {  	[tilespmem:v5+s15+$0x0] =	vst.idx.add.f32.msk $0xffff, v1  }
0x27b: {  	v5 =	vld [tilespmem:s23+$0x2460]  }
0x27c: {  	[tilespmem:v6+s15+$0x0] =	vst.idx.add.f32.msk $0xffff, v1  }
0x27d: {  	v6 =	vld [tilespmem:s24+$0x2460];
	_ =	sdelay $0x1  }
0x27e: {  	[tilespmem:v3+s15+$0x0] =	vst.idx.add.f32.msk $0xffff, v1  }
0x27f: {  	v3 =	vld [tilespmem:s21+$0x2470]  }
0x280: {  	[tilespmem:v4+s15+$0x0] =	vst.idx.add.f32.msk $0xffff, v1  }
0x281: {  	v4 =	vld [tilespmem:s22+$0x2470]  }
0x282: {  	[tilespmem:v5+s15+$0x0] =	vst.idx.add.f32.msk $0xffff, v1  }
0x283: {  	v5 =	vld [tilespmem:s23+$0x2470]  }
0x284: {  	[tilespmem:v6+s15+$0x0] =	vst.idx.add.f32.msk $0xffff, v1  }
0x285: {  	v6 =	vld [tilespmem:s24+$0x2470];
	_ =	sdelay $0x3  }
0x286: {  	[tilespmem:v2+s15+$0x0] =	vst.idx.add.f32.msk $0xffff, v1  }
0x287: {  	[tilespmem:v3+s15+$0x0] =	vst.idx.add.f32.msk $0xffff, v1  }
0x288: {  	[tilespmem:v4+s15+$0x0] =	vst.idx.add.f32.msk $0xffff, v1  }
0x289: {  	[tilespmem:v5+s15+$0x0] =	vst.idx.add.f32.msk $0xffff, v1  }
0x28a: {  	[tilespmem:v6+s15+$0x0] =	vst.idx.add.f32.msk $0xffff, v1  }
0x28b: {  	_ =	swait.ge [sflag:s13], $0x2400  }
0x28c: {  	[sflag:s13] =	ssyncset.done $0x0  }
0x28d: {  	s31 =	simm.s32 $0x0;
	s26 =	simm.s32 $0x0;
	[sflag:s13] =	ssyncadd.s32 $0xFFFFDC00  }
0x28e: {  	[tilespmem:s14], [sflag:$0x2] =	stream.linear.gather [hbm4b:s10+s31], $0x2400, $0x38;
	[tilespmem:$0x5980] =	vst v63  }
0x28f: {  	v2 =	vld [tilespmem:s26+$0x0];
	_ =	sdelay $0x7  }
0x290: {  	[tilespmem:v2+s15+$0x0] =	vst.idx.add.f32.msk $0xffff, v1  }
0x291: {  	v2 =	vld [tilespmem:s26+$0x10];
	_ =	sdelay $0x5  }
0x292: {  	s21 =	simm.s32 $0x80  }
0x293: {  	v3 =	vld [tilespmem:s21+$0x0]  }
0x294: {  	[tilespmem:v2+s15+$0x0] =	vst.idx.add.f32.msk $0xffff, v1  }
0x295: {  	v2 =	vld [tilespmem:s26+$0x20];
	_ =	sdelay $0x5  }
0x296: {  	[tilespmem:v3+s15+$0x0] =	vst.idx.add.f32.msk $0xffff, v1  }
0x297: {  	v3 =	vld [tilespmem:s21+$0x10]  }
0x298: {  	[tilespmem:v2+s15+$0x0] =	vst.idx.add.f32.msk $0xffff, v1  }
0x299: {  	v2 =	vld [tilespmem:s26+$0x30];
	_ =	sdelay $0x3  }
0x29a: {  	s22 =	simm.s32 $0x100  }
0x29b: {  	v4 =	vld [tilespmem:s22+$0x0]  }
0x29c: {  	[tilespmem:v3+s15+$0x0] =	vst.idx.add.f32.msk $0xffff, v1  }
0x29d: {  	v3 =	vld [tilespmem:s21+$0x20]  }
0x29e: {  	[tilespmem:v2+s15+$0x0] =	vst.idx.add.f32.msk $0xffff, v1  }
0x29f: {  	v2 =	vld [tilespmem:s26+$0x40];
	_ =	sdelay $0x3  }
0x2a0: {  	[tilespmem:v4+s15+$0x0] =	vst.idx.add.f32.msk $0xffff, v1  }
0x2a1: {  	v4 =	vld [tilespmem:s22+$0x10]  }
0x2a2: {  	[tilespmem:v3+s15+$0x0] =	vst.idx.add.f32.msk $0xffff, v1  }
0x2a3: {  	v3 =	vld [tilespmem:s21+$0x30]  }
0x2a4: {  	[tilespmem:v2+s15+$0x0] =	vst.idx.add.f32.msk $0xffff, v1  }
0x2a5: {  	v2 =	vld [tilespmem:s26+$0x50];
	_ =	sdelay $0x1  }
0x2a6: {  	s23 =	simm.s32 $0x180  }
0x2a7: {  	v5 =	vld [tilespmem:s23+$0x0]  }
0x2a8: {  	[tilespmem:v4+s15+$0x0] =	vst.idx.add.f32.msk $0xffff, v1  }
0x2a9: {  	v4 =	vld [tilespmem:s22+$0x20]  }
0x2aa: {  	[tilespmem:v3+s15+$0x0] =	vst.idx.add.f32.msk $0xffff, v1  }
0x2ab: {  	v3 =	vld [tilespmem:s21+$0x40]  }
0x2ac: {  	[tilespmem:v2+s15+$0x0] =	vst.idx.add.f32.msk $0xffff, v1  }
0x2ad: {  	v2 =	vld [tilespmem:s26+$0x60];
	_ =	sdelay $0x1  }
0x2ae: {  	[tilespmem:v5+s15+$0x0] =	vst.idx.add.f32.msk $0xffff, v1  }
0x2af: {  	v5 =	vld [tilespmem:s23+$0x10]  }
0x2b0: {  	[tilespmem:v4+s15+$0x0] =	vst.idx.add.f32.msk $0xffff, v1  }
0x2b1: {  	v4 =	vld [tilespmem:s22+$0x30]  }
0x2b2: {  	[tilespmem:v3+s15+$0x0] =	vst.idx.add.f32.msk $0xffff, v1  }
0x2b3: {  	v3 =	vld [tilespmem:s21+$0x50]  }
0x2b4: {  	[tilespmem:v2+s15+$0x0] =	vst.idx.add.f32.msk $0xffff, v1  }
0x2b5: {  	s25 =	simm.s32 $0xA00;
	s24 =	simm.s32 $0x200;
	v2 =	vld [tilespmem:s26+$0x70]  }
.LBB2_16:
0x2b6: {  	p0 =	sne.s32 s25, $0x8E00;
	v6 =	vld [tilespmem:s24+$0x0];
	s26 =	smov.u32 s22;
	s22 =	smov.u32 s23  }
0x2b7: {  	s23 =	smov.u32 s24;
	[tilespmem:v5+s15+$0x0] =	vst.idx.add.f32.msk $0xffff, v1  }
0x2b8: {  	v7 =	vld [tilespmem:s22+$0x20]  }
0x2b9: {  	[tilespmem:v4+s15+$0x0] =	vst.idx.add.f32.msk $0xffff, v1  }
0x2ba: {  	v8 =	vld [tilespmem:s26+$0x40]  }
0x2bb: {  	[tilespmem:v3+s15+$0x0] =	vst.idx.add.f32.msk $0xffff, v1  }
0x2bc: {  	v9 =	vld [tilespmem:s21+$0x60]  }
0x2bd: {  	[tilespmem:v2+s15+$0x0] =	vst.idx.add.f32.msk $0xffff, v1  }
0x2be: {  	[tilespmem:v6+s15+$0x0] =	vst.idx.add.f32.msk $0xffff, v1  }
0x2bf: {  	v5 =	vld [tilespmem:s23+$0x10]  }
0x2c0: {  	[tilespmem:v7+s15+$0x0] =	vst.idx.add.f32.msk $0xffff, v1  }
.Ltmp7:
0x2c1: {  	v4 =	vld [tilespmem:s22+$0x30];
	(pc) =	sbr.rel @p0 .LBB2_16-.Ltmp7, $4  }
0x2c2: {  	[tilespmem:v8+s15+$0x0] =	vst.idx.add.f32.msk $0xffff, v1  }
0x2c3: {  	v3 =	vld [tilespmem:s26+$0x50]  }
0x2c4: {  	[tilespmem:v9+s15+$0x0] =	vst.idx.add.f32.msk $0xffff, v1  }
0x2c5: {  	s24 =	sshra.s32 s25, $0x2;
	s25 =	sadd.s32 $0x200, s25;
	v2 =	vld [tilespmem:s21+$0x70];
	s21 =	smov.u32 s26  }
0x2c6: {  	v6 =	vld [tilespmem:s24+$0x0];
	_ =	sdelay $0x7  }
0x2c7: {  	[tilespmem:v6+s15+$0x0] =	vst.idx.add.f32.msk $0xffff, v1  }
0x2c8: {  	v6 =	vld [tilespmem:s24+$0x10];
	_ =	sdelay $0x5  }
0x2c9: {  	[tilespmem:v5+s15+$0x0] =	vst.idx.add.f32.msk $0xffff, v1  }
0x2ca: {  	v5 =	vld [tilespmem:s23+$0x20]  }
0x2cb: {  	[tilespmem:v6+s15+$0x0] =	vst.idx.add.f32.msk $0xffff, v1  }
0x2cc: {  	v6 =	vld [tilespmem:s24+$0x20];
	_ =	sdelay $0x5  }
0x2cd: {  	[tilespmem:v5+s15+$0x0] =	vst.idx.add.f32.msk $0xffff, v1  }
0x2ce: {  	v5 =	vld [tilespmem:s23+$0x30]  }
0x2cf: {  	[tilespmem:v6+s15+$0x0] =	vst.idx.add.f32.msk $0xffff, v1  }
0x2d0: {  	v6 =	vld [tilespmem:s24+$0x30];
	_ =	sdelay $0x3  }
0x2d1: {  	[tilespmem:v4+s15+$0x0] =	vst.idx.add.f32.msk $0xffff, v1  }
0x2d2: {  	v4 =	vld [tilespmem:s22+$0x40]  }
0x2d3: {  	[tilespmem:v5+s15+$0x0] =	vst.idx.add.f32.msk $0xffff, v1  }
0x2d4: {  	v5 =	vld [tilespmem:s23+$0x40]  }
0x2d5: {  	[tilespmem:v6+s15+$0x0] =	vst.idx.add.f32.msk $0xffff, v1  }
0x2d6: {  	v6 =	vld [tilespmem:s24+$0x40];
	_ =	sdelay $0x3  }
0x2d7: {  	[tilespmem:v4+s15+$0x0] =	vst.idx.add.f32.msk $0xffff, v1  }
0x2d8: {  	v4 =	vld [tilespmem:s22+$0x50]  }
0x2d9: {  	[tilespmem:v5+s15+$0x0] =	vst.idx.add.f32.msk $0xffff, v1  }
0x2da: {  	v5 =	vld [tilespmem:s23+$0x50]  }
0x2db: {  	[tilespmem:v6+s15+$0x0] =	vst.idx.add.f32.msk $0xffff, v1  }
0x2dc: {  	v6 =	vld [tilespmem:s24+$0x50];
	_ =	sdelay $0x1  }
0x2dd: {  	[tilespmem:v3+s15+$0x0] =	vst.idx.add.f32.msk $0xffff, v1  }
0x2de: {  	v3 =	vld [tilespmem:s21+$0x60]  }
0x2df: {  	[tilespmem:v4+s15+$0x0] =	vst.idx.add.f32.msk $0xffff, v1  }
0x2e0: {  	v4 =	vld [tilespmem:s22+$0x60]  }
0x2e1: {  	[tilespmem:v5+s15+$0x0] =	vst.idx.add.f32.msk $0xffff, v1  }
0x2e2: {  	v5 =	vld [tilespmem:s23+$0x60]  }
0x2e3: {  	[tilespmem:v6+s15+$0x0] =	vst.idx.add.f32.msk $0xffff, v1  }
0x2e4: {  	v6 =	vld [tilespmem:s24+$0x60];
	_ =	sdelay $0x1  }
0x2e5: {  	[tilespmem:v3+s15+$0x0] =	vst.idx.add.f32.msk $0xffff, v1  }
0x2e6: {  	v3 =	vld [tilespmem:s21+$0x70]  }
0x2e7: {  	[tilespmem:v4+s15+$0x0] =	vst.idx.add.f32.msk $0xffff, v1  }
0x2e8: {  	v4 =	vld [tilespmem:s22+$0x70]  }
0x2e9: {  	[tilespmem:v5+s15+$0x0] =	vst.idx.add.f32.msk $0xffff, v1  }
0x2ea: {  	v5 =	vld [tilespmem:s23+$0x70]  }
0x2eb: {  	[tilespmem:v6+s15+$0x0] =	vst.idx.add.f32.msk $0xffff, v1  }
0x2ec: {  	v6 =	vld [tilespmem:s24+$0x70];
	_ =	sdelay $0x3  }
0x2ed: {  	[tilespmem:v2+s15+$0x0] =	vst.idx.add.f32.msk $0xffff, v1  }
0x2ee: {  	[tilespmem:v3+s15+$0x0] =	vst.idx.add.f32.msk $0xffff, v1  }
0x2ef: {  	[tilespmem:v4+s15+$0x0] =	vst.idx.add.f32.msk $0xffff, v1  }
0x2f0: {  	[tilespmem:v5+s15+$0x0] =	vst.idx.add.f32.msk $0xffff, v1  }
0x2f1: {  	[tilespmem:v6+s15+$0x0] =	vst.idx.add.f32.msk $0xffff, v1  }
0x2f2: {  	_ =	swait.ge [sflag:s16], $0x2400  }
0x2f3: {  	[sflag:s16] =	ssyncset.done $0x0  }
0x2f4: {  	s21 =	simm.s32 $0x0;
	[sflag:s16] =	ssyncadd.s32 $0xFFFFDC00  }
0x2f5: {  	v2 =	vld [tilespmem:s21+$0x2400];
	_ =	sdelay $0x7  }
0x2f6: {  	[tilespmem:v2+s15+$0x0] =	vst.idx.add.f32.msk $0xffff, v1  }
0x2f7: {  	v2 =	vld [tilespmem:s21+$0x2410];
	_ =	sdelay $0x5  }
0x2f8: {  	s22 =	simm.s32 $0x80  }
0x2f9: {  	v3 =	vld [tilespmem:s22+$0x2400]  }
0x2fa: {  	[tilespmem:v2+s15+$0x0] =	vst.idx.add.f32.msk $0xffff, v1  }
0x2fb: {  	v2 =	vld [tilespmem:s21+$0x2420];
	_ =	sdelay $0x5  }
0x2fc: {  	[tilespmem:v3+s15+$0x0] =	vst.idx.add.f32.msk $0xffff, v1  }
0x2fd: {  	v3 =	vld [tilespmem:s22+$0x2410]  }
0x2fe: {  	[tilespmem:v2+s15+$0x0] =	vst.idx.add.f32.msk $0xffff, v1  }
0x2ff: {  	v2 =	vld [tilespmem:s21+$0x2430];
	_ =	sdelay $0x3  }
0x300: {  	s23 =	simm.s32 $0x100  }
0x301: {  	v4 =	vld [tilespmem:s23+$0x2400]  }
0x302: {  	[tilespmem:v3+s15+$0x0] =	vst.idx.add.f32.msk $0xffff, v1  }
0x303: {  	v3 =	vld [tilespmem:s22+$0x2420]  }
0x304: {  	[tilespmem:v2+s15+$0x0] =	vst.idx.add.f32.msk $0xffff, v1  }
0x305: {  	v2 =	vld [tilespmem:s21+$0x2440];
	_ =	sdelay $0x3  }
0x306: {  	[tilespmem:v4+s15+$0x0] =	vst.idx.add.f32.msk $0xffff, v1  }
0x307: {  	v4 =	vld [tilespmem:s23+$0x2410]  }
0x308: {  	[tilespmem:v3+s15+$0x0] =	vst.idx.add.f32.msk $0xffff, v1  }
0x309: {  	v3 =	vld [tilespmem:s22+$0x2430]  }
0x30a: {  	[tilespmem:v2+s15+$0x0] =	vst.idx.add.f32.msk $0xffff, v1  }
0x30b: {  	v2 =	vld [tilespmem:s21+$0x2450];
	_ =	sdelay $0x1  }
0x30c: {  	s24 =	simm.s32 $0x180  }
0x30d: {  	v5 =	vld [tilespmem:s24+$0x2400]  }
0x30e: {  	[tilespmem:v4+s15+$0x0] =	vst.idx.add.f32.msk $0xffff, v1  }
0x30f: {  	v4 =	vld [tilespmem:s23+$0x2420]  }
0x310: {  	[tilespmem:v3+s15+$0x0] =	vst.idx.add.f32.msk $0xffff, v1  }
0x311: {  	v3 =	vld [tilespmem:s22+$0x2440]  }
0x312: {  	[tilespmem:v2+s15+$0x0] =	vst.idx.add.f32.msk $0xffff, v1  }
0x313: {  	v2 =	vld [tilespmem:s21+$0x2460];
	_ =	sdelay $0x1  }
0x314: {  	[tilespmem:v5+s15+$0x0] =	vst.idx.add.f32.msk $0xffff, v1  }
0x315: {  	v5 =	vld [tilespmem:s24+$0x2410]  }
0x316: {  	[tilespmem:v4+s15+$0x0] =	vst.idx.add.f32.msk $0xffff, v1  }
0x317: {  	v4 =	vld [tilespmem:s23+$0x2430]  }
0x318: {  	[tilespmem:v3+s15+$0x0] =	vst.idx.add.f32.msk $0xffff, v1  }
0x319: {  	v3 =	vld [tilespmem:s22+$0x2450]  }
0x31a: {  	[tilespmem:v2+s15+$0x0] =	vst.idx.add.f32.msk $0xffff, v1  }
0x31b: {  	s25 =	simm.s32 $0x200;
	s26 =	simm.s32 $0xA00;
	v2 =	vld [tilespmem:s21+$0x2470]  }
.LBB2_18:
0x31c: {  	p0 =	sne.s32 s26, $0x8E00;
	v6 =	vld [tilespmem:s25+$0x2400];
	s28 =	smov.u32 s23;
	s23 =	smov.u32 s24  }
0x31d: {  	s24 =	smov.u32 s25;
	[tilespmem:v5+s15+$0x0] =	vst.idx.add.f32.msk $0xffff, v1  }
0x31e: {  	v7 =	vld [tilespmem:s23+$0x2420]  }
0x31f: {  	[tilespmem:v4+s15+$0x0] =	vst.idx.add.f32.msk $0xffff, v1  }
0x320: {  	v8 =	vld [tilespmem:s28+$0x2440]  }
0x321: {  	[tilespmem:v3+s15+$0x0] =	vst.idx.add.f32.msk $0xffff, v1  }
0x322: {  	v9 =	vld [tilespmem:s22+$0x2460]  }
0x323: {  	[tilespmem:v2+s15+$0x0] =	vst.idx.add.f32.msk $0xffff, v1  }
0x324: {  	[tilespmem:v6+s15+$0x0] =	vst.idx.add.f32.msk $0xffff, v1  }
0x325: {  	v5 =	vld [tilespmem:s24+$0x2410]  }
0x326: {  	[tilespmem:v7+s15+$0x0] =	vst.idx.add.f32.msk $0xffff, v1  }
.Ltmp8:
0x327: {  	v4 =	vld [tilespmem:s23+$0x2430];
	(pc) =	sbr.rel @p0 .LBB2_18-.Ltmp8, $4  }
0x328: {  	[tilespmem:v8+s15+$0x0] =	vst.idx.add.f32.msk $0xffff, v1  }
0x329: {  	v3 =	vld [tilespmem:s28+$0x2450]  }
0x32a: {  	[tilespmem:v9+s15+$0x0] =	vst.idx.add.f32.msk $0xffff, v1  }
0x32b: {  	s25 =	sshra.s32 s26, $0x2;
	s26 =	sadd.s32 $0x200, s26;
	v2 =	vld [tilespmem:s22+$0x2470];
	s22 =	smov.u32 s28  }
0x32c: {  	v6 =	vld [tilespmem:s25+$0x2400];
	_ =	sdelay $0x7  }
0x32d: {  	[tilespmem:v6+s15+$0x0] =	vst.idx.add.f32.msk $0xffff, v1  }
0x32e: {  	v6 =	vld [tilespmem:s25+$0x2410];
	_ =	sdelay $0x5  }
0x32f: {  	[tilespmem:v5+s15+$0x0] =	vst.idx.add.f32.msk $0xffff, v1  }
0x330: {  	v5 =	vld [tilespmem:s24+$0x2420]  }
0x331: {  	[tilespmem:v6+s15+$0x0] =	vst.idx.add.f32.msk $0xffff, v1  }
0x332: {  	v6 =	vld [tilespmem:s25+$0x2420];
	_ =	sdelay $0x5  }
0x333: {  	[tilespmem:v5+s15+$0x0] =	vst.idx.add.f32.msk $0xffff, v1  }
0x334: {  	v5 =	vld [tilespmem:s24+$0x2430]  }
0x335: {  	[tilespmem:v6+s15+$0x0] =	vst.idx.add.f32.msk $0xffff, v1  }
0x336: {  	v6 =	vld [tilespmem:s25+$0x2430];
	_ =	sdelay $0x3  }
0x337: {  	[tilespmem:v4+s15+$0x0] =	vst.idx.add.f32.msk $0xffff, v1  }
0x338: {  	v4 =	vld [tilespmem:s23+$0x2440]  }
0x339: {  	[tilespmem:v5+s15+$0x0] =	vst.idx.add.f32.msk $0xffff, v1  }
0x33a: {  	v5 =	vld [tilespmem:s24+$0x2440]  }
0x33b: {  	[tilespmem:v6+s15+$0x0] =	vst.idx.add.f32.msk $0xffff, v1  }
0x33c: {  	v6 =	vld [tilespmem:s25+$0x2440];
	_ =	sdelay $0x3  }
0x33d: {  	[tilespmem:v4+s15+$0x0] =	vst.idx.add.f32.msk $0xffff, v1  }
0x33e: {  	v4 =	vld [tilespmem:s23+$0x2450]  }
0x33f: {  	[tilespmem:v5+s15+$0x0] =	vst.idx.add.f32.msk $0xffff, v1  }
0x340: {  	v5 =	vld [tilespmem:s24+$0x2450]  }
0x341: {  	[tilespmem:v6+s15+$0x0] =	vst.idx.add.f32.msk $0xffff, v1  }
0x342: {  	v6 =	vld [tilespmem:s25+$0x2450];
	_ =	sdelay $0x1  }
0x343: {  	[tilespmem:v3+s15+$0x0] =	vst.idx.add.f32.msk $0xffff, v1  }
0x344: {  	v3 =	vld [tilespmem:s22+$0x2460]  }
0x345: {  	[tilespmem:v4+s15+$0x0] =	vst.idx.add.f32.msk $0xffff, v1  }
0x346: {  	v4 =	vld [tilespmem:s23+$0x2460]  }
0x347: {  	[tilespmem:v5+s15+$0x0] =	vst.idx.add.f32.msk $0xffff, v1  }
0x348: {  	v5 =	vld [tilespmem:s24+$0x2460]  }
0x349: {  	[tilespmem:v6+s15+$0x0] =	vst.idx.add.f32.msk $0xffff, v1  }
0x34a: {  	v6 =	vld [tilespmem:s25+$0x2460];
	_ =	sdelay $0x1  }
0x34b: {  	[tilespmem:v3+s15+$0x0] =	vst.idx.add.f32.msk $0xffff, v1  }
0x34c: {  	v3 =	vld [tilespmem:s22+$0x2470]  }
0x34d: {  	[tilespmem:v4+s15+$0x0] =	vst.idx.add.f32.msk $0xffff, v1  }
0x34e: {  	v4 =	vld [tilespmem:s23+$0x2470]  }
0x34f: {  	[tilespmem:v5+s15+$0x0] =	vst.idx.add.f32.msk $0xffff, v1  }
0x350: {  	v5 =	vld [tilespmem:s24+$0x2470]  }
0x351: {  	[tilespmem:v6+s15+$0x0] =	vst.idx.add.f32.msk $0xffff, v1  }
0x352: {  	v6 =	vld [tilespmem:s25+$0x2470];
	_ =	sdelay $0x3  }
0x353: {  	[tilespmem:v2+s15+$0x0] =	vst.idx.add.f32.msk $0xffff, v1  }
0x354: {  	[tilespmem:v3+s15+$0x0] =	vst.idx.add.f32.msk $0xffff, v1  }
0x355: {  	[tilespmem:v4+s15+$0x0] =	vst.idx.add.f32.msk $0xffff, v1  }
0x356: {  	[tilespmem:v5+s15+$0x0] =	vst.idx.add.f32.msk $0xffff, v1  }
0x357: {  	[tilespmem:v6+s15+$0x0] =	vst.idx.add.f32.msk $0xffff, v1  }
0x358: {  	v2 =	vld [tilespmem:s21+$0x4800];
	_ =	sdelay $0x1  }
0x359: {  	v3 =	vld [tilespmem:s21+$0x4901];
	_ =	sdelay $0x1  }
0x35a: {  	v4 =	vld [tilespmem:s21+$0x4A02]  }
0x35b: {  	v2 =	vadd.f32 $0.0e+00, v2  }
0x35c: {  	v5 =	vld [tilespmem:s21+$0x4B03]  }
0x35d: {  	v2 =	vadd.f32 v3, v2  }
0x35e: {  	v3 =	vld [tilespmem:s21+$0x4C04]  }
0x35f: {  	v2 =	vadd.f32 v4, v2  }
0x360: {  	v4 =	vld [tilespmem:s21+$0x4D05]  }
0x361: {  	v2 =	vadd.f32 v5, v2  }
0x362: {  	v5 =	vld [tilespmem:s21+$0x4E06]  }
0x363: {  	v2 =	vadd.f32 v3, v2  }
0x364: {  	s22 =	simm.s32 $0x10;
	v3 =	vld [tilespmem:s21+$0x4F07]  }
0x365: {  	v6 =	vld [tilespmem:s22+$0x4800];
	v2 =	vadd.f32 v4, v2  }
0x366: {  	v4 =	vld [tilespmem:s21+$0x5008]  }
0x367: {  	v7 =	vld [tilespmem:s22+$0x4901];
	v2 =	vadd.f32 v5, v2  }
0x368: {  	v5 =	vld [tilespmem:s21+$0x5109]  }
0x369: {  	v8 =	vld [tilespmem:s22+$0x4A02];
	v2 =	vadd.f32 v3, v2  }
0x36a: {  	v3 =	vld [tilespmem:s21+$0x520A]  }
0x36b: {  	v9 =	vld [tilespmem:s22+$0x4B03];
	v6 =	vadd.f32 $0.0e+00, v6;
	v2 =	vadd.f32 v4, v2  }
0x36c: {  	v4 =	vld [tilespmem:s21+$0x530B]  }
0x36d: {  	v10 =	vld [tilespmem:s22+$0x4C04];
	v6 =	vadd.f32 v7, v6;
	v2 =	vadd.f32 v5, v2  }
0x36e: {  	v7 =	vld [tilespmem:s21+$0x540C]  }
0x36f: {  	v11 =	vld [tilespmem:s22+$0x4D05];
	v5 =	vadd.f32 v8, v6;
	v2 =	vadd.f32 v3, v2  }
0x370: {  	v8 =	vld [tilespmem:s21+$0x550D]  }
0x371: {  	v3 =	vadd.f32 v9, v5;
	v5 =	vld [tilespmem:s22+$0x4E06];
	v4 =	vadd.f32 v4, v2  }
0x372: {  	v2 =	vld [tilespmem:s21+$0x560E]  }
0x373: {  	v6 =	vld [tilespmem:s22+$0x4F07];
	v9 =	vadd.f32 v10, v3;
	v10 =	vadd.f32 v7, v4  }
0x374: {  	v3 =	vld [tilespmem:s21+$0x570F]  }
0x375: {  	s23 =	simm.s32 $0x20;
	s24 =	simm.s32 $0xC0;
	v7 =	vadd.f32 v11, v9;
	v4 =	vld [tilespmem:s22+$0x5008];
	v8 =	vadd.f32 v8, v10  }
.LBB2_20:
0x376: {  	p0 =	sne.s32 s24, $0x3C0;
	v9 =	vld [tilespmem:s23+$0x4800]  }
0x377: {  	v5 =	vadd.f32 v5, v7;
	v7 =	vld [tilespmem:s22+$0x5109];
	v2 =	vadd.f32 v2, v8  }
0x378: {  	v8 =	vld [tilespmem:s23+$0x4901]  }
0x379: {  	v5 =	vadd.f32 v6, v5;
	v6 =	vld [tilespmem:s22+$0x520A];
	v2 =	vadd.f32 v3, v2  }
0x37a: {  	v3 =	vld [tilespmem:s23+$0x4A02]  }
0x37b: {  	v9 =	vadd.f32 $0.0e+00, v9;
	v4 =	vadd.f32 v4, v5;
	v5 =	vld [tilespmem:s22+$0x530B];
	[tilespmem:s21+$0x5880] =	vst v2;
	s21 =	smov.u32 s22;
	s22 =	smov.u32 s23  }
0x37c: {  	v2 =	vld [tilespmem:s22+$0x4B03]  }
0x37d: {  	v8 =	vadd.f32 v8, v9;
	v4 =	vadd.f32 v7, v4;
	v7 =	vld [tilespmem:s21+$0x540C]  }
0x37e: {  	v9 =	vld [tilespmem:s22+$0x4C04]  }
0x37f: {  	v3 =	vadd.f32 v3, v8;
	v4 =	vadd.f32 v6, v4;
	v8 =	vld [tilespmem:s21+$0x550D]  }
0x380: {  	v10 =	vld [tilespmem:s22+$0x4D05]  }
.Ltmp9:
0x381: {  	v3 =	vadd.f32 v2, v3;
	v4 =	vadd.f32 v5, v4;
	v2 =	vld [tilespmem:s21+$0x560E];
	(pc) =	sbr.rel @p0 .LBB2_20-.Ltmp9, $4  }
0x382: {  	v5 =	vld [tilespmem:s22+$0x4E06]  }
0x383: {  	v9 =	vadd.f32 v9, v3;
	v11 =	vadd.f32 v7, v4;
	v3 =	vld [tilespmem:s21+$0x570F]  }
0x384: {  	v6 =	vld [tilespmem:s22+$0x4F07]  }
0x385: {  	s23 =	sshra.s32 s24, $0x2;
	s24 =	sadd.s32 $0x40, s24;
	v7 =	vadd.f32 v10, v9;
	v4 =	vld [tilespmem:s22+$0x5008];
	v8 =	vadd.f32 v8, v11  }
0x386: {  	v9 =	vld [tilespmem:s23+$0x4800]  }
0x387: {  	v10 =	vld [tilespmem:s22+$0x5109];
	v2 =	vadd.f32 v2, v8  }
0x388: {  	v49 =	vld [tilespmem:s23+$0x4901]  }
0x389: {  	v11 =	vld [tilespmem:s22+$0x520A];
	v5 =	vadd.f32 v5, v7;
	v2 =	vadd.f32 v3, v2  }
0x38a: {  	v3 =	vld [tilespmem:s23+$0x4A02]  }
0x38b: {  	v50 =	vld [tilespmem:s22+$0x530B];
	v5 =	vadd.f32 v6, v5;
	v51 =	vadd.f32 $0.0e+00, v9;
	[tilespmem:s21+$0x5880] =	vst v2  }
0x38c: {  	v2 =	vld [tilespmem:s23+$0x4B03]  }
0x38d: {  	v4 =	vadd.f32 v4, v5;
	v52 =	vadd.f32 v49, v51  }
0x38e: {  	v53 =	vld [tilespmem:s23+$0x4C04]  }
0x38f: {  	v54 =	vld [tilespmem:s22+$0x540C];
	v4 =	vadd.f32 v10, v4;
	v3 =	vadd.f32 v3, v52  }
0x390: {  	v55 =	vld [tilespmem:s23+$0x4D05]  }
0x391: {  	v56 =	vld [tilespmem:s22+$0x550D];
	v4 =	vadd.f32 v11, v4;
	v2 =	vadd.f32 v2, v3  }
0x392: {  	v3 =	vld [tilespmem:s23+$0x4E06]  }
0x393: {  	v57 =	vld [tilespmem:s22+$0x560E];
	v4 =	vadd.f32 v50, v4;
	v2 =	vadd.f32 v53, v2  }
0x394: {  	v58 =	vld [tilespmem:s23+$0x4F07]  }
0x395: {  	v59 =	vld [tilespmem:s22+$0x570F];
	v4 =	vadd.f32 v54, v4;
	v2 =	vadd.f32 v55, v2  }
0x396: {  	v60 =	vld [tilespmem:s23+$0x5008]  }
0x397: {  	v4 =	vadd.f32 v56, v4;
	v2 =	vadd.f32 v3, v2  }
0x398: {  	v3 =	vld [tilespmem:s23+$0x5109]  }
0x399: {  	v4 =	vadd.f32 v57, v4;
	v2 =	vadd.f32 v58, v2  }
0x39a: {  	v61 =	vld [tilespmem:s23+$0x520A]  }
0x39b: {  	v4 =	vadd.f32 v59, v4;
	v2 =	vadd.f32 v60, v2  }
0x39c: {  	v62 =	vld [tilespmem:s23+$0x530B]  }
0x39d: {  	[tilespmem:s22+$0x5880] =	vst v4;
	v2 =	vadd.f32 v3, v2  }
0x39e: {  	v3 =	vld [tilespmem:s23+$0x540C]  }
0x39f: {  	v2 =	vadd.f32 v61, v2  }
0x3a0: {  	v4 =	vld [tilespmem:s23+$0x550D]  }
0x3a1: {  	v2 =	vadd.f32 v62, v2  }
0x3a2: {  	v63 =	vld [tilespmem:s23+$0x560E]  }
0x3a3: {  	v2 =	vadd.f32 v3, v2  }
0x3a4: {  	v3 =	vld [tilespmem:s23+$0x570F]  }
0x3a5: {  	v2 =	vadd.f32 v4, v2;
	_ =	sdelay $0x1  }
0x3a6: {  	v2 =	vadd.f32 v63, v2;
	_ =	sdelay $0x1  }
0x3a7: {  	s2 =	sadd.s32 $0x1, s2;
	v2 =	vadd.f32 v3, v2  }
0x3a8: {  	p0 =	sne.s32 s2, s12  }
.Ltmp10:
0x3a9: {  	[tilespmem:s23+$0x5880] =	vst v2;
	(pc) =	sbr.rel @p0 .LBB2_1-.Ltmp10, $4  }
0x3aa: {  	[hbm4b:s11+s17] =	stream.strided.scatter [tilespmem:s19], [sflag:$0x3], $0x100, s18, s17, $0x38;
	[tilespmem:$0x5980] =	vst v63  }
0x3ab: {  	_ =	swait.ge [sflag:s20], $0x100  }
0x3ac: {  	[sflag:s20] =	ssyncset.done $0x0  }
0x3ad: {  	[sflag:s20] =	ssyncadd.s32 $0xFFFFFF00  }
0x3ae: {  	_ =	sfence.sel $0x180000  }
0x3af: {  	[bflag:$0x0] =	sbarrier.arrive $0xFFFF  }
0x3b0: {  	p0 =	sne.s32 s0, $0x0;
	_ =	strace $0x90000047  }
0x3b1: {  	s0 =	sadd.s32 @!p0 $0x100000, s1;
	[bflag:$0x2] =	sbarrier.arrive $0xFFFF  }
0x3b2: {  	[sflag:s0] =	ssyncadd.tile.s32 @!p0 $0x1;
	_ =	shalt  }
.Lfunc_end2:
_tile_overlayer_lowered:
.L_overlay_start_2:
0x3b3: {  	(tag) =	ssettag $0x2  }
0x3b4: {  	s0 =	rddreg [dreg:$0x0];
	s2 =	stileid.u32  }
0x3b5: {  	s1 =	rddreg [dreg:$0x1];
	p0 =	sne.s32 s2, $0x0  }
0x3b6: {  	s3 =	rddreg [dreg:$0x2];
	[bflag:$0x3] =	sbarrier.arrive $0xFFFF;
	s2 =	simm.s32 @!p0 $0x1C03  }
0x3b7: {  	[timem:s3], [sflag:s2] =	dma.local @!p0 [hbm:s0], s1  }
0x3b8: {  	s0 =	simm.s32 @!p0 $0x3  }
0x3b9: {  	_ =	swait.ge @!p0 [sflag:s0], s1  }
0x3ba: {  	s1 =	ssub.s32 @!p0 $0x0, s1;
	[sflag:s0] =	ssyncset.done @!p0 $0x0  }
0x3bb: {  	[sflag:s0] =	ssyncadd.s32 @!p0 s1  }
0x3bc: {  	[bflag:$0x3] =	sbarrier.arrive $0xFFFF  }
0x3bd: {  	_ =	shalt  }

</sc_bundles>
